<compile_context>
chip_gen: v7x
topology: tpu7x:2x2x1
jax: 0.10.2.dev20260603
libtpu: 0.0.44.dev20260713+nightly
codegen_flags: <defaults>
</compile_context>

<pallas_src>
import functools

import jax
import jax.numpy as jnp
from jax import lax
from jax.experimental import pallas as pl
from jax.experimental.pallas import tpu as pltpu
from jax.experimental.pallas import tpu_sc as plsc

VOCAB = 1000000
EMBED = 64
FEAT = 128
N_FEAT_NODES = 8192
B = 16384

_info = plsc.get_sparse_core_info()
_NC, _NS = _info.num_cores, _info.num_subcores
_NW = _NC * _NS
_BPW = B // _NW
_C = 64
_NCH = _BPW // _C
_PPW = N_FEAT_NODES // _NW

_mesh = plsc.VectorSubcoreMesh(core_axis_name="c", subcore_axis_name="s")


@functools.partial(
    pl.kernel,
    mesh=_mesh,
    out_type=jax.ShapeDtypeStruct((N_FEAT_NODES + B, EMBED), jnp.float32),
    scratch_types=[
        pltpu.VMEM((_BPW,), jnp.int32),
        pltpu.VMEM((_BPW, EMBED), jnp.float32),
        pltpu.VMEM((_PPW, EMBED), jnp.float32),
        pltpu.SemaphoreType.DMA,
    ],
)
def _sc_assemble(table_hbm, idx_hbm, proj_hbm, out_hbm, idx_v, rows_v,
                 paper_v, sem):
    wid = lax.axis_index("s") * _NC + lax.axis_index("c")
    base = wid * _BPW
    pltpu.sync_copy(idx_hbm.at[pl.ds(base, _BPW)], idx_v)

    pcp = pltpu.async_copy(proj_hbm.at[pl.ds(wid * _PPW, _PPW)], paper_v,
                           sem)

    def chunk_body(k, _):
        copies = []
        for g in range(_C // 16):
            v16 = idx_v[pl.ds(k * _C + g * 16, 16)]
            for l in range(16):
                nid = v16[l]
                t = lax.shift_right_logical(nid, 3)
                s = lax.bitwise_and(nid, 7)
                copies.append(
                    pltpu.async_copy(table_hbm.at[t, s],
                                     rows_v.at[k * _C + g * 16 + l], sem))
        for cp in copies:
            cp.wait()
        return 0

    lax.fori_loop(0, _NCH, chunk_body, 0)
    pcp.wait()
    pltpu.sync_copy(paper_v, out_hbm.at[pl.ds(wid * _PPW, _PPW)])
    pltpu.sync_copy(rows_v, out_hbm.at[pl.ds(N_FEAT_NODES + base, _BPW)])


def _proj_body(h_ref, w_ref, o_ref):
    o_ref[...] = jnp.dot(h_ref[...], w_ref[...],
                         preferred_element_type=jnp.float32)


_proj = pl.pallas_call(
    _proj_body,
    out_shape=jax.ShapeDtypeStruct((N_FEAT_NODES, EMBED), jnp.float32),
)


def kernel(h_f_paper, nid_author, W_paper, E_author):
    emb_paper = _proj(h_f_paper, W_paper)
    tbl3 = E_author.reshape(VOCAB // 8, 8, EMBED)
    return _sc_assemble(tbl3, nid_author, emb_paper)

# --- scband reference (transcript-rebuilt; emitter-appended) ---
"""Pipeline reference for scband-mini-batch-rel-graph-embed-25890062860620 (READ-ONLY COPY).

The authoritative reference and input builder live on the scoring server;
editing this copy changes nothing except your own understanding.
"""

import jax, jax.numpy as jnp
import numpy as np

VOCAB = 1000000
EMBED = 64
FEAT = 128
N_FEAT_NODES = 8192
B = 16384


def _xavier_uniform(key, shape):
    fan_in, fan_out = shape[0], shape[1]
    bound = float(np.sqrt(6.0 / (fan_in + fan_out)))
    return jax.random.uniform(key, shape, minval=-bound, maxval=bound, dtype=jnp.float32)


def setup_inputs(seed: int = 0) -> dict:
    key = jax.random.key(seed)
    k1, k2, k3, k4 = jax.random.split(key, 4)
    # featured node type ('paper'): raw features h_f projected by learned W
    h_f_paper = jax.random.normal(k1, (N_FEAT_NODES, FEAT), dtype=jnp.float32)
    # featureless node type ('author'): sampled block src NIDs into the big table
    nid_author = jax.random.randint(k2, (B,), 0, VOCAB, dtype=jnp.int32)
    # learned parameters (xavier_uniform as in the torch module)
    W_paper = _xavier_uniform(k3, (FEAT, EMBED))
    E_author = _xavier_uniform(k4, (VOCAB, EMBED))
    return {"h_f_paper": h_f_paper, "nid_author": nid_author, "W_paper": W_paper, "E_author": E_author}


def reference(h_f_paper, nid_author, W_paper, E_author):
    # ntype with features: h_f @ embeds[ntype]
    emb_paper = h_f_paper @ W_paper
    # featureless ntype (minibatch path): embeds[ntype][block.srcnodes NID]
    emb_author = jnp.take(E_author, nid_author, axis=0)
    # the torch module returns a dict {ntype: emb}; we concatenate the two
    # per-ntype embedding matrices along the node axis for a single output
    return jnp.concatenate([emb_paper, emb_author], axis=0)

if __name__ == "__main__":
    import jax
    _d = setup_inputs()
    print(jax.jit(kernel)(*tuple(_d.values())))

</pallas_src>

<mosaic_0001>
#map = affine_map<(d0, d1) -> (0, 0, 0)>
#map1 = affine_map<(d0, d1) -> (0)>
#map2 = affine_map<(d0, d1) -> (0, 0)>
module attributes {stable_mosaic.version = 14 : i64} {
  func.func @_sc_assemble(%arg0: i32, %arg1: i32, %arg2: memref<125000x8x64xf32, #tpu.memory_space<hbm>>, %arg3: memref<16384xi32, #tpu.memory_space<hbm>>, %arg4: memref<8192x64xf32, #tpu.memory_space<hbm>>, %arg5: memref<24576x64xf32, #tpu.memory_space<hbm>>, %arg6: memref<512xi32, #tpu.memory_space<vmem>>, %arg7: memref<512x64xf32, #tpu.memory_space<vmem>>, %arg8: memref<256x64xf32, #tpu.memory_space<vmem>>, %arg9: memref<!tpu.dma_semaphore, #tpu.memory_space<semaphore_mem>>) attributes {dimension_semantics = [#tpu.dimension_semantics<core_parallel>, #tpu.dimension_semantics<subcore_parallel>], iteration_bounds = array<i64: 2, 16>, scalar_prefetch = 0 : i64, scratch_operands = 4 : i64, tpu.core_type = #tpu.core_type<sc_vector_subcore>, window_params = [{transform_indices = #map}, {transform_indices = #map1}, {transform_indices = #map2}, {transform_indices = #map2}]} {
    %mul3A = arith.constant 2 : i32
    %mul3A_0 = arith.muli %arg1, %mul3A : i32
    %add3A = arith.addi %mul3A_0, %arg0 : i32
    %mul3A_1 = arith.constant 512 : i32
    %mul3A_2 = arith.muli %add3A, %mul3A_1 : i32
    "tpu.region"() ({
      %run_scoped3A = tpu.sem_alloc : memref<!tpu.dma_semaphore, #tpu.memory_space<semaphore_mem>>
      %dma_start3A_21 = tpu.memref_slice %arg3[%mul3A_2] : memref<16384xi32, #tpu.memory_space<hbm>> -> memref<512xi32, #tpu.memory_space<hbm>>
      %dma_start3A_22 = tpu.memref_slice %arg3[%mul3A_2] : memref<16384xi32, #tpu.memory_space<hbm>> -> memref<512xi32, #tpu.memory_space<hbm>>
      tpu.enqueue_dma source(%dma_start3A_22 : memref<512xi32, #tpu.memory_space<hbm>>) target(%arg6 : memref<512xi32, #tpu.memory_space<vmem>>) target_semaphore(%run_scoped3A : memref<!tpu.dma_semaphore, #tpu.memory_space<semaphore_mem>>)
      %dma_wait3A_23 = tpu.memref_slice %arg3[%mul3A_2] : memref<16384xi32, #tpu.memory_space<hbm>> -> memref<512xi32, #tpu.memory_space<hbm>>
      %dma_wait3A_24 = tpu.memref_slice %arg3[%mul3A_2] : memref<16384xi32, #tpu.memory_space<hbm>> -> memref<512xi32, #tpu.memory_space<hbm>>
      tpu.wait_dma2 semaphore(%run_scoped3A : memref<!tpu.dma_semaphore, #tpu.memory_space<semaphore_mem>>) src(%dma_wait3A_24 : memref<512xi32, #tpu.memory_space<hbm>>) dst(%arg6 : memref<512xi32, #tpu.memory_space<vmem>>)
      tpu.yield
    }) : () -> ()
    %mul3A_3 = arith.constant 256 : i32
    %mul3A_4 = arith.muli %add3A, %mul3A_3 : i32
    %dma_start3A = arith.constant 0 : i32
    %dma_start3A_5 = tpu.memref_slice %arg4[%mul3A_4, %dma_start3A] : memref<8192x64xf32, #tpu.memory_space<hbm>> -> memref<256x64xf32, #tpu.memory_space<hbm>>
    %dma_start3A_6 = arith.constant 0 : i32
    %dma_start3A_7 = tpu.memref_slice %arg4[%mul3A_4, %dma_start3A_6] : memref<8192x64xf32, #tpu.memory_space<hbm>> -> memref<256x64xf32, #tpu.memory_space<hbm>>
    tpu.enqueue_dma source(%dma_start3A_7 : memref<256x64xf32, #tpu.memory_space<hbm>>) target(%arg8 : memref<256x64xf32, #tpu.memory_space<vmem>>) target_semaphore(%arg9 : memref<!tpu.dma_semaphore, #tpu.memory_space<semaphore_mem>>)
    %scan3A = arith.constant 0 : i32
    %scan3A_8 = arith.constant 0 : i32
    %scan3A_9 = arith.constant 8 : i32
    %scan3A_10 = arith.addi %scan3A_8, %scan3A_9 : i32
    %scan3A_11 = arith.constant 1 : i32
    %scan3A_12 = scf.for %scan3A_21 = %scan3A_8 to %scan3A_10 step %scan3A_11 iter_args(%scan3A_22 = %scan3A) -> (i32)  : i32 {
      %mul3A_23 = arith.constant 64 : i32
      %mul3A_24 = arith.muli %scan3A_21, %mul3A_23 : i32
      %add3A_25 = arith.constant 0 : i32
      %add3A_26 = arith.addi %mul3A_24, %add3A_25 : i32
      %get3A = arith.index_cast %add3A_26 : i32 to index
      %get3A_27 = tpu.vector_load %arg6[%get3A] {strides = array<i32>} : memref<512xi32, #tpu.memory_space<vmem>>, vector<16xi32>,
      %get3A_28 = vector.shape_cast %get3A_27 : vector<16xi32> to vector<16xi32>
      %slice3A = vector.extract_strided_slice %get3A_28 {offsets = [0], sizes = [1], strides = [1]} : vector<16xi32> to vector<1xi32>
      %squeeze3A = vector.extract %slice3A[0] : i32 from vector<1xi32>
      %shift_right_logical3A = arith.constant 3 : i32
      %shift_right_logical3A_29 = arith.shrui %squeeze3A, %shift_right_logical3A : i32
      %and3A = arith.constant 7 : i32
      %and3A_30 = arith.andi %squeeze3A, %and3A : i32
      %mul3A_31 = arith.constant 64 : i32
      %mul3A_32 = arith.muli %scan3A_21, %mul3A_31 : i32
      %add3A_33 = arith.constant 0 : i32
      %add3A_34 = arith.addi %mul3A_32, %add3A_33 : i32
      %add3A_35 = arith.constant 0 : i32
      %add3A_36 = arith.addi %add3A_34, %add3A_35 : i32
      %dma_start3A_37 = arith.constant 0 : i32
      %dma_start3A_38 = tpu.memref_slice %arg7[%add3A_36, %dma_start3A_37] : memref<512x64xf32, #tpu.memory_space<vmem>> -> memref<1x64xf32, #tpu.memory_space<vmem>>
      %dma_start3A_39 = tpu.memref_squeeze %dma_start3A_38 : memref<1x64xf32, #tpu.memory_space<vmem>> -> memref<64xf32, #tpu.memory_space<vmem>>
      %dma_start3A_40 = arith.constant 0 : i32
      %dma_start3A_41 = tpu.memref_slice %arg2[%shift_right_logical3A_29, %and3A_30, %dma_start3A_40] : memref<125000x8x64xf32, #tpu.memory_space<hbm>> -> memref<1x1x64xf32, #tpu.memory_space<hbm>>
      %dma_start3A_42 = tpu.memref_squeeze %dma_start3A_41 : memref<1x1x64xf32, #tpu.memory_space<hbm>> -> memref<64xf32, #tpu.memory_space<hbm>>
      %dma_start3A_43 = arith.constant 0 : i32
      %dma_start3A_44 = tpu.memref_slice %arg7[%add3A_36, %dma_start3A_43] : memref<512x64xf32, #tpu.memory_space<vmem>> -> memref<1x64xf32, #tpu.memory_space<vmem>>
      %dma_start3A_45 = tpu.memref_squeeze %dma_start3A_44 : memref<1x64xf32, #tpu.memory_space<vmem>> -> memref<64xf32, #tpu.memory_space<vmem>>
      %dma_start3A_46 = arith.constant 0 : i32
      %dma_start3A_47 = tpu.memref_slice %arg2[%shift_right_logical3A_29, %and3A_30, %dma_start3A_46] : memref<125000x8x64xf32, #tpu.memory_space<hbm>> -> memref<1x1x64xf32, #tpu.memory_space<hbm>>
      %dma_start3A_48 = tpu.memref_squeeze %dma_start3A_47 : memref<1x1x64xf32, #tpu.memory_space<hbm>> -> memref<64xf32, #tpu.memory_space<hbm>>
      tpu.enqueue_dma source(%dma_start3A_48 : memref<64xf32, #tpu.memory_space<hbm>>) target(%dma_start3A_45 : memref<64xf32, #tpu.memory_space<vmem>>) target_semaphore(%arg9 : memref<!tpu.dma_semaphore, #tpu.memory_space<semaphore_mem>>)
      %slice3A_49 = vector.extract_strided_slice %get3A_28 {offsets = [1], sizes = [1], strides = [1]} : vector<16xi32> to vector<1xi32>
      %squeeze3A_50 = vector.extract %slice3A_49[0] : i32 from vector<1xi32>
      %shift_right_logical3A_51 = arith.constant 3 : i32
      %shift_right_logical3A_52 = arith.shrui %squeeze3A_50, %shift_right_logical3A_51 : i32
      %and3A_53 = arith.constant 7 : i32
      %and3A_54 = arith.andi %squeeze3A_50, %and3A_53 : i32
      %mul3A_55 = arith.constant 64 : i32
      %mul3A_56 = arith.muli %scan3A_21, %mul3A_55 : i32
      %add3A_57 = arith.constant 0 : i32
      %add3A_58 = arith.addi %mul3A_56, %add3A_57 : i32
      %add3A_59 = arith.constant 1 : i32
      %add3A_60 = arith.addi %add3A_58, %add3A_59 : i32
      %dma_start3A_61 = arith.constant 0 : i32
      %dma_start3A_62 = tpu.memref_slice %arg7[%add3A_60, %dma_start3A_61] : memref<512x64xf32, #tpu.memory_space<vmem>> -> memref<1x64xf32, #tpu.memory_space<vmem>>
      %dma_start3A_63 = tpu.memref_squeeze %dma_start3A_62 : memref<1x64xf32, #tpu.memory_space<vmem>> -> memref<64xf32, #tpu.memory_space<vmem>>
      %dma_start3A_64 = arith.constant 0 : i32
      %dma_start3A_65 = tpu.memref_slice %arg2[%shift_right_logical3A_52, %and3A_54, %dma_start3A_64] : memref<125000x8x64xf32, #tpu.memory_space<hbm>> -> memref<1x1x64xf32, #tpu.memory_space<hbm>>
      %dma_start3A_66 = tpu.memref_squeeze %dma_start3A_65 : memref<1x1x64xf32, #tpu.memory_space<hbm>> -> memref<64xf32, #tpu.memory_space<hbm>>
      %dma_start3A_67 = arith.constant 0 : i32
      %dma_start3A_68 = tpu.memref_slice %arg7[%add3A_60, %dma_start3A_67] : memref<512x64xf32, #tpu.memory_space<vmem>> -> memref<1x64xf32, #tpu.memory_space<vmem>>
      %dma_start3A_69 = tpu.memref_squeeze %dma_start3A_68 : memref<1x64xf32, #tpu.memory_space<vmem>> -> memref<64xf32, #tpu.memory_space<vmem>>
      %dma_start3A_70 = arith.constant 0 : i32
      %dma_start3A_71 = tpu.memref_slice %arg2[%shift_right_logical3A_52, %and3A_54, %dma_start3A_70] : memref<125000x8x64xf32, #tpu.memory_space<hbm>> -> memref<1x1x64xf32, #tpu.memory_space<hbm>>
      %dma_start3A_72 = tpu.memref_squeeze %dma_start3A_71 : memref<1x1x64xf32, #tpu.memory_space<hbm>> -> memref<64xf32, #tpu.memory_space<hbm>>
      tpu.enqueue_dma source(%dma_start3A_72 : memref<64xf32, #tpu.memory_space<hbm>>) target(%dma_start3A_69 : memref<64xf32, #tpu.memory_space<vmem>>) target_semaphore(%arg9 : memref<!tpu.dma_semaphore, #tpu.memory_space<semaphore_mem>>)
      %slice3A_73 = vector.extract_strided_slice %get3A_28 {offsets = [2], sizes = [1], strides = [1]} : vector<16xi32> to vector<1xi32>
      %squeeze3A_74 = vector.extract %slice3A_73[0] : i32 from vector<1xi32>
      %shift_right_logical3A_75 = arith.constant 3 : i32
      %shift_right_logical3A_76 = arith.shrui %squeeze3A_74, %shift_right_logical3A_75 : i32
      %and3A_77 = arith.constant 7 : i32
      %and3A_78 = arith.andi %squeeze3A_74, %and3A_77 : i32
      %mul3A_79 = arith.constant 64 : i32
      %mul3A_80 = arith.muli %scan3A_21, %mul3A_79 : i32
      %add3A_81 = arith.constant 0 : i32
      %add3A_82 = arith.addi %mul3A_80, %add3A_81 : i32
      %add3A_83 = arith.constant 2 : i32
      %add3A_84 = arith.addi %add3A_82, %add3A_83 : i32
      %dma_start3A_85 = arith.constant 0 : i32
      %dma_start3A_86 = tpu.memref_slice %arg7[%add3A_84, %dma_start3A_85] : memref<512x64xf32, #tpu.memory_space<vmem>> -> memref<1x64xf32, #tpu.memory_space<vmem>>
      %dma_start3A_87 = tpu.memref_squeeze %dma_start3A_86 : memref<1x64xf32, #tpu.memory_space<vmem>> -> memref<64xf32, #tpu.memory_space<vmem>>
      %dma_start3A_88 = arith.constant 0 : i32
      %dma_start3A_89 = tpu.memref_slice %arg2[%shift_right_logical3A_76, %and3A_78, %dma_start3A_88] : memref<125000x8x64xf32, #tpu.memory_space<hbm>> -> memref<1x1x64xf32, #tpu.memory_space<hbm>>
      %dma_start3A_90 = tpu.memref_squeeze %dma_start3A_89 : memref<1x1x64xf32, #tpu.memory_space<hbm>> -> memref<64xf32, #tpu.memory_space<hbm>>
      %dma_start3A_91 = arith.constant 0 : i32
      %dma_start3A_92 = tpu.memref_slice %arg7[%add3A_84, %dma_start3A_91] : memref<512x64xf32, #tpu.memory_space<vmem>> -> memref<1x64xf32, #tpu.memory_space<vmem>>
      %dma_start3A_93 = tpu.memref_squeeze %dma_start3A_92 : memref<1x64xf32, #tpu.memory_space<vmem>> -> memref<64xf32, #tpu.memory_space<vmem>>
      %dma_start3A_94 = arith.constant 0 : i32
      %dma_start3A_95 = tpu.memref_slice %arg2[%shift_right_logical3A_76, %and3A_78, %dma_start3A_94] : memref<125000x8x64xf32, #tpu.memory_space<hbm>> -> memref<1x1x64xf32, #tpu.memory_space<hbm>>
      %dma_start3A_96 = tpu.memref_squeeze %dma_start3A_95 : memref<1x1x64xf32, #tpu.memory_space<hbm>> -> memref<64xf32, #tpu.memory_space<hbm>>
      tpu.enqueue_dma source(%dma_start3A_96 : memref<64xf32, #tpu.memory_space<hbm>>) target(%dma_start3A_93 : memref<64xf32, #tpu.memory_space<vmem>>) target_semaphore(%arg9 : memref<!tpu.dma_semaphore, #tpu.memory_space<semaphore_mem>>)
      %slice3A_97 = vector.extract_strided_slice %get3A_28 {offsets = [3], sizes = [1], strides = [1]} : vector<16xi32> to vector<1xi32>
      %squeeze3A_98 = vector.extract %slice3A_97[0] : i32 from vector<1xi32>
      %shift_right_logical3A_99 = arith.constant 3 : i32
      %shift_right_logical3A_100 = arith.shrui %squeeze3A_98, %shift_right_logical3A_99 : i32
      %and3A_101 = arith.constant 7 : i32
      %and3A_102 = arith.andi %squeeze3A_98, %and3A_101 : i32
      %mul3A_103 = arith.constant 64 : i32
      %mul3A_104 = arith.muli %scan3A_21, %mul3A_103 : i32
      %add3A_105 = arith.constant 0 : i32
      %add3A_106 = arith.addi %mul3A_104, %add3A_105 : i32
      %add3A_107 = arith.constant 3 : i32
      %add3A_108 = arith.addi %add3A_106, %add3A_107 : i32
      %dma_start3A_109 = arith.constant 0 : i32
      %dma_start3A_110 = tpu.memref_slice %arg7[%add3A_108, %dma_start3A_109] : memref<512x64xf32, #tpu.memory_space<vmem>> -> memref<1x64xf32, #tpu.memory_space<vmem>>
      %dma_start3A_111 = tpu.memref_squeeze %dma_start3A_110 : memref<1x64xf32, #tpu.memory_space<vmem>> -> memref<64xf32, #tpu.memory_space<vmem>>
      %dma_start3A_112 = arith.constant 0 : i32
      %dma_start3A_113 = tpu.memref_slice %arg2[%shift_right_logical3A_100, %and3A_102, %dma_start3A_112] : memref<125000x8x64xf32, #tpu.memory_space<hbm>> -> memref<1x1x64xf32, #tpu.memory_space<hbm>>
      %dma_start3A_114 = tpu.memref_squeeze %dma_start3A_113 : memref<1x1x64xf32, #tpu.memory_space<hbm>> -> memref<64xf32, #tpu.memory_space<hbm>>
      %dma_start3A_115 = arith.constant 0 : i32
      %dma_start3A_116 = tpu.memref_slice %arg7[%add3A_108, %dma_start3A_115] : memref<512x64xf32, #tpu.memory_space<vmem>> -> memref<1x64xf32, #tpu.memory_space<vmem>>
      %dma_start3A_117 = tpu.memref_squeeze %dma_start3A_116 : memref<1x64xf32, #tpu.memory_space<vmem>> -> memref<64xf32, #tpu.memory_space<vmem>>
      %dma_start3A_118 = arith.constant 0 : i32
      %dma_start3A_119 = tpu.memref_slice %arg2[%shift_right_logical3A_100, %and3A_102, %dma_start3A_118] : memref<125000x8x64xf32, #tpu.memory_space<hbm>> -> memref<1x1x64xf32, #tpu.memory_space<hbm>>
      %dma_start3A_120 = tpu.memref_squeeze %dma_start3A_119 : memref<1x1x64xf32, #tpu.memory_space<hbm>> -> memref<64xf32, #tpu.memory_space<hbm>>
      tpu.enqueue_dma source(%dma_start3A_120 : memref<64xf32, #tpu.memory_space<hbm>>) target(%dma_start3A_117 : memref<64xf32, #tpu.memory_space<vmem>>) target_semaphore(%arg9 : memref<!tpu.dma_semaphore, #tpu.memory_space<semaphore_mem>>)
      %slice3A_121 = vector.extract_strided_slice %get3A_28 {offsets = [4], sizes = [1], strides = [1]} : vector<16xi32> to vector<1xi32>
      %squeeze3A_122 = vector.extract %slice3A_121[0] : i32 from vector<1xi32>
      %shift_right_logical3A_123 = arith.constant 3 : i32
      %shift_right_logical3A_124 = arith.shrui %squeeze3A_122, %shift_right_logical3A_123 : i32
      %and3A_125 = arith.constant 7 : i32
      %and3A_126 = arith.andi %squeeze3A_122, %and3A_125 : i32
      %mul3A_127 = arith.constant 64 : i32
      %mul3A_128 = arith.muli %scan3A_21, %mul3A_127 : i32
      %add3A_129 = arith.constant 0 : i32
      %add3A_130 = arith.addi %mul3A_128, %add3A_129 : i32
      %add3A_131 = arith.constant 4 : i32
      %add3A_132 = arith.addi %add3A_130, %add3A_131 : i32
      %dma_start3A_133 = arith.constant 0 : i32
      %dma_start3A_134 = tpu.memref_slice %arg7[%add3A_132, %dma_start3A_133] : memref<512x64xf32, #tpu.memory_space<vmem>> -> memref<1x64xf32, #tpu.memory_space<vmem>>
      %dma_start3A_135 = tpu.memref_squeeze %dma_start3A_134 : memref<1x64xf32, #tpu.memory_space<vmem>> -> memref<64xf32, #tpu.memory_space<vmem>>
      %dma_start3A_136 = arith.constant 0 : i32
      %dma_start3A_137 = tpu.memref_slice %arg2[%shift_right_logical3A_124, %and3A_126, %dma_start3A_136] : memref<125000x8x64xf32, #tpu.memory_space<hbm>> -> memref<1x1x64xf32, #tpu.memory_space<hbm>>
      %dma_start3A_138 = tpu.memref_squeeze %dma_start3A_137 : memref<1x1x64xf32, #tpu.memory_space<hbm>> -> memref<64xf32, #tpu.memory_space<hbm>>
      %dma_start3A_139 = arith.constant 0 : i32
      %dma_start3A_140 = tpu.memref_slice %arg7[%add3A_132, %dma_start3A_139] : memref<512x64xf32, #tpu.memory_space<vmem>> -> memref<1x64xf32, #tpu.memory_space<vmem>>
      %dma_start3A_141 = tpu.memref_squeeze %dma_start3A_140 : memref<1x64xf32, #tpu.memory_space<vmem>> -> memref<64xf32, #tpu.memory_space<vmem>>
      %dma_start3A_142 = arith.constant 0 : i32
      %dma_start3A_143 = tpu.memref_slice %arg2[%shift_right_logical3A_124, %and3A_126, %dma_start3A_142] : memref<125000x8x64xf32, #tpu.memory_space<hbm>> -> memref<1x1x64xf32, #tpu.memory_space<hbm>>
      %dma_start3A_144 = tpu.memref_squeeze %dma_start3A_143 : memref<1x1x64xf32, #tpu.memory_space<hbm>> -> memref<64xf32, #tpu.memory_space<hbm>>
      tpu.enqueue_dma source(%dma_start3A_144 : memref<64xf32, #tpu.memory_space<hbm>>) target(%dma_start3A_141 : memref<64xf32, #tpu.memory_space<vmem>>) target_semaphore(%arg9 : memref<!tpu.dma_semaphore, #tpu.memory_space<semaphore_mem>>)
      %slice3A_145 = vector.extract_strided_slice %get3A_28 {offsets = [5], sizes = [1], strides = [1]} : vector<16xi32> to vector<1xi32>
      %squeeze3A_146 = vector.extract %slice3A_145[0] : i32 from vector<1xi32>
      %shift_right_logical3A_147 = arith.constant 3 : i32
      %shift_right_logical3A_148 = arith.shrui %squeeze3A_146, %shift_right_logical3A_147 : i32
      %and3A_149 = arith.constant 7 : i32
      %and3A_150 = arith.andi %squeeze3A_146, %and3A_149 : i32
      %mul3A_151 = arith.constant 64 : i32
      %mul3A_152 = arith.muli %scan3A_21, %mul3A_151 : i32
      %add3A_153 = arith.constant 0 : i32
      %add3A_154 = arith.addi %mul3A_152, %add3A_153 : i32
      %add3A_155 = arith.constant 5 : i32
      %add3A_156 = arith.addi %add3A_154, %add3A_155 : i32
      %dma_start3A_157 = arith.constant 0 : i32
      %dma_start3A_158 = tpu.memref_slice %arg7[%add3A_156, %dma_start3A_157] : memref<512x64xf32, #tpu.memory_space<vmem>> -> memref<1x64xf32, #tpu.memory_space<vmem>>
      %dma_start3A_159 = tpu.memref_squeeze %dma_start3A_158 : memref<1x64xf32, #tpu.memory_space<vmem>> -> memref<64xf32, #tpu.memory_space<vmem>>
      %dma_start3A_160 = arith.constant 0 : i32
      %dma_start3A_161 = tpu.memref_slice %arg2[%shift_right_logical3A_148, %and3A_150, %dma_start3A_160] : memref<125000x8x64xf32, #tpu.memory_space<hbm>> -> memref<1x1x64xf32, #tpu.memory_space<hbm>>
      %dma_start3A_162 = tpu.memref_squeeze %dma_start3A_161 : memref<1x1x64xf32, #tpu.memory_space<hbm>> -> memref<64xf32, #tpu.memory_space<hbm>>
      %dma_start3A_163 = arith.constant 0 : i32
      %dma_start3A_164 = tpu.memref_slice %arg7[%add3A_156, %dma_start3A_163] : memref<512x64xf32, #tpu.memory_space<vmem>> -> memref<1x64xf32, #tpu.memory_space<vmem>>
      %dma_start3A_165 = tpu.memref_squeeze %dma_start3A_164 : memref<1x64xf32, #tpu.memory_space<vmem>> -> memref<64xf32, #tpu.memory_space<vmem>>
      %dma_start3A_166 = arith.constant 0 : i32
      %dma_start3A_167 = tpu.memref_slice %arg2[%shift_right_logical3A_148, %and3A_150, %dma_start3A_166] : memref<125000x8x64xf32, #tpu.memory_space<hbm>> -> memref<1x1x64xf32, #tpu.memory_space<hbm>>
      %dma_start3A_168 = tpu.memref_squeeze %dma_start3A_167 : memref<1x1x64xf32, #tpu.memory_space<hbm>> -> memref<64xf32, #tpu.memory_space<hbm>>
      tpu.enqueue_dma source(%dma_start3A_168 : memref<64xf32, #tpu.memory_space<hbm>>) target(%dma_start3A_165 : memref<64xf32, #tpu.memory_space<vmem>>) target_semaphore(%arg9 : memref<!tpu.dma_semaphore, #tpu.memory_space<semaphore_mem>>)
      %slice3A_169 = vector.extract_strided_slice %get3A_28 {offsets = [6], sizes = [1], strides = [1]} : vector<16xi32> to vector<1xi32>
      %squeeze3A_170 = vector.extract %slice3A_169[0] : i32 from vector<1xi32>
      %shift_right_logical3A_171 = arith.constant 3 : i32
      %shift_right_logical3A_172 = arith.shrui %squeeze3A_170, %shift_right_logical3A_171 : i32
      %and3A_173 = arith.constant 7 : i32
      %and3A_174 = arith.andi %squeeze3A_170, %and3A_173 : i32
      %mul3A_175 = arith.constant 64 : i32
      %mul3A_176 = arith.muli %scan3A_21, %mul3A_175 : i32
      %add3A_177 = arith.constant 0 : i32
      %add3A_178 = arith.addi %mul3A_176, %add3A_177 : i32
      %add3A_179 = arith.constant 6 : i32
      %add3A_180 = arith.addi %add3A_178, %add3A_179 : i32
      %dma_start3A_181 = arith.constant 0 : i32
      %dma_start3A_182 = tpu.memref_slice %arg7[%add3A_180, %dma_start3A_181] : memref<512x64xf32, #tpu.memory_space<vmem>> -> memref<1x64xf32, #tpu.memory_space<vmem>>
      %dma_start3A_183 = tpu.memref_squeeze %dma_start3A_182 : memref<1x64xf32, #tpu.memory_space<vmem>> -> memref<64xf32, #tpu.memory_space<vmem>>
      %dma_start3A_184 = arith.constant 0 : i32
      %dma_start3A_185 = tpu.memref_slice %arg2[%shift_right_logical3A_172, %and3A_174, %dma_start3A_184] : memref<125000x8x64xf32, #tpu.memory_space<hbm>> -> memref<1x1x64xf32, #tpu.memory_space<hbm>>
      %dma_start3A_186 = tpu.memref_squeeze %dma_start3A_185 : memref<1x1x64xf32, #tpu.memory_space<hbm>> -> memref<64xf32, #tpu.memory_space<hbm>>
      %dma_start3A_187 = arith.constant 0 : i32
      %dma_start3A_188 = tpu.memref_slice %arg7[%add3A_180, %dma_start3A_187] : memref<512x64xf32, #tpu.memory_space<vmem>> -> memref<1x64xf32, #tpu.memory_space<vmem>>
      %dma_start3A_189 = tpu.memref_squeeze %dma_start3A_188 : memref<1x64xf32, #tpu.memory_space<vmem>> -> memref<64xf32, #tpu.memory_space<vmem>>
      %dma_start3A_190 = arith.constant 0 : i32
      %dma_start3A_191 = tpu.memref_slice %arg2[%shift_right_logical3A_172, %and3A_174, %dma_start3A_190] : memref<125000x8x64xf32, #tpu.memory_space<hbm>> -> memref<1x1x64xf32, #tpu.memory_space<hbm>>
      %dma_start3A_192 = tpu.memref_squeeze %dma_start3A_191 : memref<1x1x64xf32, #tpu.memory_space<hbm>> -> memref<64xf32, #tpu.memory_space<hbm>>
      tpu.enqueue_dma source(%dma_start3A_192 : memref<64xf32, #tpu.memory_space<hbm>>) target(%dma_start3A_189 : memref<64xf32, #tpu.memory_space<vmem>>) target_semaphore(%arg9 : memref<!tpu.dma_semaphore, #tpu.memory_space<semaphore_mem>>)
      %slice3A_193 = vector.extract_strided_slice %get3A_28 {offsets = [7], sizes = [1], strides = [1]} : vector<16xi32> to vector<1xi32>
      %squeeze3A_194 = vector.extract %slice3A_193[0] : i32 from vector<1xi32>
      %shift_right_logical3A_195 = arith.constant 3 : i32
      %shift_right_logical3A_196 = arith.shrui %squeeze3A_194, %shift_right_logical3A_195 : i32
      %and3A_197 = arith.constant 7 : i32
      %and3A_198 = arith.andi %squeeze3A_194, %and3A_197 : i32
      %mul3A_199 = arith.constant 64 : i32
      %mul3A_200 = arith.muli %scan3A_21, %mul3A_199 : i32
      %add3A_201 = arith.constant 0 : i32
      %add3A_202 = arith.addi %mul3A_200, %add3A_201 : i32
      %add3A_203 = arith.constant 7 : i32
      %add3A_204 = arith.addi %add3A_202, %add3A_203 : i32
      %dma_start3A_205 = arith.constant 0 : i32
      %dma_start3A_206 = tpu.memref_slice %arg7[%add3A_204, %dma_start3A_205] : memref<512x64xf32, #tpu.memory_space<vmem>> -> memref<1x64xf32, #tpu.memory_space<vmem>>
      %dma_start3A_207 = tpu.memref_squeeze %dma_start3A_206 : memref<1x64xf32, #tpu.memory_space<vmem>> -> memref<64xf32, #tpu.memory_space<vmem>>
      %dma_start3A_208 = arith.constant 0 : i32
      %dma_start3A_209 = tpu.memref_slice %arg2[%shift_right_logical3A_196, %and3A_198, %dma_start3A_208] : memref<125000x8x64xf32, #tpu.memory_space<hbm>> -> memref<1x1x64xf32, #tpu.memory_space<hbm>>
      %dma_start3A_210 = tpu.memref_squeeze %dma_start3A_209 : memref<1x1x64xf32, #tpu.memory_space<hbm>> -> memref<64xf32, #tpu.memory_space<hbm>>
      %dma_start3A_211 = arith.constant 0 : i32
      %dma_start3A_212 = tpu.memref_slice %arg7[%add3A_204, %dma_start3A_211] : memref<512x64xf32, #tpu.memory_space<vmem>> -> memref<1x64xf32, #tpu.memory_space<vmem>>
      %dma_start3A_213 = tpu.memref_squeeze %dma_start3A_212 : memref<1x64xf32, #tpu.memory_space<vmem>> -> memref<64xf32, #tpu.memory_space<vmem>>
      %dma_start3A_214 = arith.constant 0 : i32
      %dma_start3A_215 = tpu.memref_slice %arg2[%shift_right_logical3A_196, %and3A_198, %dma_start3A_214] : memref<125000x8x64xf32, #tpu.memory_space<hbm>> -> memref<1x1x64xf32, #tpu.memory_space<hbm>>
      %dma_start3A_216 = tpu.memref_squeeze %dma_start3A_215 : memref<1x1x64xf32, #tpu.memory_space<hbm>> -> memref<64xf32, #tpu.memory_space<hbm>>
      tpu.enqueue_dma source(%dma_start3A_216 : memref<64xf32, #tpu.memory_space<hbm>>) target(%dma_start3A_213 : memref<64xf32, #tpu.memory_space<vmem>>) target_semaphore(%arg9 : memref<!tpu.dma_semaphore, #tpu.memory_space<semaphore_mem>>)
      %slice3A_217 = vector.extract_strided_slice %get3A_28 {offsets = [8], sizes = [1], strides = [1]} : vector<16xi32> to vector<1xi32>
      %squeeze3A_218 = vector.extract %slice3A_217[0] : i32 from vector<1xi32>
      %shift_right_logical3A_219 = arith.constant 3 : i32
      %shift_right_logical3A_220 = arith.shrui %squeeze3A_218, %shift_right_logical3A_219 : i32
      %and3A_221 = arith.constant 7 : i32
      %and3A_222 = arith.andi %squeeze3A_218, %and3A_221 : i32
      %mul3A_223 = arith.constant 64 : i32
      %mul3A_224 = arith.muli %scan3A_21, %mul3A_223 : i32
      %add3A_225 = arith.constant 0 : i32
      %add3A_226 = arith.addi %mul3A_224, %add3A_225 : i32
      %add3A_227 = arith.constant 8 : i32
      %add3A_228 = arith.addi %add3A_226, %add3A_227 : i32
      %dma_start3A_229 = arith.constant 0 : i32
      %dma_start3A_230 = tpu.memref_slice %arg7[%add3A_228, %dma_start3A_229] : memref<512x64xf32, #tpu.memory_space<vmem>> -> memref<1x64xf32, #tpu.memory_space<vmem>>
      %dma_start3A_231 = tpu.memref_squeeze %dma_start3A_230 : memref<1x64xf32, #tpu.memory_space<vmem>> -> memref<64xf32, #tpu.memory_space<vmem>>
      %dma_start3A_232 = arith.constant 0 : i32
      %dma_start3A_233 = tpu.memref_slice %arg2[%shift_right_logical3A_220, %and3A_222, %dma_start3A_232] : memref<125000x8x64xf32, #tpu.memory_space<hbm>> -> memref<1x1x64xf32, #tpu.memory_space<hbm>>
      %dma_start3A_234 = tpu.memref_squeeze %dma_start3A_233 : memref<1x1x64xf32, #tpu.memory_space<hbm>> -> memref<64xf32, #tpu.memory_space<hbm>>
      %dma_start3A_235 = arith.constant 0 : i32
      %dma_start3A_236 = tpu.memref_slice %arg7[%add3A_228, %dma_start3A_235] : memref<512x64xf32, #tpu.memory_space<vmem>> -> memref<1x64xf32, #tpu.memory_space<vmem>>
      %dma_start3A_237 = tpu.memref_squeeze %dma_start3A_236 : memref<1x64xf32, #tpu.memory_space<vmem>> -> memref<64xf32, #tpu.memory_space<vmem>>
      %dma_start3A_238 = arith.constant 0 : i32
      %dma_start3A_239 = tpu.memref_slice %arg2[%shift_right_logical3A_220, %and3A_222, %dma_start3A_238] : memref<125000x8x64xf32, #tpu.memory_space<hbm>> -> memref<1x1x64xf32, #tpu.memory_space<hbm>>
      %dma_start3A_240 = tpu.memref_squeeze %dma_start3A_239 : memref<1x1x64xf32, #tpu.memory_space<hbm>> -> memref<64xf32, #tpu.memory_space<hbm>>
      tpu.enqueue_dma source(%dma_start3A_240 : memref<64xf32, #tpu.memory_space<hbm>>) target(%dma_start3A_237 : memref<64xf32, #tpu.memory_space<vmem>>) target_semaphore(%arg9 : memref<!tpu.dma_semaphore, #tpu.memory_space<semaphore_mem>>)
      %slice3A_241 = vector.extract_strided_slice %get3A_28 {offsets = [9], sizes = [1], strides = [1]} : vector<16xi32> to vector<1xi32>
      %squeeze3A_242 = vector.extract %slice3A_241[0] : i32 from vector<1xi32>
      %shift_right_logical3A_243 = arith.constant 3 : i32
      %shift_right_logical3A_244 = arith.shrui %squeeze3A_242, %shift_right_logical3A_243 : i32
      %and3A_245 = arith.constant 7 : i32
      %and3A_246 = arith.andi %squeeze3A_242, %and3A_245 : i32
      %mul3A_247 = arith.constant 64 : i32
      %mul3A_248 = arith.muli %scan3A_21, %mul3A_247 : i32
      %add3A_249 = arith.constant 0 : i32
      %add3A_250 = arith.addi %mul3A_248, %add3A_249 : i32
      %add3A_251 = arith.constant 9 : i32
      %add3A_252 = arith.addi %add3A_250, %add3A_251 : i32
      %dma_start3A_253 = arith.constant 0 : i32
      %dma_start3A_254 = tpu.memref_slice %arg7[%add3A_252, %dma_start3A_253] : memref<512x64xf32, #tpu.memory_space<vmem>> -> memref<1x64xf32, #tpu.memory_space<vmem>>
      %dma_start3A_255 = tpu.memref_squeeze %dma_start3A_254 : memref<1x64xf32, #tpu.memory_space<vmem>> -> memref<64xf32, #tpu.memory_space<vmem>>
      %dma_start3A_256 = arith.constant 0 : i32
      %dma_start3A_257 = tpu.memref_slice %arg2[%shift_right_logical3A_244, %and3A_246, %dma_start3A_256] : memref<125000x8x64xf32, #tpu.memory_space<hbm>> -> memref<1x1x64xf32, #tpu.memory_space<hbm>>
      %dma_start3A_258 = tpu.memref_squeeze %dma_start3A_257 : memref<1x1x64xf32, #tpu.memory_space<hbm>> -> memref<64xf32, #tpu.memory_space<hbm>>
      %dma_start3A_259 = arith.constant 0 : i32
      %dma_start3A_260 = tpu.memref_slice %arg7[%add3A_252, %dma_start3A_259] : memref<512x64xf32, #tpu.memory_space<vmem>> -> memref<1x64xf32, #tpu.memory_space<vmem>>
      %dma_start3A_261 = tpu.memref_squeeze %dma_start3A_260 : memref<1x64xf32, #tpu.memory_space<vmem>> -> memref<64xf32, #tpu.memory_space<vmem>>
      %dma_start3A_262 = arith.constant 0 : i32
      %dma_start3A_263 = tpu.memref_slice %arg2[%shift_right_logical3A_244, %and3A_246, %dma_start3A_262] : memref<125000x8x64xf32, #tpu.memory_space<hbm>> -> memref<1x1x64xf32, #tpu.memory_space<hbm>>
      %dma_start3A_264 = tpu.memref_squeeze %dma_start3A_263 : memref<1x1x64xf32, #tpu.memory_space<hbm>> -> memref<64xf32, #tpu.memory_space<hbm>>
      tpu.enqueue_dma source(%dma_start3A_264 : memref<64xf32, #tpu.memory_space<hbm>>) target(%dma_start3A_261 : memref<64xf32, #tpu.memory_space<vmem>>) target_semaphore(%arg9 : memref<!tpu.dma_semaphore, #tpu.memory_space<semaphore_mem>>)
      %slice3A_265 = vector.extract_strided_slice %get3A_28 {offsets = [10], sizes = [1], strides = [1]} : vector<16xi32> to vector<1xi32>
      %squeeze3A_266 = vector.extract %slice3A_265[0] : i32 from vector<1xi32>
      %shift_right_logical3A_267 = arith.constant 3 : i32
      %shift_right_logical3A_268 = arith.shrui %squeeze3A_266, %shift_right_logical3A_267 : i32
      %and3A_269 = arith.constant 7 : i32
      %and3A_270 = arith.andi %squeeze3A_266, %and3A_269 : i32
      %mul3A_271 = arith.constant 64 : i32
      %mul3A_272 = arith.muli %scan3A_21, %mul3A_271 : i32
      %add3A_273 = arith.constant 0 : i32
      %add3A_274 = arith.addi %mul3A_272, %add3A_273 : i32
      %add3A_275 = arith.constant 10 : i32
      %add3A_276 = arith.addi %add3A_274, %add3A_275 : i32
      %dma_start3A_277 = arith.constant 0 : i32
      %dma_start3A_278 = tpu.memref_slice %arg7[%add3A_276, %dma_start3A_277] : memref<512x64xf32, #tpu.memory_space<vmem>> -> memref<1x64xf32, #tpu.memory_space<vmem>>
      %dma_start3A_279 = tpu.memref_squeeze %dma_start3A_278 : memref<1x64xf32, #tpu.memory_space<vmem>> -> memref<64xf32, #tpu.memory_space<vmem>>
      %dma_start3A_280 = arith.constant 0 : i32
      %dma_start3A_281 = tpu.memref_slice %arg2[%shift_right_logical3A_268, %and3A_270, %dma_start3A_280] : memref<125000x8x64xf32, #tpu.memory_space<hbm>> -> memref<1x1x64xf32, #tpu.memory_space<hbm>>
      %dma_start3A_282 = tpu.memref_squeeze %dma_start3A_281 : memref<1x1x64xf32, #tpu.memory_space<hbm>> -> memref<64xf32, #tpu.memory_space<hbm>>
      %dma_start3A_283 = arith.constant 0 : i32
      %dma_start3A_284 = tpu.memref_slice %arg7[%add3A_276, %dma_start3A_283] : memref<512x64xf32, #tpu.memory_space<vmem>> -> memref<1x64xf32, #tpu.memory_space<vmem>>
      %dma_start3A_285 = tpu.memref_squeeze %dma_start3A_284 : memref<1x64xf32, #tpu.memory_space<vmem>> -> memref<64xf32, #tpu.memory_space<vmem>>
      %dma_start3A_286 = arith.constant 0 : i32
      %dma_start3A_287 = tpu.memref_slice %arg2[%shift_right_logical3A_268, %and3A_270, %dma_start3A_286] : memref<125000x8x64xf32, #tpu.memory_space<hbm>> -> memref<1x1x64xf32, #tpu.memory_space<hbm>>
      %dma_start3A_288 = tpu.memref_squeeze %dma_start3A_287 : memref<1x1x64xf32, #tpu.memory_space<hbm>> -> memref<64xf32, #tpu.memory_space<hbm>>
      tpu.enqueue_dma source(%dma_start3A_288 : memref<64xf32, #tpu.memory_space<hbm>>) target(%dma_start3A_285 : memref<64xf32, #tpu.memory_space<vmem>>) target_semaphore(%arg9 : memref<!tpu.dma_semaphore, #tpu.memory_space<semaphore_mem>>)
      %slice3A_289 = vector.extract_strided_slice %get3A_28 {offsets = [11], sizes = [1], strides = [1]} : vector<16xi32> to vector<1xi32>
      %squeeze3A_290 = vector.extract %slice3A_289[0] : i32 from vector<1xi32>
      %shift_right_logical3A_291 = arith.constant 3 : i32
      %shift_right_logical3A_292 = arith.shrui %squeeze3A_290, %shift_right_logical3A_291 : i32
      %and3A_293 = arith.constant 7 : i32
      %and3A_294 = arith.andi %squeeze3A_290, %and3A_293 : i32
      %mul3A_295 = arith.constant 64 : i32
      %mul3A_296 = arith.muli %scan3A_21, %mul3A_295 : i32
      %add3A_297 = arith.constant 0 : i32
      %add3A_298 = arith.addi %mul3A_296, %add3A_297 : i32
      %add3A_299 = arith.constant 11 : i32
      %add3A_300 = arith.addi %add3A_298, %add3A_299 : i32
      %dma_start3A_301 = arith.constant 0 : i32
      %dma_start3A_302 = tpu.memref_slice %arg7[%add3A_300, %dma_start3A_301] : memref<512x64xf32, #tpu.memory_space<vmem>> -> memref<1x64xf32, #tpu.memory_space<vmem>>
      %dma_start3A_303 = tpu.memref_squeeze %dma_start3A_302 : memref<1x64xf32, #tpu.memory_space<vmem>> -> memref<64xf32, #tpu.memory_space<vmem>>
      %dma_start3A_304 = arith.constant 0 : i32
      %dma_start3A_305 = tpu.memref_slice %arg2[%shift_right_logical3A_292, %and3A_294, %dma_start3A_304] : memref<125000x8x64xf32, #tpu.memory_space<hbm>> -> memref<1x1x64xf32, #tpu.memory_space<hbm>>
      %dma_start3A_306 = tpu.memref_squeeze %dma_start3A_305 : memref<1x1x64xf32, #tpu.memory_space<hbm>> -> memref<64xf32, #tpu.memory_space<hbm>>
      %dma_start3A_307 = arith.constant 0 : i32
      %dma_start3A_308 = tpu.memref_slice %arg7[%add3A_300, %dma_start3A_307] : memref<512x64xf32, #tpu.memory_space<vmem>> -> memref<1x64xf32, #tpu.memory_space<vmem>>
      %dma_start3A_309 = tpu.memref_squeeze %dma_start3A_308 : memref<1x64xf32, #tpu.memory_space<vmem>> -> memref<64xf32, #tpu.memory_space<vmem>>
      %dma_start3A_310 = arith.constant 0 : i32
      %dma_start3A_311 = tpu.memref_slice %arg2[%shift_right_logical3A_292, %and3A_294, %dma_start3A_310] : memref<125000x8x64xf32, #tpu.memory_space<hbm>> -> memref<1x1x64xf32, #tpu.memory_space<hbm>>
      %dma_start3A_312 = tpu.memref_squeeze %dma_start3A_311 : memref<1x1x64xf32, #tpu.memory_space<hbm>> -> memref<64xf32, #tpu.memory_space<hbm>>
      tpu.enqueue_dma source(%dma_start3A_312 : memref<64xf32, #tpu.memory_space<hbm>>) target(%dma_start3A_309 : memref<64xf32, #tpu.memory_space<vmem>>) target_semaphore(%arg9 : memref<!tpu.dma_semaphore, #tpu.memory_space<semaphore_mem>>)
      %slice3A_313 = vector.extract_strided_slice %get3A_28 {offsets = [12], sizes = [1], strides = [1]} : vector<16xi32> to vector<1xi32>
      %squeeze3A_314 = vector.extract %slice3A_313[0] : i32 from vector<1xi32>
      %shift_right_logical3A_315 = arith.constant 3 : i32
      %shift_right_logical3A_316 = arith.shrui %squeeze3A_314, %shift_right_logical3A_315 : i32
      %and3A_317 = arith.constant 7 : i32
      %and3A_318 = arith.andi %squeeze3A_314, %and3A_317 : i32
      %mul3A_319 = arith.constant 64 : i32
      %mul3A_320 = arith.muli %scan3A_21, %mul3A_319 : i32
      %add3A_321 = arith.constant 0 : i32
      %add3A_322 = arith.addi %mul3A_320, %add3A_321 : i32
      %add3A_323 = arith.constant 12 : i32
      %add3A_324 = arith.addi %add3A_322, %add3A_323 : i32
      %dma_start3A_325 = arith.constant 0 : i32
      %dma_start3A_326 = tpu.memref_slice %arg7[%add3A_324, %dma_start3A_325] : memref<512x64xf32, #tpu.memory_space<vmem>> -> memref<1x64xf32, #tpu.memory_space<vmem>>
      %dma_start3A_327 = tpu.memref_squeeze %dma_start3A_326 : memref<1x64xf32, #tpu.memory_space<vmem>> -> memref<64xf32, #tpu.memory_space<vmem>>
      %dma_start3A_328 = arith.constant 0 : i32
      %dma_start3A_329 = tpu.memref_slice %arg2[%shift_right_logical3A_316, %and3A_318, %dma_start3A_328] : memref<125000x8x64xf32, #tpu.memory_space<hbm>> -> memref<1x1x64xf32, #tpu.memory_space<hbm>>
      %dma_start3A_330 = tpu.memref_squeeze %dma_start3A_329 : memref<1x1x64xf32, #tpu.memory_space<hbm>> -> memref<64xf32, #tpu.memory_space<hbm>>
      %dma_start3A_331 = arith.constant 0 : i32
      %dma_start3A_332 = tpu.memref_slice %arg7[%add3A_324, %dma_start3A_331] : memref<512x64xf32, #tpu.memory_space<vmem>> -> memref<1x64xf32, #tpu.memory_space<vmem>>
      %dma_start3A_333 = tpu.memref_squeeze %dma_start3A_332 : memref<1x64xf32, #tpu.memory_space<vmem>> -> memref<64xf32, #tpu.memory_space<vmem>>
      %dma_start3A_334 = arith.constant 0 : i32
      %dma_start3A_335 = tpu.memref_slice %arg2[%shift_right_logical3A_316, %and3A_318, %dma_start3A_334] : memref<125000x8x64xf32, #tpu.memory_space<hbm>> -> memref<1x1x64xf32, #tpu.memory_space<hbm>>
      %dma_start3A_336 = tpu.memref_squeeze %dma_start3A_335 : memref<1x1x64xf32, #tpu.memory_space<hbm>> -> memref<64xf32, #tpu.memory_space<hbm>>
      tpu.enqueue_dma source(%dma_start3A_336 : memref<64xf32, #tpu.memory_space<hbm>>) target(%dma_start3A_333 : memref<64xf32, #tpu.memory_space<vmem>>) target_semaphore(%arg9 : memref<!tpu.dma_semaphore, #tpu.memory_space<semaphore_mem>>)
      %slice3A_337 = vector.extract_strided_slice %get3A_28 {offsets = [13], sizes = [1], strides = [1]} : vector<16xi32> to vector<1xi32>
      %squeeze3A_338 = vector.extract %slice3A_337[0] : i32 from vector<1xi32>
      %shift_right_logical3A_339 = arith.constant 3 : i32
      %shift_right_logical3A_340 = arith.shrui %squeeze3A_338, %shift_right_logical3A_339 : i32
      %and3A_341 = arith.constant 7 : i32
      %and3A_342 = arith.andi %squeeze3A_338, %and3A_341 : i32
      %mul3A_343 = arith.constant 64 : i32
      %mul3A_344 = arith.muli %scan3A_21, %mul3A_343 : i32
      %add3A_345 = arith.constant 0 : i32
      %add3A_346 = arith.addi %mul3A_344, %add3A_345 : i32
      %add3A_347 = arith.constant 13 : i32
      %add3A_348 = arith.addi %add3A_346, %add3A_347 : i32
      %dma_start3A_349 = arith.constant 0 : i32
      %dma_start3A_350 = tpu.memref_slice %arg7[%add3A_348, %dma_start3A_349] : memref<512x64xf32, #tpu.memory_space<vmem>> -> memref<1x64xf32, #tpu.memory_space<vmem>>
      %dma_start3A_351 = tpu.memref_squeeze %dma_start3A_350 : memref<1x64xf32, #tpu.memory_space<vmem>> -> memref<64xf32, #tpu.memory_space<vmem>>
      %dma_start3A_352 = arith.constant 0 : i32
      %dma_start3A_353 = tpu.memref_slice %arg2[%shift_right_logical3A_340, %and3A_342, %dma_start3A_352] : memref<125000x8x64xf32, #tpu.memory_space<hbm>> -> memref<1x1x64xf32, #tpu.memory_space<hbm>>
      %dma_start3A_354 = tpu.memref_squeeze %dma_start3A_353 : memref<1x1x64xf32, #tpu.memory_space<hbm>> -> memref<64xf32, #tpu.memory_space<hbm>>
      %dma_start3A_355 = arith.constant 0 : i32
      %dma_start3A_356 = tpu.memref_slice %arg7[%add3A_348, %dma_start3A_355] : memref<512x64xf32, #tpu.memory_space<vmem>> -> memref<1x64xf32, #tpu.memory_space<vmem>>
      %dma_start3A_357 = tpu.memref_squeeze %dma_start3A_356 : memref<1x64xf32, #tpu.memory_space<vmem>> -> memref<64xf32, #tpu.memory_space<vmem>>
      %dma_start3A_358 = arith.constant 0 : i32
      %dma_start3A_359 = tpu.memref_slice %arg2[%shift_right_logical3A_340, %and3A_342, %dma_start3A_358] : memref<125000x8x64xf32, #tpu.memory_space<hbm>> -> memref<1x1x64xf32, #tpu.memory_space<hbm>>
      %dma_start3A_360 = tpu.memref_squeeze %dma_start3A_359 : memref<1x1x64xf32, #tpu.memory_space<hbm>> -> memref<64xf32, #tpu.memory_space<hbm>>
      tpu.enqueue_dma source(%dma_start3A_360 : memref<64xf32, #tpu.memory_space<hbm>>) target(%dma_start3A_357 : memref<64xf32, #tpu.memory_space<vmem>>) target_semaphore(%arg9 : memref<!tpu.dma_semaphore, #tpu.memory_space<semaphore_mem>>)
      %slice3A_361 = vector.extract_strided_slice %get3A_28 {offsets = [14], sizes = [1], strides = [1]} : vector<16xi32> to vector<1xi32>
      %squeeze3A_362 = vector.extract %slice3A_361[0] : i32 from vector<1xi32>
      %shift_right_logical3A_363 = arith.constant 3 : i32
      %shift_right_logical3A_364 = arith.shrui %squeeze3A_362, %shift_right_logical3A_363 : i32
      %and3A_365 = arith.constant 7 : i32
      %and3A_366 = arith.andi %squeeze3A_362, %and3A_365 : i32
      %mul3A_367 = arith.constant 64 : i32
      %mul3A_368 = arith.muli %scan3A_21, %mul3A_367 : i32
      %add3A_369 = arith.constant 0 : i32
      %add3A_370 = arith.addi %mul3A_368, %add3A_369 : i32
      %add3A_371 = arith.constant 14 : i32
      %add3A_372 = arith.addi %add3A_370, %add3A_371 : i32
      %dma_start3A_373 = arith.constant 0 : i32
      %dma_start3A_374 = tpu.memref_slice %arg7[%add3A_372, %dma_start3A_373] : memref<512x64xf32, #tpu.memory_space<vmem>> -> memref<1x64xf32, #tpu.memory_space<vmem>>
      %dma_start3A_375 = tpu.memref_squeeze %dma_start3A_374 : memref<1x64xf32, #tpu.memory_space<vmem>> -> memref<64xf32, #tpu.memory_space<vmem>>
      %dma_start3A_376 = arith.constant 0 : i32
      %dma_start3A_377 = tpu.memref_slice %arg2[%shift_right_logical3A_364, %and3A_366, %dma_start3A_376] : memref<125000x8x64xf32, #tpu.memory_space<hbm>> -> memref<1x1x64xf32, #tpu.memory_space<hbm>>
      %dma_start3A_378 = tpu.memref_squeeze %dma_start3A_377 : memref<1x1x64xf32, #tpu.memory_space<hbm>> -> memref<64xf32, #tpu.memory_space<hbm>>
      %dma_start3A_379 = arith.constant 0 : i32
      %dma_start3A_380 = tpu.memref_slice %arg7[%add3A_372, %dma_start3A_379] : memref<512x64xf32, #tpu.memory_space<vmem>> -> memref<1x64xf32, #tpu.memory_space<vmem>>
      %dma_start3A_381 = tpu.memref_squeeze %dma_start3A_380 : memref<1x64xf32, #tpu.memory_space<vmem>> -> memref<64xf32, #tpu.memory_space<vmem>>
      %dma_start3A_382 = arith.constant 0 : i32
      %dma_start3A_383 = tpu.memref_slice %arg2[%shift_right_logical3A_364, %and3A_366, %dma_start3A_382] : memref<125000x8x64xf32, #tpu.memory_space<hbm>> -> memref<1x1x64xf32, #tpu.memory_space<hbm>>
      %dma_start3A_384 = tpu.memref_squeeze %dma_start3A_383 : memref<1x1x64xf32, #tpu.memory_space<hbm>> -> memref<64xf32, #tpu.memory_space<hbm>>
      tpu.enqueue_dma source(%dma_start3A_384 : memref<64xf32, #tpu.memory_space<hbm>>) target(%dma_start3A_381 : memref<64xf32, #tpu.memory_space<vmem>>) target_semaphore(%arg9 : memref<!tpu.dma_semaphore, #tpu.memory_space<semaphore_mem>>)
      %slice3A_385 = vector.extract_strided_slice %get3A_28 {offsets = [15], sizes = [1], strides = [1]} : vector<16xi32> to vector<1xi32>
      %squeeze3A_386 = vector.extract %slice3A_385[0] : i32 from vector<1xi32>
      %shift_right_logical3A_387 = arith.constant 3 : i32
      %shift_right_logical3A_388 = arith.shrui %squeeze3A_386, %shift_right_logical3A_387 : i32
      %and3A_389 = arith.constant 7 : i32
      %and3A_390 = arith.andi %squeeze3A_386, %and3A_389 : i32
      %mul3A_391 = arith.constant 64 : i32
      %mul3A_392 = arith.muli %scan3A_21, %mul3A_391 : i32
      %add3A_393 = arith.constant 0 : i32
      %add3A_394 = arith.addi %mul3A_392, %add3A_393 : i32
      %add3A_395 = arith.constant 15 : i32
      %add3A_396 = arith.addi %add3A_394, %add3A_395 : i32
      %dma_start3A_397 = arith.constant 0 : i32
      %dma_start3A_398 = tpu.memref_slice %arg7[%add3A_396, %dma_start3A_397] : memref<512x64xf32, #tpu.memory_space<vmem>> -> memref<1x64xf32, #tpu.memory_space<vmem>>
      %dma_start3A_399 = tpu.memref_squeeze %dma_start3A_398 : memref<1x64xf32, #tpu.memory_space<vmem>> -> memref<64xf32, #tpu.memory_space<vmem>>
      %dma_start3A_400 = arith.constant 0 : i32
      %dma_start3A_401 = tpu.memref_slice %arg2[%shift_right_logical3A_388, %and3A_390, %dma_start3A_400] : memref<125000x8x64xf32, #tpu.memory_space<hbm>> -> memref<1x1x64xf32, #tpu.memory_space<hbm>>
      %dma_start3A_402 = tpu.memref_squeeze %dma_start3A_401 : memref<1x1x64xf32, #tpu.memory_space<hbm>> -> memref<64xf32, #tpu.memory_space<hbm>>
      %dma_start3A_403 = arith.constant 0 : i32
      %dma_start3A_404 = tpu.memref_slice %arg7[%add3A_396, %dma_start3A_403] : memref<512x64xf32, #tpu.memory_space<vmem>> -> memref<1x64xf32, #tpu.memory_space<vmem>>
      %dma_start3A_405 = tpu.memref_squeeze %dma_start3A_404 : memref<1x64xf32, #tpu.memory_space<vmem>> -> memref<64xf32, #tpu.memory_space<vmem>>
      %dma_start3A_406 = arith.constant 0 : i32
      %dma_start3A_407 = tpu.memref_slice %arg2[%shift_right_logical3A_388, %and3A_390, %dma_start3A_406] : memref<125000x8x64xf32, #tpu.memory_space<hbm>> -> memref<1x1x64xf32, #tpu.memory_space<hbm>>
      %dma_start3A_408 = tpu.memref_squeeze %dma_start3A_407 : memref<1x1x64xf32, #tpu.memory_space<hbm>> -> memref<64xf32, #tpu.memory_space<hbm>>
      tpu.enqueue_dma source(%dma_start3A_408 : memref<64xf32, #tpu.memory_space<hbm>>) target(%dma_start3A_405 : memref<64xf32, #tpu.memory_space<vmem>>) target_semaphore(%arg9 : memref<!tpu.dma_semaphore, #tpu.memory_space<semaphore_mem>>)
      %mul3A_409 = arith.constant 64 : i32
      %mul3A_410 = arith.muli %scan3A_21, %mul3A_409 : i32
      %add3A_411 = arith.constant 16 : i32
      %add3A_412 = arith.addi %mul3A_410, %add3A_411 : i32
      %get3A_413 = arith.index_cast %add3A_412 : i32 to index
      %get3A_414 = tpu.vector_load %arg6[%get3A_413] {strides = array<i32>} : memref<512xi32, #tpu.memory_space<vmem>>, vector<16xi32>,
      %get3A_415 = vector.shape_cast %get3A_414 : vector<16xi32> to vector<16xi32>
      %slice3A_416 = vector.extract_strided_slice %get3A_415 {offsets = [0], sizes = [1], strides = [1]} : vector<16xi32> to vector<1xi32>
      %squeeze3A_417 = vector.extract %slice3A_416[0] : i32 from vector<1xi32>
      %shift_right_logical3A_418 = arith.constant 3 : i32
      %shift_right_logical3A_419 = arith.shrui %squeeze3A_417, %shift_right_logical3A_418 : i32
      %and3A_420 = arith.constant 7 : i32
      %and3A_421 = arith.andi %squeeze3A_417, %and3A_420 : i32
      %mul3A_422 = arith.constant 64 : i32
      %mul3A_423 = arith.muli %scan3A_21, %mul3A_422 : i32
      %add3A_424 = arith.constant 16 : i32
      %add3A_425 = arith.addi %mul3A_423, %add3A_424 : i32
      %add3A_426 = arith.constant 0 : i32
      %add3A_427 = arith.addi %add3A_425, %add3A_426 : i32
      %dma_start3A_428 = arith.constant 0 : i32
      %dma_start3A_429 = tpu.memref_slice %arg7[%add3A_427, %dma_start3A_428] : memref<512x64xf32, #tpu.memory_space<vmem>> -> memref<1x64xf32, #tpu.memory_space<vmem>>
      %dma_start3A_430 = tpu.memref_squeeze %dma_start3A_429 : memref<1x64xf32, #tpu.memory_space<vmem>> -> memref<64xf32, #tpu.memory_space<vmem>>
      %dma_start3A_431 = arith.constant 0 : i32
      %dma_start3A_432 = tpu.memref_slice %arg2[%shift_right_logical3A_419, %and3A_421, %dma_start3A_431] : memref<125000x8x64xf32, #tpu.memory_space<hbm>> -> memref<1x1x64xf32, #tpu.memory_space<hbm>>
      %dma_start3A_433 = tpu.memref_squeeze %dma_start3A_432 : memref<1x1x64xf32, #tpu.memory_space<hbm>> -> memref<64xf32, #tpu.memory_space<hbm>>
      %dma_start3A_434 = arith.constant 0 : i32
      %dma_start3A_435 = tpu.memref_slice %arg7[%add3A_427, %dma_start3A_434] : memref<512x64xf32, #tpu.memory_space<vmem>> -> memref<1x64xf32, #tpu.memory_space<vmem>>
      %dma_start3A_436 = tpu.memref_squeeze %dma_start3A_435 : memref<1x64xf32, #tpu.memory_space<vmem>> -> memref<64xf32, #tpu.memory_space<vmem>>
      %dma_start3A_437 = arith.constant 0 : i32
      %dma_start3A_438 = tpu.memref_slice %arg2[%shift_right_logical3A_419, %and3A_421, %dma_start3A_437] : memref<125000x8x64xf32, #tpu.memory_space<hbm>> -> memref<1x1x64xf32, #tpu.memory_space<hbm>>
      %dma_start3A_439 = tpu.memref_squeeze %dma_start3A_438 : memref<1x1x64xf32, #tpu.memory_space<hbm>> -> memref<64xf32, #tpu.memory_space<hbm>>
      tpu.enqueue_dma source(%dma_start3A_439 : memref<64xf32, #tpu.memory_space<hbm>>) target(%dma_start3A_436 : memref<64xf32, #tpu.memory_space<vmem>>) target_semaphore(%arg9 : memref<!tpu.dma_semaphore, #tpu.memory_space<semaphore_mem>>)
      %slice3A_440 = vector.extract_strided_slice %get3A_415 {offsets = [1], sizes = [1], strides = [1]} : vector<16xi32> to vector<1xi32>
      %squeeze3A_441 = vector.extract %slice3A_440[0] : i32 from vector<1xi32>
      %shift_right_logical3A_442 = arith.constant 3 : i32
      %shift_right_logical3A_443 = arith.shrui %squeeze3A_441, %shift_right_logical3A_442 : i32
      %and3A_444 = arith.constant 7 : i32
      %and3A_445 = arith.andi %squeeze3A_441, %and3A_444 : i32
      %mul3A_446 = arith.constant 64 : i32
      %mul3A_447 = arith.muli %scan3A_21, %mul3A_446 : i32
      %add3A_448 = arith.constant 16 : i32
      %add3A_449 = arith.addi %mul3A_447, %add3A_448 : i32
      %add3A_450 = arith.constant 1 : i32
      %add3A_451 = arith.addi %add3A_449, %add3A_450 : i32
      %dma_start3A_452 = arith.constant 0 : i32
      %dma_start3A_453 = tpu.memref_slice %arg7[%add3A_451, %dma_start3A_452] : memref<512x64xf32, #tpu.memory_space<vmem>> -> memref<1x64xf32, #tpu.memory_space<vmem>>
      %dma_start3A_454 = tpu.memref_squeeze %dma_start3A_453 : memref<1x64xf32, #tpu.memory_space<vmem>> -> memref<64xf32, #tpu.memory_space<vmem>>
      %dma_start3A_455 = arith.constant 0 : i32
      %dma_start3A_456 = tpu.memref_slice %arg2[%shift_right_logical3A_443, %and3A_445, %dma_start3A_455] : memref<125000x8x64xf32, #tpu.memory_space<hbm>> -> memref<1x1x64xf32, #tpu.memory_space<hbm>>
      %dma_start3A_457 = tpu.memref_squeeze %dma_start3A_456 : memref<1x1x64xf32, #tpu.memory_space<hbm>> -> memref<64xf32, #tpu.memory_space<hbm>>
      %dma_start3A_458 = arith.constant 0 : i32
      %dma_start3A_459 = tpu.memref_slice %arg7[%add3A_451, %dma_start3A_458] : memref<512x64xf32, #tpu.memory_space<vmem>> -> memref<1x64xf32, #tpu.memory_space<vmem>>
      %dma_start3A_460 = tpu.memref_squeeze %dma_start3A_459 : memref<1x64xf32, #tpu.memory_space<vmem>> -> memref<64xf32, #tpu.memory_space<vmem>>
      %dma_start3A_461 = arith.constant 0 : i32
      %dma_start3A_462 = tpu.memref_slice %arg2[%shift_right_logical3A_443, %and3A_445, %dma_start3A_461] : memref<125000x8x64xf32, #tpu.memory_space<hbm>> -> memref<1x1x64xf32, #tpu.memory_space<hbm>>
      %dma_start3A_463 = tpu.memref_squeeze %dma_start3A_462 : memref<1x1x64xf32, #tpu.memory_space<hbm>> -> memref<64xf32, #tpu.memory_space<hbm>>
      tpu.enqueue_dma source(%dma_start3A_463 : memref<64xf32, #tpu.memory_space<hbm>>) target(%dma_start3A_460 : memref<64xf32, #tpu.memory_space<vmem>>) target_semaphore(%arg9 : memref<!tpu.dma_semaphore, #tpu.memory_space<semaphore_mem>>)
      %slice3A_464 = vector.extract_strided_slice %get3A_415 {offsets = [2], sizes = [1], strides = [1]} : vector<16xi32> to vector<1xi32>
      %squeeze3A_465 = vector.extract %slice3A_464[0] : i32 from vector<1xi32>
      %shift_right_logical3A_466 = arith.constant 3 : i32
      %shift_right_logical3A_467 = arith.shrui %squeeze3A_465, %shift_right_logical3A_466 : i32
      %and3A_468 = arith.constant 7 : i32
      %and3A_469 = arith.andi %squeeze3A_465, %and3A_468 : i32
      %mul3A_470 = arith.constant 64 : i32
      %mul3A_471 = arith.muli %scan3A_21, %mul3A_470 : i32
      %add3A_472 = arith.constant 16 : i32
      %add3A_473 = arith.addi %mul3A_471, %add3A_472 : i32
      %add3A_474 = arith.constant 2 : i32
      %add3A_475 = arith.addi %add3A_473, %add3A_474 : i32
      %dma_start3A_476 = arith.constant 0 : i32
      %dma_start3A_477 = tpu.memref_slice %arg7[%add3A_475, %dma_start3A_476] : memref<512x64xf32, #tpu.memory_space<vmem>> -> memref<1x64xf32, #tpu.memory_space<vmem>>
      %dma_start3A_478 = tpu.memref_squeeze %dma_start3A_477 : memref<1x64xf32, #tpu.memory_space<vmem>> -> memref<64xf32, #tpu.memory_space<vmem>>
      %dma_start3A_479 = arith.constant 0 : i32
      %dma_start3A_480 = tpu.memref_slice %arg2[%shift_right_logical3A_467, %and3A_469, %dma_start3A_479] : memref<125000x8x64xf32, #tpu.memory_space<hbm>> -> memref<1x1x64xf32, #tpu.memory_space<hbm>>
      %dma_start3A_481 = tpu.memref_squeeze %dma_start3A_480 : memref<1x1x64xf32, #tpu.memory_space<hbm>> -> memref<64xf32, #tpu.memory_space<hbm>>
      %dma_start3A_482 = arith.constant 0 : i32
      %dma_start3A_483 = tpu.memref_slice %arg7[%add3A_475, %dma_start3A_482] : memref<512x64xf32, #tpu.memory_space<vmem>> -> memref<1x64xf32, #tpu.memory_space<vmem>>
      %dma_start3A_484 = tpu.memref_squeeze %dma_start3A_483 : memref<1x64xf32, #tpu.memory_space<vmem>> -> memref<64xf32, #tpu.memory_space<vmem>>
      %dma_start3A_485 = arith.constant 0 : i32
      %dma_start3A_486 = tpu.memref_slice %arg2[%shift_right_logical3A_467, %and3A_469, %dma_start3A_485] : memref<125000x8x64xf32, #tpu.memory_space<hbm>> -> memref<1x1x64xf32, #tpu.memory_space<hbm>>
      %dma_start3A_487 = tpu.memref_squeeze %dma_start3A_486 : memref<1x1x64xf32, #tpu.memory_space<hbm>> -> memref<64xf32, #tpu.memory_space<hbm>>
      tpu.enqueue_dma source(%dma_start3A_487 : memref<64xf32, #tpu.memory_space<hbm>>) target(%dma_start3A_484 : memref<64xf32, #tpu.memory_space<vmem>>) target_semaphore(%arg9 : memref<!tpu.dma_semaphore, #tpu.memory_space<semaphore_mem>>)
      %slice3A_488 = vector.extract_strided_slice %get3A_415 {offsets = [3], sizes = [1], strides = [1]} : vector<16xi32> to vector<1xi32>
      %squeeze3A_489 = vector.extract %slice3A_488[0] : i32 from vector<1xi32>
      %shift_right_logical3A_490 = arith.constant 3 : i32
      %shift_right_logical3A_491 = arith.shrui %squeeze3A_489, %shift_right_logical3A_490 : i32
      %and3A_492 = arith.constant 7 : i32
      %and3A_493 = arith.andi %squeeze3A_489, %and3A_492 : i32
      %mul3A_494 = arith.constant 64 : i32
      %mul3A_495 = arith.muli %scan3A_21, %mul3A_494 : i32
      %add3A_496 = arith.constant 16 : i32
      %add3A_497 = arith.addi %mul3A_495, %add3A_496 : i32
      %add3A_498 = arith.constant 3 : i32
      %add3A_499 = arith.addi %add3A_497, %add3A_498 : i32
      %dma_start3A_500 = arith.constant 0 : i32
      %dma_start3A_501 = tpu.memref_slice %arg7[%add3A_499, %dma_start3A_500] : memref<512x64xf32, #tpu.memory_space<vmem>> -> memref<1x64xf32, #tpu.memory_space<vmem>>
      %dma_start3A_502 = tpu.memref_squeeze %dma_start3A_501 : memref<1x64xf32, #tpu.memory_space<vmem>> -> memref<64xf32, #tpu.memory_space<vmem>>
      %dma_start3A_503 = arith.constant 0 : i32
      %dma_start3A_504 = tpu.memref_slice %arg2[%shift_right_logical3A_491, %and3A_493, %dma_start3A_503] : memref<125000x8x64xf32, #tpu.memory_space<hbm>> -> memref<1x1x64xf32, #tpu.memory_space<hbm>>
      %dma_start3A_505 = tpu.memref_squeeze %dma_start3A_504 : memref<1x1x64xf32, #tpu.memory_space<hbm>> -> memref<64xf32, #tpu.memory_space<hbm>>
      %dma_start3A_506 = arith.constant 0 : i32
      %dma_start3A_507 = tpu.memref_slice %arg7[%add3A_499, %dma_start3A_506] : memref<512x64xf32, #tpu.memory_space<vmem>> -> memref<1x64xf32, #tpu.memory_space<vmem>>
      %dma_start3A_508 = tpu.memref_squeeze %dma_start3A_507 : memref<1x64xf32, #tpu.memory_space<vmem>> -> memref<64xf32, #tpu.memory_space<vmem>>
      %dma_start3A_509 = arith.constant 0 : i32
      %dma_start3A_510 = tpu.memref_slice %arg2[%shift_right_logical3A_491, %and3A_493, %dma_start3A_509] : memref<125000x8x64xf32, #tpu.memory_space<hbm>> -> memref<1x1x64xf32, #tpu.memory_space<hbm>>
      %dma_start3A_511 = tpu.memref_squeeze %dma_start3A_510 : memref<1x1x64xf32, #tpu.memory_space<hbm>> -> memref<64xf32, #tpu.memory_space<hbm>>
      tpu.enqueue_dma source(%dma_start3A_511 : memref<64xf32, #tpu.memory_space<hbm>>) target(%dma_start3A_508 : memref<64xf32, #tpu.memory_space<vmem>>) target_semaphore(%arg9 : memref<!tpu.dma_semaphore, #tpu.memory_space<semaphore_mem>>)
      %slice3A_512 = vector.extract_strided_slice %get3A_415 {offsets = [4], sizes = [1], strides = [1]} : vector<16xi32> to vector<1xi32>
      %squeeze3A_513 = vector.extract %slice3A_512[0] : i32 from vector<1xi32>
      %shift_right_logical3A_514 = arith.constant 3 : i32
      %shift_right_logical3A_515 = arith.shrui %squeeze3A_513, %shift_right_logical3A_514 : i32
      %and3A_516 = arith.constant 7 : i32
      %and3A_517 = arith.andi %squeeze3A_513, %and3A_516 : i32
      %mul3A_518 = arith.constant 64 : i32
      %mul3A_519 = arith.muli %scan3A_21, %mul3A_518 : i32
      %add3A_520 = arith.constant 16 : i32
      %add3A_521 = arith.addi %mul3A_519, %add3A_520 : i32
      %add3A_522 = arith.constant 4 : i32
      %add3A_523 = arith.addi %add3A_521, %add3A_522 : i32
      %dma_start3A_524 = arith.constant 0 : i32
      %dma_start3A_525 = tpu.memref_slice %arg7[%add3A_523, %dma_start3A_524] : memref<512x64xf32, #tpu.memory_space<vmem>> -> memref<1x64xf32, #tpu.memory_space<vmem>>
      %dma_start3A_526 = tpu.memref_squeeze %dma_start3A_525 : memref<1x64xf32, #tpu.memory_space<vmem>> -> memref<64xf32, #tpu.memory_space<vmem>>
      %dma_start3A_527 = arith.constant 0 : i32
      %dma_start3A_528 = tpu.memref_slice %arg2[%shift_right_logical3A_515, %and3A_517, %dma_start3A_527] : memref<125000x8x64xf32, #tpu.memory_space<hbm>> -> memref<1x1x64xf32, #tpu.memory_space<hbm>>
      %dma_start3A_529 = tpu.memref_squeeze %dma_start3A_528 : memref<1x1x64xf32, #tpu.memory_space<hbm>> -> memref<64xf32, #tpu.memory_space<hbm>>
      %dma_start3A_530 = arith.constant 0 : i32
      %dma_start3A_531 = tpu.memref_slice %arg7[%add3A_523, %dma_start3A_530] : memref<512x64xf32, #tpu.memory_space<vmem>> -> memref<1x64xf32, #tpu.memory_space<vmem>>
      %dma_start3A_532 = tpu.memref_squeeze %dma_start3A_531 : memref<1x64xf32, #tpu.memory_space<vmem>> -> memref<64xf32, #tpu.memory_space<vmem>>
      %dma_start3A_533 = arith.constant 0 : i32
      %dma_start3A_534 = tpu.memref_slice %arg2[%shift_right_logical3A_515, %and3A_517, %dma_start3A_533] : memref<125000x8x64xf32, #tpu.memory_space<hbm>> -> memref<1x1x64xf32, #tpu.memory_space<hbm>>
      %dma_start3A_535 = tpu.memref_squeeze %dma_start3A_534 : memref<1x1x64xf32, #tpu.memory_space<hbm>> -> memref<64xf32, #tpu.memory_space<hbm>>
      tpu.enqueue_dma source(%dma_start3A_535 : memref<64xf32, #tpu.memory_space<hbm>>) target(%dma_start3A_532 : memref<64xf32, #tpu.memory_space<vmem>>) target_semaphore(%arg9 : memref<!tpu.dma_semaphore, #tpu.memory_space<semaphore_mem>>)
      %slice3A_536 = vector.extract_strided_slice %get3A_415 {offsets = [5], sizes = [1], strides = [1]} : vector<16xi32> to vector<1xi32>
      %squeeze3A_537 = vector.extract %slice3A_536[0] : i32 from vector<1xi32>
      %shift_right_logical3A_538 = arith.constant 3 : i32
      %shift_right_logical3A_539 = arith.shrui %squeeze3A_537, %shift_right_logical3A_538 : i32
      %and3A_540 = arith.constant 7 : i32
      %and3A_541 = arith.andi %squeeze3A_537, %and3A_540 : i32
      %mul3A_542 = arith.constant 64 : i32
      %mul3A_543 = arith.muli %scan3A_21, %mul3A_542 : i32
      %add3A_544 = arith.constant 16 : i32
      %add3A_545 = arith.addi %mul3A_543, %add3A_544 : i32
      %add3A_546 = arith.constant 5 : i32
      %add3A_547 = arith.addi %add3A_545, %add3A_546 : i32
      %dma_start3A_548 = arith.constant 0 : i32
      %dma_start3A_549 = tpu.memref_slice %arg7[%add3A_547, %dma_start3A_548] : memref<512x64xf32, #tpu.memory_space<vmem>> -> memref<1x64xf32, #tpu.memory_space<vmem>>
      %dma_start3A_550 = tpu.memref_squeeze %dma_start3A_549 : memref<1x64xf32, #tpu.memory_space<vmem>> -> memref<64xf32, #tpu.memory_space<vmem>>
      %dma_start3A_551 = arith.constant 0 : i32
      %dma_start3A_552 = tpu.memref_slice %arg2[%shift_right_logical3A_539, %and3A_541, %dma_start3A_551] : memref<125000x8x64xf32, #tpu.memory_space<hbm>> -> memref<1x1x64xf32, #tpu.memory_space<hbm>>
      %dma_start3A_553 = tpu.memref_squeeze %dma_start3A_552 : memref<1x1x64xf32, #tpu.memory_space<hbm>> -> memref<64xf32, #tpu.memory_space<hbm>>
      %dma_start3A_554 = arith.constant 0 : i32
      %dma_start3A_555 = tpu.memref_slice %arg7[%add3A_547, %dma_start3A_554] : memref<512x64xf32, #tpu.memory_space<vmem>> -> memref<1x64xf32, #tpu.memory_space<vmem>>
      %dma_start3A_556 = tpu.memref_squeeze %dma_start3A_555 : memref<1x64xf32, #tpu.memory_space<vmem>> -> memref<64xf32, #tpu.memory_space<vmem>>
      %dma_start3A_557 = arith.constant 0 : i32
      %dma_start3A_558 = tpu.memref_slice %arg2[%shift_right_logical3A_539, %and3A_541, %dma_start3A_557] : memref<125000x8x64xf32, #tpu.memory_space<hbm>> -> memref<1x1x64xf32, #tpu.memory_space<hbm>>
      %dma_start3A_559 = tpu.memref_squeeze %dma_start3A_558 : memref<1x1x64xf32, #tpu.memory_space<hbm>> -> memref<64xf32, #tpu.memory_space<hbm>>
      tpu.enqueue_dma source(%dma_start3A_559 : memref<64xf32, #tpu.memory_space<hbm>>) target(%dma_start3A_556 : memref<64xf32, #tpu.memory_space<vmem>>) target_semaphore(%arg9 : memref<!tpu.dma_semaphore, #tpu.memory_space<semaphore_mem>>)
      %slice3A_560 = vector.extract_strided_slice %get3A_415 {offsets = [6], sizes = [1], strides = [1]} : vector<16xi32> to vector<1xi32>
      %squeeze3A_561 = vector.extract %slice3A_560[0] : i32 from vector<1xi32>
      %shift_right_logical3A_562 = arith.constant 3 : i32
      %shift_right_logical3A_563 = arith.shrui %squeeze3A_561, %shift_right_logical3A_562 : i32
      %and3A_564 = arith.constant 7 : i32
      %and3A_565 = arith.andi %squeeze3A_561, %and3A_564 : i32
      %mul3A_566 = arith.constant 64 : i32
      %mul3A_567 = arith.muli %scan3A_21, %mul3A_566 : i32
      %add3A_568 = arith.constant 16 : i32
      %add3A_569 = arith.addi %mul3A_567, %add3A_568 : i32
      %add3A_570 = arith.constant 6 : i32
      %add3A_571 = arith.addi %add3A_569, %add3A_570 : i32
      %dma_start3A_572 = arith.constant 0 : i32
      %dma_start3A_573 = tpu.memref_slice %arg7[%add3A_571, %dma_start3A_572] : memref<512x64xf32, #tpu.memory_space<vmem>> -> memref<1x64xf32, #tpu.memory_space<vmem>>
      %dma_start3A_574 = tpu.memref_squeeze %dma_start3A_573 : memref<1x64xf32, #tpu.memory_space<vmem>> -> memref<64xf32, #tpu.memory_space<vmem>>
      %dma_start3A_575 = arith.constant 0 : i32
      %dma_start3A_576 = tpu.memref_slice %arg2[%shift_right_logical3A_563, %and3A_565, %dma_start3A_575] : memref<125000x8x64xf32, #tpu.memory_space<hbm>> -> memref<1x1x64xf32, #tpu.memory_space<hbm>>
      %dma_start3A_577 = tpu.memref_squeeze %dma_start3A_576 : memref<1x1x64xf32, #tpu.memory_space<hbm>> -> memref<64xf32, #tpu.memory_space<hbm>>
      %dma_start3A_578 = arith.constant 0 : i32
      %dma_start3A_579 = tpu.memref_slice %arg7[%add3A_571, %dma_start3A_578] : memref<512x64xf32, #tpu.memory_space<vmem>> -> memref<1x64xf32, #tpu.memory_space<vmem>>
      %dma_start3A_580 = tpu.memref_squeeze %dma_start3A_579 : memref<1x64xf32, #tpu.memory_space<vmem>> -> memref<64xf32, #tpu.memory_space<vmem>>
      %dma_start3A_581 = arith.constant 0 : i32
      %dma_start3A_582 = tpu.memref_slice %arg2[%shift_right_logical3A_563, %and3A_565, %dma_start3A_581] : memref<125000x8x64xf32, #tpu.memory_space<hbm>> -> memref<1x1x64xf32, #tpu.memory_space<hbm>>
      %dma_start3A_583 = tpu.memref_squeeze %dma_start3A_582 : memref<1x1x64xf32, #tpu.memory_space<hbm>> -> memref<64xf32, #tpu.memory_space<hbm>>
      tpu.enqueue_dma source(%dma_start3A_583 : memref<64xf32, #tpu.memory_space<hbm>>) target(%dma_start3A_580 : memref<64xf32, #tpu.memory_space<vmem>>) target_semaphore(%arg9 : memref<!tpu.dma_semaphore, #tpu.memory_space<semaphore_mem>>)
      %slice3A_584 = vector.extract_strided_slice %get3A_415 {offsets = [7], sizes = [1], strides = [1]} : vector<16xi32> to vector<1xi32>
      %squeeze3A_585 = vector.extract %slice3A_584[0] : i32 from vector<1xi32>
      %shift_right_logical3A_586 = arith.constant 3 : i32
      %shift_right_logical3A_587 = arith.shrui %squeeze3A_585, %shift_right_logical3A_586 : i32
      %and3A_588 = arith.constant 7 : i32
      %and3A_589 = arith.andi %squeeze3A_585, %and3A_588 : i32
      %mul3A_590 = arith.constant 64 : i32
      %mul3A_591 = arith.muli %scan3A_21, %mul3A_590 : i32
      %add3A_592 = arith.constant 16 : i32
      %add3A_593 = arith.addi %mul3A_591, %add3A_592 : i32
      %add3A_594 = arith.constant 7 : i32
      %add3A_595 = arith.addi %add3A_593, %add3A_594 : i32
      %dma_start3A_596 = arith.constant 0 : i32
      %dma_start3A_597 = tpu.memref_slice %arg7[%add3A_595, %dma_start3A_596] : memref<512x64xf32, #tpu.memory_space<vmem>> -> memref<1x64xf32, #tpu.memory_space<vmem>>
      %dma_start3A_598 = tpu.memref_squeeze %dma_start3A_597 : memref<1x64xf32, #tpu.memory_space<vmem>> -> memref<64xf32, #tpu.memory_space<vmem>>
      %dma_start3A_599 = arith.constant 0 : i32
      %dma_start3A_600 = tpu.memref_slice %arg2[%shift_right_logical3A_587, %and3A_589, %dma_start3A_599] : memref<125000x8x64xf32, #tpu.memory_space<hbm>> -> memref<1x1x64xf32, #tpu.memory_space<hbm>>
      %dma_start3A_601 = tpu.memref_squeeze %dma_start3A_600 : memref<1x1x64xf32, #tpu.memory_space<hbm>> -> memref<64xf32, #tpu.memory_space<hbm>>
      %dma_start3A_602 = arith.constant 0 : i32
      %dma_start3A_603 = tpu.memref_slice %arg7[%add3A_595, %dma_start3A_602] : memref<512x64xf32, #tpu.memory_space<vmem>> -> memref<1x64xf32, #tpu.memory_space<vmem>>
      %dma_start3A_604 = tpu.memref_squeeze %dma_start3A_603 : memref<1x64xf32, #tpu.memory_space<vmem>> -> memref<64xf32, #tpu.memory_space<vmem>>
      %dma_start3A_605 = arith.constant 0 : i32
      %dma_start3A_606 = tpu.memref_slice %arg2[%shift_right_logical3A_587, %and3A_589, %dma_start3A_605] : memref<125000x8x64xf32, #tpu.memory_space<hbm>> -> memref<1x1x64xf32, #tpu.memory_space<hbm>>
      %dma_start3A_607 = tpu.memref_squeeze %dma_start3A_606 : memref<1x1x64xf32, #tpu.memory_space<hbm>> -> memref<64xf32, #tpu.memory_space<hbm>>
      tpu.enqueue_dma source(%dma_start3A_607 : memref<64xf32, #tpu.memory_space<hbm>>) target(%dma_start3A_604 : memref<64xf32, #tpu.memory_space<vmem>>) target_semaphore(%arg9 : memref<!tpu.dma_semaphore, #tpu.memory_space<semaphore_mem>>)
      %slice3A_608 = vector.extract_strided_slice %get3A_415 {offsets = [8], sizes = [1], strides = [1]} : vector<16xi32> to vector<1xi32>
      %squeeze3A_609 = vector.extract %slice3A_608[0] : i32 from vector<1xi32>
      %shift_right_logical3A_610 = arith.constant 3 : i32
      %shift_right_logical3A_611 = arith.shrui %squeeze3A_609, %shift_right_logical3A_610 : i32
      %and3A_612 = arith.constant 7 : i32
      %and3A_613 = arith.andi %squeeze3A_609, %and3A_612 : i32
      %mul3A_614 = arith.constant 64 : i32
      %mul3A_615 = arith.muli %scan3A_21, %mul3A_614 : i32
      %add3A_616 = arith.constant 16 : i32
      %add3A_617 = arith.addi %mul3A_615, %add3A_616 : i32
      %add3A_618 = arith.constant 8 : i32
      %add3A_619 = arith.addi %add3A_617, %add3A_618 : i32
      %dma_start3A_620 = arith.constant 0 : i32
      %dma_start3A_621 = tpu.memref_slice %arg7[%add3A_619, %dma_start3A_620] : memref<512x64xf32, #tpu.memory_space<vmem>> -> memref<1x64xf32, #tpu.memory_space<vmem>>
      %dma_start3A_622 = tpu.memref_squeeze %dma_start3A_621 : memref<1x64xf32, #tpu.memory_space<vmem>> -> memref<64xf32, #tpu.memory_space<vmem>>
      %dma_start3A_623 = arith.constant 0 : i32
      %dma_start3A_624 = tpu.memref_slice %arg2[%shift_right_logical3A_611, %and3A_613, %dma_start3A_623] : memref<125000x8x64xf32, #tpu.memory_space<hbm>> -> memref<1x1x64xf32, #tpu.memory_space<hbm>>
      %dma_start3A_625 = tpu.memref_squeeze %dma_start3A_624 : memref<1x1x64xf32, #tpu.memory_space<hbm>> -> memref<64xf32, #tpu.memory_space<hbm>>
      %dma_start3A_626 = arith.constant 0 : i32
      %dma_start3A_627 = tpu.memref_slice %arg7[%add3A_619, %dma_start3A_626] : memref<512x64xf32, #tpu.memory_space<vmem>> -> memref<1x64xf32, #tpu.memory_space<vmem>>
      %dma_start3A_628 = tpu.memref_squeeze %dma_start3A_627 : memref<1x64xf32, #tpu.memory_space<vmem>> -> memref<64xf32, #tpu.memory_space<vmem>>
      %dma_start3A_629 = arith.constant 0 : i32
      %dma_start3A_630 = tpu.memref_slice %arg2[%shift_right_logical3A_611, %and3A_613, %dma_start3A_629] : memref<125000x8x64xf32, #tpu.memory_space<hbm>> -> memref<1x1x64xf32, #tpu.memory_space<hbm>>
      %dma_start3A_631 = tpu.memref_squeeze %dma_start3A_630 : memref<1x1x64xf32, #tpu.memory_space<hbm>> -> memref<64xf32, #tpu.memory_space<hbm>>
      tpu.enqueue_dma source(%dma_start3A_631 : memref<64xf32, #tpu.memory_space<hbm>>) target(%dma_start3A_628 : memref<64xf32, #tpu.memory_space<vmem>>) target_semaphore(%arg9 : memref<!tpu.dma_semaphore, #tpu.memory_space<semaphore_mem>>)
      %slice3A_632 = vector.extract_strided_slice %get3A_415 {offsets = [9], sizes = [1], strides = [1]} : vector<16xi32> to vector<1xi32>
      %squeeze3A_633 = vector.extract %slice3A_632[0] : i32 from vector<1xi32>
      %shift_right_logical3A_634 = arith.constant 3 : i32
      %shift_right_logical3A_635 = arith.shrui %squeeze3A_633, %shift_right_logical3A_634 : i32
      %and3A_636 = arith.constant 7 : i32
      %and3A_637 = arith.andi %squeeze3A_633, %and3A_636 : i32
      %mul3A_638 = arith.constant 64 : i32
      %mul3A_639 = arith.muli %scan3A_21, %mul3A_638 : i32
      %add3A_640 = arith.constant 16 : i32
      %add3A_641 = arith.addi %mul3A_639, %add3A_640 : i32
      %add3A_642 = arith.constant 9 : i32
      %add3A_643 = arith.addi %add3A_641, %add3A_642 : i32
      %dma_start3A_644 = arith.constant 0 : i32
      %dma_start3A_645 = tpu.memref_slice %arg7[%add3A_643, %dma_start3A_644] : memref<512x64xf32, #tpu.memory_space<vmem>> -> memref<1x64xf32, #tpu.memory_space<vmem>>
      %dma_start3A_646 = tpu.memref_squeeze %dma_start3A_645 : memref<1x64xf32, #tpu.memory_space<vmem>> -> memref<64xf32, #tpu.memory_space<vmem>>
      %dma_start3A_647 = arith.constant 0 : i32
      %dma_start3A_648 = tpu.memref_slice %arg2[%shift_right_logical3A_635, %and3A_637, %dma_start3A_647] : memref<125000x8x64xf32, #tpu.memory_space<hbm>> -> memref<1x1x64xf32, #tpu.memory_space<hbm>>
      %dma_start3A_649 = tpu.memref_squeeze %dma_start3A_648 : memref<1x1x64xf32, #tpu.memory_space<hbm>> -> memref<64xf32, #tpu.memory_space<hbm>>
      %dma_start3A_650 = arith.constant 0 : i32
      %dma_start3A_651 = tpu.memref_slice %arg7[%add3A_643, %dma_start3A_650] : memref<512x64xf32, #tpu.memory_space<vmem>> -> memref<1x64xf32, #tpu.memory_space<vmem>>
      %dma_start3A_652 = tpu.memref_squeeze %dma_start3A_651 : memref<1x64xf32, #tpu.memory_space<vmem>> -> memref<64xf32, #tpu.memory_space<vmem>>
      %dma_start3A_653 = arith.constant 0 : i32
      %dma_start3A_654 = tpu.memref_slice %arg2[%shift_right_logical3A_635, %and3A_637, %dma_start3A_653] : memref<125000x8x64xf32, #tpu.memory_space<hbm>> -> memref<1x1x64xf32, #tpu.memory_space<hbm>>
      %dma_start3A_655 = tpu.memref_squeeze %dma_start3A_654 : memref<1x1x64xf32, #tpu.memory_space<hbm>> -> memref<64xf32, #tpu.memory_space<hbm>>
      tpu.enqueue_dma source(%dma_start3A_655 : memref<64xf32, #tpu.memory_space<hbm>>) target(%dma_start3A_652 : memref<64xf32, #tpu.memory_space<vmem>>) target_semaphore(%arg9 : memref<!tpu.dma_semaphore, #tpu.memory_space<semaphore_mem>>)
      %slice3A_656 = vector.extract_strided_slice %get3A_415 {offsets = [10], sizes = [1], strides = [1]} : vector<16xi32> to vector<1xi32>
      %squeeze3A_657 = vector.extract %slice3A_656[0] : i32 from vector<1xi32>
      %shift_right_logical3A_658 = arith.constant 3 : i32
      %shift_right_logical3A_659 = arith.shrui %squeeze3A_657, %shift_right_logical3A_658 : i32
      %and3A_660 = arith.constant 7 : i32
      %and3A_661 = arith.andi %squeeze3A_657, %and3A_660 : i32
      %mul3A_662 = arith.constant 64 : i32
      %mul3A_663 = arith.muli %scan3A_21, %mul3A_662 : i32
      %add3A_664 = arith.constant 16 : i32
      %add3A_665 = arith.addi %mul3A_663, %add3A_664 : i32
      %add3A_666 = arith.constant 10 : i32
      %add3A_667 = arith.addi %add3A_665, %add3A_666 : i32
      %dma_start3A_668 = arith.constant 0 : i32
      %dma_start3A_669 = tpu.memref_slice %arg7[%add3A_667, %dma_start3A_668] : memref<512x64xf32, #tpu.memory_space<vmem>> -> memref<1x64xf32, #tpu.memory_space<vmem>>
      %dma_start3A_670 = tpu.memref_squeeze %dma_start3A_669 : memref<1x64xf32, #tpu.memory_space<vmem>> -> memref<64xf32, #tpu.memory_space<vmem>>
      %dma_start3A_671 = arith.constant 0 : i32
      %dma_start3A_672 = tpu.memref_slice %arg2[%shift_right_logical3A_659, %and3A_661, %dma_start3A_671] : memref<125000x8x64xf32, #tpu.memory_space<hbm>> -> memref<1x1x64xf32, #tpu.memory_space<hbm>>
      %dma_start3A_673 = tpu.memref_squeeze %dma_start3A_672 : memref<1x1x64xf32, #tpu.memory_space<hbm>> -> memref<64xf32, #tpu.memory_space<hbm>>
      %dma_start3A_674 = arith.constant 0 : i32
      %dma_start3A_675 = tpu.memref_slice %arg7[%add3A_667, %dma_start3A_674] : memref<512x64xf32, #tpu.memory_space<vmem>> -> memref<1x64xf32, #tpu.memory_space<vmem>>
      %dma_start3A_676 = tpu.memref_squeeze %dma_start3A_675 : memref<1x64xf32, #tpu.memory_space<vmem>> -> memref<64xf32, #tpu.memory_space<vmem>>
      %dma_start3A_677 = arith.constant 0 : i32
      %dma_start3A_678 = tpu.memref_slice %arg2[%shift_right_logical3A_659, %and3A_661, %dma_start3A_677] : memref<125000x8x64xf32, #tpu.memory_space<hbm>> -> memref<1x1x64xf32, #tpu.memory_space<hbm>>
      %dma_start3A_679 = tpu.memref_squeeze %dma_start3A_678 : memref<1x1x64xf32, #tpu.memory_space<hbm>> -> memref<64xf32, #tpu.memory_space<hbm>>
      tpu.enqueue_dma source(%dma_start3A_679 : memref<64xf32, #tpu.memory_space<hbm>>) target(%dma_start3A_676 : memref<64xf32, #tpu.memory_space<vmem>>) target_semaphore(%arg9 : memref<!tpu.dma_semaphore, #tpu.memory_space<semaphore_mem>>)
      %slice3A_680 = vector.extract_strided_slice %get3A_415 {offsets = [11], sizes = [1], strides = [1]} : vector<16xi32> to vector<1xi32>
      %squeeze3A_681 = vector.extract %slice3A_680[0] : i32 from vector<1xi32>
      %shift_right_logical3A_682 = arith.constant 3 : i32
      %shift_right_logical3A_683 = arith.shrui %squeeze3A_681, %shift_right_logical3A_682 : i32
      %and3A_684 = arith.constant 7 : i32
      %and3A_685 = arith.andi %squeeze3A_681, %and3A_684 : i32
      %mul3A_686 = arith.constant 64 : i32
      %mul3A_687 = arith.muli %scan3A_21, %mul3A_686 : i32
      %add3A_688 = arith.constant 16 : i32
      %add3A_689 = arith.addi %mul3A_687, %add3A_688 : i32
      %add3A_690 = arith.constant 11 : i32
      %add3A_691 = arith.addi %add3A_689, %add3A_690 : i32
      %dma_start3A_692 = arith.constant 0 : i32
      %dma_start3A_693 = tpu.memref_slice %arg7[%add3A_691, %dma_start3A_692] : memref<512x64xf32, #tpu.memory_space<vmem>> -> memref<1x64xf32, #tpu.memory_space<vmem>>
      %dma_start3A_694 = tpu.memref_squeeze %dma_start3A_693 : memref<1x64xf32, #tpu.memory_space<vmem>> -> memref<64xf32, #tpu.memory_space<vmem>>
      %dma_start3A_695 = arith.constant 0 : i32
      %dma_start3A_696 = tpu.memref_slice %arg2[%shift_right_logical3A_683, %and3A_685, %dma_start3A_695] : memref<125000x8x64xf32, #tpu.memory_space<hbm>> -> memref<1x1x64xf32, #tpu.memory_space<hbm>>
      %dma_start3A_697 = tpu.memref_squeeze %dma_start3A_696 : memref<1x1x64xf32, #tpu.memory_space<hbm>> -> memref<64xf32, #tpu.memory_space<hbm>>
      %dma_start3A_698 = arith.constant 0 : i32
      %dma_start3A_699 = tpu.memref_slice %arg7[%add3A_691, %dma_start3A_698] : memref<512x64xf32, #tpu.memory_space<vmem>> -> memref<1x64xf32, #tpu.memory_space<vmem>>
      %dma_start3A_700 = tpu.memref_squeeze %dma_start3A_699 : memref<1x64xf32, #tpu.memory_space<vmem>> -> memref<64xf32, #tpu.memory_space<vmem>>
      %dma_start3A_701 = arith.constant 0 : i32
      %dma_start3A_702 = tpu.memref_slice %arg2[%shift_right_logical3A_683, %and3A_685, %dma_start3A_701] : memref<125000x8x64xf32, #tpu.memory_space<hbm>> -> memref<1x1x64xf32, #tpu.memory_space<hbm>>
      %dma_start3A_703 = tpu.memref_squeeze %dma_start3A_702 : memref<1x1x64xf32, #tpu.memory_space<hbm>> -> memref<64xf32, #tpu.memory_space<hbm>>
      tpu.enqueue_dma source(%dma_start3A_703 : memref<64xf32, #tpu.memory_space<hbm>>) target(%dma_start3A_700 : memref<64xf32, #tpu.memory_space<vmem>>) target_semaphore(%arg9 : memref<!tpu.dma_semaphore, #tpu.memory_space<semaphore_mem>>)
      %slice3A_704 = vector.extract_strided_slice %get3A_415 {offsets = [12], sizes = [1], strides = [1]} : vector<16xi32> to vector<1xi32>
      %squeeze3A_705 = vector.extract %slice3A_704[0] : i32 from vector<1xi32>
      %shift_right_logical3A_706 = arith.constant 3 : i32
      %shift_right_logical3A_707 = arith.shrui %squeeze3A_705, %shift_right_logical3A_706 : i32
      %and3A_708 = arith.constant 7 : i32
      %and3A_709 = arith.andi %squeeze3A_705, %and3A_708 : i32
      %mul3A_710 = arith.constant 64 : i32
      %mul3A_711 = arith.muli %scan3A_21, %mul3A_710 : i32
      %add3A_712 = arith.constant 16 : i32
      %add3A_713 = arith.addi %mul3A_711, %add3A_712 : i32
      %add3A_714 = arith.constant 12 : i32
      %add3A_715 = arith.addi %add3A_713, %add3A_714 : i32
      %dma_start3A_716 = arith.constant 0 : i32
      %dma_start3A_717 = tpu.memref_slice %arg7[%add3A_715, %dma_start3A_716] : memref<512x64xf32, #tpu.memory_space<vmem>> -> memref<1x64xf32, #tpu.memory_space<vmem>>
      %dma_start3A_718 = tpu.memref_squeeze %dma_start3A_717 : memref<1x64xf32, #tpu.memory_space<vmem>> -> memref<64xf32, #tpu.memory_space<vmem>>
      %dma_start3A_719 = arith.constant 0 : i32
      %dma_start3A_720 = tpu.memref_slice %arg2[%shift_right_logical3A_707, %and3A_709, %dma_start3A_719] : memref<125000x8x64xf32, #tpu.memory_space<hbm>> -> memref<1x1x64xf32, #tpu.memory_space<hbm>>
      %dma_start3A_721 = tpu.memref_squeeze %dma_start3A_720 : memref<1x1x64xf32, #tpu.memory_space<hbm>> -> memref<64xf32, #tpu.memory_space<hbm>>
      %dma_start3A_722 = arith.constant 0 : i32
      %dma_start3A_723 = tpu.memref_slice %arg7[%add3A_715, %dma_start3A_722] : memref<512x64xf32, #tpu.memory_space<vmem>> -> memref<1x64xf32, #tpu.memory_space<vmem>>
      %dma_start3A_724 = tpu.memref_squeeze %dma_start3A_723 : memref<1x64xf32, #tpu.memory_space<vmem>> -> memref<64xf32, #tpu.memory_space<vmem>>
      %dma_start3A_725 = arith.constant 0 : i32
      %dma_start3A_726 = tpu.memref_slice %arg2[%shift_right_logical3A_707, %and3A_709, %dma_start3A_725] : memref<125000x8x64xf32, #tpu.memory_space<hbm>> -> memref<1x1x64xf32, #tpu.memory_space<hbm>>
      %dma_start3A_727 = tpu.memref_squeeze %dma_start3A_726 : memref<1x1x64xf32, #tpu.memory_space<hbm>> -> memref<64xf32, #tpu.memory_space<hbm>>
      tpu.enqueue_dma source(%dma_start3A_727 : memref<64xf32, #tpu.memory_space<hbm>>) target(%dma_start3A_724 : memref<64xf32, #tpu.memory_space<vmem>>) target_semaphore(%arg9 : memref<!tpu.dma_semaphore, #tpu.memory_space<semaphore_mem>>)
      %slice3A_728 = vector.extract_strided_slice %get3A_415 {offsets = [13], sizes = [1], strides = [1]} : vector<16xi32> to vector<1xi32>
      %squeeze3A_729 = vector.extract %slice3A_728[0] : i32 from vector<1xi32>
      %shift_right_logical3A_730 = arith.constant 3 : i32
      %shift_right_logical3A_731 = arith.shrui %squeeze3A_729, %shift_right_logical3A_730 : i32
      %and3A_732 = arith.constant 7 : i32
      %and3A_733 = arith.andi %squeeze3A_729, %and3A_732 : i32
      %mul3A_734 = arith.constant 64 : i32
      %mul3A_735 = arith.muli %scan3A_21, %mul3A_734 : i32
      %add3A_736 = arith.constant 16 : i32
      %add3A_737 = arith.addi %mul3A_735, %add3A_736 : i32
      %add3A_738 = arith.constant 13 : i32
      %add3A_739 = arith.addi %add3A_737, %add3A_738 : i32
      %dma_start3A_740 = arith.constant 0 : i32
      %dma_start3A_741 = tpu.memref_slice %arg7[%add3A_739, %dma_start3A_740] : memref<512x64xf32, #tpu.memory_space<vmem>> -> memref<1x64xf32, #tpu.memory_space<vmem>>
      %dma_start3A_742 = tpu.memref_squeeze %dma_start3A_741 : memref<1x64xf32, #tpu.memory_space<vmem>> -> memref<64xf32, #tpu.memory_space<vmem>>
      %dma_start3A_743 = arith.constant 0 : i32
      %dma_start3A_744 = tpu.memref_slice %arg2[%shift_right_logical3A_731, %and3A_733, %dma_start3A_743] : memref<125000x8x64xf32, #tpu.memory_space<hbm>> -> memref<1x1x64xf32, #tpu.memory_space<hbm>>
      %dma_start3A_745 = tpu.memref_squeeze %dma_start3A_744 : memref<1x1x64xf32, #tpu.memory_space<hbm>> -> memref<64xf32, #tpu.memory_space<hbm>>
      %dma_start3A_746 = arith.constant 0 : i32
      %dma_start3A_747 = tpu.memref_slice %arg7[%add3A_739, %dma_start3A_746] : memref<512x64xf32, #tpu.memory_space<vmem>> -> memref<1x64xf32, #tpu.memory_space<vmem>>
      %dma_start3A_748 = tpu.memref_squeeze %dma_start3A_747 : memref<1x64xf32, #tpu.memory_space<vmem>> -> memref<64xf32, #tpu.memory_space<vmem>>
      %dma_start3A_749 = arith.constant 0 : i32
      %dma_start3A_750 = tpu.memref_slice %arg2[%shift_right_logical3A_731, %and3A_733, %dma_start3A_749] : memref<125000x8x64xf32, #tpu.memory_space<hbm>> -> memref<1x1x64xf32, #tpu.memory_space<hbm>>
      %dma_start3A_751 = tpu.memref_squeeze %dma_start3A_750 : memref<1x1x64xf32, #tpu.memory_space<hbm>> -> memref<64xf32, #tpu.memory_space<hbm>>
      tpu.enqueue_dma source(%dma_start3A_751 : memref<64xf32, #tpu.memory_space<hbm>>) target(%dma_start3A_748 : memref<64xf32, #tpu.memory_space<vmem>>) target_semaphore(%arg9 : memref<!tpu.dma_semaphore, #tpu.memory_space<semaphore_mem>>)
      %slice3A_752 = vector.extract_strided_slice %get3A_415 {offsets = [14], sizes = [1], strides = [1]} : vector<16xi32> to vector<1xi32>
      %squeeze3A_753 = vector.extract %slice3A_752[0] : i32 from vector<1xi32>
      %shift_right_logical3A_754 = arith.constant 3 : i32
      %shift_right_logical3A_755 = arith.shrui %squeeze3A_753, %shift_right_logical3A_754 : i32
      %and3A_756 = arith.constant 7 : i32
      %and3A_757 = arith.andi %squeeze3A_753, %and3A_756 : i32
      %mul3A_758 = arith.constant 64 : i32
      %mul3A_759 = arith.muli %scan3A_21, %mul3A_758 : i32
      %add3A_760 = arith.constant 16 : i32
      %add3A_761 = arith.addi %mul3A_759, %add3A_760 : i32
      %add3A_762 = arith.constant 14 : i32
      %add3A_763 = arith.addi %add3A_761, %add3A_762 : i32
      %dma_start3A_764 = arith.constant 0 : i32
      %dma_start3A_765 = tpu.memref_slice %arg7[%add3A_763, %dma_start3A_764] : memref<512x64xf32, #tpu.memory_space<vmem>> -> memref<1x64xf32, #tpu.memory_space<vmem>>
      %dma_start3A_766 = tpu.memref_squeeze %dma_start3A_765 : memref<1x64xf32, #tpu.memory_space<vmem>> -> memref<64xf32, #tpu.memory_space<vmem>>
      %dma_start3A_767 = arith.constant 0 : i32
      %dma_start3A_768 = tpu.memref_slice %arg2[%shift_right_logical3A_755, %and3A_757, %dma_start3A_767] : memref<125000x8x64xf32, #tpu.memory_space<hbm>> -> memref<1x1x64xf32, #tpu.memory_space<hbm>>
      %dma_start3A_769 = tpu.memref_squeeze %dma_start3A_768 : memref<1x1x64xf32, #tpu.memory_space<hbm>> -> memref<64xf32, #tpu.memory_space<hbm>>
      %dma_start3A_770 = arith.constant 0 : i32
      %dma_start3A_771 = tpu.memref_slice %arg7[%add3A_763, %dma_start3A_770] : memref<512x64xf32, #tpu.memory_space<vmem>> -> memref<1x64xf32, #tpu.memory_space<vmem>>
      %dma_start3A_772 = tpu.memref_squeeze %dma_start3A_771 : memref<1x64xf32, #tpu.memory_space<vmem>> -> memref<64xf32, #tpu.memory_space<vmem>>
      %dma_start3A_773 = arith.constant 0 : i32
      %dma_start3A_774 = tpu.memref_slice %arg2[%shift_right_logical3A_755, %and3A_757, %dma_start3A_773] : memref<125000x8x64xf32, #tpu.memory_space<hbm>> -> memref<1x1x64xf32, #tpu.memory_space<hbm>>
      %dma_start3A_775 = tpu.memref_squeeze %dma_start3A_774 : memref<1x1x64xf32, #tpu.memory_space<hbm>> -> memref<64xf32, #tpu.memory_space<hbm>>
      tpu.enqueue_dma source(%dma_start3A_775 : memref<64xf32, #tpu.memory_space<hbm>>) target(%dma_start3A_772 : memref<64xf32, #tpu.memory_space<vmem>>) target_semaphore(%arg9 : memref<!tpu.dma_semaphore, #tpu.memory_space<semaphore_mem>>)
      %slice3A_776 = vector.extract_strided_slice %get3A_415 {offsets = [15], sizes = [1], strides = [1]} : vector<16xi32> to vector<1xi32>
      %squeeze3A_777 = vector.extract %slice3A_776[0] : i32 from vector<1xi32>
      %shift_right_logical3A_778 = arith.constant 3 : i32
      %shift_right_logical3A_779 = arith.shrui %squeeze3A_777, %shift_right_logical3A_778 : i32
      %and3A_780 = arith.constant 7 : i32
      %and3A_781 = arith.andi %squeeze3A_777, %and3A_780 : i32
      %mul3A_782 = arith.constant 64 : i32
      %mul3A_783 = arith.muli %scan3A_21, %mul3A_782 : i32
      %add3A_784 = arith.constant 16 : i32
      %add3A_785 = arith.addi %mul3A_783, %add3A_784 : i32
      %add3A_786 = arith.constant 15 : i32
      %add3A_787 = arith.addi %add3A_785, %add3A_786 : i32
      %dma_start3A_788 = arith.constant 0 : i32
      %dma_start3A_789 = tpu.memref_slice %arg7[%add3A_787, %dma_start3A_788] : memref<512x64xf32, #tpu.memory_space<vmem>> -> memref<1x64xf32, #tpu.memory_space<vmem>>
      %dma_start3A_790 = tpu.memref_squeeze %dma_start3A_789 : memref<1x64xf32, #tpu.memory_space<vmem>> -> memref<64xf32, #tpu.memory_space<vmem>>
      %dma_start3A_791 = arith.constant 0 : i32
      %dma_start3A_792 = tpu.memref_slice %arg2[%shift_right_logical3A_779, %and3A_781, %dma_start3A_791] : memref<125000x8x64xf32, #tpu.memory_space<hbm>> -> memref<1x1x64xf32, #tpu.memory_space<hbm>>
      %dma_start3A_793 = tpu.memref_squeeze %dma_start3A_792 : memref<1x1x64xf32, #tpu.memory_space<hbm>> -> memref<64xf32, #tpu.memory_space<hbm>>
      %dma_start3A_794 = arith.constant 0 : i32
      %dma_start3A_795 = tpu.memref_slice %arg7[%add3A_787, %dma_start3A_794] : memref<512x64xf32, #tpu.memory_space<vmem>> -> memref<1x64xf32, #tpu.memory_space<vmem>>
      %dma_start3A_796 = tpu.memref_squeeze %dma_start3A_795 : memref<1x64xf32, #tpu.memory_space<vmem>> -> memref<64xf32, #tpu.memory_space<vmem>>
      %dma_start3A_797 = arith.constant 0 : i32
      %dma_start3A_798 = tpu.memref_slice %arg2[%shift_right_logical3A_779, %and3A_781, %dma_start3A_797] : memref<125000x8x64xf32, #tpu.memory_space<hbm>> -> memref<1x1x64xf32, #tpu.memory_space<hbm>>
      %dma_start3A_799 = tpu.memref_squeeze %dma_start3A_798 : memref<1x1x64xf32, #tpu.memory_space<hbm>> -> memref<64xf32, #tpu.memory_space<hbm>>
      tpu.enqueue_dma source(%dma_start3A_799 : memref<64xf32, #tpu.memory_space<hbm>>) target(%dma_start3A_796 : memref<64xf32, #tpu.memory_space<vmem>>) target_semaphore(%arg9 : memref<!tpu.dma_semaphore, #tpu.memory_space<semaphore_mem>>)
      %mul3A_800 = arith.constant 64 : i32
      %mul3A_801 = arith.muli %scan3A_21, %mul3A_800 : i32
      %add3A_802 = arith.constant 32 : i32
      %add3A_803 = arith.addi %mul3A_801, %add3A_802 : i32
      %get3A_804 = arith.index_cast %add3A_803 : i32 to index
      %get3A_805 = tpu.vector_load %arg6[%get3A_804] {strides = array<i32>} : memref<512xi32, #tpu.memory_space<vmem>>, vector<16xi32>,
      %get3A_806 = vector.shape_cast %get3A_805 : vector<16xi32> to vector<16xi32>
      %slice3A_807 = vector.extract_strided_slice %get3A_806 {offsets = [0], sizes = [1], strides = [1]} : vector<16xi32> to vector<1xi32>
      %squeeze3A_808 = vector.extract %slice3A_807[0] : i32 from vector<1xi32>
      %shift_right_logical3A_809 = arith.constant 3 : i32
      %shift_right_logical3A_810 = arith.shrui %squeeze3A_808, %shift_right_logical3A_809 : i32
      %and3A_811 = arith.constant 7 : i32
      %and3A_812 = arith.andi %squeeze3A_808, %and3A_811 : i32
      %mul3A_813 = arith.constant 64 : i32
      %mul3A_814 = arith.muli %scan3A_21, %mul3A_813 : i32
      %add3A_815 = arith.constant 32 : i32
      %add3A_816 = arith.addi %mul3A_814, %add3A_815 : i32
      %add3A_817 = arith.constant 0 : i32
      %add3A_818 = arith.addi %add3A_816, %add3A_817 : i32
      %dma_start3A_819 = arith.constant 0 : i32
      %dma_start3A_820 = tpu.memref_slice %arg7[%add3A_818, %dma_start3A_819] : memref<512x64xf32, #tpu.memory_space<vmem>> -> memref<1x64xf32, #tpu.memory_space<vmem>>
      %dma_start3A_821 = tpu.memref_squeeze %dma_start3A_820 : memref<1x64xf32, #tpu.memory_space<vmem>> -> memref<64xf32, #tpu.memory_space<vmem>>
      %dma_start3A_822 = arith.constant 0 : i32
      %dma_start3A_823 = tpu.memref_slice %arg2[%shift_right_logical3A_810, %and3A_812, %dma_start3A_822] : memref<125000x8x64xf32, #tpu.memory_space<hbm>> -> memref<1x1x64xf32, #tpu.memory_space<hbm>>
      %dma_start3A_824 = tpu.memref_squeeze %dma_start3A_823 : memref<1x1x64xf32, #tpu.memory_space<hbm>> -> memref<64xf32, #tpu.memory_space<hbm>>
      %dma_start3A_825 = arith.constant 0 : i32
      %dma_start3A_826 = tpu.memref_slice %arg7[%add3A_818, %dma_start3A_825] : memref<512x64xf32, #tpu.memory_space<vmem>> -> memref<1x64xf32, #tpu.memory_space<vmem>>
      %dma_start3A_827 = tpu.memref_squeeze %dma_start3A_826 : memref<1x64xf32, #tpu.memory_space<vmem>> -> memref<64xf32, #tpu.memory_space<vmem>>
      %dma_start3A_828 = arith.constant 0 : i32
      %dma_start3A_829 = tpu.memref_slice %arg2[%shift_right_logical3A_810, %and3A_812, %dma_start3A_828] : memref<125000x8x64xf32, #tpu.memory_space<hbm>> -> memref<1x1x64xf32, #tpu.memory_space<hbm>>
      %dma_start3A_830 = tpu.memref_squeeze %dma_start3A_829 : memref<1x1x64xf32, #tpu.memory_space<hbm>> -> memref<64xf32, #tpu.memory_space<hbm>>
      tpu.enqueue_dma source(%dma_start3A_830 : memref<64xf32, #tpu.memory_space<hbm>>) target(%dma_start3A_827 : memref<64xf32, #tpu.memory_space<vmem>>) target_semaphore(%arg9 : memref<!tpu.dma_semaphore, #tpu.memory_space<semaphore_mem>>)
      %slice3A_831 = vector.extract_strided_slice %get3A_806 {offsets = [1], sizes = [1], strides = [1]} : vector<16xi32> to vector<1xi32>
      %squeeze3A_832 = vector.extract %slice3A_831[0] : i32 from vector<1xi32>
      %shift_right_logical3A_833 = arith.constant 3 : i32
      %shift_right_logical3A_834 = arith.shrui %squeeze3A_832, %shift_right_logical3A_833 : i32
      %and3A_835 = arith.constant 7 : i32
      %and3A_836 = arith.andi %squeeze3A_832, %and3A_835 : i32
      %mul3A_837 = arith.constant 64 : i32
      %mul3A_838 = arith.muli %scan3A_21, %mul3A_837 : i32
      %add3A_839 = arith.constant 32 : i32
      %add3A_840 = arith.addi %mul3A_838, %add3A_839 : i32
      %add3A_841 = arith.constant 1 : i32
      %add3A_842 = arith.addi %add3A_840, %add3A_841 : i32
      %dma_start3A_843 = arith.constant 0 : i32
      %dma_start3A_844 = tpu.memref_slice %arg7[%add3A_842, %dma_start3A_843] : memref<512x64xf32, #tpu.memory_space<vmem>> -> memref<1x64xf32, #tpu.memory_space<vmem>>
      %dma_start3A_845 = tpu.memref_squeeze %dma_start3A_844 : memref<1x64xf32, #tpu.memory_space<vmem>> -> memref<64xf32, #tpu.memory_space<vmem>>
      %dma_start3A_846 = arith.constant 0 : i32
      %dma_start3A_847 = tpu.memref_slice %arg2[%shift_right_logical3A_834, %and3A_836, %dma_start3A_846] : memref<125000x8x64xf32, #tpu.memory_space<hbm>> -> memref<1x1x64xf32, #tpu.memory_space<hbm>>
      %dma_start3A_848 = tpu.memref_squeeze %dma_start3A_847 : memref<1x1x64xf32, #tpu.memory_space<hbm>> -> memref<64xf32, #tpu.memory_space<hbm>>
      %dma_start3A_849 = arith.constant 0 : i32
      %dma_start3A_850 = tpu.memref_slice %arg7[%add3A_842, %dma_start3A_849] : memref<512x64xf32, #tpu.memory_space<vmem>> -> memref<1x64xf32, #tpu.memory_space<vmem>>
      %dma_start3A_851 = tpu.memref_squeeze %dma_start3A_850 : memref<1x64xf32, #tpu.memory_space<vmem>> -> memref<64xf32, #tpu.memory_space<vmem>>
      %dma_start3A_852 = arith.constant 0 : i32
      %dma_start3A_853 = tpu.memref_slice %arg2[%shift_right_logical3A_834, %and3A_836, %dma_start3A_852] : memref<125000x8x64xf32, #tpu.memory_space<hbm>> -> memref<1x1x64xf32, #tpu.memory_space<hbm>>
      %dma_start3A_854 = tpu.memref_squeeze %dma_start3A_853 : memref<1x1x64xf32, #tpu.memory_space<hbm>> -> memref<64xf32, #tpu.memory_space<hbm>>
      tpu.enqueue_dma source(%dma_start3A_854 : memref<64xf32, #tpu.memory_space<hbm>>) target(%dma_start3A_851 : memref<64xf32, #tpu.memory_space<vmem>>) target_semaphore(%arg9 : memref<!tpu.dma_semaphore, #tpu.memory_space<semaphore_mem>>)
      %slice3A_855 = vector.extract_strided_slice %get3A_806 {offsets = [2], sizes = [1], strides = [1]} : vector<16xi32> to vector<1xi32>
      %squeeze3A_856 = vector.extract %slice3A_855[0] : i32 from vector<1xi32>
      %shift_right_logical3A_857 = arith.constant 3 : i32
      %shift_right_logical3A_858 = arith.shrui %squeeze3A_856, %shift_right_logical3A_857 : i32
      %and3A_859 = arith.constant 7 : i32
      %and3A_860 = arith.andi %squeeze3A_856, %and3A_859 : i32
      %mul3A_861 = arith.constant 64 : i32
      %mul3A_862 = arith.muli %scan3A_21, %mul3A_861 : i32
      %add3A_863 = arith.constant 32 : i32
      %add3A_864 = arith.addi %mul3A_862, %add3A_863 : i32
      %add3A_865 = arith.constant 2 : i32
      %add3A_866 = arith.addi %add3A_864, %add3A_865 : i32
      %dma_start3A_867 = arith.constant 0 : i32
      %dma_start3A_868 = tpu.memref_slice %arg7[%add3A_866, %dma_start3A_867] : memref<512x64xf32, #tpu.memory_space<vmem>> -> memref<1x64xf32, #tpu.memory_space<vmem>>
      %dma_start3A_869 = tpu.memref_squeeze %dma_start3A_868 : memref<1x64xf32, #tpu.memory_space<vmem>> -> memref<64xf32, #tpu.memory_space<vmem>>
      %dma_start3A_870 = arith.constant 0 : i32
      %dma_start3A_871 = tpu.memref_slice %arg2[%shift_right_logical3A_858, %and3A_860, %dma_start3A_870] : memref<125000x8x64xf32, #tpu.memory_space<hbm>> -> memref<1x1x64xf32, #tpu.memory_space<hbm>>
      %dma_start3A_872 = tpu.memref_squeeze %dma_start3A_871 : memref<1x1x64xf32, #tpu.memory_space<hbm>> -> memref<64xf32, #tpu.memory_space<hbm>>
      %dma_start3A_873 = arith.constant 0 : i32
      %dma_start3A_874 = tpu.memref_slice %arg7[%add3A_866, %dma_start3A_873] : memref<512x64xf32, #tpu.memory_space<vmem>> -> memref<1x64xf32, #tpu.memory_space<vmem>>
      %dma_start3A_875 = tpu.memref_squeeze %dma_start3A_874 : memref<1x64xf32, #tpu.memory_space<vmem>> -> memref<64xf32, #tpu.memory_space<vmem>>
      %dma_start3A_876 = arith.constant 0 : i32
      %dma_start3A_877 = tpu.memref_slice %arg2[%shift_right_logical3A_858, %and3A_860, %dma_start3A_876] : memref<125000x8x64xf32, #tpu.memory_space<hbm>> -> memref<1x1x64xf32, #tpu.memory_space<hbm>>
      %dma_start3A_878 = tpu.memref_squeeze %dma_start3A_877 : memref<1x1x64xf32, #tpu.memory_space<hbm>> -> memref<64xf32, #tpu.memory_space<hbm>>
      tpu.enqueue_dma source(%dma_start3A_878 : memref<64xf32, #tpu.memory_space<hbm>>) target(%dma_start3A_875 : memref<64xf32, #tpu.memory_space<vmem>>) target_semaphore(%arg9 : memref<!tpu.dma_semaphore, #tpu.memory_space<semaphore_mem>>)
      %slice3A_879 = vector.extract_strided_slice %get3A_806 {offsets = [3], sizes = [1], strides = [1]} : vector<16xi32> to vector<1xi32>
      %squeeze3A_880 = vector.extract %slice3A_879[0] : i32 from vector<1xi32>
      %shift_right_logical3A_881 = arith.constant 3 : i32
      %shift_right_logical3A_882 = arith.shrui %squeeze3A_880, %shift_right_logical3A_881 : i32
      %and3A_883 = arith.constant 7 : i32
      %and3A_884 = arith.andi %squeeze3A_880, %and3A_883 : i32
      %mul3A_885 = arith.constant 64 : i32
      %mul3A_886 = arith.muli %scan3A_21, %mul3A_885 : i32
      %add3A_887 = arith.constant 32 : i32
      %add3A_888 = arith.addi %mul3A_886, %add3A_887 : i32
      %add3A_889 = arith.constant 3 : i32
      %add3A_890 = arith.addi %add3A_888, %add3A_889 : i32
      %dma_start3A_891 = arith.constant 0 : i32
      %dma_start3A_892 = tpu.memref_slice %arg7[%add3A_890, %dma_start3A_891] : memref<512x64xf32, #tpu.memory_space<vmem>> -> memref<1x64xf32, #tpu.memory_space<vmem>>
      %dma_start3A_893 = tpu.memref_squeeze %dma_start3A_892 : memref<1x64xf32, #tpu.memory_space<vmem>> -> memref<64xf32, #tpu.memory_space<vmem>>
      %dma_start3A_894 = arith.constant 0 : i32
      %dma_start3A_895 = tpu.memref_slice %arg2[%shift_right_logical3A_882, %and3A_884, %dma_start3A_894] : memref<125000x8x64xf32, #tpu.memory_space<hbm>> -> memref<1x1x64xf32, #tpu.memory_space<hbm>>
      %dma_start3A_896 = tpu.memref_squeeze %dma_start3A_895 : memref<1x1x64xf32, #tpu.memory_space<hbm>> -> memref<64xf32, #tpu.memory_space<hbm>>
      %dma_start3A_897 = arith.constant 0 : i32
      %dma_start3A_898 = tpu.memref_slice %arg7[%add3A_890, %dma_start3A_897] : memref<512x64xf32, #tpu.memory_space<vmem>> -> memref<1x64xf32, #tpu.memory_space<vmem>>
      %dma_start3A_899 = tpu.memref_squeeze %dma_start3A_898 : memref<1x64xf32, #tpu.memory_space<vmem>> -> memref<64xf32, #tpu.memory_space<vmem>>
      %dma_start3A_900 = arith.constant 0 : i32
      %dma_start3A_901 = tpu.memref_slice %arg2[%shift_right_logical3A_882, %and3A_884, %dma_start3A_900] : memref<125000x8x64xf32, #tpu.memory_space<hbm>> -> memref<1x1x64xf32, #tpu.memory_space<hbm>>
      %dma_start3A_902 = tpu.memref_squeeze %dma_start3A_901 : memref<1x1x64xf32, #tpu.memory_space<hbm>> -> memref<64xf32, #tpu.memory_space<hbm>>
      tpu.enqueue_dma source(%dma_start3A_902 : memref<64xf32, #tpu.memory_space<hbm>>) target(%dma_start3A_899 : memref<64xf32, #tpu.memory_space<vmem>>) target_semaphore(%arg9 : memref<!tpu.dma_semaphore, #tpu.memory_space<semaphore_mem>>)
      %slice3A_903 = vector.extract_strided_slice %get3A_806 {offsets = [4], sizes = [1], strides = [1]} : vector<16xi32> to vector<1xi32>
      %squeeze3A_904 = vector.extract %slice3A_903[0] : i32 from vector<1xi32>
      %shift_right_logical3A_905 = arith.constant 3 : i32
      %shift_right_logical3A_906 = arith.shrui %squeeze3A_904, %shift_right_logical3A_905 : i32
      %and3A_907 = arith.constant 7 : i32
      %and3A_908 = arith.andi %squeeze3A_904, %and3A_907 : i32
      %mul3A_909 = arith.constant 64 : i32
      %mul3A_910 = arith.muli %scan3A_21, %mul3A_909 : i32
      %add3A_911 = arith.constant 32 : i32
      %add3A_912 = arith.addi %mul3A_910, %add3A_911 : i32
      %add3A_913 = arith.constant 4 : i32
      %add3A_914 = arith.addi %add3A_912, %add3A_913 : i32
      %dma_start3A_915 = arith.constant 0 : i32
      %dma_start3A_916 = tpu.memref_slice %arg7[%add3A_914, %dma_start3A_915] : memref<512x64xf32, #tpu.memory_space<vmem>> -> memref<1x64xf32, #tpu.memory_space<vmem>>
      %dma_start3A_917 = tpu.memref_squeeze %dma_start3A_916 : memref<1x64xf32, #tpu.memory_space<vmem>> -> memref<64xf32, #tpu.memory_space<vmem>>
      %dma_start3A_918 = arith.constant 0 : i32
      %dma_start3A_919 = tpu.memref_slice %arg2[%shift_right_logical3A_906, %and3A_908, %dma_start3A_918] : memref<125000x8x64xf32, #tpu.memory_space<hbm>> -> memref<1x1x64xf32, #tpu.memory_space<hbm>>
      %dma_start3A_920 = tpu.memref_squeeze %dma_start3A_919 : memref<1x1x64xf32, #tpu.memory_space<hbm>> -> memref<64xf32, #tpu.memory_space<hbm>>
      %dma_start3A_921 = arith.constant 0 : i32
      %dma_start3A_922 = tpu.memref_slice %arg7[%add3A_914, %dma_start3A_921] : memref<512x64xf32, #tpu.memory_space<vmem>> -> memref<1x64xf32, #tpu.memory_space<vmem>>
      %dma_start3A_923 = tpu.memref_squeeze %dma_start3A_922 : memref<1x64xf32, #tpu.memory_space<vmem>> -> memref<64xf32, #tpu.memory_space<vmem>>
      %dma_start3A_924 = arith.constant 0 : i32
      %dma_start3A_925 = tpu.memref_slice %arg2[%shift_right_logical3A_906, %and3A_908, %dma_start3A_924] : memref<125000x8x64xf32, #tpu.memory_space<hbm>> -> memref<1x1x64xf32, #tpu.memory_space<hbm>>
      %dma_start3A_926 = tpu.memref_squeeze %dma_start3A_925 : memref<1x1x64xf32, #tpu.memory_space<hbm>> -> memref<64xf32, #tpu.memory_space<hbm>>
      tpu.enqueue_dma source(%dma_start3A_926 : memref<64xf32, #tpu.memory_space<hbm>>) target(%dma_start3A_923 : memref<64xf32, #tpu.memory_space<vmem>>) target_semaphore(%arg9 : memref<!tpu.dma_semaphore, #tpu.memory_space<semaphore_mem>>)
      %slice3A_927 = vector.extract_strided_slice %get3A_806 {offsets = [5], sizes = [1], strides = [1]} : vector<16xi32> to vector<1xi32>
      %squeeze3A_928 = vector.extract %slice3A_927[0] : i32 from vector<1xi32>
      %shift_right_logical3A_929 = arith.constant 3 : i32
      %shift_right_logical3A_930 = arith.shrui %squeeze3A_928, %shift_right_logical3A_929 : i32
      %and3A_931 = arith.constant 7 : i32
      %and3A_932 = arith.andi %squeeze3A_928, %and3A_931 : i32
      %mul3A_933 = arith.constant 64 : i32
      %mul3A_934 = arith.muli %scan3A_21, %mul3A_933 : i32
      %add3A_935 = arith.constant 32 : i32
      %add3A_936 = arith.addi %mul3A_934, %add3A_935 : i32
      %add3A_937 = arith.constant 5 : i32
      %add3A_938 = arith.addi %add3A_936, %add3A_937 : i32
      %dma_start3A_939 = arith.constant 0 : i32
      %dma_start3A_940 = tpu.memref_slice %arg7[%add3A_938, %dma_start3A_939] : memref<512x64xf32, #tpu.memory_space<vmem>> -> memref<1x64xf32, #tpu.memory_space<vmem>>
      %dma_start3A_941 = tpu.memref_squeeze %dma_start3A_940 : memref<1x64xf32, #tpu.memory_space<vmem>> -> memref<64xf32, #tpu.memory_space<vmem>>
      %dma_start3A_942 = arith.constant 0 : i32
      %dma_start3A_943 = tpu.memref_slice %arg2[%shift_right_logical3A_930, %and3A_932, %dma_start3A_942] : memref<125000x8x64xf32, #tpu.memory_space<hbm>> -> memref<1x1x64xf32, #tpu.memory_space<hbm>>
      %dma_start3A_944 = tpu.memref_squeeze %dma_start3A_943 : memref<1x1x64xf32, #tpu.memory_space<hbm>> -> memref<64xf32, #tpu.memory_space<hbm>>
      %dma_start3A_945 = arith.constant 0 : i32
      %dma_start3A_946 = tpu.memref_slice %arg7[%add3A_938, %dma_start3A_945] : memref<512x64xf32, #tpu.memory_space<vmem>> -> memref<1x64xf32, #tpu.memory_space<vmem>>
      %dma_start3A_947 = tpu.memref_squeeze %dma_start3A_946 : memref<1x64xf32, #tpu.memory_space<vmem>> -> memref<64xf32, #tpu.memory_space<vmem>>
      %dma_start3A_948 = arith.constant 0 : i32
      %dma_start3A_949 = tpu.memref_slice %arg2[%shift_right_logical3A_930, %and3A_932, %dma_start3A_948] : memref<125000x8x64xf32, #tpu.memory_space<hbm>> -> memref<1x1x64xf32, #tpu.memory_space<hbm>>
      %dma_start3A_950 = tpu.memref_squeeze %dma_start3A_949 : memref<1x1x64xf32, #tpu.memory_space<hbm>> -> memref<64xf32, #tpu.memory_space<hbm>>
      tpu.enqueue_dma source(%dma_start3A_950 : memref<64xf32, #tpu.memory_space<hbm>>) target(%dma_start3A_947 : memref<64xf32, #tpu.memory_space<vmem>>) target_semaphore(%arg9 : memref<!tpu.dma_semaphore, #tpu.memory_space<semaphore_mem>>)
      %slice3A_951 = vector.extract_strided_slice %get3A_806 {offsets = [6], sizes = [1], strides = [1]} : vector<16xi32> to vector<1xi32>
      %squeeze3A_952 = vector.extract %slice3A_951[0] : i32 from vector<1xi32>
      %shift_right_logical3A_953 = arith.constant 3 : i32
      %shift_right_logical3A_954 = arith.shrui %squeeze3A_952, %shift_right_logical3A_953 : i32
      %and3A_955 = arith.constant 7 : i32
      %and3A_956 = arith.andi %squeeze3A_952, %and3A_955 : i32
      %mul3A_957 = arith.constant 64 : i32
      %mul3A_958 = arith.muli %scan3A_21, %mul3A_957 : i32
      %add3A_959 = arith.constant 32 : i32
      %add3A_960 = arith.addi %mul3A_958, %add3A_959 : i32
      %add3A_961 = arith.constant 6 : i32
      %add3A_962 = arith.addi %add3A_960, %add3A_961 : i32
      %dma_start3A_963 = arith.constant 0 : i32
      %dma_start3A_964 = tpu.memref_slice %arg7[%add3A_962, %dma_start3A_963] : memref<512x64xf32, #tpu.memory_space<vmem>> -> memref<1x64xf32, #tpu.memory_space<vmem>>
      %dma_start3A_965 = tpu.memref_squeeze %dma_start3A_964 : memref<1x64xf32, #tpu.memory_space<vmem>> -> memref<64xf32, #tpu.memory_space<vmem>>
      %dma_start3A_966 = arith.constant 0 : i32
      %dma_start3A_967 = tpu.memref_slice %arg2[%shift_right_logical3A_954, %and3A_956, %dma_start3A_966] : memref<125000x8x64xf32, #tpu.memory_space<hbm>> -> memref<1x1x64xf32, #tpu.memory_space<hbm>>
      %dma_start3A_968 = tpu.memref_squeeze %dma_start3A_967 : memref<1x1x64xf32, #tpu.memory_space<hbm>> -> memref<64xf32, #tpu.memory_space<hbm>>
      %dma_start3A_969 = arith.constant 0 : i32
      %dma_start3A_970 = tpu.memref_slice %arg7[%add3A_962, %dma_start3A_969] : memref<512x64xf32, #tpu.memory_space<vmem>> -> memref<1x64xf32, #tpu.memory_space<vmem>>
      %dma_start3A_971 = tpu.memref_squeeze %dma_start3A_970 : memref<1x64xf32, #tpu.memory_space<vmem>> -> memref<64xf32, #tpu.memory_space<vmem>>
      %dma_start3A_972 = arith.constant 0 : i32
      %dma_start3A_973 = tpu.memref_slice %arg2[%shift_right_logical3A_954, %and3A_956, %dma_start3A_972] : memref<125000x8x64xf32, #tpu.memory_space<hbm>> -> memref<1x1x64xf32, #tpu.memory_space<hbm>>
      %dma_start3A_974 = tpu.memref_squeeze %dma_start3A_973 : memref<1x1x64xf32, #tpu.memory_space<hbm>> -> memref<64xf32, #tpu.memory_space<hbm>>
      tpu.enqueue_dma source(%dma_start3A_974 : memref<64xf32, #tpu.memory_space<hbm>>) target(%dma_start3A_971 : memref<64xf32, #tpu.memory_space<vmem>>) target_semaphore(%arg9 : memref<!tpu.dma_semaphore, #tpu.memory_space<semaphore_mem>>)
      %slice3A_975 = vector.extract_strided_slice %get3A_806 {offsets = [7], sizes = [1], strides = [1]} : vector<16xi32> to vector<1xi32>
      %squeeze3A_976 = vector.extract %slice3A_975[0] : i32 from vector<1xi32>
      %shift_right_logical3A_977 = arith.constant 3 : i32
      %shift_right_logical3A_978 = arith.shrui %squeeze3A_976, %shift_right_logical3A_977 : i32
      %and3A_979 = arith.constant 7 : i32
      %and3A_980 = arith.andi %squeeze3A_976, %and3A_979 : i32
      %mul3A_981 = arith.constant 64 : i32
      %mul3A_982 = arith.muli %scan3A_21, %mul3A_981 : i32
      %add3A_983 = arith.constant 32 : i32
      %add3A_984 = arith.addi %mul3A_982, %add3A_983 : i32
      %add3A_985 = arith.constant 7 : i32
      %add3A_986 = arith.addi %add3A_984, %add3A_985 : i32
      %dma_start3A_987 = arith.constant 0 : i32
      %dma_start3A_988 = tpu.memref_slice %arg7[%add3A_986, %dma_start3A_987] : memref<512x64xf32, #tpu.memory_space<vmem>> -> memref<1x64xf32, #tpu.memory_space<vmem>>
      %dma_start3A_989 = tpu.memref_squeeze %dma_start3A_988 : memref<1x64xf32, #tpu.memory_space<vmem>> -> memref<64xf32, #tpu.memory_space<vmem>>
      %dma_start3A_990 = arith.constant 0 : i32
      %dma_start3A_991 = tpu.memref_slice %arg2[%shift_right_logical3A_978, %and3A_980, %dma_start3A_990] : memref<125000x8x64xf32, #tpu.memory_space<hbm>> -> memref<1x1x64xf32, #tpu.memory_space<hbm>>
      %dma_start3A_992 = tpu.memref_squeeze %dma_start3A_991 : memref<1x1x64xf32, #tpu.memory_space<hbm>> -> memref<64xf32, #tpu.memory_space<hbm>>
      %dma_start3A_993 = arith.constant 0 : i32
      %dma_start3A_994 = tpu.memref_slice %arg7[%add3A_986, %dma_start3A_993] : memref<512x64xf32, #tpu.memory_space<vmem>> -> memref<1x64xf32, #tpu.memory_space<vmem>>
      %dma_start3A_995 = tpu.memref_squeeze %dma_start3A_994 : memref<1x64xf32, #tpu.memory_space<vmem>> -> memref<64xf32, #tpu.memory_space<vmem>>
      %dma_start3A_996 = arith.constant 0 : i32
      %dma_start3A_997 = tpu.memref_slice %arg2[%shift_right_logical3A_978, %and3A_980, %dma_start3A_996] : memref<125000x8x64xf32, #tpu.memory_space<hbm>> -> memref<1x1x64xf32, #tpu.memory_space<hbm>>
      %dma_start3A_998 = tpu.memref_squeeze %dma_start3A_997 : memref<1x1x64xf32, #tpu.memory_space<hbm>> -> memref<64xf32, #tpu.memory_space<hbm>>
      tpu.enqueue_dma source(%dma_start3A_998 : memref<64xf32, #tpu.memory_space<hbm>>) target(%dma_start3A_995 : memref<64xf32, #tpu.memory_space<vmem>>) target_semaphore(%arg9 : memref<!tpu.dma_semaphore, #tpu.memory_space<semaphore_mem>>)
      %slice3A_999 = vector.extract_strided_slice %get3A_806 {offsets = [8], sizes = [1], strides = [1]} : vector<16xi32> to vector<1xi32>
      %squeeze3A_1000 = vector.extract %slice3A_999[0] : i32 from vector<1xi32>
      %shift_right_logical3A_1001 = arith.constant 3 : i32
      %shift_right_logical3A_1002 = arith.shrui %squeeze3A_1000, %shift_right_logical3A_1001 : i32
      %and3A_1003 = arith.constant 7 : i32
      %and3A_1004 = arith.andi %squeeze3A_1000, %and3A_1003 : i32
      %mul3A_1005 = arith.constant 64 : i32
      %mul3A_1006 = arith.muli %scan3A_21, %mul3A_1005 : i32
      %add3A_1007 = arith.constant 32 : i32
      %add3A_1008 = arith.addi %mul3A_1006, %add3A_1007 : i32
      %add3A_1009 = arith.constant 8 : i32
      %add3A_1010 = arith.addi %add3A_1008, %add3A_1009 : i32
      %dma_start3A_1011 = arith.constant 0 : i32
      %dma_start3A_1012 = tpu.memref_slice %arg7[%add3A_1010, %dma_start3A_1011] : memref<512x64xf32, #tpu.memory_space<vmem>> -> memref<1x64xf32, #tpu.memory_space<vmem>>
      %dma_start3A_1013 = tpu.memref_squeeze %dma_start3A_1012 : memref<1x64xf32, #tpu.memory_space<vmem>> -> memref<64xf32, #tpu.memory_space<vmem>>
      %dma_start3A_1014 = arith.constant 0 : i32
      %dma_start3A_1015 = tpu.memref_slice %arg2[%shift_right_logical3A_1002, %and3A_1004, %dma_start3A_1014] : memref<125000x8x64xf32, #tpu.memory_space<hbm>> -> memref<1x1x64xf32, #tpu.memory_space<hbm>>
      %dma_start3A_1016 = tpu.memref_squeeze %dma_start3A_1015 : memref<1x1x64xf32, #tpu.memory_space<hbm>> -> memref<64xf32, #tpu.memory_space<hbm>>
      %dma_start3A_1017 = arith.constant 0 : i32
      %dma_start3A_1018 = tpu.memref_slice %arg7[%add3A_1010, %dma_start3A_1017] : memref<512x64xf32, #tpu.memory_space<vmem>> -> memref<1x64xf32, #tpu.memory_space<vmem>>
      %dma_start3A_1019 = tpu.memref_squeeze %dma_start3A_1018 : memref<1x64xf32, #tpu.memory_space<vmem>> -> memref<64xf32, #tpu.memory_space<vmem>>
      %dma_start3A_1020 = arith.constant 0 : i32
      %dma_start3A_1021 = tpu.memref_slice %arg2[%shift_right_logical3A_1002, %and3A_1004, %dma_start3A_1020] : memref<125000x8x64xf32, #tpu.memory_space<hbm>> -> memref<1x1x64xf32, #tpu.memory_space<hbm>>
      %dma_start3A_1022 = tpu.memref_squeeze %dma_start3A_1021 : memref<1x1x64xf32, #tpu.memory_space<hbm>> -> memref<64xf32, #tpu.memory_space<hbm>>
      tpu.enqueue_dma source(%dma_start3A_1022 : memref<64xf32, #tpu.memory_space<hbm>>) target(%dma_start3A_1019 : memref<64xf32, #tpu.memory_space<vmem>>) target_semaphore(%arg9 : memref<!tpu.dma_semaphore, #tpu.memory_space<semaphore_mem>>)
      %slice3A_1023 = vector.extract_strided_slice %get3A_806 {offsets = [9], sizes = [1], strides = [1]} : vector<16xi32> to vector<1xi32>
      %squeeze3A_1024 = vector.extract %slice3A_1023[0] : i32 from vector<1xi32>
      %shift_right_logical3A_1025 = arith.constant 3 : i32
      %shift_right_logical3A_1026 = arith.shrui %squeeze3A_1024, %shift_right_logical3A_1025 : i32
      %and3A_1027 = arith.constant 7 : i32
      %and3A_1028 = arith.andi %squeeze3A_1024, %and3A_1027 : i32
      %mul3A_1029 = arith.constant 64 : i32
      %mul3A_1030 = arith.muli %scan3A_21, %mul3A_1029 : i32
      %add3A_1031 = arith.constant 32 : i32
      %add3A_1032 = arith.addi %mul3A_1030, %add3A_1031 : i32
      %add3A_1033 = arith.constant 9 : i32
      %add3A_1034 = arith.addi %add3A_1032, %add3A_1033 : i32
      %dma_start3A_1035 = arith.constant 0 : i32
      %dma_start3A_1036 = tpu.memref_slice %arg7[%add3A_1034, %dma_start3A_1035] : memref<512x64xf32, #tpu.memory_space<vmem>> -> memref<1x64xf32, #tpu.memory_space<vmem>>
      %dma_start3A_1037 = tpu.memref_squeeze %dma_start3A_1036 : memref<1x64xf32, #tpu.memory_space<vmem>> -> memref<64xf32, #tpu.memory_space<vmem>>
      %dma_start3A_1038 = arith.constant 0 : i32
      %dma_start3A_1039 = tpu.memref_slice %arg2[%shift_right_logical3A_1026, %and3A_1028, %dma_start3A_1038] : memref<125000x8x64xf32, #tpu.memory_space<hbm>> -> memref<1x1x64xf32, #tpu.memory_space<hbm>>
      %dma_start3A_1040 = tpu.memref_squeeze %dma_start3A_1039 : memref<1x1x64xf32, #tpu.memory_space<hbm>> -> memref<64xf32, #tpu.memory_space<hbm>>
      %dma_start3A_1041 = arith.constant 0 : i32
      %dma_start3A_1042 = tpu.memref_slice %arg7[%add3A_1034, %dma_start3A_1041] : memref<512x64xf32, #tpu.memory_space<vmem>> -> memref<1x64xf32, #tpu.memory_space<vmem>>
      %dma_start3A_1043 = tpu.memref_squeeze %dma_start3A_1042 : memref<1x64xf32, #tpu.memory_space<vmem>> -> memref<64xf32, #tpu.memory_space<vmem>>
      %dma_start3A_1044 = arith.constant 0 : i32
      %dma_start3A_1045 = tpu.memref_slice %arg2[%shift_right_logical3A_1026, %and3A_1028, %dma_start3A_1044] : memref<125000x8x64xf32, #tpu.memory_space<hbm>> -> memref<1x1x64xf32, #tpu.memory_space<hbm>>
      %dma_start3A_1046 = tpu.memref_squeeze %dma_start3A_1045 : memref<1x1x64xf32, #tpu.memory_space<hbm>> -> memref<64xf32, #tpu.memory_space<hbm>>
      tpu.enqueue_dma source(%dma_start3A_1046 : memref<64xf32, #tpu.memory_space<hbm>>) target(%dma_start3A_1043 : memref<64xf32, #tpu.memory_space<vmem>>) target_semaphore(%arg9 : memref<!tpu.dma_semaphore, #tpu.memory_space<semaphore_mem>>)
      %slice3A_1047 = vector.extract_strided_slice %get3A_806 {offsets = [10], sizes = [1], strides = [1]} : vector<16xi32> to vector<1xi32>
      %squeeze3A_1048 = vector.extract %slice3A_1047[0] : i32 from vector<1xi32>
      %shift_right_logical3A_1049 = arith.constant 3 : i32
      %shift_right_logical3A_1050 = arith.shrui %squeeze3A_1048, %shift_right_logical3A_1049 : i32
      %and3A_1051 = arith.constant 7 : i32
      %and3A_1052 = arith.andi %squeeze3A_1048, %and3A_1051 : i32
      %mul3A_1053 = arith.constant 64 : i32
      %mul3A_1054 = arith.muli %scan3A_21, %mul3A_1053 : i32
      %add3A_1055 = arith.constant 32 : i32
      %add3A_1056 = arith.addi %mul3A_1054, %add3A_1055 : i32
      %add3A_1057 = arith.constant 10 : i32
      %add3A_1058 = arith.addi %add3A_1056, %add3A_1057 : i32
      %dma_start3A_1059 = arith.constant 0 : i32
      %dma_start3A_1060 = tpu.memref_slice %arg7[%add3A_1058, %dma_start3A_1059] : memref<512x64xf32, #tpu.memory_space<vmem>> -> memref<1x64xf32, #tpu.memory_space<vmem>>
      %dma_start3A_1061 = tpu.memref_squeeze %dma_start3A_1060 : memref<1x64xf32, #tpu.memory_space<vmem>> -> memref<64xf32, #tpu.memory_space<vmem>>
      %dma_start3A_1062 = arith.constant 0 : i32
      %dma_start3A_1063 = tpu.memref_slice %arg2[%shift_right_logical3A_1050, %and3A_1052, %dma_start3A_1062] : memref<125000x8x64xf32, #tpu.memory_space<hbm>> -> memref<1x1x64xf32, #tpu.memory_space<hbm>>
      %dma_start3A_1064 = tpu.memref_squeeze %dma_start3A_1063 : memref<1x1x64xf32, #tpu.memory_space<hbm>> -> memref<64xf32, #tpu.memory_space<hbm>>
      %dma_start3A_1065 = arith.constant 0 : i32
      %dma_start3A_1066 = tpu.memref_slice %arg7[%add3A_1058, %dma_start3A_1065] : memref<512x64xf32, #tpu.memory_space<vmem>> -> memref<1x64xf32, #tpu.memory_space<vmem>>
      %dma_start3A_1067 = tpu.memref_squeeze %dma_start3A_1066 : memref<1x64xf32, #tpu.memory_space<vmem>> -> memref<64xf32, #tpu.memory_space<vmem>>
      %dma_start3A_1068 = arith.constant 0 : i32
      %dma_start3A_1069 = tpu.memref_slice %arg2[%shift_right_logical3A_1050, %and3A_1052, %dma_start3A_1068] : memref<125000x8x64xf32, #tpu.memory_space<hbm>> -> memref<1x1x64xf32, #tpu.memory_space<hbm>>
      %dma_start3A_1070 = tpu.memref_squeeze %dma_start3A_1069 : memref<1x1x64xf32, #tpu.memory_space<hbm>> -> memref<64xf32, #tpu.memory_space<hbm>>
      tpu.enqueue_dma source(%dma_start3A_1070 : memref<64xf32, #tpu.memory_space<hbm>>) target(%dma_start3A_1067 : memref<64xf32, #tpu.memory_space<vmem>>) target_semaphore(%arg9 : memref<!tpu.dma_semaphore, #tpu.memory_space<semaphore_mem>>)
      %slice3A_1071 = vector.extract_strided_slice %get3A_806 {offsets = [11], sizes = [1], strides = [1]} : vector<16xi32> to vector<1xi32>
      %squeeze3A_1072 = vector.extract %slice3A_1071[0] : i32 from vector<1xi32>
      %shift_right_logical3A_1073 = arith.constant 3 : i32
      %shift_right_logical3A_1074 = arith.shrui %squeeze3A_1072, %shift_right_logical3A_1073 : i32
      %and3A_1075 = arith.constant 7 : i32
      %and3A_1076 = arith.andi %squeeze3A_1072, %and3A_1075 : i32
      %mul3A_1077 = arith.constant 64 : i32
      %mul3A_1078 = arith.muli %scan3A_21, %mul3A_1077 : i32
      %add3A_1079 = arith.constant 32 : i32
      %add3A_1080 = arith.addi %mul3A_1078, %add3A_1079 : i32
      %add3A_1081 = arith.constant 11 : i32
      %add3A_1082 = arith.addi %add3A_1080, %add3A_1081 : i32
      %dma_start3A_1083 = arith.constant 0 : i32
      %dma_start3A_1084 = tpu.memref_slice %arg7[%add3A_1082, %dma_start3A_1083] : memref<512x64xf32, #tpu.memory_space<vmem>> -> memref<1x64xf32, #tpu.memory_space<vmem>>
      %dma_start3A_1085 = tpu.memref_squeeze %dma_start3A_1084 : memref<1x64xf32, #tpu.memory_space<vmem>> -> memref<64xf32, #tpu.memory_space<vmem>>
      %dma_start3A_1086 = arith.constant 0 : i32
      %dma_start3A_1087 = tpu.memref_slice %arg2[%shift_right_logical3A_1074, %and3A_1076, %dma_start3A_1086] : memref<125000x8x64xf32, #tpu.memory_space<hbm>> -> memref<1x1x64xf32, #tpu.memory_space<hbm>>
      %dma_start3A_1088 = tpu.memref_squeeze %dma_start3A_1087 : memref<1x1x64xf32, #tpu.memory_space<hbm>> -> memref<64xf32, #tpu.memory_space<hbm>>
      %dma_start3A_1089 = arith.constant 0 : i32
      %dma_start3A_1090 = tpu.memref_slice %arg7[%add3A_1082, %dma_start3A_1089] : memref<512x64xf32, #tpu.memory_space<vmem>> -> memref<1x64xf32, #tpu.memory_space<vmem>>
      %dma_start3A_1091 = tpu.memref_squeeze %dma_start3A_1090 : memref<1x64xf32, #tpu.memory_space<vmem>> -> memref<64xf32, #tpu.memory_space<vmem>>
      %dma_start3A_1092 = arith.constant 0 : i32
      %dma_start3A_1093 = tpu.memref_slice %arg2[%shift_right_logical3A_1074, %and3A_1076, %dma_start3A_1092] : memref<125000x8x64xf32, #tpu.memory_space<hbm>> -> memref<1x1x64xf32, #tpu.memory_space<hbm>>
      %dma_start3A_1094 = tpu.memref_squeeze %dma_start3A_1093 : memref<1x1x64xf32, #tpu.memory_space<hbm>> -> memref<64xf32, #tpu.memory_space<hbm>>
      tpu.enqueue_dma source(%dma_start3A_1094 : memref<64xf32, #tpu.memory_space<hbm>>) target(%dma_start3A_1091 : memref<64xf32, #tpu.memory_space<vmem>>) target_semaphore(%arg9 : memref<!tpu.dma_semaphore, #tpu.memory_space<semaphore_mem>>)
      %slice3A_1095 = vector.extract_strided_slice %get3A_806 {offsets = [12], sizes = [1], strides = [1]} : vector<16xi32> to vector<1xi32>
      %squeeze3A_1096 = vector.extract %slice3A_1095[0] : i32 from vector<1xi32>
      %shift_right_logical3A_1097 = arith.constant 3 : i32
      %shift_right_logical3A_1098 = arith.shrui %squeeze3A_1096, %shift_right_logical3A_1097 : i32
      %and3A_1099 = arith.constant 7 : i32
      %and3A_1100 = arith.andi %squeeze3A_1096, %and3A_1099 : i32
      %mul3A_1101 = arith.constant 64 : i32
      %mul3A_1102 = arith.muli %scan3A_21, %mul3A_1101 : i32
      %add3A_1103 = arith.constant 32 : i32
      %add3A_1104 = arith.addi %mul3A_1102, %add3A_1103 : i32
      %add3A_1105 = arith.constant 12 : i32
      %add3A_1106 = arith.addi %add3A_1104, %add3A_1105 : i32
      %dma_start3A_1107 = arith.constant 0 : i32
      %dma_start3A_1108 = tpu.memref_slice %arg7[%add3A_1106, %dma_start3A_1107] : memref<512x64xf32, #tpu.memory_space<vmem>> -> memref<1x64xf32, #tpu.memory_space<vmem>>
      %dma_start3A_1109 = tpu.memref_squeeze %dma_start3A_1108 : memref<1x64xf32, #tpu.memory_space<vmem>> -> memref<64xf32, #tpu.memory_space<vmem>>
      %dma_start3A_1110 = arith.constant 0 : i32
      %dma_start3A_1111 = tpu.memref_slice %arg2[%shift_right_logical3A_1098, %and3A_1100, %dma_start3A_1110] : memref<125000x8x64xf32, #tpu.memory_space<hbm>> -> memref<1x1x64xf32, #tpu.memory_space<hbm>>
      %dma_start3A_1112 = tpu.memref_squeeze %dma_start3A_1111 : memref<1x1x64xf32, #tpu.memory_space<hbm>> -> memref<64xf32, #tpu.memory_space<hbm>>
      %dma_start3A_1113 = arith.constant 0 : i32
      %dma_start3A_1114 = tpu.memref_slice %arg7[%add3A_1106, %dma_start3A_1113] : memref<512x64xf32, #tpu.memory_space<vmem>> -> memref<1x64xf32, #tpu.memory_space<vmem>>
      %dma_start3A_1115 = tpu.memref_squeeze %dma_start3A_1114 : memref<1x64xf32, #tpu.memory_space<vmem>> -> memref<64xf32, #tpu.memory_space<vmem>>
      %dma_start3A_1116 = arith.constant 0 : i32
      %dma_start3A_1117 = tpu.memref_slice %arg2[%shift_right_logical3A_1098, %and3A_1100, %dma_start3A_1116] : memref<125000x8x64xf32, #tpu.memory_space<hbm>> -> memref<1x1x64xf32, #tpu.memory_space<hbm>>
      %dma_start3A_1118 = tpu.memref_squeeze %dma_start3A_1117 : memref<1x1x64xf32, #tpu.memory_space<hbm>> -> memref<64xf32, #tpu.memory_space<hbm>>
      tpu.enqueue_dma source(%dma_start3A_1118 : memref<64xf32, #tpu.memory_space<hbm>>) target(%dma_start3A_1115 : memref<64xf32, #tpu.memory_space<vmem>>) target_semaphore(%arg9 : memref<!tpu.dma_semaphore, #tpu.memory_space<semaphore_mem>>)
      %slice3A_1119 = vector.extract_strided_slice %get3A_806 {offsets = [13], sizes = [1], strides = [1]} : vector<16xi32> to vector<1xi32>
      %squeeze3A_1120 = vector.extract %slice3A_1119[0] : i32 from vector<1xi32>
      %shift_right_logical3A_1121 = arith.constant 3 : i32
      %shift_right_logical3A_1122 = arith.shrui %squeeze3A_1120, %shift_right_logical3A_1121 : i32
      %and3A_1123 = arith.constant 7 : i32
      %and3A_1124 = arith.andi %squeeze3A_1120, %and3A_1123 : i32
      %mul3A_1125 = arith.constant 64 : i32
      %mul3A_1126 = arith.muli %scan3A_21, %mul3A_1125 : i32
      %add3A_1127 = arith.constant 32 : i32
      %add3A_1128 = arith.addi %mul3A_1126, %add3A_1127 : i32
      %add3A_1129 = arith.constant 13 : i32
      %add3A_1130 = arith.addi %add3A_1128, %add3A_1129 : i32
      %dma_start3A_1131 = arith.constant 0 : i32
      %dma_start3A_1132 = tpu.memref_slice %arg7[%add3A_1130, %dma_start3A_1131] : memref<512x64xf32, #tpu.memory_space<vmem>> -> memref<1x64xf32, #tpu.memory_space<vmem>>
      %dma_start3A_1133 = tpu.memref_squeeze %dma_start3A_1132 : memref<1x64xf32, #tpu.memory_space<vmem>> -> memref<64xf32, #tpu.memory_space<vmem>>
      %dma_start3A_1134 = arith.constant 0 : i32
      %dma_start3A_1135 = tpu.memref_slice %arg2[%shift_right_logical3A_1122, %and3A_1124, %dma_start3A_1134] : memref<125000x8x64xf32, #tpu.memory_space<hbm>> -> memref<1x1x64xf32, #tpu.memory_space<hbm>>
      %dma_start3A_1136 = tpu.memref_squeeze %dma_start3A_1135 : memref<1x1x64xf32, #tpu.memory_space<hbm>> -> memref<64xf32, #tpu.memory_space<hbm>>
      %dma_start3A_1137 = arith.constant 0 : i32
      %dma_start3A_1138 = tpu.memref_slice %arg7[%add3A_1130, %dma_start3A_1137] : memref<512x64xf32, #tpu.memory_space<vmem>> -> memref<1x64xf32, #tpu.memory_space<vmem>>
      %dma_start3A_1139 = tpu.memref_squeeze %dma_start3A_1138 : memref<1x64xf32, #tpu.memory_space<vmem>> -> memref<64xf32, #tpu.memory_space<vmem>>
      %dma_start3A_1140 = arith.constant 0 : i32
      %dma_start3A_1141 = tpu.memref_slice %arg2[%shift_right_logical3A_1122, %and3A_1124, %dma_start3A_1140] : memref<125000x8x64xf32, #tpu.memory_space<hbm>> -> memref<1x1x64xf32, #tpu.memory_space<hbm>>
      %dma_start3A_1142 = tpu.memref_squeeze %dma_start3A_1141 : memref<1x1x64xf32, #tpu.memory_space<hbm>> -> memref<64xf32, #tpu.memory_space<hbm>>
      tpu.enqueue_dma source(%dma_start3A_1142 : memref<64xf32, #tpu.memory_space<hbm>>) target(%dma_start3A_1139 : memref<64xf32, #tpu.memory_space<vmem>>) target_semaphore(%arg9 : memref<!tpu.dma_semaphore, #tpu.memory_space<semaphore_mem>>)
      %slice3A_1143 = vector.extract_strided_slice %get3A_806 {offsets = [14], sizes = [1], strides = [1]} : vector<16xi32> to vector<1xi32>
      %squeeze3A_1144 = vector.extract %slice3A_1143[0] : i32 from vector<1xi32>
      %shift_right_logical3A_1145 = arith.constant 3 : i32
      %shift_right_logical3A_1146 = arith.shrui %squeeze3A_1144, %shift_right_logical3A_1145 : i32
      %and3A_1147 = arith.constant 7 : i32
      %and3A_1148 = arith.andi %squeeze3A_1144, %and3A_1147 : i32
      %mul3A_1149 = arith.constant 64 : i32
      %mul3A_1150 = arith.muli %scan3A_21, %mul3A_1149 : i32
      %add3A_1151 = arith.constant 32 : i32
      %add3A_1152 = arith.addi %mul3A_1150, %add3A_1151 : i32
      %add3A_1153 = arith.constant 14 : i32
      %add3A_1154 = arith.addi %add3A_1152, %add3A_1153 : i32
      %dma_start3A_1155 = arith.constant 0 : i32
      %dma_start3A_1156 = tpu.memref_slice %arg7[%add3A_1154, %dma_start3A_1155] : memref<512x64xf32, #tpu.memory_space<vmem>> -> memref<1x64xf32, #tpu.memory_space<vmem>>
      %dma_start3A_1157 = tpu.memref_squeeze %dma_start3A_1156 : memref<1x64xf32, #tpu.memory_space<vmem>> -> memref<64xf32, #tpu.memory_space<vmem>>
      %dma_start3A_1158 = arith.constant 0 : i32
      %dma_start3A_1159 = tpu.memref_slice %arg2[%shift_right_logical3A_1146, %and3A_1148, %dma_start3A_1158] : memref<125000x8x64xf32, #tpu.memory_space<hbm>> -> memref<1x1x64xf32, #tpu.memory_space<hbm>>
      %dma_start3A_1160 = tpu.memref_squeeze %dma_start3A_1159 : memref<1x1x64xf32, #tpu.memory_space<hbm>> -> memref<64xf32, #tpu.memory_space<hbm>>
      %dma_start3A_1161 = arith.constant 0 : i32
      %dma_start3A_1162 = tpu.memref_slice %arg7[%add3A_1154, %dma_start3A_1161] : memref<512x64xf32, #tpu.memory_space<vmem>> -> memref<1x64xf32, #tpu.memory_space<vmem>>
      %dma_start3A_1163 = tpu.memref_squeeze %dma_start3A_1162 : memref<1x64xf32, #tpu.memory_space<vmem>> -> memref<64xf32, #tpu.memory_space<vmem>>
      %dma_start3A_1164 = arith.constant 0 : i32
      %dma_start3A_1165 = tpu.memref_slice %arg2[%shift_right_logical3A_1146, %and3A_1148, %dma_start3A_1164] : memref<125000x8x64xf32, #tpu.memory_space<hbm>> -> memref<1x1x64xf32, #tpu.memory_space<hbm>>
      %dma_start3A_1166 = tpu.memref_squeeze %dma_start3A_1165 : memref<1x1x64xf32, #tpu.memory_space<hbm>> -> memref<64xf32, #tpu.memory_space<hbm>>
      tpu.enqueue_dma source(%dma_start3A_1166 : memref<64xf32, #tpu.memory_space<hbm>>) target(%dma_start3A_1163 : memref<64xf32, #tpu.memory_space<vmem>>) target_semaphore(%arg9 : memref<!tpu.dma_semaphore, #tpu.memory_space<semaphore_mem>>)
      %slice3A_1167 = vector.extract_strided_slice %get3A_806 {offsets = [15], sizes = [1], strides = [1]} : vector<16xi32> to vector<1xi32>
      %squeeze3A_1168 = vector.extract %slice3A_1167[0] : i32 from vector<1xi32>
      %shift_right_logical3A_1169 = arith.constant 3 : i32
      %shift_right_logical3A_1170 = arith.shrui %squeeze3A_1168, %shift_right_logical3A_1169 : i32
      %and3A_1171 = arith.constant 7 : i32
      %and3A_1172 = arith.andi %squeeze3A_1168, %and3A_1171 : i32
      %mul3A_1173 = arith.constant 64 : i32
      %mul3A_1174 = arith.muli %scan3A_21, %mul3A_1173 : i32
      %add3A_1175 = arith.constant 32 : i32
      %add3A_1176 = arith.addi %mul3A_1174, %add3A_1175 : i32
      %add3A_1177 = arith.constant 15 : i32
      %add3A_1178 = arith.addi %add3A_1176, %add3A_1177 : i32
      %dma_start3A_1179 = arith.constant 0 : i32
      %dma_start3A_1180 = tpu.memref_slice %arg7[%add3A_1178, %dma_start3A_1179] : memref<512x64xf32, #tpu.memory_space<vmem>> -> memref<1x64xf32, #tpu.memory_space<vmem>>
      %dma_start3A_1181 = tpu.memref_squeeze %dma_start3A_1180 : memref<1x64xf32, #tpu.memory_space<vmem>> -> memref<64xf32, #tpu.memory_space<vmem>>
      %dma_start3A_1182 = arith.constant 0 : i32
      %dma_start3A_1183 = tpu.memref_slice %arg2[%shift_right_logical3A_1170, %and3A_1172, %dma_start3A_1182] : memref<125000x8x64xf32, #tpu.memory_space<hbm>> -> memref<1x1x64xf32, #tpu.memory_space<hbm>>
      %dma_start3A_1184 = tpu.memref_squeeze %dma_start3A_1183 : memref<1x1x64xf32, #tpu.memory_space<hbm>> -> memref<64xf32, #tpu.memory_space<hbm>>
      %dma_start3A_1185 = arith.constant 0 : i32
      %dma_start3A_1186 = tpu.memref_slice %arg7[%add3A_1178, %dma_start3A_1185] : memref<512x64xf32, #tpu.memory_space<vmem>> -> memref<1x64xf32, #tpu.memory_space<vmem>>
      %dma_start3A_1187 = tpu.memref_squeeze %dma_start3A_1186 : memref<1x64xf32, #tpu.memory_space<vmem>> -> memref<64xf32, #tpu.memory_space<vmem>>
      %dma_start3A_1188 = arith.constant 0 : i32
      %dma_start3A_1189 = tpu.memref_slice %arg2[%shift_right_logical3A_1170, %and3A_1172, %dma_start3A_1188] : memref<125000x8x64xf32, #tpu.memory_space<hbm>> -> memref<1x1x64xf32, #tpu.memory_space<hbm>>
      %dma_start3A_1190 = tpu.memref_squeeze %dma_start3A_1189 : memref<1x1x64xf32, #tpu.memory_space<hbm>> -> memref<64xf32, #tpu.memory_space<hbm>>
      tpu.enqueue_dma source(%dma_start3A_1190 : memref<64xf32, #tpu.memory_space<hbm>>) target(%dma_start3A_1187 : memref<64xf32, #tpu.memory_space<vmem>>) target_semaphore(%arg9 : memref<!tpu.dma_semaphore, #tpu.memory_space<semaphore_mem>>)
      %mul3A_1191 = arith.constant 64 : i32
      %mul3A_1192 = arith.muli %scan3A_21, %mul3A_1191 : i32
      %add3A_1193 = arith.constant 48 : i32
      %add3A_1194 = arith.addi %mul3A_1192, %add3A_1193 : i32
      %get3A_1195 = arith.index_cast %add3A_1194 : i32 to index
      %get3A_1196 = tpu.vector_load %arg6[%get3A_1195] {strides = array<i32>} : memref<512xi32, #tpu.memory_space<vmem>>, vector<16xi32>,
      %get3A_1197 = vector.shape_cast %get3A_1196 : vector<16xi32> to vector<16xi32>
      %slice3A_1198 = vector.extract_strided_slice %get3A_1197 {offsets = [0], sizes = [1], strides = [1]} : vector<16xi32> to vector<1xi32>
      %squeeze3A_1199 = vector.extract %slice3A_1198[0] : i32 from vector<1xi32>
      %shift_right_logical3A_1200 = arith.constant 3 : i32
      %shift_right_logical3A_1201 = arith.shrui %squeeze3A_1199, %shift_right_logical3A_1200 : i32
      %and3A_1202 = arith.constant 7 : i32
      %and3A_1203 = arith.andi %squeeze3A_1199, %and3A_1202 : i32
      %mul3A_1204 = arith.constant 64 : i32
      %mul3A_1205 = arith.muli %scan3A_21, %mul3A_1204 : i32
      %add3A_1206 = arith.constant 48 : i32
      %add3A_1207 = arith.addi %mul3A_1205, %add3A_1206 : i32
      %add3A_1208 = arith.constant 0 : i32
      %add3A_1209 = arith.addi %add3A_1207, %add3A_1208 : i32
      %dma_start3A_1210 = arith.constant 0 : i32
      %dma_start3A_1211 = tpu.memref_slice %arg7[%add3A_1209, %dma_start3A_1210] : memref<512x64xf32, #tpu.memory_space<vmem>> -> memref<1x64xf32, #tpu.memory_space<vmem>>
      %dma_start3A_1212 = tpu.memref_squeeze %dma_start3A_1211 : memref<1x64xf32, #tpu.memory_space<vmem>> -> memref<64xf32, #tpu.memory_space<vmem>>
      %dma_start3A_1213 = arith.constant 0 : i32
      %dma_start3A_1214 = tpu.memref_slice %arg2[%shift_right_logical3A_1201, %and3A_1203, %dma_start3A_1213] : memref<125000x8x64xf32, #tpu.memory_space<hbm>> -> memref<1x1x64xf32, #tpu.memory_space<hbm>>
      %dma_start3A_1215 = tpu.memref_squeeze %dma_start3A_1214 : memref<1x1x64xf32, #tpu.memory_space<hbm>> -> memref<64xf32, #tpu.memory_space<hbm>>
      %dma_start3A_1216 = arith.constant 0 : i32
      %dma_start3A_1217 = tpu.memref_slice %arg7[%add3A_1209, %dma_start3A_1216] : memref<512x64xf32, #tpu.memory_space<vmem>> -> memref<1x64xf32, #tpu.memory_space<vmem>>
      %dma_start3A_1218 = tpu.memref_squeeze %dma_start3A_1217 : memref<1x64xf32, #tpu.memory_space<vmem>> -> memref<64xf32, #tpu.memory_space<vmem>>
      %dma_start3A_1219 = arith.constant 0 : i32
      %dma_start3A_1220 = tpu.memref_slice %arg2[%shift_right_logical3A_1201, %and3A_1203, %dma_start3A_1219] : memref<125000x8x64xf32, #tpu.memory_space<hbm>> -> memref<1x1x64xf32, #tpu.memory_space<hbm>>
      %dma_start3A_1221 = tpu.memref_squeeze %dma_start3A_1220 : memref<1x1x64xf32, #tpu.memory_space<hbm>> -> memref<64xf32, #tpu.memory_space<hbm>>
      tpu.enqueue_dma source(%dma_start3A_1221 : memref<64xf32, #tpu.memory_space<hbm>>) target(%dma_start3A_1218 : memref<64xf32, #tpu.memory_space<vmem>>) target_semaphore(%arg9 : memref<!tpu.dma_semaphore, #tpu.memory_space<semaphore_mem>>)
      %slice3A_1222 = vector.extract_strided_slice %get3A_1197 {offsets = [1], sizes = [1], strides = [1]} : vector<16xi32> to vector<1xi32>
      %squeeze3A_1223 = vector.extract %slice3A_1222[0] : i32 from vector<1xi32>
      %shift_right_logical3A_1224 = arith.constant 3 : i32
      %shift_right_logical3A_1225 = arith.shrui %squeeze3A_1223, %shift_right_logical3A_1224 : i32
      %and3A_1226 = arith.constant 7 : i32
      %and3A_1227 = arith.andi %squeeze3A_1223, %and3A_1226 : i32
      %mul3A_1228 = arith.constant 64 : i32
      %mul3A_1229 = arith.muli %scan3A_21, %mul3A_1228 : i32
      %add3A_1230 = arith.constant 48 : i32
      %add3A_1231 = arith.addi %mul3A_1229, %add3A_1230 : i32
      %add3A_1232 = arith.constant 1 : i32
      %add3A_1233 = arith.addi %add3A_1231, %add3A_1232 : i32
      %dma_start3A_1234 = arith.constant 0 : i32
      %dma_start3A_1235 = tpu.memref_slice %arg7[%add3A_1233, %dma_start3A_1234] : memref<512x64xf32, #tpu.memory_space<vmem>> -> memref<1x64xf32, #tpu.memory_space<vmem>>
      %dma_start3A_1236 = tpu.memref_squeeze %dma_start3A_1235 : memref<1x64xf32, #tpu.memory_space<vmem>> -> memref<64xf32, #tpu.memory_space<vmem>>
      %dma_start3A_1237 = arith.constant 0 : i32
      %dma_start3A_1238 = tpu.memref_slice %arg2[%shift_right_logical3A_1225, %and3A_1227, %dma_start3A_1237] : memref<125000x8x64xf32, #tpu.memory_space<hbm>> -> memref<1x1x64xf32, #tpu.memory_space<hbm>>
      %dma_start3A_1239 = tpu.memref_squeeze %dma_start3A_1238 : memref<1x1x64xf32, #tpu.memory_space<hbm>> -> memref<64xf32, #tpu.memory_space<hbm>>
      %dma_start3A_1240 = arith.constant 0 : i32
      %dma_start3A_1241 = tpu.memref_slice %arg7[%add3A_1233, %dma_start3A_1240] : memref<512x64xf32, #tpu.memory_space<vmem>> -> memref<1x64xf32, #tpu.memory_space<vmem>>
      %dma_start3A_1242 = tpu.memref_squeeze %dma_start3A_1241 : memref<1x64xf32, #tpu.memory_space<vmem>> -> memref<64xf32, #tpu.memory_space<vmem>>
      %dma_start3A_1243 = arith.constant 0 : i32
      %dma_start3A_1244 = tpu.memref_slice %arg2[%shift_right_logical3A_1225, %and3A_1227, %dma_start3A_1243] : memref<125000x8x64xf32, #tpu.memory_space<hbm>> -> memref<1x1x64xf32, #tpu.memory_space<hbm>>
      %dma_start3A_1245 = tpu.memref_squeeze %dma_start3A_1244 : memref<1x1x64xf32, #tpu.memory_space<hbm>> -> memref<64xf32, #tpu.memory_space<hbm>>
      tpu.enqueue_dma source(%dma_start3A_1245 : memref<64xf32, #tpu.memory_space<hbm>>) target(%dma_start3A_1242 : memref<64xf32, #tpu.memory_space<vmem>>) target_semaphore(%arg9 : memref<!tpu.dma_semaphore, #tpu.memory_space<semaphore_mem>>)
      %slice3A_1246 = vector.extract_strided_slice %get3A_1197 {offsets = [2], sizes = [1], strides = [1]} : vector<16xi32> to vector<1xi32>
      %squeeze3A_1247 = vector.extract %slice3A_1246[0] : i32 from vector<1xi32>
      %shift_right_logical3A_1248 = arith.constant 3 : i32
      %shift_right_logical3A_1249 = arith.shrui %squeeze3A_1247, %shift_right_logical3A_1248 : i32
      %and3A_1250 = arith.constant 7 : i32
      %and3A_1251 = arith.andi %squeeze3A_1247, %and3A_1250 : i32
      %mul3A_1252 = arith.constant 64 : i32
      %mul3A_1253 = arith.muli %scan3A_21, %mul3A_1252 : i32
      %add3A_1254 = arith.constant 48 : i32
      %add3A_1255 = arith.addi %mul3A_1253, %add3A_1254 : i32
      %add3A_1256 = arith.constant 2 : i32
      %add3A_1257 = arith.addi %add3A_1255, %add3A_1256 : i32
      %dma_start3A_1258 = arith.constant 0 : i32
      %dma_start3A_1259 = tpu.memref_slice %arg7[%add3A_1257, %dma_start3A_1258] : memref<512x64xf32, #tpu.memory_space<vmem>> -> memref<1x64xf32, #tpu.memory_space<vmem>>
      %dma_start3A_1260 = tpu.memref_squeeze %dma_start3A_1259 : memref<1x64xf32, #tpu.memory_space<vmem>> -> memref<64xf32, #tpu.memory_space<vmem>>
      %dma_start3A_1261 = arith.constant 0 : i32
      %dma_start3A_1262 = tpu.memref_slice %arg2[%shift_right_logical3A_1249, %and3A_1251, %dma_start3A_1261] : memref<125000x8x64xf32, #tpu.memory_space<hbm>> -> memref<1x1x64xf32, #tpu.memory_space<hbm>>
      %dma_start3A_1263 = tpu.memref_squeeze %dma_start3A_1262 : memref<1x1x64xf32, #tpu.memory_space<hbm>> -> memref<64xf32, #tpu.memory_space<hbm>>
      %dma_start3A_1264 = arith.constant 0 : i32
      %dma_start3A_1265 = tpu.memref_slice %arg7[%add3A_1257, %dma_start3A_1264] : memref<512x64xf32, #tpu.memory_space<vmem>> -> memref<1x64xf32, #tpu.memory_space<vmem>>
      %dma_start3A_1266 = tpu.memref_squeeze %dma_start3A_1265 : memref<1x64xf32, #tpu.memory_space<vmem>> -> memref<64xf32, #tpu.memory_space<vmem>>
      %dma_start3A_1267 = arith.constant 0 : i32
      %dma_start3A_1268 = tpu.memref_slice %arg2[%shift_right_logical3A_1249, %and3A_1251, %dma_start3A_1267] : memref<125000x8x64xf32, #tpu.memory_space<hbm>> -> memref<1x1x64xf32, #tpu.memory_space<hbm>>
      %dma_start3A_1269 = tpu.memref_squeeze %dma_start3A_1268 : memref<1x1x64xf32, #tpu.memory_space<hbm>> -> memref<64xf32, #tpu.memory_space<hbm>>
      tpu.enqueue_dma source(%dma_start3A_1269 : memref<64xf32, #tpu.memory_space<hbm>>) target(%dma_start3A_1266 : memref<64xf32, #tpu.memory_space<vmem>>) target_semaphore(%arg9 : memref<!tpu.dma_semaphore, #tpu.memory_space<semaphore_mem>>)
      %slice3A_1270 = vector.extract_strided_slice %get3A_1197 {offsets = [3], sizes = [1], strides = [1]} : vector<16xi32> to vector<1xi32>
      %squeeze3A_1271 = vector.extract %slice3A_1270[0] : i32 from vector<1xi32>
      %shift_right_logical3A_1272 = arith.constant 3 : i32
      %shift_right_logical3A_1273 = arith.shrui %squeeze3A_1271, %shift_right_logical3A_1272 : i32
      %and3A_1274 = arith.constant 7 : i32
      %and3A_1275 = arith.andi %squeeze3A_1271, %and3A_1274 : i32
      %mul3A_1276 = arith.constant 64 : i32
      %mul3A_1277 = arith.muli %scan3A_21, %mul3A_1276 : i32
      %add3A_1278 = arith.constant 48 : i32
      %add3A_1279 = arith.addi %mul3A_1277, %add3A_1278 : i32
      %add3A_1280 = arith.constant 3 : i32
      %add3A_1281 = arith.addi %add3A_1279, %add3A_1280 : i32
      %dma_start3A_1282 = arith.constant 0 : i32
      %dma_start3A_1283 = tpu.memref_slice %arg7[%add3A_1281, %dma_start3A_1282] : memref<512x64xf32, #tpu.memory_space<vmem>> -> memref<1x64xf32, #tpu.memory_space<vmem>>
      %dma_start3A_1284 = tpu.memref_squeeze %dma_start3A_1283 : memref<1x64xf32, #tpu.memory_space<vmem>> -> memref<64xf32, #tpu.memory_space<vmem>>
      %dma_start3A_1285 = arith.constant 0 : i32
      %dma_start3A_1286 = tpu.memref_slice %arg2[%shift_right_logical3A_1273, %and3A_1275, %dma_start3A_1285] : memref<125000x8x64xf32, #tpu.memory_space<hbm>> -> memref<1x1x64xf32, #tpu.memory_space<hbm>>
      %dma_start3A_1287 = tpu.memref_squeeze %dma_start3A_1286 : memref<1x1x64xf32, #tpu.memory_space<hbm>> -> memref<64xf32, #tpu.memory_space<hbm>>
      %dma_start3A_1288 = arith.constant 0 : i32
      %dma_start3A_1289 = tpu.memref_slice %arg7[%add3A_1281, %dma_start3A_1288] : memref<512x64xf32, #tpu.memory_space<vmem>> -> memref<1x64xf32, #tpu.memory_space<vmem>>
      %dma_start3A_1290 = tpu.memref_squeeze %dma_start3A_1289 : memref<1x64xf32, #tpu.memory_space<vmem>> -> memref<64xf32, #tpu.memory_space<vmem>>
      %dma_start3A_1291 = arith.constant 0 : i32
      %dma_start3A_1292 = tpu.memref_slice %arg2[%shift_right_logical3A_1273, %and3A_1275, %dma_start3A_1291] : memref<125000x8x64xf32, #tpu.memory_space<hbm>> -> memref<1x1x64xf32, #tpu.memory_space<hbm>>
      %dma_start3A_1293 = tpu.memref_squeeze %dma_start3A_1292 : memref<1x1x64xf32, #tpu.memory_space<hbm>> -> memref<64xf32, #tpu.memory_space<hbm>>
      tpu.enqueue_dma source(%dma_start3A_1293 : memref<64xf32, #tpu.memory_space<hbm>>) target(%dma_start3A_1290 : memref<64xf32, #tpu.memory_space<vmem>>) target_semaphore(%arg9 : memref<!tpu.dma_semaphore, #tpu.memory_space<semaphore_mem>>)
      %slice3A_1294 = vector.extract_strided_slice %get3A_1197 {offsets = [4], sizes = [1], strides = [1]} : vector<16xi32> to vector<1xi32>
      %squeeze3A_1295 = vector.extract %slice3A_1294[0] : i32 from vector<1xi32>
      %shift_right_logical3A_1296 = arith.constant 3 : i32
      %shift_right_logical3A_1297 = arith.shrui %squeeze3A_1295, %shift_right_logical3A_1296 : i32
      %and3A_1298 = arith.constant 7 : i32
      %and3A_1299 = arith.andi %squeeze3A_1295, %and3A_1298 : i32
      %mul3A_1300 = arith.constant 64 : i32
      %mul3A_1301 = arith.muli %scan3A_21, %mul3A_1300 : i32
      %add3A_1302 = arith.constant 48 : i32
      %add3A_1303 = arith.addi %mul3A_1301, %add3A_1302 : i32
      %add3A_1304 = arith.constant 4 : i32
      %add3A_1305 = arith.addi %add3A_1303, %add3A_1304 : i32
      %dma_start3A_1306 = arith.constant 0 : i32
      %dma_start3A_1307 = tpu.memref_slice %arg7[%add3A_1305, %dma_start3A_1306] : memref<512x64xf32, #tpu.memory_space<vmem>> -> memref<1x64xf32, #tpu.memory_space<vmem>>
      %dma_start3A_1308 = tpu.memref_squeeze %dma_start3A_1307 : memref<1x64xf32, #tpu.memory_space<vmem>> -> memref<64xf32, #tpu.memory_space<vmem>>
      %dma_start3A_1309 = arith.constant 0 : i32
      %dma_start3A_1310 = tpu.memref_slice %arg2[%shift_right_logical3A_1297, %and3A_1299, %dma_start3A_1309] : memref<125000x8x64xf32, #tpu.memory_space<hbm>> -> memref<1x1x64xf32, #tpu.memory_space<hbm>>
      %dma_start3A_1311 = tpu.memref_squeeze %dma_start3A_1310 : memref<1x1x64xf32, #tpu.memory_space<hbm>> -> memref<64xf32, #tpu.memory_space<hbm>>
      %dma_start3A_1312 = arith.constant 0 : i32
      %dma_start3A_1313 = tpu.memref_slice %arg7[%add3A_1305, %dma_start3A_1312] : memref<512x64xf32, #tpu.memory_space<vmem>> -> memref<1x64xf32, #tpu.memory_space<vmem>>
      %dma_start3A_1314 = tpu.memref_squeeze %dma_start3A_1313 : memref<1x64xf32, #tpu.memory_space<vmem>> -> memref<64xf32, #tpu.memory_space<vmem>>
      %dma_start3A_1315 = arith.constant 0 : i32
      %dma_start3A_1316 = tpu.memref_slice %arg2[%shift_right_logical3A_1297, %and3A_1299, %dma_start3A_1315] : memref<125000x8x64xf32, #tpu.memory_space<hbm>> -> memref<1x1x64xf32, #tpu.memory_space<hbm>>
      %dma_start3A_1317 = tpu.memref_squeeze %dma_start3A_1316 : memref<1x1x64xf32, #tpu.memory_space<hbm>> -> memref<64xf32, #tpu.memory_space<hbm>>
      tpu.enqueue_dma source(%dma_start3A_1317 : memref<64xf32, #tpu.memory_space<hbm>>) target(%dma_start3A_1314 : memref<64xf32, #tpu.memory_space<vmem>>) target_semaphore(%arg9 : memref<!tpu.dma_semaphore, #tpu.memory_space<semaphore_mem>>)
      %slice3A_1318 = vector.extract_strided_slice %get3A_1197 {offsets = [5], sizes = [1], strides = [1]} : vector<16xi32> to vector<1xi32>
      %squeeze3A_1319 = vector.extract %slice3A_1318[0] : i32 from vector<1xi32>
      %shift_right_logical3A_1320 = arith.constant 3 : i32
      %shift_right_logical3A_1321 = arith.shrui %squeeze3A_1319, %shift_right_logical3A_1320 : i32
      %and3A_1322 = arith.constant 7 : i32
      %and3A_1323 = arith.andi %squeeze3A_1319, %and3A_1322 : i32
      %mul3A_1324 = arith.constant 64 : i32
      %mul3A_1325 = arith.muli %scan3A_21, %mul3A_1324 : i32
      %add3A_1326 = arith.constant 48 : i32
      %add3A_1327 = arith.addi %mul3A_1325, %add3A_1326 : i32
      %add3A_1328 = arith.constant 5 : i32
      %add3A_1329 = arith.addi %add3A_1327, %add3A_1328 : i32
      %dma_start3A_1330 = arith.constant 0 : i32
      %dma_start3A_1331 = tpu.memref_slice %arg7[%add3A_1329, %dma_start3A_1330] : memref<512x64xf32, #tpu.memory_space<vmem>> -> memref<1x64xf32, #tpu.memory_space<vmem>>
      %dma_start3A_1332 = tpu.memref_squeeze %dma_start3A_1331 : memref<1x64xf32, #tpu.memory_space<vmem>> -> memref<64xf32, #tpu.memory_space<vmem>>
      %dma_start3A_1333 = arith.constant 0 : i32
      %dma_start3A_1334 = tpu.memref_slice %arg2[%shift_right_logical3A_1321, %and3A_1323, %dma_start3A_1333] : memref<125000x8x64xf32, #tpu.memory_space<hbm>> -> memref<1x1x64xf32, #tpu.memory_space<hbm>>
      %dma_start3A_1335 = tpu.memref_squeeze %dma_start3A_1334 : memref<1x1x64xf32, #tpu.memory_space<hbm>> -> memref<64xf32, #tpu.memory_space<hbm>>
      %dma_start3A_1336 = arith.constant 0 : i32
      %dma_start3A_1337 = tpu.memref_slice %arg7[%add3A_1329, %dma_start3A_1336] : memref<512x64xf32, #tpu.memory_space<vmem>> -> memref<1x64xf32, #tpu.memory_space<vmem>>
      %dma_start3A_1338 = tpu.memref_squeeze %dma_start3A_1337 : memref<1x64xf32, #tpu.memory_space<vmem>> -> memref<64xf32, #tpu.memory_space<vmem>>
      %dma_start3A_1339 = arith.constant 0 : i32
      %dma_start3A_1340 = tpu.memref_slice %arg2[%shift_right_logical3A_1321, %and3A_1323, %dma_start3A_1339] : memref<125000x8x64xf32, #tpu.memory_space<hbm>> -> memref<1x1x64xf32, #tpu.memory_space<hbm>>
      %dma_start3A_1341 = tpu.memref_squeeze %dma_start3A_1340 : memref<1x1x64xf32, #tpu.memory_space<hbm>> -> memref<64xf32, #tpu.memory_space<hbm>>
      tpu.enqueue_dma source(%dma_start3A_1341 : memref<64xf32, #tpu.memory_space<hbm>>) target(%dma_start3A_1338 : memref<64xf32, #tpu.memory_space<vmem>>) target_semaphore(%arg9 : memref<!tpu.dma_semaphore, #tpu.memory_space<semaphore_mem>>)
      %slice3A_1342 = vector.extract_strided_slice %get3A_1197 {offsets = [6], sizes = [1], strides = [1]} : vector<16xi32> to vector<1xi32>
      %squeeze3A_1343 = vector.extract %slice3A_1342[0] : i32 from vector<1xi32>
      %shift_right_logical3A_1344 = arith.constant 3 : i32
      %shift_right_logical3A_1345 = arith.shrui %squeeze3A_1343, %shift_right_logical3A_1344 : i32
      %and3A_1346 = arith.constant 7 : i32
      %and3A_1347 = arith.andi %squeeze3A_1343, %and3A_1346 : i32
      %mul3A_1348 = arith.constant 64 : i32
      %mul3A_1349 = arith.muli %scan3A_21, %mul3A_1348 : i32
      %add3A_1350 = arith.constant 48 : i32
      %add3A_1351 = arith.addi %mul3A_1349, %add3A_1350 : i32
      %add3A_1352 = arith.constant 6 : i32
      %add3A_1353 = arith.addi %add3A_1351, %add3A_1352 : i32
      %dma_start3A_1354 = arith.constant 0 : i32
      %dma_start3A_1355 = tpu.memref_slice %arg7[%add3A_1353, %dma_start3A_1354] : memref<512x64xf32, #tpu.memory_space<vmem>> -> memref<1x64xf32, #tpu.memory_space<vmem>>
      %dma_start3A_1356 = tpu.memref_squeeze %dma_start3A_1355 : memref<1x64xf32, #tpu.memory_space<vmem>> -> memref<64xf32, #tpu.memory_space<vmem>>
      %dma_start3A_1357 = arith.constant 0 : i32
      %dma_start3A_1358 = tpu.memref_slice %arg2[%shift_right_logical3A_1345, %and3A_1347, %dma_start3A_1357] : memref<125000x8x64xf32, #tpu.memory_space<hbm>> -> memref<1x1x64xf32, #tpu.memory_space<hbm>>
      %dma_start3A_1359 = tpu.memref_squeeze %dma_start3A_1358 : memref<1x1x64xf32, #tpu.memory_space<hbm>> -> memref<64xf32, #tpu.memory_space<hbm>>
      %dma_start3A_1360 = arith.constant 0 : i32
      %dma_start3A_1361 = tpu.memref_slice %arg7[%add3A_1353, %dma_start3A_1360] : memref<512x64xf32, #tpu.memory_space<vmem>> -> memref<1x64xf32, #tpu.memory_space<vmem>>
      %dma_start3A_1362 = tpu.memref_squeeze %dma_start3A_1361 : memref<1x64xf32, #tpu.memory_space<vmem>> -> memref<64xf32, #tpu.memory_space<vmem>>
      %dma_start3A_1363 = arith.constant 0 : i32
      %dma_start3A_1364 = tpu.memref_slice %arg2[%shift_right_logical3A_1345, %and3A_1347, %dma_start3A_1363] : memref<125000x8x64xf32, #tpu.memory_space<hbm>> -> memref<1x1x64xf32, #tpu.memory_space<hbm>>
      %dma_start3A_1365 = tpu.memref_squeeze %dma_start3A_1364 : memref<1x1x64xf32, #tpu.memory_space<hbm>> -> memref<64xf32, #tpu.memory_space<hbm>>
      tpu.enqueue_dma source(%dma_start3A_1365 : memref<64xf32, #tpu.memory_space<hbm>>) target(%dma_start3A_1362 : memref<64xf32, #tpu.memory_space<vmem>>) target_semaphore(%arg9 : memref<!tpu.dma_semaphore, #tpu.memory_space<semaphore_mem>>)
      %slice3A_1366 = vector.extract_strided_slice %get3A_1197 {offsets = [7], sizes = [1], strides = [1]} : vector<16xi32> to vector<1xi32>
      %squeeze3A_1367 = vector.extract %slice3A_1366[0] : i32 from vector<1xi32>
      %shift_right_logical3A_1368 = arith.constant 3 : i32
      %shift_right_logical3A_1369 = arith.shrui %squeeze3A_1367, %shift_right_logical3A_1368 : i32
      %and3A_1370 = arith.constant 7 : i32
      %and3A_1371 = arith.andi %squeeze3A_1367, %and3A_1370 : i32
      %mul3A_1372 = arith.constant 64 : i32
      %mul3A_1373 = arith.muli %scan3A_21, %mul3A_1372 : i32
      %add3A_1374 = arith.constant 48 : i32
      %add3A_1375 = arith.addi %mul3A_1373, %add3A_1374 : i32
      %add3A_1376 = arith.constant 7 : i32
      %add3A_1377 = arith.addi %add3A_1375, %add3A_1376 : i32
      %dma_start3A_1378 = arith.constant 0 : i32
      %dma_start3A_1379 = tpu.memref_slice %arg7[%add3A_1377, %dma_start3A_1378] : memref<512x64xf32, #tpu.memory_space<vmem>> -> memref<1x64xf32, #tpu.memory_space<vmem>>
      %dma_start3A_1380 = tpu.memref_squeeze %dma_start3A_1379 : memref<1x64xf32, #tpu.memory_space<vmem>> -> memref<64xf32, #tpu.memory_space<vmem>>
      %dma_start3A_1381 = arith.constant 0 : i32
      %dma_start3A_1382 = tpu.memref_slice %arg2[%shift_right_logical3A_1369, %and3A_1371, %dma_start3A_1381] : memref<125000x8x64xf32, #tpu.memory_space<hbm>> -> memref<1x1x64xf32, #tpu.memory_space<hbm>>
      %dma_start3A_1383 = tpu.memref_squeeze %dma_start3A_1382 : memref<1x1x64xf32, #tpu.memory_space<hbm>> -> memref<64xf32, #tpu.memory_space<hbm>>
      %dma_start3A_1384 = arith.constant 0 : i32
      %dma_start3A_1385 = tpu.memref_slice %arg7[%add3A_1377, %dma_start3A_1384] : memref<512x64xf32, #tpu.memory_space<vmem>> -> memref<1x64xf32, #tpu.memory_space<vmem>>
      %dma_start3A_1386 = tpu.memref_squeeze %dma_start3A_1385 : memref<1x64xf32, #tpu.memory_space<vmem>> -> memref<64xf32, #tpu.memory_space<vmem>>
      %dma_start3A_1387 = arith.constant 0 : i32
      %dma_start3A_1388 = tpu.memref_slice %arg2[%shift_right_logical3A_1369, %and3A_1371, %dma_start3A_1387] : memref<125000x8x64xf32, #tpu.memory_space<hbm>> -> memref<1x1x64xf32, #tpu.memory_space<hbm>>
      %dma_start3A_1389 = tpu.memref_squeeze %dma_start3A_1388 : memref<1x1x64xf32, #tpu.memory_space<hbm>> -> memref<64xf32, #tpu.memory_space<hbm>>
      tpu.enqueue_dma source(%dma_start3A_1389 : memref<64xf32, #tpu.memory_space<hbm>>) target(%dma_start3A_1386 : memref<64xf32, #tpu.memory_space<vmem>>) target_semaphore(%arg9 : memref<!tpu.dma_semaphore, #tpu.memory_space<semaphore_mem>>)
      %slice3A_1390 = vector.extract_strided_slice %get3A_1197 {offsets = [8], sizes = [1], strides = [1]} : vector<16xi32> to vector<1xi32>
      %squeeze3A_1391 = vector.extract %slice3A_1390[0] : i32 from vector<1xi32>
      %shift_right_logical3A_1392 = arith.constant 3 : i32
      %shift_right_logical3A_1393 = arith.shrui %squeeze3A_1391, %shift_right_logical3A_1392 : i32
      %and3A_1394 = arith.constant 7 : i32
      %and3A_1395 = arith.andi %squeeze3A_1391, %and3A_1394 : i32
      %mul3A_1396 = arith.constant 64 : i32
      %mul3A_1397 = arith.muli %scan3A_21, %mul3A_1396 : i32
      %add3A_1398 = arith.constant 48 : i32
      %add3A_1399 = arith.addi %mul3A_1397, %add3A_1398 : i32
      %add3A_1400 = arith.constant 8 : i32
      %add3A_1401 = arith.addi %add3A_1399, %add3A_1400 : i32
      %dma_start3A_1402 = arith.constant 0 : i32
      %dma_start3A_1403 = tpu.memref_slice %arg7[%add3A_1401, %dma_start3A_1402] : memref<512x64xf32, #tpu.memory_space<vmem>> -> memref<1x64xf32, #tpu.memory_space<vmem>>
      %dma_start3A_1404 = tpu.memref_squeeze %dma_start3A_1403 : memref<1x64xf32, #tpu.memory_space<vmem>> -> memref<64xf32, #tpu.memory_space<vmem>>
      %dma_start3A_1405 = arith.constant 0 : i32
      %dma_start3A_1406 = tpu.memref_slice %arg2[%shift_right_logical3A_1393, %and3A_1395, %dma_start3A_1405] : memref<125000x8x64xf32, #tpu.memory_space<hbm>> -> memref<1x1x64xf32, #tpu.memory_space<hbm>>
      %dma_start3A_1407 = tpu.memref_squeeze %dma_start3A_1406 : memref<1x1x64xf32, #tpu.memory_space<hbm>> -> memref<64xf32, #tpu.memory_space<hbm>>
      %dma_start3A_1408 = arith.constant 0 : i32
      %dma_start3A_1409 = tpu.memref_slice %arg7[%add3A_1401, %dma_start3A_1408] : memref<512x64xf32, #tpu.memory_space<vmem>> -> memref<1x64xf32, #tpu.memory_space<vmem>>
      %dma_start3A_1410 = tpu.memref_squeeze %dma_start3A_1409 : memref<1x64xf32, #tpu.memory_space<vmem>> -> memref<64xf32, #tpu.memory_space<vmem>>
      %dma_start3A_1411 = arith.constant 0 : i32
      %dma_start3A_1412 = tpu.memref_slice %arg2[%shift_right_logical3A_1393, %and3A_1395, %dma_start3A_1411] : memref<125000x8x64xf32, #tpu.memory_space<hbm>> -> memref<1x1x64xf32, #tpu.memory_space<hbm>>
      %dma_start3A_1413 = tpu.memref_squeeze %dma_start3A_1412 : memref<1x1x64xf32, #tpu.memory_space<hbm>> -> memref<64xf32, #tpu.memory_space<hbm>>
      tpu.enqueue_dma source(%dma_start3A_1413 : memref<64xf32, #tpu.memory_space<hbm>>) target(%dma_start3A_1410 : memref<64xf32, #tpu.memory_space<vmem>>) target_semaphore(%arg9 : memref<!tpu.dma_semaphore, #tpu.memory_space<semaphore_mem>>)
      %slice3A_1414 = vector.extract_strided_slice %get3A_1197 {offsets = [9], sizes = [1], strides = [1]} : vector<16xi32> to vector<1xi32>
      %squeeze3A_1415 = vector.extract %slice3A_1414[0] : i32 from vector<1xi32>
      %shift_right_logical3A_1416 = arith.constant 3 : i32
      %shift_right_logical3A_1417 = arith.shrui %squeeze3A_1415, %shift_right_logical3A_1416 : i32
      %and3A_1418 = arith.constant 7 : i32
      %and3A_1419 = arith.andi %squeeze3A_1415, %and3A_1418 : i32
      %mul3A_1420 = arith.constant 64 : i32
      %mul3A_1421 = arith.muli %scan3A_21, %mul3A_1420 : i32
      %add3A_1422 = arith.constant 48 : i32
      %add3A_1423 = arith.addi %mul3A_1421, %add3A_1422 : i32
      %add3A_1424 = arith.constant 9 : i32
      %add3A_1425 = arith.addi %add3A_1423, %add3A_1424 : i32
      %dma_start3A_1426 = arith.constant 0 : i32
      %dma_start3A_1427 = tpu.memref_slice %arg7[%add3A_1425, %dma_start3A_1426] : memref<512x64xf32, #tpu.memory_space<vmem>> -> memref<1x64xf32, #tpu.memory_space<vmem>>
      %dma_start3A_1428 = tpu.memref_squeeze %dma_start3A_1427 : memref<1x64xf32, #tpu.memory_space<vmem>> -> memref<64xf32, #tpu.memory_space<vmem>>
      %dma_start3A_1429 = arith.constant 0 : i32
      %dma_start3A_1430 = tpu.memref_slice %arg2[%shift_right_logical3A_1417, %and3A_1419, %dma_start3A_1429] : memref<125000x8x64xf32, #tpu.memory_space<hbm>> -> memref<1x1x64xf32, #tpu.memory_space<hbm>>
      %dma_start3A_1431 = tpu.memref_squeeze %dma_start3A_1430 : memref<1x1x64xf32, #tpu.memory_space<hbm>> -> memref<64xf32, #tpu.memory_space<hbm>>
      %dma_start3A_1432 = arith.constant 0 : i32
      %dma_start3A_1433 = tpu.memref_slice %arg7[%add3A_1425, %dma_start3A_1432] : memref<512x64xf32, #tpu.memory_space<vmem>> -> memref<1x64xf32, #tpu.memory_space<vmem>>
      %dma_start3A_1434 = tpu.memref_squeeze %dma_start3A_1433 : memref<1x64xf32, #tpu.memory_space<vmem>> -> memref<64xf32, #tpu.memory_space<vmem>>
      %dma_start3A_1435 = arith.constant 0 : i32
      %dma_start3A_1436 = tpu.memref_slice %arg2[%shift_right_logical3A_1417, %and3A_1419, %dma_start3A_1435] : memref<125000x8x64xf32, #tpu.memory_space<hbm>> -> memref<1x1x64xf32, #tpu.memory_space<hbm>>
      %dma_start3A_1437 = tpu.memref_squeeze %dma_start3A_1436 : memref<1x1x64xf32, #tpu.memory_space<hbm>> -> memref<64xf32, #tpu.memory_space<hbm>>
      tpu.enqueue_dma source(%dma_start3A_1437 : memref<64xf32, #tpu.memory_space<hbm>>) target(%dma_start3A_1434 : memref<64xf32, #tpu.memory_space<vmem>>) target_semaphore(%arg9 : memref<!tpu.dma_semaphore, #tpu.memory_space<semaphore_mem>>)
      %slice3A_1438 = vector.extract_strided_slice %get3A_1197 {offsets = [10], sizes = [1], strides = [1]} : vector<16xi32> to vector<1xi32>
      %squeeze3A_1439 = vector.extract %slice3A_1438[0] : i32 from vector<1xi32>
      %shift_right_logical3A_1440 = arith.constant 3 : i32
      %shift_right_logical3A_1441 = arith.shrui %squeeze3A_1439, %shift_right_logical3A_1440 : i32
      %and3A_1442 = arith.constant 7 : i32
      %and3A_1443 = arith.andi %squeeze3A_1439, %and3A_1442 : i32
      %mul3A_1444 = arith.constant 64 : i32
      %mul3A_1445 = arith.muli %scan3A_21, %mul3A_1444 : i32
      %add3A_1446 = arith.constant 48 : i32
      %add3A_1447 = arith.addi %mul3A_1445, %add3A_1446 : i32
      %add3A_1448 = arith.constant 10 : i32
      %add3A_1449 = arith.addi %add3A_1447, %add3A_1448 : i32
      %dma_start3A_1450 = arith.constant 0 : i32
      %dma_start3A_1451 = tpu.memref_slice %arg7[%add3A_1449, %dma_start3A_1450] : memref<512x64xf32, #tpu.memory_space<vmem>> -> memref<1x64xf32, #tpu.memory_space<vmem>>
      %dma_start3A_1452 = tpu.memref_squeeze %dma_start3A_1451 : memref<1x64xf32, #tpu.memory_space<vmem>> -> memref<64xf32, #tpu.memory_space<vmem>>
      %dma_start3A_1453 = arith.constant 0 : i32
      %dma_start3A_1454 = tpu.memref_slice %arg2[%shift_right_logical3A_1441, %and3A_1443, %dma_start3A_1453] : memref<125000x8x64xf32, #tpu.memory_space<hbm>> -> memref<1x1x64xf32, #tpu.memory_space<hbm>>
      %dma_start3A_1455 = tpu.memref_squeeze %dma_start3A_1454 : memref<1x1x64xf32, #tpu.memory_space<hbm>> -> memref<64xf32, #tpu.memory_space<hbm>>
      %dma_start3A_1456 = arith.constant 0 : i32
      %dma_start3A_1457 = tpu.memref_slice %arg7[%add3A_1449, %dma_start3A_1456] : memref<512x64xf32, #tpu.memory_space<vmem>> -> memref<1x64xf32, #tpu.memory_space<vmem>>
      %dma_start3A_1458 = tpu.memref_squeeze %dma_start3A_1457 : memref<1x64xf32, #tpu.memory_space<vmem>> -> memref<64xf32, #tpu.memory_space<vmem>>
      %dma_start3A_1459 = arith.constant 0 : i32
      %dma_start3A_1460 = tpu.memref_slice %arg2[%shift_right_logical3A_1441, %and3A_1443, %dma_start3A_1459] : memref<125000x8x64xf32, #tpu.memory_space<hbm>> -> memref<1x1x64xf32, #tpu.memory_space<hbm>>
      %dma_start3A_1461 = tpu.memref_squeeze %dma_start3A_1460 : memref<1x1x64xf32, #tpu.memory_space<hbm>> -> memref<64xf32, #tpu.memory_space<hbm>>
      tpu.enqueue_dma source(%dma_start3A_1461 : memref<64xf32, #tpu.memory_space<hbm>>) target(%dma_start3A_1458 : memref<64xf32, #tpu.memory_space<vmem>>) target_semaphore(%arg9 : memref<!tpu.dma_semaphore, #tpu.memory_space<semaphore_mem>>)
      %slice3A_1462 = vector.extract_strided_slice %get3A_1197 {offsets = [11], sizes = [1], strides = [1]} : vector<16xi32> to vector<1xi32>
      %squeeze3A_1463 = vector.extract %slice3A_1462[0] : i32 from vector<1xi32>
      %shift_right_logical3A_1464 = arith.constant 3 : i32
      %shift_right_logical3A_1465 = arith.shrui %squeeze3A_1463, %shift_right_logical3A_1464 : i32
      %and3A_1466 = arith.constant 7 : i32
      %and3A_1467 = arith.andi %squeeze3A_1463, %and3A_1466 : i32
      %mul3A_1468 = arith.constant 64 : i32
      %mul3A_1469 = arith.muli %scan3A_21, %mul3A_1468 : i32
      %add3A_1470 = arith.constant 48 : i32
      %add3A_1471 = arith.addi %mul3A_1469, %add3A_1470 : i32
      %add3A_1472 = arith.constant 11 : i32
      %add3A_1473 = arith.addi %add3A_1471, %add3A_1472 : i32
      %dma_start3A_1474 = arith.constant 0 : i32
      %dma_start3A_1475 = tpu.memref_slice %arg7[%add3A_1473, %dma_start3A_1474] : memref<512x64xf32, #tpu.memory_space<vmem>> -> memref<1x64xf32, #tpu.memory_space<vmem>>
      %dma_start3A_1476 = tpu.memref_squeeze %dma_start3A_1475 : memref<1x64xf32, #tpu.memory_space<vmem>> -> memref<64xf32, #tpu.memory_space<vmem>>
      %dma_start3A_1477 = arith.constant 0 : i32
      %dma_start3A_1478 = tpu.memref_slice %arg2[%shift_right_logical3A_1465, %and3A_1467, %dma_start3A_1477] : memref<125000x8x64xf32, #tpu.memory_space<hbm>> -> memref<1x1x64xf32, #tpu.memory_space<hbm>>
      %dma_start3A_1479 = tpu.memref_squeeze %dma_start3A_1478 : memref<1x1x64xf32, #tpu.memory_space<hbm>> -> memref<64xf32, #tpu.memory_space<hbm>>
      %dma_start3A_1480 = arith.constant 0 : i32
      %dma_start3A_1481 = tpu.memref_slice %arg7[%add3A_1473, %dma_start3A_1480] : memref<512x64xf32, #tpu.memory_space<vmem>> -> memref<1x64xf32, #tpu.memory_space<vmem>>
      %dma_start3A_1482 = tpu.memref_squeeze %dma_start3A_1481 : memref<1x64xf32, #tpu.memory_space<vmem>> -> memref<64xf32, #tpu.memory_space<vmem>>
      %dma_start3A_1483 = arith.constant 0 : i32
      %dma_start3A_1484 = tpu.memref_slice %arg2[%shift_right_logical3A_1465, %and3A_1467, %dma_start3A_1483] : memref<125000x8x64xf32, #tpu.memory_space<hbm>> -> memref<1x1x64xf32, #tpu.memory_space<hbm>>
      %dma_start3A_1485 = tpu.memref_squeeze %dma_start3A_1484 : memref<1x1x64xf32, #tpu.memory_space<hbm>> -> memref<64xf32, #tpu.memory_space<hbm>>
      tpu.enqueue_dma source(%dma_start3A_1485 : memref<64xf32, #tpu.memory_space<hbm>>) target(%dma_start3A_1482 : memref<64xf32, #tpu.memory_space<vmem>>) target_semaphore(%arg9 : memref<!tpu.dma_semaphore, #tpu.memory_space<semaphore_mem>>)
      %slice3A_1486 = vector.extract_strided_slice %get3A_1197 {offsets = [12], sizes = [1], strides = [1]} : vector<16xi32> to vector<1xi32>
      %squeeze3A_1487 = vector.extract %slice3A_1486[0] : i32 from vector<1xi32>
      %shift_right_logical3A_1488 = arith.constant 3 : i32
      %shift_right_logical3A_1489 = arith.shrui %squeeze3A_1487, %shift_right_logical3A_1488 : i32
      %and3A_1490 = arith.constant 7 : i32
      %and3A_1491 = arith.andi %squeeze3A_1487, %and3A_1490 : i32
      %mul3A_1492 = arith.constant 64 : i32
      %mul3A_1493 = arith.muli %scan3A_21, %mul3A_1492 : i32
      %add3A_1494 = arith.constant 48 : i32
      %add3A_1495 = arith.addi %mul3A_1493, %add3A_1494 : i32
      %add3A_1496 = arith.constant 12 : i32
      %add3A_1497 = arith.addi %add3A_1495, %add3A_1496 : i32
      %dma_start3A_1498 = arith.constant 0 : i32
      %dma_start3A_1499 = tpu.memref_slice %arg7[%add3A_1497, %dma_start3A_1498] : memref<512x64xf32, #tpu.memory_space<vmem>> -> memref<1x64xf32, #tpu.memory_space<vmem>>
      %dma_start3A_1500 = tpu.memref_squeeze %dma_start3A_1499 : memref<1x64xf32, #tpu.memory_space<vmem>> -> memref<64xf32, #tpu.memory_space<vmem>>
      %dma_start3A_1501 = arith.constant 0 : i32
      %dma_start3A_1502 = tpu.memref_slice %arg2[%shift_right_logical3A_1489, %and3A_1491, %dma_start3A_1501] : memref<125000x8x64xf32, #tpu.memory_space<hbm>> -> memref<1x1x64xf32, #tpu.memory_space<hbm>>
      %dma_start3A_1503 = tpu.memref_squeeze %dma_start3A_1502 : memref<1x1x64xf32, #tpu.memory_space<hbm>> -> memref<64xf32, #tpu.memory_space<hbm>>
      %dma_start3A_1504 = arith.constant 0 : i32
      %dma_start3A_1505 = tpu.memref_slice %arg7[%add3A_1497, %dma_start3A_1504] : memref<512x64xf32, #tpu.memory_space<vmem>> -> memref<1x64xf32, #tpu.memory_space<vmem>>
      %dma_start3A_1506 = tpu.memref_squeeze %dma_start3A_1505 : memref<1x64xf32, #tpu.memory_space<vmem>> -> memref<64xf32, #tpu.memory_space<vmem>>
      %dma_start3A_1507 = arith.constant 0 : i32
      %dma_start3A_1508 = tpu.memref_slice %arg2[%shift_right_logical3A_1489, %and3A_1491, %dma_start3A_1507] : memref<125000x8x64xf32, #tpu.memory_space<hbm>> -> memref<1x1x64xf32, #tpu.memory_space<hbm>>
      %dma_start3A_1509 = tpu.memref_squeeze %dma_start3A_1508 : memref<1x1x64xf32, #tpu.memory_space<hbm>> -> memref<64xf32, #tpu.memory_space<hbm>>
      tpu.enqueue_dma source(%dma_start3A_1509 : memref<64xf32, #tpu.memory_space<hbm>>) target(%dma_start3A_1506 : memref<64xf32, #tpu.memory_space<vmem>>) target_semaphore(%arg9 : memref<!tpu.dma_semaphore, #tpu.memory_space<semaphore_mem>>)
      %slice3A_1510 = vector.extract_strided_slice %get3A_1197 {offsets = [13], sizes = [1], strides = [1]} : vector<16xi32> to vector<1xi32>
      %squeeze3A_1511 = vector.extract %slice3A_1510[0] : i32 from vector<1xi32>
      %shift_right_logical3A_1512 = arith.constant 3 : i32
      %shift_right_logical3A_1513 = arith.shrui %squeeze3A_1511, %shift_right_logical3A_1512 : i32
      %and3A_1514 = arith.constant 7 : i32
      %and3A_1515 = arith.andi %squeeze3A_1511, %and3A_1514 : i32
      %mul3A_1516 = arith.constant 64 : i32
      %mul3A_1517 = arith.muli %scan3A_21, %mul3A_1516 : i32
      %add3A_1518 = arith.constant 48 : i32
      %add3A_1519 = arith.addi %mul3A_1517, %add3A_1518 : i32
      %add3A_1520 = arith.constant 13 : i32
      %add3A_1521 = arith.addi %add3A_1519, %add3A_1520 : i32
      %dma_start3A_1522 = arith.constant 0 : i32
      %dma_start3A_1523 = tpu.memref_slice %arg7[%add3A_1521, %dma_start3A_1522] : memref<512x64xf32, #tpu.memory_space<vmem>> -> memref<1x64xf32, #tpu.memory_space<vmem>>
      %dma_start3A_1524 = tpu.memref_squeeze %dma_start3A_1523 : memref<1x64xf32, #tpu.memory_space<vmem>> -> memref<64xf32, #tpu.memory_space<vmem>>
      %dma_start3A_1525 = arith.constant 0 : i32
      %dma_start3A_1526 = tpu.memref_slice %arg2[%shift_right_logical3A_1513, %and3A_1515, %dma_start3A_1525] : memref<125000x8x64xf32, #tpu.memory_space<hbm>> -> memref<1x1x64xf32, #tpu.memory_space<hbm>>
      %dma_start3A_1527 = tpu.memref_squeeze %dma_start3A_1526 : memref<1x1x64xf32, #tpu.memory_space<hbm>> -> memref<64xf32, #tpu.memory_space<hbm>>
      %dma_start3A_1528 = arith.constant 0 : i32
      %dma_start3A_1529 = tpu.memref_slice %arg7[%add3A_1521, %dma_start3A_1528] : memref<512x64xf32, #tpu.memory_space<vmem>> -> memref<1x64xf32, #tpu.memory_space<vmem>>
      %dma_start3A_1530 = tpu.memref_squeeze %dma_start3A_1529 : memref<1x64xf32, #tpu.memory_space<vmem>> -> memref<64xf32, #tpu.memory_space<vmem>>
      %dma_start3A_1531 = arith.constant 0 : i32
      %dma_start3A_1532 = tpu.memref_slice %arg2[%shift_right_logical3A_1513, %and3A_1515, %dma_start3A_1531] : memref<125000x8x64xf32, #tpu.memory_space<hbm>> -> memref<1x1x64xf32, #tpu.memory_space<hbm>>
      %dma_start3A_1533 = tpu.memref_squeeze %dma_start3A_1532 : memref<1x1x64xf32, #tpu.memory_space<hbm>> -> memref<64xf32, #tpu.memory_space<hbm>>
      tpu.enqueue_dma source(%dma_start3A_1533 : memref<64xf32, #tpu.memory_space<hbm>>) target(%dma_start3A_1530 : memref<64xf32, #tpu.memory_space<vmem>>) target_semaphore(%arg9 : memref<!tpu.dma_semaphore, #tpu.memory_space<semaphore_mem>>)
      %slice3A_1534 = vector.extract_strided_slice %get3A_1197 {offsets = [14], sizes = [1], strides = [1]} : vector<16xi32> to vector<1xi32>
      %squeeze3A_1535 = vector.extract %slice3A_1534[0] : i32 from vector<1xi32>
      %shift_right_logical3A_1536 = arith.constant 3 : i32
      %shift_right_logical3A_1537 = arith.shrui %squeeze3A_1535, %shift_right_logical3A_1536 : i32
      %and3A_1538 = arith.constant 7 : i32
      %and3A_1539 = arith.andi %squeeze3A_1535, %and3A_1538 : i32
      %mul3A_1540 = arith.constant 64 : i32
      %mul3A_1541 = arith.muli %scan3A_21, %mul3A_1540 : i32
      %add3A_1542 = arith.constant 48 : i32
      %add3A_1543 = arith.addi %mul3A_1541, %add3A_1542 : i32
      %add3A_1544 = arith.constant 14 : i32
      %add3A_1545 = arith.addi %add3A_1543, %add3A_1544 : i32
      %dma_start3A_1546 = arith.constant 0 : i32
      %dma_start3A_1547 = tpu.memref_slice %arg7[%add3A_1545, %dma_start3A_1546] : memref<512x64xf32, #tpu.memory_space<vmem>> -> memref<1x64xf32, #tpu.memory_space<vmem>>
      %dma_start3A_1548 = tpu.memref_squeeze %dma_start3A_1547 : memref<1x64xf32, #tpu.memory_space<vmem>> -> memref<64xf32, #tpu.memory_space<vmem>>
      %dma_start3A_1549 = arith.constant 0 : i32
      %dma_start3A_1550 = tpu.memref_slice %arg2[%shift_right_logical3A_1537, %and3A_1539, %dma_start3A_1549] : memref<125000x8x64xf32, #tpu.memory_space<hbm>> -> memref<1x1x64xf32, #tpu.memory_space<hbm>>
      %dma_start3A_1551 = tpu.memref_squeeze %dma_start3A_1550 : memref<1x1x64xf32, #tpu.memory_space<hbm>> -> memref<64xf32, #tpu.memory_space<hbm>>
      %dma_start3A_1552 = arith.constant 0 : i32
      %dma_start3A_1553 = tpu.memref_slice %arg7[%add3A_1545, %dma_start3A_1552] : memref<512x64xf32, #tpu.memory_space<vmem>> -> memref<1x64xf32, #tpu.memory_space<vmem>>
      %dma_start3A_1554 = tpu.memref_squeeze %dma_start3A_1553 : memref<1x64xf32, #tpu.memory_space<vmem>> -> memref<64xf32, #tpu.memory_space<vmem>>
      %dma_start3A_1555 = arith.constant 0 : i32
      %dma_start3A_1556 = tpu.memref_slice %arg2[%shift_right_logical3A_1537, %and3A_1539, %dma_start3A_1555] : memref<125000x8x64xf32, #tpu.memory_space<hbm>> -> memref<1x1x64xf32, #tpu.memory_space<hbm>>
      %dma_start3A_1557 = tpu.memref_squeeze %dma_start3A_1556 : memref<1x1x64xf32, #tpu.memory_space<hbm>> -> memref<64xf32, #tpu.memory_space<hbm>>
      tpu.enqueue_dma source(%dma_start3A_1557 : memref<64xf32, #tpu.memory_space<hbm>>) target(%dma_start3A_1554 : memref<64xf32, #tpu.memory_space<vmem>>) target_semaphore(%arg9 : memref<!tpu.dma_semaphore, #tpu.memory_space<semaphore_mem>>)
      %slice3A_1558 = vector.extract_strided_slice %get3A_1197 {offsets = [15], sizes = [1], strides = [1]} : vector<16xi32> to vector<1xi32>
      %squeeze3A_1559 = vector.extract %slice3A_1558[0] : i32 from vector<1xi32>
      %shift_right_logical3A_1560 = arith.constant 3 : i32
      %shift_right_logical3A_1561 = arith.shrui %squeeze3A_1559, %shift_right_logical3A_1560 : i32
      %and3A_1562 = arith.constant 7 : i32
      %and3A_1563 = arith.andi %squeeze3A_1559, %and3A_1562 : i32
      %mul3A_1564 = arith.constant 64 : i32
      %mul3A_1565 = arith.muli %scan3A_21, %mul3A_1564 : i32
      %add3A_1566 = arith.constant 48 : i32
      %add3A_1567 = arith.addi %mul3A_1565, %add3A_1566 : i32
      %add3A_1568 = arith.constant 15 : i32
      %add3A_1569 = arith.addi %add3A_1567, %add3A_1568 : i32
      %dma_start3A_1570 = arith.constant 0 : i32
      %dma_start3A_1571 = tpu.memref_slice %arg7[%add3A_1569, %dma_start3A_1570] : memref<512x64xf32, #tpu.memory_space<vmem>> -> memref<1x64xf32, #tpu.memory_space<vmem>>
      %dma_start3A_1572 = tpu.memref_squeeze %dma_start3A_1571 : memref<1x64xf32, #tpu.memory_space<vmem>> -> memref<64xf32, #tpu.memory_space<vmem>>
      %dma_start3A_1573 = arith.constant 0 : i32
      %dma_start3A_1574 = tpu.memref_slice %arg2[%shift_right_logical3A_1561, %and3A_1563, %dma_start3A_1573] : memref<125000x8x64xf32, #tpu.memory_space<hbm>> -> memref<1x1x64xf32, #tpu.memory_space<hbm>>
      %dma_start3A_1575 = tpu.memref_squeeze %dma_start3A_1574 : memref<1x1x64xf32, #tpu.memory_space<hbm>> -> memref<64xf32, #tpu.memory_space<hbm>>
      %dma_start3A_1576 = arith.constant 0 : i32
      %dma_start3A_1577 = tpu.memref_slice %arg7[%add3A_1569, %dma_start3A_1576] : memref<512x64xf32, #tpu.memory_space<vmem>> -> memref<1x64xf32, #tpu.memory_space<vmem>>
      %dma_start3A_1578 = tpu.memref_squeeze %dma_start3A_1577 : memref<1x64xf32, #tpu.memory_space<vmem>> -> memref<64xf32, #tpu.memory_space<vmem>>
      %dma_start3A_1579 = arith.constant 0 : i32
      %dma_start3A_1580 = tpu.memref_slice %arg2[%shift_right_logical3A_1561, %and3A_1563, %dma_start3A_1579] : memref<125000x8x64xf32, #tpu.memory_space<hbm>> -> memref<1x1x64xf32, #tpu.memory_space<hbm>>
      %dma_start3A_1581 = tpu.memref_squeeze %dma_start3A_1580 : memref<1x1x64xf32, #tpu.memory_space<hbm>> -> memref<64xf32, #tpu.memory_space<hbm>>
      tpu.enqueue_dma source(%dma_start3A_1581 : memref<64xf32, #tpu.memory_space<hbm>>) target(%dma_start3A_1578 : memref<64xf32, #tpu.memory_space<vmem>>) target_semaphore(%arg9 : memref<!tpu.dma_semaphore, #tpu.memory_space<semaphore_mem>>)
      %dma_wait3A_1582 = arith.constant 0 : i32
      %dma_wait3A_1583 = tpu.memref_slice %arg7[%add3A_36, %dma_wait3A_1582] : memref<512x64xf32, #tpu.memory_space<vmem>> -> memref<1x64xf32, #tpu.memory_space<vmem>>
      %dma_wait3A_1584 = tpu.memref_squeeze %dma_wait3A_1583 : memref<1x64xf32, #tpu.memory_space<vmem>> -> memref<64xf32, #tpu.memory_space<vmem>>
      %dma_wait3A_1585 = arith.constant 0 : i32
      %dma_wait3A_1586 = tpu.memref_slice %arg2[%shift_right_logical3A_29, %and3A_30, %dma_wait3A_1585] : memref<125000x8x64xf32, #tpu.memory_space<hbm>> -> memref<1x1x64xf32, #tpu.memory_space<hbm>>
      %dma_wait3A_1587 = tpu.memref_squeeze %dma_wait3A_1586 : memref<1x1x64xf32, #tpu.memory_space<hbm>> -> memref<64xf32, #tpu.memory_space<hbm>>
      %dma_wait3A_1588 = arith.constant 0 : i32
      %dma_wait3A_1589 = tpu.memref_slice %arg7[%add3A_36, %dma_wait3A_1588] : memref<512x64xf32, #tpu.memory_space<vmem>> -> memref<1x64xf32, #tpu.memory_space<vmem>>
      %dma_wait3A_1590 = tpu.memref_squeeze %dma_wait3A_1589 : memref<1x64xf32, #tpu.memory_space<vmem>> -> memref<64xf32, #tpu.memory_space<vmem>>
      %dma_wait3A_1591 = arith.constant 0 : i32
      %dma_wait3A_1592 = tpu.memref_slice %arg2[%shift_right_logical3A_29, %and3A_30, %dma_wait3A_1591] : memref<125000x8x64xf32, #tpu.memory_space<hbm>> -> memref<1x1x64xf32, #tpu.memory_space<hbm>>
      %dma_wait3A_1593 = tpu.memref_squeeze %dma_wait3A_1592 : memref<1x1x64xf32, #tpu.memory_space<hbm>> -> memref<64xf32, #tpu.memory_space<hbm>>
      tpu.wait_dma2 semaphore(%arg9 : memref<!tpu.dma_semaphore, #tpu.memory_space<semaphore_mem>>) src(%dma_wait3A_1593 : memref<64xf32, #tpu.memory_space<hbm>>) dst(%dma_wait3A_1590 : memref<64xf32, #tpu.memory_space<vmem>>)
      %dma_wait3A_1594 = arith.constant 0 : i32
      %dma_wait3A_1595 = tpu.memref_slice %arg7[%add3A_60, %dma_wait3A_1594] : memref<512x64xf32, #tpu.memory_space<vmem>> -> memref<1x64xf32, #tpu.memory_space<vmem>>
      %dma_wait3A_1596 = tpu.memref_squeeze %dma_wait3A_1595 : memref<1x64xf32, #tpu.memory_space<vmem>> -> memref<64xf32, #tpu.memory_space<vmem>>
      %dma_wait3A_1597 = arith.constant 0 : i32
      %dma_wait3A_1598 = tpu.memref_slice %arg2[%shift_right_logical3A_52, %and3A_54, %dma_wait3A_1597] : memref<125000x8x64xf32, #tpu.memory_space<hbm>> -> memref<1x1x64xf32, #tpu.memory_space<hbm>>
      %dma_wait3A_1599 = tpu.memref_squeeze %dma_wait3A_1598 : memref<1x1x64xf32, #tpu.memory_space<hbm>> -> memref<64xf32, #tpu.memory_space<hbm>>
      %dma_wait3A_1600 = arith.constant 0 : i32
      %dma_wait3A_1601 = tpu.memref_slice %arg7[%add3A_60, %dma_wait3A_1600] : memref<512x64xf32, #tpu.memory_space<vmem>> -> memref<1x64xf32, #tpu.memory_space<vmem>>
      %dma_wait3A_1602 = tpu.memref_squeeze %dma_wait3A_1601 : memref<1x64xf32, #tpu.memory_space<vmem>> -> memref<64xf32, #tpu.memory_space<vmem>>
      %dma_wait3A_1603 = arith.constant 0 : i32
      %dma_wait3A_1604 = tpu.memref_slice %arg2[%shift_right_logical3A_52, %and3A_54, %dma_wait3A_1603] : memref<125000x8x64xf32, #tpu.memory_space<hbm>> -> memref<1x1x64xf32, #tpu.memory_space<hbm>>
      %dma_wait3A_1605 = tpu.memref_squeeze %dma_wait3A_1604 : memref<1x1x64xf32, #tpu.memory_space<hbm>> -> memref<64xf32, #tpu.memory_space<hbm>>
      tpu.wait_dma2 semaphore(%arg9 : memref<!tpu.dma_semaphore, #tpu.memory_space<semaphore_mem>>) src(%dma_wait3A_1605 : memref<64xf32, #tpu.memory_space<hbm>>) dst(%dma_wait3A_1602 : memref<64xf32, #tpu.memory_space<vmem>>)
      %dma_wait3A_1606 = arith.constant 0 : i32
      %dma_wait3A_1607 = tpu.memref_slice %arg7[%add3A_84, %dma_wait3A_1606] : memref<512x64xf32, #tpu.memory_space<vmem>> -> memref<1x64xf32, #tpu.memory_space<vmem>>
      %dma_wait3A_1608 = tpu.memref_squeeze %dma_wait3A_1607 : memref<1x64xf32, #tpu.memory_space<vmem>> -> memref<64xf32, #tpu.memory_space<vmem>>
      %dma_wait3A_1609 = arith.constant 0 : i32
      %dma_wait3A_1610 = tpu.memref_slice %arg2[%shift_right_logical3A_76, %and3A_78, %dma_wait3A_1609] : memref<125000x8x64xf32, #tpu.memory_space<hbm>> -> memref<1x1x64xf32, #tpu.memory_space<hbm>>
      %dma_wait3A_1611 = tpu.memref_squeeze %dma_wait3A_1610 : memref<1x1x64xf32, #tpu.memory_space<hbm>> -> memref<64xf32, #tpu.memory_space<hbm>>
      %dma_wait3A_1612 = arith.constant 0 : i32
      %dma_wait3A_1613 = tpu.memref_slice %arg7[%add3A_84, %dma_wait3A_1612] : memref<512x64xf32, #tpu.memory_space<vmem>> -> memref<1x64xf32, #tpu.memory_space<vmem>>
      %dma_wait3A_1614 = tpu.memref_squeeze %dma_wait3A_1613 : memref<1x64xf32, #tpu.memory_space<vmem>> -> memref<64xf32, #tpu.memory_space<vmem>>
      %dma_wait3A_1615 = arith.constant 0 : i32
      %dma_wait3A_1616 = tpu.memref_slice %arg2[%shift_right_logical3A_76, %and3A_78, %dma_wait3A_1615] : memref<125000x8x64xf32, #tpu.memory_space<hbm>> -> memref<1x1x64xf32, #tpu.memory_space<hbm>>
      %dma_wait3A_1617 = tpu.memref_squeeze %dma_wait3A_1616 : memref<1x1x64xf32, #tpu.memory_space<hbm>> -> memref<64xf32, #tpu.memory_space<hbm>>
      tpu.wait_dma2 semaphore(%arg9 : memref<!tpu.dma_semaphore, #tpu.memory_space<semaphore_mem>>) src(%dma_wait3A_1617 : memref<64xf32, #tpu.memory_space<hbm>>) dst(%dma_wait3A_1614 : memref<64xf32, #tpu.memory_space<vmem>>)
      %dma_wait3A_1618 = arith.constant 0 : i32
      %dma_wait3A_1619 = tpu.memref_slice %arg7[%add3A_108, %dma_wait3A_1618] : memref<512x64xf32, #tpu.memory_space<vmem>> -> memref<1x64xf32, #tpu.memory_space<vmem>>
      %dma_wait3A_1620 = tpu.memref_squeeze %dma_wait3A_1619 : memref<1x64xf32, #tpu.memory_space<vmem>> -> memref<64xf32, #tpu.memory_space<vmem>>
      %dma_wait3A_1621 = arith.constant 0 : i32
      %dma_wait3A_1622 = tpu.memref_slice %arg2[%shift_right_logical3A_100, %and3A_102, %dma_wait3A_1621] : memref<125000x8x64xf32, #tpu.memory_space<hbm>> -> memref<1x1x64xf32, #tpu.memory_space<hbm>>
      %dma_wait3A_1623 = tpu.memref_squeeze %dma_wait3A_1622 : memref<1x1x64xf32, #tpu.memory_space<hbm>> -> memref<64xf32, #tpu.memory_space<hbm>>
      %dma_wait3A_1624 = arith.constant 0 : i32
      %dma_wait3A_1625 = tpu.memref_slice %arg7[%add3A_108, %dma_wait3A_1624] : memref<512x64xf32, #tpu.memory_space<vmem>> -> memref<1x64xf32, #tpu.memory_space<vmem>>
      %dma_wait3A_1626 = tpu.memref_squeeze %dma_wait3A_1625 : memref<1x64xf32, #tpu.memory_space<vmem>> -> memref<64xf32, #tpu.memory_space<vmem>>
      %dma_wait3A_1627 = arith.constant 0 : i32
      %dma_wait3A_1628 = tpu.memref_slice %arg2[%shift_right_logical3A_100, %and3A_102, %dma_wait3A_1627] : memref<125000x8x64xf32, #tpu.memory_space<hbm>> -> memref<1x1x64xf32, #tpu.memory_space<hbm>>
      %dma_wait3A_1629 = tpu.memref_squeeze %dma_wait3A_1628 : memref<1x1x64xf32, #tpu.memory_space<hbm>> -> memref<64xf32, #tpu.memory_space<hbm>>
      tpu.wait_dma2 semaphore(%arg9 : memref<!tpu.dma_semaphore, #tpu.memory_space<semaphore_mem>>) src(%dma_wait3A_1629 : memref<64xf32, #tpu.memory_space<hbm>>) dst(%dma_wait3A_1626 : memref<64xf32, #tpu.memory_space<vmem>>)
      %dma_wait3A_1630 = arith.constant 0 : i32
      %dma_wait3A_1631 = tpu.memref_slice %arg7[%add3A_132, %dma_wait3A_1630] : memref<512x64xf32, #tpu.memory_space<vmem>> -> memref<1x64xf32, #tpu.memory_space<vmem>>
      %dma_wait3A_1632 = tpu.memref_squeeze %dma_wait3A_1631 : memref<1x64xf32, #tpu.memory_space<vmem>> -> memref<64xf32, #tpu.memory_space<vmem>>
      %dma_wait3A_1633 = arith.constant 0 : i32
      %dma_wait3A_1634 = tpu.memref_slice %arg2[%shift_right_logical3A_124, %and3A_126, %dma_wait3A_1633] : memref<125000x8x64xf32, #tpu.memory_space<hbm>> -> memref<1x1x64xf32, #tpu.memory_space<hbm>>
      %dma_wait3A_1635 = tpu.memref_squeeze %dma_wait3A_1634 : memref<1x1x64xf32, #tpu.memory_space<hbm>> -> memref<64xf32, #tpu.memory_space<hbm>>
      %dma_wait3A_1636 = arith.constant 0 : i32
      %dma_wait3A_1637 = tpu.memref_slice %arg7[%add3A_132, %dma_wait3A_1636] : memref<512x64xf32, #tpu.memory_space<vmem>> -> memref<1x64xf32, #tpu.memory_space<vmem>>
      %dma_wait3A_1638 = tpu.memref_squeeze %dma_wait3A_1637 : memref<1x64xf32, #tpu.memory_space<vmem>> -> memref<64xf32, #tpu.memory_space<vmem>>
      %dma_wait3A_1639 = arith.constant 0 : i32
      %dma_wait3A_1640 = tpu.memref_slice %arg2[%shift_right_logical3A_124, %and3A_126, %dma_wait3A_1639] : memref<125000x8x64xf32, #tpu.memory_space<hbm>> -> memref<1x1x64xf32, #tpu.memory_space<hbm>>
      %dma_wait3A_1641 = tpu.memref_squeeze %dma_wait3A_1640 : memref<1x1x64xf32, #tpu.memory_space<hbm>> -> memref<64xf32, #tpu.memory_space<hbm>>
      tpu.wait_dma2 semaphore(%arg9 : memref<!tpu.dma_semaphore, #tpu.memory_space<semaphore_mem>>) src(%dma_wait3A_1641 : memref<64xf32, #tpu.memory_space<hbm>>) dst(%dma_wait3A_1638 : memref<64xf32, #tpu.memory_space<vmem>>)
      %dma_wait3A_1642 = arith.constant 0 : i32
      %dma_wait3A_1643 = tpu.memref_slice %arg7[%add3A_156, %dma_wait3A_1642] : memref<512x64xf32, #tpu.memory_space<vmem>> -> memref<1x64xf32, #tpu.memory_space<vmem>>
      %dma_wait3A_1644 = tpu.memref_squeeze %dma_wait3A_1643 : memref<1x64xf32, #tpu.memory_space<vmem>> -> memref<64xf32, #tpu.memory_space<vmem>>
      %dma_wait3A_1645 = arith.constant 0 : i32
      %dma_wait3A_1646 = tpu.memref_slice %arg2[%shift_right_logical3A_148, %and3A_150, %dma_wait3A_1645] : memref<125000x8x64xf32, #tpu.memory_space<hbm>> -> memref<1x1x64xf32, #tpu.memory_space<hbm>>
      %dma_wait3A_1647 = tpu.memref_squeeze %dma_wait3A_1646 : memref<1x1x64xf32, #tpu.memory_space<hbm>> -> memref<64xf32, #tpu.memory_space<hbm>>
      %dma_wait3A_1648 = arith.constant 0 : i32
      %dma_wait3A_1649 = tpu.memref_slice %arg7[%add3A_156, %dma_wait3A_1648] : memref<512x64xf32, #tpu.memory_space<vmem>> -> memref<1x64xf32, #tpu.memory_space<vmem>>
      %dma_wait3A_1650 = tpu.memref_squeeze %dma_wait3A_1649 : memref<1x64xf32, #tpu.memory_space<vmem>> -> memref<64xf32, #tpu.memory_space<vmem>>
      %dma_wait3A_1651 = arith.constant 0 : i32
      %dma_wait3A_1652 = tpu.memref_slice %arg2[%shift_right_logical3A_148, %and3A_150, %dma_wait3A_1651] : memref<125000x8x64xf32, #tpu.memory_space<hbm>> -> memref<1x1x64xf32, #tpu.memory_space<hbm>>
      %dma_wait3A_1653 = tpu.memref_squeeze %dma_wait3A_1652 : memref<1x1x64xf32, #tpu.memory_space<hbm>> -> memref<64xf32, #tpu.memory_space<hbm>>
      tpu.wait_dma2 semaphore(%arg9 : memref<!tpu.dma_semaphore, #tpu.memory_space<semaphore_mem>>) src(%dma_wait3A_1653 : memref<64xf32, #tpu.memory_space<hbm>>) dst(%dma_wait3A_1650 : memref<64xf32, #tpu.memory_space<vmem>>)
      %dma_wait3A_1654 = arith.constant 0 : i32
      %dma_wait3A_1655 = tpu.memref_slice %arg7[%add3A_180, %dma_wait3A_1654] : memref<512x64xf32, #tpu.memory_space<vmem>> -> memref<1x64xf32, #tpu.memory_space<vmem>>
      %dma_wait3A_1656 = tpu.memref_squeeze %dma_wait3A_1655 : memref<1x64xf32, #tpu.memory_space<vmem>> -> memref<64xf32, #tpu.memory_space<vmem>>
      %dma_wait3A_1657 = arith.constant 0 : i32
      %dma_wait3A_1658 = tpu.memref_slice %arg2[%shift_right_logical3A_172, %and3A_174, %dma_wait3A_1657] : memref<125000x8x64xf32, #tpu.memory_space<hbm>> -> memref<1x1x64xf32, #tpu.memory_space<hbm>>
      %dma_wait3A_1659 = tpu.memref_squeeze %dma_wait3A_1658 : memref<1x1x64xf32, #tpu.memory_space<hbm>> -> memref<64xf32, #tpu.memory_space<hbm>>
      %dma_wait3A_1660 = arith.constant 0 : i32
      %dma_wait3A_1661 = tpu.memref_slice %arg7[%add3A_180, %dma_wait3A_1660] : memref<512x64xf32, #tpu.memory_space<vmem>> -> memref<1x64xf32, #tpu.memory_space<vmem>>
      %dma_wait3A_1662 = tpu.memref_squeeze %dma_wait3A_1661 : memref<1x64xf32, #tpu.memory_space<vmem>> -> memref<64xf32, #tpu.memory_space<vmem>>
      %dma_wait3A_1663 = arith.constant 0 : i32
      %dma_wait3A_1664 = tpu.memref_slice %arg2[%shift_right_logical3A_172, %and3A_174, %dma_wait3A_1663] : memref<125000x8x64xf32, #tpu.memory_space<hbm>> -> memref<1x1x64xf32, #tpu.memory_space<hbm>>
      %dma_wait3A_1665 = tpu.memref_squeeze %dma_wait3A_1664 : memref<1x1x64xf32, #tpu.memory_space<hbm>> -> memref<64xf32, #tpu.memory_space<hbm>>
      tpu.wait_dma2 semaphore(%arg9 : memref<!tpu.dma_semaphore, #tpu.memory_space<semaphore_mem>>) src(%dma_wait3A_1665 : memref<64xf32, #tpu.memory_space<hbm>>) dst(%dma_wait3A_1662 : memref<64xf32, #tpu.memory_space<vmem>>)
      %dma_wait3A_1666 = arith.constant 0 : i32
      %dma_wait3A_1667 = tpu.memref_slice %arg7[%add3A_204, %dma_wait3A_1666] : memref<512x64xf32, #tpu.memory_space<vmem>> -> memref<1x64xf32, #tpu.memory_space<vmem>>
      %dma_wait3A_1668 = tpu.memref_squeeze %dma_wait3A_1667 : memref<1x64xf32, #tpu.memory_space<vmem>> -> memref<64xf32, #tpu.memory_space<vmem>>
      %dma_wait3A_1669 = arith.constant 0 : i32
      %dma_wait3A_1670 = tpu.memref_slice %arg2[%shift_right_logical3A_196, %and3A_198, %dma_wait3A_1669] : memref<125000x8x64xf32, #tpu.memory_space<hbm>> -> memref<1x1x64xf32, #tpu.memory_space<hbm>>
      %dma_wait3A_1671 = tpu.memref_squeeze %dma_wait3A_1670 : memref<1x1x64xf32, #tpu.memory_space<hbm>> -> memref<64xf32, #tpu.memory_space<hbm>>
      %dma_wait3A_1672 = arith.constant 0 : i32
      %dma_wait3A_1673 = tpu.memref_slice %arg7[%add3A_204, %dma_wait3A_1672] : memref<512x64xf32, #tpu.memory_space<vmem>> -> memref<1x64xf32, #tpu.memory_space<vmem>>
      %dma_wait3A_1674 = tpu.memref_squeeze %dma_wait3A_1673 : memref<1x64xf32, #tpu.memory_space<vmem>> -> memref<64xf32, #tpu.memory_space<vmem>>
      %dma_wait3A_1675 = arith.constant 0 : i32
      %dma_wait3A_1676 = tpu.memref_slice %arg2[%shift_right_logical3A_196, %and3A_198, %dma_wait3A_1675] : memref<125000x8x64xf32, #tpu.memory_space<hbm>> -> memref<1x1x64xf32, #tpu.memory_space<hbm>>
      %dma_wait3A_1677 = tpu.memref_squeeze %dma_wait3A_1676 : memref<1x1x64xf32, #tpu.memory_space<hbm>> -> memref<64xf32, #tpu.memory_space<hbm>>
      tpu.wait_dma2 semaphore(%arg9 : memref<!tpu.dma_semaphore, #tpu.memory_space<semaphore_mem>>) src(%dma_wait3A_1677 : memref<64xf32, #tpu.memory_space<hbm>>) dst(%dma_wait3A_1674 : memref<64xf32, #tpu.memory_space<vmem>>)
      %dma_wait3A_1678 = arith.constant 0 : i32
      %dma_wait3A_1679 = tpu.memref_slice %arg7[%add3A_228, %dma_wait3A_1678] : memref<512x64xf32, #tpu.memory_space<vmem>> -> memref<1x64xf32, #tpu.memory_space<vmem>>
      %dma_wait3A_1680 = tpu.memref_squeeze %dma_wait3A_1679 : memref<1x64xf32, #tpu.memory_space<vmem>> -> memref<64xf32, #tpu.memory_space<vmem>>
      %dma_wait3A_1681 = arith.constant 0 : i32
      %dma_wait3A_1682 = tpu.memref_slice %arg2[%shift_right_logical3A_220, %and3A_222, %dma_wait3A_1681] : memref<125000x8x64xf32, #tpu.memory_space<hbm>> -> memref<1x1x64xf32, #tpu.memory_space<hbm>>
      %dma_wait3A_1683 = tpu.memref_squeeze %dma_wait3A_1682 : memref<1x1x64xf32, #tpu.memory_space<hbm>> -> memref<64xf32, #tpu.memory_space<hbm>>
      %dma_wait3A_1684 = arith.constant 0 : i32
      %dma_wait3A_1685 = tpu.memref_slice %arg7[%add3A_228, %dma_wait3A_1684] : memref<512x64xf32, #tpu.memory_space<vmem>> -> memref<1x64xf32, #tpu.memory_space<vmem>>
      %dma_wait3A_1686 = tpu.memref_squeeze %dma_wait3A_1685 : memref<1x64xf32, #tpu.memory_space<vmem>> -> memref<64xf32, #tpu.memory_space<vmem>>
      %dma_wait3A_1687 = arith.constant 0 : i32
      %dma_wait3A_1688 = tpu.memref_slice %arg2[%shift_right_logical3A_220, %and3A_222, %dma_wait3A_1687] : memref<125000x8x64xf32, #tpu.memory_space<hbm>> -> memref<1x1x64xf32, #tpu.memory_space<hbm>>
      %dma_wait3A_1689 = tpu.memref_squeeze %dma_wait3A_1688 : memref<1x1x64xf32, #tpu.memory_space<hbm>> -> memref<64xf32, #tpu.memory_space<hbm>>
      tpu.wait_dma2 semaphore(%arg9 : memref<!tpu.dma_semaphore, #tpu.memory_space<semaphore_mem>>) src(%dma_wait3A_1689 : memref<64xf32, #tpu.memory_space<hbm>>) dst(%dma_wait3A_1686 : memref<64xf32, #tpu.memory_space<vmem>>)
      %dma_wait3A_1690 = arith.constant 0 : i32
      %dma_wait3A_1691 = tpu.memref_slice %arg7[%add3A_252, %dma_wait3A_1690] : memref<512x64xf32, #tpu.memory_space<vmem>> -> memref<1x64xf32, #tpu.memory_space<vmem>>
      %dma_wait3A_1692 = tpu.memref_squeeze %dma_wait3A_1691 : memref<1x64xf32, #tpu.memory_space<vmem>> -> memref<64xf32, #tpu.memory_space<vmem>>
      %dma_wait3A_1693 = arith.constant 0 : i32
      %dma_wait3A_1694 = tpu.memref_slice %arg2[%shift_right_logical3A_244, %and3A_246, %dma_wait3A_1693] : memref<125000x8x64xf32, #tpu.memory_space<hbm>> -> memref<1x1x64xf32, #tpu.memory_space<hbm>>
      %dma_wait3A_1695 = tpu.memref_squeeze %dma_wait3A_1694 : memref<1x1x64xf32, #tpu.memory_space<hbm>> -> memref<64xf32, #tpu.memory_space<hbm>>
      %dma_wait3A_1696 = arith.constant 0 : i32
      %dma_wait3A_1697 = tpu.memref_slice %arg7[%add3A_252, %dma_wait3A_1696] : memref<512x64xf32, #tpu.memory_space<vmem>> -> memref<1x64xf32, #tpu.memory_space<vmem>>
      %dma_wait3A_1698 = tpu.memref_squeeze %dma_wait3A_1697 : memref<1x64xf32, #tpu.memory_space<vmem>> -> memref<64xf32, #tpu.memory_space<vmem>>
      %dma_wait3A_1699 = arith.constant 0 : i32
      %dma_wait3A_1700 = tpu.memref_slice %arg2[%shift_right_logical3A_244, %and3A_246, %dma_wait3A_1699] : memref<125000x8x64xf32, #tpu.memory_space<hbm>> -> memref<1x1x64xf32, #tpu.memory_space<hbm>>
      %dma_wait3A_1701 = tpu.memref_squeeze %dma_wait3A_1700 : memref<1x1x64xf32, #tpu.memory_space<hbm>> -> memref<64xf32, #tpu.memory_space<hbm>>
      tpu.wait_dma2 semaphore(%arg9 : memref<!tpu.dma_semaphore, #tpu.memory_space<semaphore_mem>>) src(%dma_wait3A_1701 : memref<64xf32, #tpu.memory_space<hbm>>) dst(%dma_wait3A_1698 : memref<64xf32, #tpu.memory_space<vmem>>)
      %dma_wait3A_1702 = arith.constant 0 : i32
      %dma_wait3A_1703 = tpu.memref_slice %arg7[%add3A_276, %dma_wait3A_1702] : memref<512x64xf32, #tpu.memory_space<vmem>> -> memref<1x64xf32, #tpu.memory_space<vmem>>
      %dma_wait3A_1704 = tpu.memref_squeeze %dma_wait3A_1703 : memref<1x64xf32, #tpu.memory_space<vmem>> -> memref<64xf32, #tpu.memory_space<vmem>>
      %dma_wait3A_1705 = arith.constant 0 : i32
      %dma_wait3A_1706 = tpu.memref_slice %arg2[%shift_right_logical3A_268, %and3A_270, %dma_wait3A_1705] : memref<125000x8x64xf32, #tpu.memory_space<hbm>> -> memref<1x1x64xf32, #tpu.memory_space<hbm>>
      %dma_wait3A_1707 = tpu.memref_squeeze %dma_wait3A_1706 : memref<1x1x64xf32, #tpu.memory_space<hbm>> -> memref<64xf32, #tpu.memory_space<hbm>>
      %dma_wait3A_1708 = arith.constant 0 : i32
      %dma_wait3A_1709 = tpu.memref_slice %arg7[%add3A_276, %dma_wait3A_1708] : memref<512x64xf32, #tpu.memory_space<vmem>> -> memref<1x64xf32, #tpu.memory_space<vmem>>
      %dma_wait3A_1710 = tpu.memref_squeeze %dma_wait3A_1709 : memref<1x64xf32, #tpu.memory_space<vmem>> -> memref<64xf32, #tpu.memory_space<vmem>>
      %dma_wait3A_1711 = arith.constant 0 : i32
      %dma_wait3A_1712 = tpu.memref_slice %arg2[%shift_right_logical3A_268, %and3A_270, %dma_wait3A_1711] : memref<125000x8x64xf32, #tpu.memory_space<hbm>> -> memref<1x1x64xf32, #tpu.memory_space<hbm>>
      %dma_wait3A_1713 = tpu.memref_squeeze %dma_wait3A_1712 : memref<1x1x64xf32, #tpu.memory_space<hbm>> -> memref<64xf32, #tpu.memory_space<hbm>>
      tpu.wait_dma2 semaphore(%arg9 : memref<!tpu.dma_semaphore, #tpu.memory_space<semaphore_mem>>) src(%dma_wait3A_1713 : memref<64xf32, #tpu.memory_space<hbm>>) dst(%dma_wait3A_1710 : memref<64xf32, #tpu.memory_space<vmem>>)
      %dma_wait3A_1714 = arith.constant 0 : i32
      %dma_wait3A_1715 = tpu.memref_slice %arg7[%add3A_300, %dma_wait3A_1714] : memref<512x64xf32, #tpu.memory_space<vmem>> -> memref<1x64xf32, #tpu.memory_space<vmem>>
      %dma_wait3A_1716 = tpu.memref_squeeze %dma_wait3A_1715 : memref<1x64xf32, #tpu.memory_space<vmem>> -> memref<64xf32, #tpu.memory_space<vmem>>
      %dma_wait3A_1717 = arith.constant 0 : i32
      %dma_wait3A_1718 = tpu.memref_slice %arg2[%shift_right_logical3A_292, %and3A_294, %dma_wait3A_1717] : memref<125000x8x64xf32, #tpu.memory_space<hbm>> -> memref<1x1x64xf32, #tpu.memory_space<hbm>>
      %dma_wait3A_1719 = tpu.memref_squeeze %dma_wait3A_1718 : memref<1x1x64xf32, #tpu.memory_space<hbm>> -> memref<64xf32, #tpu.memory_space<hbm>>
      %dma_wait3A_1720 = arith.constant 0 : i32
      %dma_wait3A_1721 = tpu.memref_slice %arg7[%add3A_300, %dma_wait3A_1720] : memref<512x64xf32, #tpu.memory_space<vmem>> -> memref<1x64xf32, #tpu.memory_space<vmem>>
      %dma_wait3A_1722 = tpu.memref_squeeze %dma_wait3A_1721 : memref<1x64xf32, #tpu.memory_space<vmem>> -> memref<64xf32, #tpu.memory_space<vmem>>
      %dma_wait3A_1723 = arith.constant 0 : i32
      %dma_wait3A_1724 = tpu.memref_slice %arg2[%shift_right_logical3A_292, %and3A_294, %dma_wait3A_1723] : memref<125000x8x64xf32, #tpu.memory_space<hbm>> -> memref<1x1x64xf32, #tpu.memory_space<hbm>>
      %dma_wait3A_1725 = tpu.memref_squeeze %dma_wait3A_1724 : memref<1x1x64xf32, #tpu.memory_space<hbm>> -> memref<64xf32, #tpu.memory_space<hbm>>
      tpu.wait_dma2 semaphore(%arg9 : memref<!tpu.dma_semaphore, #tpu.memory_space<semaphore_mem>>) src(%dma_wait3A_1725 : memref<64xf32, #tpu.memory_space<hbm>>) dst(%dma_wait3A_1722 : memref<64xf32, #tpu.memory_space<vmem>>)
      %dma_wait3A_1726 = arith.constant 0 : i32
      %dma_wait3A_1727 = tpu.memref_slice %arg7[%add3A_324, %dma_wait3A_1726] : memref<512x64xf32, #tpu.memory_space<vmem>> -> memref<1x64xf32, #tpu.memory_space<vmem>>
      %dma_wait3A_1728 = tpu.memref_squeeze %dma_wait3A_1727 : memref<1x64xf32, #tpu.memory_space<vmem>> -> memref<64xf32, #tpu.memory_space<vmem>>
      %dma_wait3A_1729 = arith.constant 0 : i32
      %dma_wait3A_1730 = tpu.memref_slice %arg2[%shift_right_logical3A_316, %and3A_318, %dma_wait3A_1729] : memref<125000x8x64xf32, #tpu.memory_space<hbm>> -> memref<1x1x64xf32, #tpu.memory_space<hbm>>
      %dma_wait3A_1731 = tpu.memref_squeeze %dma_wait3A_1730 : memref<1x1x64xf32, #tpu.memory_space<hbm>> -> memref<64xf32, #tpu.memory_space<hbm>>
      %dma_wait3A_1732 = arith.constant 0 : i32
      %dma_wait3A_1733 = tpu.memref_slice %arg7[%add3A_324, %dma_wait3A_1732] : memref<512x64xf32, #tpu.memory_space<vmem>> -> memref<1x64xf32, #tpu.memory_space<vmem>>
      %dma_wait3A_1734 = tpu.memref_squeeze %dma_wait3A_1733 : memref<1x64xf32, #tpu.memory_space<vmem>> -> memref<64xf32, #tpu.memory_space<vmem>>
      %dma_wait3A_1735 = arith.constant 0 : i32
      %dma_wait3A_1736 = tpu.memref_slice %arg2[%shift_right_logical3A_316, %and3A_318, %dma_wait3A_1735] : memref<125000x8x64xf32, #tpu.memory_space<hbm>> -> memref<1x1x64xf32, #tpu.memory_space<hbm>>
      %dma_wait3A_1737 = tpu.memref_squeeze %dma_wait3A_1736 : memref<1x1x64xf32, #tpu.memory_space<hbm>> -> memref<64xf32, #tpu.memory_space<hbm>>
      tpu.wait_dma2 semaphore(%arg9 : memref<!tpu.dma_semaphore, #tpu.memory_space<semaphore_mem>>) src(%dma_wait3A_1737 : memref<64xf32, #tpu.memory_space<hbm>>) dst(%dma_wait3A_1734 : memref<64xf32, #tpu.memory_space<vmem>>)
      %dma_wait3A_1738 = arith.constant 0 : i32
      %dma_wait3A_1739 = tpu.memref_slice %arg7[%add3A_348, %dma_wait3A_1738] : memref<512x64xf32, #tpu.memory_space<vmem>> -> memref<1x64xf32, #tpu.memory_space<vmem>>
      %dma_wait3A_1740 = tpu.memref_squeeze %dma_wait3A_1739 : memref<1x64xf32, #tpu.memory_space<vmem>> -> memref<64xf32, #tpu.memory_space<vmem>>
      %dma_wait3A_1741 = arith.constant 0 : i32
      %dma_wait3A_1742 = tpu.memref_slice %arg2[%shift_right_logical3A_340, %and3A_342, %dma_wait3A_1741] : memref<125000x8x64xf32, #tpu.memory_space<hbm>> -> memref<1x1x64xf32, #tpu.memory_space<hbm>>
      %dma_wait3A_1743 = tpu.memref_squeeze %dma_wait3A_1742 : memref<1x1x64xf32, #tpu.memory_space<hbm>> -> memref<64xf32, #tpu.memory_space<hbm>>
      %dma_wait3A_1744 = arith.constant 0 : i32
      %dma_wait3A_1745 = tpu.memref_slice %arg7[%add3A_348, %dma_wait3A_1744] : memref<512x64xf32, #tpu.memory_space<vmem>> -> memref<1x64xf32, #tpu.memory_space<vmem>>
      %dma_wait3A_1746 = tpu.memref_squeeze %dma_wait3A_1745 : memref<1x64xf32, #tpu.memory_space<vmem>> -> memref<64xf32, #tpu.memory_space<vmem>>
      %dma_wait3A_1747 = arith.constant 0 : i32
      %dma_wait3A_1748 = tpu.memref_slice %arg2[%shift_right_logical3A_340, %and3A_342, %dma_wait3A_1747] : memref<125000x8x64xf32, #tpu.memory_space<hbm>> -> memref<1x1x64xf32, #tpu.memory_space<hbm>>
      %dma_wait3A_1749 = tpu.memref_squeeze %dma_wait3A_1748 : memref<1x1x64xf32, #tpu.memory_space<hbm>> -> memref<64xf32, #tpu.memory_space<hbm>>
      tpu.wait_dma2 semaphore(%arg9 : memref<!tpu.dma_semaphore, #tpu.memory_space<semaphore_mem>>) src(%dma_wait3A_1749 : memref<64xf32, #tpu.memory_space<hbm>>) dst(%dma_wait3A_1746 : memref<64xf32, #tpu.memory_space<vmem>>)
      %dma_wait3A_1750 = arith.constant 0 : i32
      %dma_wait3A_1751 = tpu.memref_slice %arg7[%add3A_372, %dma_wait3A_1750] : memref<512x64xf32, #tpu.memory_space<vmem>> -> memref<1x64xf32, #tpu.memory_space<vmem>>
      %dma_wait3A_1752 = tpu.memref_squeeze %dma_wait3A_1751 : memref<1x64xf32, #tpu.memory_space<vmem>> -> memref<64xf32, #tpu.memory_space<vmem>>
      %dma_wait3A_1753 = arith.constant 0 : i32
      %dma_wait3A_1754 = tpu.memref_slice %arg2[%shift_right_logical3A_364, %and3A_366, %dma_wait3A_1753] : memref<125000x8x64xf32, #tpu.memory_space<hbm>> -> memref<1x1x64xf32, #tpu.memory_space<hbm>>
      %dma_wait3A_1755 = tpu.memref_squeeze %dma_wait3A_1754 : memref<1x1x64xf32, #tpu.memory_space<hbm>> -> memref<64xf32, #tpu.memory_space<hbm>>
      %dma_wait3A_1756 = arith.constant 0 : i32
      %dma_wait3A_1757 = tpu.memref_slice %arg7[%add3A_372, %dma_wait3A_1756] : memref<512x64xf32, #tpu.memory_space<vmem>> -> memref<1x64xf32, #tpu.memory_space<vmem>>
      %dma_wait3A_1758 = tpu.memref_squeeze %dma_wait3A_1757 : memref<1x64xf32, #tpu.memory_space<vmem>> -> memref<64xf32, #tpu.memory_space<vmem>>
      %dma_wait3A_1759 = arith.constant 0 : i32
      %dma_wait3A_1760 = tpu.memref_slice %arg2[%shift_right_logical3A_364, %and3A_366, %dma_wait3A_1759] : memref<125000x8x64xf32, #tpu.memory_space<hbm>> -> memref<1x1x64xf32, #tpu.memory_space<hbm>>
      %dma_wait3A_1761 = tpu.memref_squeeze %dma_wait3A_1760 : memref<1x1x64xf32, #tpu.memory_space<hbm>> -> memref<64xf32, #tpu.memory_space<hbm>>
      tpu.wait_dma2 semaphore(%arg9 : memref<!tpu.dma_semaphore, #tpu.memory_space<semaphore_mem>>) src(%dma_wait3A_1761 : memref<64xf32, #tpu.memory_space<hbm>>) dst(%dma_wait3A_1758 : memref<64xf32, #tpu.memory_space<vmem>>)
      %dma_wait3A_1762 = arith.constant 0 : i32
      %dma_wait3A_1763 = tpu.memref_slice %arg7[%add3A_396, %dma_wait3A_1762] : memref<512x64xf32, #tpu.memory_space<vmem>> -> memref<1x64xf32, #tpu.memory_space<vmem>>
      %dma_wait3A_1764 = tpu.memref_squeeze %dma_wait3A_1763 : memref<1x64xf32, #tpu.memory_space<vmem>> -> memref<64xf32, #tpu.memory_space<vmem>>
      %dma_wait3A_1765 = arith.constant 0 : i32
      %dma_wait3A_1766 = tpu.memref_slice %arg2[%shift_right_logical3A_388, %and3A_390, %dma_wait3A_1765] : memref<125000x8x64xf32, #tpu.memory_space<hbm>> -> memref<1x1x64xf32, #tpu.memory_space<hbm>>
      %dma_wait3A_1767 = tpu.memref_squeeze %dma_wait3A_1766 : memref<1x1x64xf32, #tpu.memory_space<hbm>> -> memref<64xf32, #tpu.memory_space<hbm>>
      %dma_wait3A_1768 = arith.constant 0 : i32
      %dma_wait3A_1769 = tpu.memref_slice %arg7[%add3A_396, %dma_wait3A_1768] : memref<512x64xf32, #tpu.memory_space<vmem>> -> memref<1x64xf32, #tpu.memory_space<vmem>>
      %dma_wait3A_1770 = tpu.memref_squeeze %dma_wait3A_1769 : memref<1x64xf32, #tpu.memory_space<vmem>> -> memref<64xf32, #tpu.memory_space<vmem>>
      %dma_wait3A_1771 = arith.constant 0 : i32
      %dma_wait3A_1772 = tpu.memref_slice %arg2[%shift_right_logical3A_388, %and3A_390, %dma_wait3A_1771] : memref<125000x8x64xf32, #tpu.memory_space<hbm>> -> memref<1x1x64xf32, #tpu.memory_space<hbm>>
      %dma_wait3A_1773 = tpu.memref_squeeze %dma_wait3A_1772 : memref<1x1x64xf32, #tpu.memory_space<hbm>> -> memref<64xf32, #tpu.memory_space<hbm>>
      tpu.wait_dma2 semaphore(%arg9 : memref<!tpu.dma_semaphore, #tpu.memory_space<semaphore_mem>>) src(%dma_wait3A_1773 : memref<64xf32, #tpu.memory_space<hbm>>) dst(%dma_wait3A_1770 : memref<64xf32, #tpu.memory_space<vmem>>)
      %dma_wait3A_1774 = arith.constant 0 : i32
      %dma_wait3A_1775 = tpu.memref_slice %arg7[%add3A_427, %dma_wait3A_1774] : memref<512x64xf32, #tpu.memory_space<vmem>> -> memref<1x64xf32, #tpu.memory_space<vmem>>
      %dma_wait3A_1776 = tpu.memref_squeeze %dma_wait3A_1775 : memref<1x64xf32, #tpu.memory_space<vmem>> -> memref<64xf32, #tpu.memory_space<vmem>>
      %dma_wait3A_1777 = arith.constant 0 : i32
      %dma_wait3A_1778 = tpu.memref_slice %arg2[%shift_right_logical3A_419, %and3A_421, %dma_wait3A_1777] : memref<125000x8x64xf32, #tpu.memory_space<hbm>> -> memref<1x1x64xf32, #tpu.memory_space<hbm>>
      %dma_wait3A_1779 = tpu.memref_squeeze %dma_wait3A_1778 : memref<1x1x64xf32, #tpu.memory_space<hbm>> -> memref<64xf32, #tpu.memory_space<hbm>>
      %dma_wait3A_1780 = arith.constant 0 : i32
      %dma_wait3A_1781 = tpu.memref_slice %arg7[%add3A_427, %dma_wait3A_1780] : memref<512x64xf32, #tpu.memory_space<vmem>> -> memref<1x64xf32, #tpu.memory_space<vmem>>
      %dma_wait3A_1782 = tpu.memref_squeeze %dma_wait3A_1781 : memref<1x64xf32, #tpu.memory_space<vmem>> -> memref<64xf32, #tpu.memory_space<vmem>>
      %dma_wait3A_1783 = arith.constant 0 : i32
      %dma_wait3A_1784 = tpu.memref_slice %arg2[%shift_right_logical3A_419, %and3A_421, %dma_wait3A_1783] : memref<125000x8x64xf32, #tpu.memory_space<hbm>> -> memref<1x1x64xf32, #tpu.memory_space<hbm>>
      %dma_wait3A_1785 = tpu.memref_squeeze %dma_wait3A_1784 : memref<1x1x64xf32, #tpu.memory_space<hbm>> -> memref<64xf32, #tpu.memory_space<hbm>>
      tpu.wait_dma2 semaphore(%arg9 : memref<!tpu.dma_semaphore, #tpu.memory_space<semaphore_mem>>) src(%dma_wait3A_1785 : memref<64xf32, #tpu.memory_space<hbm>>) dst(%dma_wait3A_1782 : memref<64xf32, #tpu.memory_space<vmem>>)
      %dma_wait3A_1786 = arith.constant 0 : i32
      %dma_wait3A_1787 = tpu.memref_slice %arg7[%add3A_451, %dma_wait3A_1786] : memref<512x64xf32, #tpu.memory_space<vmem>> -> memref<1x64xf32, #tpu.memory_space<vmem>>
      %dma_wait3A_1788 = tpu.memref_squeeze %dma_wait3A_1787 : memref<1x64xf32, #tpu.memory_space<vmem>> -> memref<64xf32, #tpu.memory_space<vmem>>
      %dma_wait3A_1789 = arith.constant 0 : i32
      %dma_wait3A_1790 = tpu.memref_slice %arg2[%shift_right_logical3A_443, %and3A_445, %dma_wait3A_1789] : memref<125000x8x64xf32, #tpu.memory_space<hbm>> -> memref<1x1x64xf32, #tpu.memory_space<hbm>>
      %dma_wait3A_1791 = tpu.memref_squeeze %dma_wait3A_1790 : memref<1x1x64xf32, #tpu.memory_space<hbm>> -> memref<64xf32, #tpu.memory_space<hbm>>
      %dma_wait3A_1792 = arith.constant 0 : i32
      %dma_wait3A_1793 = tpu.memref_slice %arg7[%add3A_451, %dma_wait3A_1792] : memref<512x64xf32, #tpu.memory_space<vmem>> -> memref<1x64xf32, #tpu.memory_space<vmem>>
      %dma_wait3A_1794 = tpu.memref_squeeze %dma_wait3A_1793 : memref<1x64xf32, #tpu.memory_space<vmem>> -> memref<64xf32, #tpu.memory_space<vmem>>
      %dma_wait3A_1795 = arith.constant 0 : i32
      %dma_wait3A_1796 = tpu.memref_slice %arg2[%shift_right_logical3A_443, %and3A_445, %dma_wait3A_1795] : memref<125000x8x64xf32, #tpu.memory_space<hbm>> -> memref<1x1x64xf32, #tpu.memory_space<hbm>>
      %dma_wait3A_1797 = tpu.memref_squeeze %dma_wait3A_1796 : memref<1x1x64xf32, #tpu.memory_space<hbm>> -> memref<64xf32, #tpu.memory_space<hbm>>
      tpu.wait_dma2 semaphore(%arg9 : memref<!tpu.dma_semaphore, #tpu.memory_space<semaphore_mem>>) src(%dma_wait3A_1797 : memref<64xf32, #tpu.memory_space<hbm>>) dst(%dma_wait3A_1794 : memref<64xf32, #tpu.memory_space<vmem>>)
      %dma_wait3A_1798 = arith.constant 0 : i32
      %dma_wait3A_1799 = tpu.memref_slice %arg7[%add3A_475, %dma_wait3A_1798] : memref<512x64xf32, #tpu.memory_space<vmem>> -> memref<1x64xf32, #tpu.memory_space<vmem>>
      %dma_wait3A_1800 = tpu.memref_squeeze %dma_wait3A_1799 : memref<1x64xf32, #tpu.memory_space<vmem>> -> memref<64xf32, #tpu.memory_space<vmem>>
      %dma_wait3A_1801 = arith.constant 0 : i32
      %dma_wait3A_1802 = tpu.memref_slice %arg2[%shift_right_logical3A_467, %and3A_469, %dma_wait3A_1801] : memref<125000x8x64xf32, #tpu.memory_space<hbm>> -> memref<1x1x64xf32, #tpu.memory_space<hbm>>
      %dma_wait3A_1803 = tpu.memref_squeeze %dma_wait3A_1802 : memref<1x1x64xf32, #tpu.memory_space<hbm>> -> memref<64xf32, #tpu.memory_space<hbm>>
      %dma_wait3A_1804 = arith.constant 0 : i32
      %dma_wait3A_1805 = tpu.memref_slice %arg7[%add3A_475, %dma_wait3A_1804] : memref<512x64xf32, #tpu.memory_space<vmem>> -> memref<1x64xf32, #tpu.memory_space<vmem>>
      %dma_wait3A_1806 = tpu.memref_squeeze %dma_wait3A_1805 : memref<1x64xf32, #tpu.memory_space<vmem>> -> memref<64xf32, #tpu.memory_space<vmem>>
      %dma_wait3A_1807 = arith.constant 0 : i32
      %dma_wait3A_1808 = tpu.memref_slice %arg2[%shift_right_logical3A_467, %and3A_469, %dma_wait3A_1807] : memref<125000x8x64xf32, #tpu.memory_space<hbm>> -> memref<1x1x64xf32, #tpu.memory_space<hbm>>
      %dma_wait3A_1809 = tpu.memref_squeeze %dma_wait3A_1808 : memref<1x1x64xf32, #tpu.memory_space<hbm>> -> memref<64xf32, #tpu.memory_space<hbm>>
      tpu.wait_dma2 semaphore(%arg9 : memref<!tpu.dma_semaphore, #tpu.memory_space<semaphore_mem>>) src(%dma_wait3A_1809 : memref<64xf32, #tpu.memory_space<hbm>>) dst(%dma_wait3A_1806 : memref<64xf32, #tpu.memory_space<vmem>>)
      %dma_wait3A_1810 = arith.constant 0 : i32
      %dma_wait3A_1811 = tpu.memref_slice %arg7[%add3A_499, %dma_wait3A_1810] : memref<512x64xf32, #tpu.memory_space<vmem>> -> memref<1x64xf32, #tpu.memory_space<vmem>>
      %dma_wait3A_1812 = tpu.memref_squeeze %dma_wait3A_1811 : memref<1x64xf32, #tpu.memory_space<vmem>> -> memref<64xf32, #tpu.memory_space<vmem>>
      %dma_wait3A_1813 = arith.constant 0 : i32
      %dma_wait3A_1814 = tpu.memref_slice %arg2[%shift_right_logical3A_491, %and3A_493, %dma_wait3A_1813] : memref<125000x8x64xf32, #tpu.memory_space<hbm>> -> memref<1x1x64xf32, #tpu.memory_space<hbm>>
      %dma_wait3A_1815 = tpu.memref_squeeze %dma_wait3A_1814 : memref<1x1x64xf32, #tpu.memory_space<hbm>> -> memref<64xf32, #tpu.memory_space<hbm>>
      %dma_wait3A_1816 = arith.constant 0 : i32
      %dma_wait3A_1817 = tpu.memref_slice %arg7[%add3A_499, %dma_wait3A_1816] : memref<512x64xf32, #tpu.memory_space<vmem>> -> memref<1x64xf32, #tpu.memory_space<vmem>>
      %dma_wait3A_1818 = tpu.memref_squeeze %dma_wait3A_1817 : memref<1x64xf32, #tpu.memory_space<vmem>> -> memref<64xf32, #tpu.memory_space<vmem>>
      %dma_wait3A_1819 = arith.constant 0 : i32
      %dma_wait3A_1820 = tpu.memref_slice %arg2[%shift_right_logical3A_491, %and3A_493, %dma_wait3A_1819] : memref<125000x8x64xf32, #tpu.memory_space<hbm>> -> memref<1x1x64xf32, #tpu.memory_space<hbm>>
      %dma_wait3A_1821 = tpu.memref_squeeze %dma_wait3A_1820 : memref<1x1x64xf32, #tpu.memory_space<hbm>> -> memref<64xf32, #tpu.memory_space<hbm>>
      tpu.wait_dma2 semaphore(%arg9 : memref<!tpu.dma_semaphore, #tpu.memory_space<semaphore_mem>>) src(%dma_wait3A_1821 : memref<64xf32, #tpu.memory_space<hbm>>) dst(%dma_wait3A_1818 : memref<64xf32, #tpu.memory_space<vmem>>)
      %dma_wait3A_1822 = arith.constant 0 : i32
      %dma_wait3A_1823 = tpu.memref_slice %arg7[%add3A_523, %dma_wait3A_1822] : memref<512x64xf32, #tpu.memory_space<vmem>> -> memref<1x64xf32, #tpu.memory_space<vmem>>
      %dma_wait3A_1824 = tpu.memref_squeeze %dma_wait3A_1823 : memref<1x64xf32, #tpu.memory_space<vmem>> -> memref<64xf32, #tpu.memory_space<vmem>>
      %dma_wait3A_1825 = arith.constant 0 : i32
      %dma_wait3A_1826 = tpu.memref_slice %arg2[%shift_right_logical3A_515, %and3A_517, %dma_wait3A_1825] : memref<125000x8x64xf32, #tpu.memory_space<hbm>> -> memref<1x1x64xf32, #tpu.memory_space<hbm>>
      %dma_wait3A_1827 = tpu.memref_squeeze %dma_wait3A_1826 : memref<1x1x64xf32, #tpu.memory_space<hbm>> -> memref<64xf32, #tpu.memory_space<hbm>>
      %dma_wait3A_1828 = arith.constant 0 : i32
      %dma_wait3A_1829 = tpu.memref_slice %arg7[%add3A_523, %dma_wait3A_1828] : memref<512x64xf32, #tpu.memory_space<vmem>> -> memref<1x64xf32, #tpu.memory_space<vmem>>
      %dma_wait3A_1830 = tpu.memref_squeeze %dma_wait3A_1829 : memref<1x64xf32, #tpu.memory_space<vmem>> -> memref<64xf32, #tpu.memory_space<vmem>>
      %dma_wait3A_1831 = arith.constant 0 : i32
      %dma_wait3A_1832 = tpu.memref_slice %arg2[%shift_right_logical3A_515, %and3A_517, %dma_wait3A_1831] : memref<125000x8x64xf32, #tpu.memory_space<hbm>> -> memref<1x1x64xf32, #tpu.memory_space<hbm>>
      %dma_wait3A_1833 = tpu.memref_squeeze %dma_wait3A_1832 : memref<1x1x64xf32, #tpu.memory_space<hbm>> -> memref<64xf32, #tpu.memory_space<hbm>>
      tpu.wait_dma2 semaphore(%arg9 : memref<!tpu.dma_semaphore, #tpu.memory_space<semaphore_mem>>) src(%dma_wait3A_1833 : memref<64xf32, #tpu.memory_space<hbm>>) dst(%dma_wait3A_1830 : memref<64xf32, #tpu.memory_space<vmem>>)
      %dma_wait3A_1834 = arith.constant 0 : i32
      %dma_wait3A_1835 = tpu.memref_slice %arg7[%add3A_547, %dma_wait3A_1834] : memref<512x64xf32, #tpu.memory_space<vmem>> -> memref<1x64xf32, #tpu.memory_space<vmem>>
      %dma_wait3A_1836 = tpu.memref_squeeze %dma_wait3A_1835 : memref<1x64xf32, #tpu.memory_space<vmem>> -> memref<64xf32, #tpu.memory_space<vmem>>
      %dma_wait3A_1837 = arith.constant 0 : i32
      %dma_wait3A_1838 = tpu.memref_slice %arg2[%shift_right_logical3A_539, %and3A_541, %dma_wait3A_1837] : memref<125000x8x64xf32, #tpu.memory_space<hbm>> -> memref<1x1x64xf32, #tpu.memory_space<hbm>>
      %dma_wait3A_1839 = tpu.memref_squeeze %dma_wait3A_1838 : memref<1x1x64xf32, #tpu.memory_space<hbm>> -> memref<64xf32, #tpu.memory_space<hbm>>
      %dma_wait3A_1840 = arith.constant 0 : i32
      %dma_wait3A_1841 = tpu.memref_slice %arg7[%add3A_547, %dma_wait3A_1840] : memref<512x64xf32, #tpu.memory_space<vmem>> -> memref<1x64xf32, #tpu.memory_space<vmem>>
      %dma_wait3A_1842 = tpu.memref_squeeze %dma_wait3A_1841 : memref<1x64xf32, #tpu.memory_space<vmem>> -> memref<64xf32, #tpu.memory_space<vmem>>
      %dma_wait3A_1843 = arith.constant 0 : i32
      %dma_wait3A_1844 = tpu.memref_slice %arg2[%shift_right_logical3A_539, %and3A_541, %dma_wait3A_1843] : memref<125000x8x64xf32, #tpu.memory_space<hbm>> -> memref<1x1x64xf32, #tpu.memory_space<hbm>>
      %dma_wait3A_1845 = tpu.memref_squeeze %dma_wait3A_1844 : memref<1x1x64xf32, #tpu.memory_space<hbm>> -> memref<64xf32, #tpu.memory_space<hbm>>
      tpu.wait_dma2 semaphore(%arg9 : memref<!tpu.dma_semaphore, #tpu.memory_space<semaphore_mem>>) src(%dma_wait3A_1845 : memref<64xf32, #tpu.memory_space<hbm>>) dst(%dma_wait3A_1842 : memref<64xf32, #tpu.memory_space<vmem>>)
      %dma_wait3A_1846 = arith.constant 0 : i32
      %dma_wait3A_1847 = tpu.memref_slice %arg7[%add3A_571, %dma_wait3A_1846] : memref<512x64xf32, #tpu.memory_space<vmem>> -> memref<1x64xf32, #tpu.memory_space<vmem>>
      %dma_wait3A_1848 = tpu.memref_squeeze %dma_wait3A_1847 : memref<1x64xf32, #tpu.memory_space<vmem>> -> memref<64xf32, #tpu.memory_space<vmem>>
      %dma_wait3A_1849 = arith.constant 0 : i32
      %dma_wait3A_1850 = tpu.memref_slice %arg2[%shift_right_logical3A_563, %and3A_565, %dma_wait3A_1849] : memref<125000x8x64xf32, #tpu.memory_space<hbm>> -> memref<1x1x64xf32, #tpu.memory_space<hbm>>
      %dma_wait3A_1851 = tpu.memref_squeeze %dma_wait3A_1850 : memref<1x1x64xf32, #tpu.memory_space<hbm>> -> memref<64xf32, #tpu.memory_space<hbm>>
      %dma_wait3A_1852 = arith.constant 0 : i32
      %dma_wait3A_1853 = tpu.memref_slice %arg7[%add3A_571, %dma_wait3A_1852] : memref<512x64xf32, #tpu.memory_space<vmem>> -> memref<1x64xf32, #tpu.memory_space<vmem>>
      %dma_wait3A_1854 = tpu.memref_squeeze %dma_wait3A_1853 : memref<1x64xf32, #tpu.memory_space<vmem>> -> memref<64xf32, #tpu.memory_space<vmem>>
      %dma_wait3A_1855 = arith.constant 0 : i32
      %dma_wait3A_1856 = tpu.memref_slice %arg2[%shift_right_logical3A_563, %and3A_565, %dma_wait3A_1855] : memref<125000x8x64xf32, #tpu.memory_space<hbm>> -> memref<1x1x64xf32, #tpu.memory_space<hbm>>
      %dma_wait3A_1857 = tpu.memref_squeeze %dma_wait3A_1856 : memref<1x1x64xf32, #tpu.memory_space<hbm>> -> memref<64xf32, #tpu.memory_space<hbm>>
      tpu.wait_dma2 semaphore(%arg9 : memref<!tpu.dma_semaphore, #tpu.memory_space<semaphore_mem>>) src(%dma_wait3A_1857 : memref<64xf32, #tpu.memory_space<hbm>>) dst(%dma_wait3A_1854 : memref<64xf32, #tpu.memory_space<vmem>>)
      %dma_wait3A_1858 = arith.constant 0 : i32
      %dma_wait3A_1859 = tpu.memref_slice %arg7[%add3A_595, %dma_wait3A_1858] : memref<512x64xf32, #tpu.memory_space<vmem>> -> memref<1x64xf32, #tpu.memory_space<vmem>>
      %dma_wait3A_1860 = tpu.memref_squeeze %dma_wait3A_1859 : memref<1x64xf32, #tpu.memory_space<vmem>> -> memref<64xf32, #tpu.memory_space<vmem>>
      %dma_wait3A_1861 = arith.constant 0 : i32
      %dma_wait3A_1862 = tpu.memref_slice %arg2[%shift_right_logical3A_587, %and3A_589, %dma_wait3A_1861] : memref<125000x8x64xf32, #tpu.memory_space<hbm>> -> memref<1x1x64xf32, #tpu.memory_space<hbm>>
      %dma_wait3A_1863 = tpu.memref_squeeze %dma_wait3A_1862 : memref<1x1x64xf32, #tpu.memory_space<hbm>> -> memref<64xf32, #tpu.memory_space<hbm>>
      %dma_wait3A_1864 = arith.constant 0 : i32
      %dma_wait3A_1865 = tpu.memref_slice %arg7[%add3A_595, %dma_wait3A_1864] : memref<512x64xf32, #tpu.memory_space<vmem>> -> memref<1x64xf32, #tpu.memory_space<vmem>>
      %dma_wait3A_1866 = tpu.memref_squeeze %dma_wait3A_1865 : memref<1x64xf32, #tpu.memory_space<vmem>> -> memref<64xf32, #tpu.memory_space<vmem>>
      %dma_wait3A_1867 = arith.constant 0 : i32
      %dma_wait3A_1868 = tpu.memref_slice %arg2[%shift_right_logical3A_587, %and3A_589, %dma_wait3A_1867] : memref<125000x8x64xf32, #tpu.memory_space<hbm>> -> memref<1x1x64xf32, #tpu.memory_space<hbm>>
      %dma_wait3A_1869 = tpu.memref_squeeze %dma_wait3A_1868 : memref<1x1x64xf32, #tpu.memory_space<hbm>> -> memref<64xf32, #tpu.memory_space<hbm>>
      tpu.wait_dma2 semaphore(%arg9 : memref<!tpu.dma_semaphore, #tpu.memory_space<semaphore_mem>>) src(%dma_wait3A_1869 : memref<64xf32, #tpu.memory_space<hbm>>) dst(%dma_wait3A_1866 : memref<64xf32, #tpu.memory_space<vmem>>)
      %dma_wait3A_1870 = arith.constant 0 : i32
      %dma_wait3A_1871 = tpu.memref_slice %arg7[%add3A_619, %dma_wait3A_1870] : memref<512x64xf32, #tpu.memory_space<vmem>> -> memref<1x64xf32, #tpu.memory_space<vmem>>
      %dma_wait3A_1872 = tpu.memref_squeeze %dma_wait3A_1871 : memref<1x64xf32, #tpu.memory_space<vmem>> -> memref<64xf32, #tpu.memory_space<vmem>>
      %dma_wait3A_1873 = arith.constant 0 : i32
      %dma_wait3A_1874 = tpu.memref_slice %arg2[%shift_right_logical3A_611, %and3A_613, %dma_wait3A_1873] : memref<125000x8x64xf32, #tpu.memory_space<hbm>> -> memref<1x1x64xf32, #tpu.memory_space<hbm>>
      %dma_wait3A_1875 = tpu.memref_squeeze %dma_wait3A_1874 : memref<1x1x64xf32, #tpu.memory_space<hbm>> -> memref<64xf32, #tpu.memory_space<hbm>>
      %dma_wait3A_1876 = arith.constant 0 : i32
      %dma_wait3A_1877 = tpu.memref_slice %arg7[%add3A_619, %dma_wait3A_1876] : memref<512x64xf32, #tpu.memory_space<vmem>> -> memref<1x64xf32, #tpu.memory_space<vmem>>
      %dma_wait3A_1878 = tpu.memref_squeeze %dma_wait3A_1877 : memref<1x64xf32, #tpu.memory_space<vmem>> -> memref<64xf32, #tpu.memory_space<vmem>>
      %dma_wait3A_1879 = arith.constant 0 : i32
      %dma_wait3A_1880 = tpu.memref_slice %arg2[%shift_right_logical3A_611, %and3A_613, %dma_wait3A_1879] : memref<125000x8x64xf32, #tpu.memory_space<hbm>> -> memref<1x1x64xf32, #tpu.memory_space<hbm>>
      %dma_wait3A_1881 = tpu.memref_squeeze %dma_wait3A_1880 : memref<1x1x64xf32, #tpu.memory_space<hbm>> -> memref<64xf32, #tpu.memory_space<hbm>>
      tpu.wait_dma2 semaphore(%arg9 : memref<!tpu.dma_semaphore, #tpu.memory_space<semaphore_mem>>) src(%dma_wait3A_1881 : memref<64xf32, #tpu.memory_space<hbm>>) dst(%dma_wait3A_1878 : memref<64xf32, #tpu.memory_space<vmem>>)
      %dma_wait3A_1882 = arith.constant 0 : i32
      %dma_wait3A_1883 = tpu.memref_slice %arg7[%add3A_643, %dma_wait3A_1882] : memref<512x64xf32, #tpu.memory_space<vmem>> -> memref<1x64xf32, #tpu.memory_space<vmem>>
      %dma_wait3A_1884 = tpu.memref_squeeze %dma_wait3A_1883 : memref<1x64xf32, #tpu.memory_space<vmem>> -> memref<64xf32, #tpu.memory_space<vmem>>
      %dma_wait3A_1885 = arith.constant 0 : i32
      %dma_wait3A_1886 = tpu.memref_slice %arg2[%shift_right_logical3A_635, %and3A_637, %dma_wait3A_1885] : memref<125000x8x64xf32, #tpu.memory_space<hbm>> -> memref<1x1x64xf32, #tpu.memory_space<hbm>>
      %dma_wait3A_1887 = tpu.memref_squeeze %dma_wait3A_1886 : memref<1x1x64xf32, #tpu.memory_space<hbm>> -> memref<64xf32, #tpu.memory_space<hbm>>
      %dma_wait3A_1888 = arith.constant 0 : i32
      %dma_wait3A_1889 = tpu.memref_slice %arg7[%add3A_643, %dma_wait3A_1888] : memref<512x64xf32, #tpu.memory_space<vmem>> -> memref<1x64xf32, #tpu.memory_space<vmem>>
      %dma_wait3A_1890 = tpu.memref_squeeze %dma_wait3A_1889 : memref<1x64xf32, #tpu.memory_space<vmem>> -> memref<64xf32, #tpu.memory_space<vmem>>
      %dma_wait3A_1891 = arith.constant 0 : i32
      %dma_wait3A_1892 = tpu.memref_slice %arg2[%shift_right_logical3A_635, %and3A_637, %dma_wait3A_1891] : memref<125000x8x64xf32, #tpu.memory_space<hbm>> -> memref<1x1x64xf32, #tpu.memory_space<hbm>>
      %dma_wait3A_1893 = tpu.memref_squeeze %dma_wait3A_1892 : memref<1x1x64xf32, #tpu.memory_space<hbm>> -> memref<64xf32, #tpu.memory_space<hbm>>
      tpu.wait_dma2 semaphore(%arg9 : memref<!tpu.dma_semaphore, #tpu.memory_space<semaphore_mem>>) src(%dma_wait3A_1893 : memref<64xf32, #tpu.memory_space<hbm>>) dst(%dma_wait3A_1890 : memref<64xf32, #tpu.memory_space<vmem>>)
      %dma_wait3A_1894 = arith.constant 0 : i32
      %dma_wait3A_1895 = tpu.memref_slice %arg7[%add3A_667, %dma_wait3A_1894] : memref<512x64xf32, #tpu.memory_space<vmem>> -> memref<1x64xf32, #tpu.memory_space<vmem>>
      %dma_wait3A_1896 = tpu.memref_squeeze %dma_wait3A_1895 : memref<1x64xf32, #tpu.memory_space<vmem>> -> memref<64xf32, #tpu.memory_space<vmem>>
      %dma_wait3A_1897 = arith.constant 0 : i32
      %dma_wait3A_1898 = tpu.memref_slice %arg2[%shift_right_logical3A_659, %and3A_661, %dma_wait3A_1897] : memref<125000x8x64xf32, #tpu.memory_space<hbm>> -> memref<1x1x64xf32, #tpu.memory_space<hbm>>
      %dma_wait3A_1899 = tpu.memref_squeeze %dma_wait3A_1898 : memref<1x1x64xf32, #tpu.memory_space<hbm>> -> memref<64xf32, #tpu.memory_space<hbm>>
      %dma_wait3A_1900 = arith.constant 0 : i32
      %dma_wait3A_1901 = tpu.memref_slice %arg7[%add3A_667, %dma_wait3A_1900] : memref<512x64xf32, #tpu.memory_space<vmem>> -> memref<1x64xf32, #tpu.memory_space<vmem>>
      %dma_wait3A_1902 = tpu.memref_squeeze %dma_wait3A_1901 : memref<1x64xf32, #tpu.memory_space<vmem>> -> memref<64xf32, #tpu.memory_space<vmem>>
      %dma_wait3A_1903 = arith.constant 0 : i32
      %dma_wait3A_1904 = tpu.memref_slice %arg2[%shift_right_logical3A_659, %and3A_661, %dma_wait3A_1903] : memref<125000x8x64xf32, #tpu.memory_space<hbm>> -> memref<1x1x64xf32, #tpu.memory_space<hbm>>
      %dma_wait3A_1905 = tpu.memref_squeeze %dma_wait3A_1904 : memref<1x1x64xf32, #tpu.memory_space<hbm>> -> memref<64xf32, #tpu.memory_space<hbm>>
      tpu.wait_dma2 semaphore(%arg9 : memref<!tpu.dma_semaphore, #tpu.memory_space<semaphore_mem>>) src(%dma_wait3A_1905 : memref<64xf32, #tpu.memory_space<hbm>>) dst(%dma_wait3A_1902 : memref<64xf32, #tpu.memory_space<vmem>>)
      %dma_wait3A_1906 = arith.constant 0 : i32
      %dma_wait3A_1907 = tpu.memref_slice %arg7[%add3A_691, %dma_wait3A_1906] : memref<512x64xf32, #tpu.memory_space<vmem>> -> memref<1x64xf32, #tpu.memory_space<vmem>>
      %dma_wait3A_1908 = tpu.memref_squeeze %dma_wait3A_1907 : memref<1x64xf32, #tpu.memory_space<vmem>> -> memref<64xf32, #tpu.memory_space<vmem>>
      %dma_wait3A_1909 = arith.constant 0 : i32
      %dma_wait3A_1910 = tpu.memref_slice %arg2[%shift_right_logical3A_683, %and3A_685, %dma_wait3A_1909] : memref<125000x8x64xf32, #tpu.memory_space<hbm>> -> memref<1x1x64xf32, #tpu.memory_space<hbm>>
      %dma_wait3A_1911 = tpu.memref_squeeze %dma_wait3A_1910 : memref<1x1x64xf32, #tpu.memory_space<hbm>> -> memref<64xf32, #tpu.memory_space<hbm>>
      %dma_wait3A_1912 = arith.constant 0 : i32
      %dma_wait3A_1913 = tpu.memref_slice %arg7[%add3A_691, %dma_wait3A_1912] : memref<512x64xf32, #tpu.memory_space<vmem>> -> memref<1x64xf32, #tpu.memory_space<vmem>>
      %dma_wait3A_1914 = tpu.memref_squeeze %dma_wait3A_1913 : memref<1x64xf32, #tpu.memory_space<vmem>> -> memref<64xf32, #tpu.memory_space<vmem>>
      %dma_wait3A_1915 = arith.constant 0 : i32
      %dma_wait3A_1916 = tpu.memref_slice %arg2[%shift_right_logical3A_683, %and3A_685, %dma_wait3A_1915] : memref<125000x8x64xf32, #tpu.memory_space<hbm>> -> memref<1x1x64xf32, #tpu.memory_space<hbm>>
      %dma_wait3A_1917 = tpu.memref_squeeze %dma_wait3A_1916 : memref<1x1x64xf32, #tpu.memory_space<hbm>> -> memref<64xf32, #tpu.memory_space<hbm>>
      tpu.wait_dma2 semaphore(%arg9 : memref<!tpu.dma_semaphore, #tpu.memory_space<semaphore_mem>>) src(%dma_wait3A_1917 : memref<64xf32, #tpu.memory_space<hbm>>) dst(%dma_wait3A_1914 : memref<64xf32, #tpu.memory_space<vmem>>)
      %dma_wait3A_1918 = arith.constant 0 : i32
      %dma_wait3A_1919 = tpu.memref_slice %arg7[%add3A_715, %dma_wait3A_1918] : memref<512x64xf32, #tpu.memory_space<vmem>> -> memref<1x64xf32, #tpu.memory_space<vmem>>
      %dma_wait3A_1920 = tpu.memref_squeeze %dma_wait3A_1919 : memref<1x64xf32, #tpu.memory_space<vmem>> -> memref<64xf32, #tpu.memory_space<vmem>>
      %dma_wait3A_1921 = arith.constant 0 : i32
      %dma_wait3A_1922 = tpu.memref_slice %arg2[%shift_right_logical3A_707, %and3A_709, %dma_wait3A_1921] : memref<125000x8x64xf32, #tpu.memory_space<hbm>> -> memref<1x1x64xf32, #tpu.memory_space<hbm>>
      %dma_wait3A_1923 = tpu.memref_squeeze %dma_wait3A_1922 : memref<1x1x64xf32, #tpu.memory_space<hbm>> -> memref<64xf32, #tpu.memory_space<hbm>>
      %dma_wait3A_1924 = arith.constant 0 : i32
      %dma_wait3A_1925 = tpu.memref_slice %arg7[%add3A_715, %dma_wait3A_1924] : memref<512x64xf32, #tpu.memory_space<vmem>> -> memref<1x64xf32, #tpu.memory_space<vmem>>
      %dma_wait3A_1926 = tpu.memref_squeeze %dma_wait3A_1925 : memref<1x64xf32, #tpu.memory_space<vmem>> -> memref<64xf32, #tpu.memory_space<vmem>>
      %dma_wait3A_1927 = arith.constant 0 : i32
      %dma_wait3A_1928 = tpu.memref_slice %arg2[%shift_right_logical3A_707, %and3A_709, %dma_wait3A_1927] : memref<125000x8x64xf32, #tpu.memory_space<hbm>> -> memref<1x1x64xf32, #tpu.memory_space<hbm>>
      %dma_wait3A_1929 = tpu.memref_squeeze %dma_wait3A_1928 : memref<1x1x64xf32, #tpu.memory_space<hbm>> -> memref<64xf32, #tpu.memory_space<hbm>>
      tpu.wait_dma2 semaphore(%arg9 : memref<!tpu.dma_semaphore, #tpu.memory_space<semaphore_mem>>) src(%dma_wait3A_1929 : memref<64xf32, #tpu.memory_space<hbm>>) dst(%dma_wait3A_1926 : memref<64xf32, #tpu.memory_space<vmem>>)
      %dma_wait3A_1930 = arith.constant 0 : i32
      %dma_wait3A_1931 = tpu.memref_slice %arg7[%add3A_739, %dma_wait3A_1930] : memref<512x64xf32, #tpu.memory_space<vmem>> -> memref<1x64xf32, #tpu.memory_space<vmem>>
      %dma_wait3A_1932 = tpu.memref_squeeze %dma_wait3A_1931 : memref<1x64xf32, #tpu.memory_space<vmem>> -> memref<64xf32, #tpu.memory_space<vmem>>
      %dma_wait3A_1933 = arith.constant 0 : i32
      %dma_wait3A_1934 = tpu.memref_slice %arg2[%shift_right_logical3A_731, %and3A_733, %dma_wait3A_1933] : memref<125000x8x64xf32, #tpu.memory_space<hbm>> -> memref<1x1x64xf32, #tpu.memory_space<hbm>>
      %dma_wait3A_1935 = tpu.memref_squeeze %dma_wait3A_1934 : memref<1x1x64xf32, #tpu.memory_space<hbm>> -> memref<64xf32, #tpu.memory_space<hbm>>
      %dma_wait3A_1936 = arith.constant 0 : i32
      %dma_wait3A_1937 = tpu.memref_slice %arg7[%add3A_739, %dma_wait3A_1936] : memref<512x64xf32, #tpu.memory_space<vmem>> -> memref<1x64xf32, #tpu.memory_space<vmem>>
      %dma_wait3A_1938 = tpu.memref_squeeze %dma_wait3A_1937 : memref<1x64xf32, #tpu.memory_space<vmem>> -> memref<64xf32, #tpu.memory_space<vmem>>
      %dma_wait3A_1939 = arith.constant 0 : i32
      %dma_wait3A_1940 = tpu.memref_slice %arg2[%shift_right_logical3A_731, %and3A_733, %dma_wait3A_1939] : memref<125000x8x64xf32, #tpu.memory_space<hbm>> -> memref<1x1x64xf32, #tpu.memory_space<hbm>>
      %dma_wait3A_1941 = tpu.memref_squeeze %dma_wait3A_1940 : memref<1x1x64xf32, #tpu.memory_space<hbm>> -> memref<64xf32, #tpu.memory_space<hbm>>
      tpu.wait_dma2 semaphore(%arg9 : memref<!tpu.dma_semaphore, #tpu.memory_space<semaphore_mem>>) src(%dma_wait3A_1941 : memref<64xf32, #tpu.memory_space<hbm>>) dst(%dma_wait3A_1938 : memref<64xf32, #tpu.memory_space<vmem>>)
      %dma_wait3A_1942 = arith.constant 0 : i32
      %dma_wait3A_1943 = tpu.memref_slice %arg7[%add3A_763, %dma_wait3A_1942] : memref<512x64xf32, #tpu.memory_space<vmem>> -> memref<1x64xf32, #tpu.memory_space<vmem>>
      %dma_wait3A_1944 = tpu.memref_squeeze %dma_wait3A_1943 : memref<1x64xf32, #tpu.memory_space<vmem>> -> memref<64xf32, #tpu.memory_space<vmem>>
      %dma_wait3A_1945 = arith.constant 0 : i32
      %dma_wait3A_1946 = tpu.memref_slice %arg2[%shift_right_logical3A_755, %and3A_757, %dma_wait3A_1945] : memref<125000x8x64xf32, #tpu.memory_space<hbm>> -> memref<1x1x64xf32, #tpu.memory_space<hbm>>
      %dma_wait3A_1947 = tpu.memref_squeeze %dma_wait3A_1946 : memref<1x1x64xf32, #tpu.memory_space<hbm>> -> memref<64xf32, #tpu.memory_space<hbm>>
      %dma_wait3A_1948 = arith.constant 0 : i32
      %dma_wait3A_1949 = tpu.memref_slice %arg7[%add3A_763, %dma_wait3A_1948] : memref<512x64xf32, #tpu.memory_space<vmem>> -> memref<1x64xf32, #tpu.memory_space<vmem>>
      %dma_wait3A_1950 = tpu.memref_squeeze %dma_wait3A_1949 : memref<1x64xf32, #tpu.memory_space<vmem>> -> memref<64xf32, #tpu.memory_space<vmem>>
      %dma_wait3A_1951 = arith.constant 0 : i32
      %dma_wait3A_1952 = tpu.memref_slice %arg2[%shift_right_logical3A_755, %and3A_757, %dma_wait3A_1951] : memref<125000x8x64xf32, #tpu.memory_space<hbm>> -> memref<1x1x64xf32, #tpu.memory_space<hbm>>
      %dma_wait3A_1953 = tpu.memref_squeeze %dma_wait3A_1952 : memref<1x1x64xf32, #tpu.memory_space<hbm>> -> memref<64xf32, #tpu.memory_space<hbm>>
      tpu.wait_dma2 semaphore(%arg9 : memref<!tpu.dma_semaphore, #tpu.memory_space<semaphore_mem>>) src(%dma_wait3A_1953 : memref<64xf32, #tpu.memory_space<hbm>>) dst(%dma_wait3A_1950 : memref<64xf32, #tpu.memory_space<vmem>>)
      %dma_wait3A_1954 = arith.constant 0 : i32
      %dma_wait3A_1955 = tpu.memref_slice %arg7[%add3A_787, %dma_wait3A_1954] : memref<512x64xf32, #tpu.memory_space<vmem>> -> memref<1x64xf32, #tpu.memory_space<vmem>>
      %dma_wait3A_1956 = tpu.memref_squeeze %dma_wait3A_1955 : memref<1x64xf32, #tpu.memory_space<vmem>> -> memref<64xf32, #tpu.memory_space<vmem>>
      %dma_wait3A_1957 = arith.constant 0 : i32
      %dma_wait3A_1958 = tpu.memref_slice %arg2[%shift_right_logical3A_779, %and3A_781, %dma_wait3A_1957] : memref<125000x8x64xf32, #tpu.memory_space<hbm>> -> memref<1x1x64xf32, #tpu.memory_space<hbm>>
      %dma_wait3A_1959 = tpu.memref_squeeze %dma_wait3A_1958 : memref<1x1x64xf32, #tpu.memory_space<hbm>> -> memref<64xf32, #tpu.memory_space<hbm>>
      %dma_wait3A_1960 = arith.constant 0 : i32
      %dma_wait3A_1961 = tpu.memref_slice %arg7[%add3A_787, %dma_wait3A_1960] : memref<512x64xf32, #tpu.memory_space<vmem>> -> memref<1x64xf32, #tpu.memory_space<vmem>>
      %dma_wait3A_1962 = tpu.memref_squeeze %dma_wait3A_1961 : memref<1x64xf32, #tpu.memory_space<vmem>> -> memref<64xf32, #tpu.memory_space<vmem>>
      %dma_wait3A_1963 = arith.constant 0 : i32
      %dma_wait3A_1964 = tpu.memref_slice %arg2[%shift_right_logical3A_779, %and3A_781, %dma_wait3A_1963] : memref<125000x8x64xf32, #tpu.memory_space<hbm>> -> memref<1x1x64xf32, #tpu.memory_space<hbm>>
      %dma_wait3A_1965 = tpu.memref_squeeze %dma_wait3A_1964 : memref<1x1x64xf32, #tpu.memory_space<hbm>> -> memref<64xf32, #tpu.memory_space<hbm>>
      tpu.wait_dma2 semaphore(%arg9 : memref<!tpu.dma_semaphore, #tpu.memory_space<semaphore_mem>>) src(%dma_wait3A_1965 : memref<64xf32, #tpu.memory_space<hbm>>) dst(%dma_wait3A_1962 : memref<64xf32, #tpu.memory_space<vmem>>)
      %dma_wait3A_1966 = arith.constant 0 : i32
      %dma_wait3A_1967 = tpu.memref_slice %arg7[%add3A_818, %dma_wait3A_1966] : memref<512x64xf32, #tpu.memory_space<vmem>> -> memref<1x64xf32, #tpu.memory_space<vmem>>
      %dma_wait3A_1968 = tpu.memref_squeeze %dma_wait3A_1967 : memref<1x64xf32, #tpu.memory_space<vmem>> -> memref<64xf32, #tpu.memory_space<vmem>>
      %dma_wait3A_1969 = arith.constant 0 : i32
      %dma_wait3A_1970 = tpu.memref_slice %arg2[%shift_right_logical3A_810, %and3A_812, %dma_wait3A_1969] : memref<125000x8x64xf32, #tpu.memory_space<hbm>> -> memref<1x1x64xf32, #tpu.memory_space<hbm>>
      %dma_wait3A_1971 = tpu.memref_squeeze %dma_wait3A_1970 : memref<1x1x64xf32, #tpu.memory_space<hbm>> -> memref<64xf32, #tpu.memory_space<hbm>>
      %dma_wait3A_1972 = arith.constant 0 : i32
      %dma_wait3A_1973 = tpu.memref_slice %arg7[%add3A_818, %dma_wait3A_1972] : memref<512x64xf32, #tpu.memory_space<vmem>> -> memref<1x64xf32, #tpu.memory_space<vmem>>
      %dma_wait3A_1974 = tpu.memref_squeeze %dma_wait3A_1973 : memref<1x64xf32, #tpu.memory_space<vmem>> -> memref<64xf32, #tpu.memory_space<vmem>>
      %dma_wait3A_1975 = arith.constant 0 : i32
      %dma_wait3A_1976 = tpu.memref_slice %arg2[%shift_right_logical3A_810, %and3A_812, %dma_wait3A_1975] : memref<125000x8x64xf32, #tpu.memory_space<hbm>> -> memref<1x1x64xf32, #tpu.memory_space<hbm>>
      %dma_wait3A_1977 = tpu.memref_squeeze %dma_wait3A_1976 : memref<1x1x64xf32, #tpu.memory_space<hbm>> -> memref<64xf32, #tpu.memory_space<hbm>>
      tpu.wait_dma2 semaphore(%arg9 : memref<!tpu.dma_semaphore, #tpu.memory_space<semaphore_mem>>) src(%dma_wait3A_1977 : memref<64xf32, #tpu.memory_space<hbm>>) dst(%dma_wait3A_1974 : memref<64xf32, #tpu.memory_space<vmem>>)
      %dma_wait3A_1978 = arith.constant 0 : i32
      %dma_wait3A_1979 = tpu.memref_slice %arg7[%add3A_842, %dma_wait3A_1978] : memref<512x64xf32, #tpu.memory_space<vmem>> -> memref<1x64xf32, #tpu.memory_space<vmem>>
      %dma_wait3A_1980 = tpu.memref_squeeze %dma_wait3A_1979 : memref<1x64xf32, #tpu.memory_space<vmem>> -> memref<64xf32, #tpu.memory_space<vmem>>
      %dma_wait3A_1981 = arith.constant 0 : i32
      %dma_wait3A_1982 = tpu.memref_slice %arg2[%shift_right_logical3A_834, %and3A_836, %dma_wait3A_1981] : memref<125000x8x64xf32, #tpu.memory_space<hbm>> -> memref<1x1x64xf32, #tpu.memory_space<hbm>>
      %dma_wait3A_1983 = tpu.memref_squeeze %dma_wait3A_1982 : memref<1x1x64xf32, #tpu.memory_space<hbm>> -> memref<64xf32, #tpu.memory_space<hbm>>
      %dma_wait3A_1984 = arith.constant 0 : i32
      %dma_wait3A_1985 = tpu.memref_slice %arg7[%add3A_842, %dma_wait3A_1984] : memref<512x64xf32, #tpu.memory_space<vmem>> -> memref<1x64xf32, #tpu.memory_space<vmem>>
      %dma_wait3A_1986 = tpu.memref_squeeze %dma_wait3A_1985 : memref<1x64xf32, #tpu.memory_space<vmem>> -> memref<64xf32, #tpu.memory_space<vmem>>
      %dma_wait3A_1987 = arith.constant 0 : i32
      %dma_wait3A_1988 = tpu.memref_slice %arg2[%shift_right_logical3A_834, %and3A_836, %dma_wait3A_1987] : memref<125000x8x64xf32, #tpu.memory_space<hbm>> -> memref<1x1x64xf32, #tpu.memory_space<hbm>>
      %dma_wait3A_1989 = tpu.memref_squeeze %dma_wait3A_1988 : memref<1x1x64xf32, #tpu.memory_space<hbm>> -> memref<64xf32, #tpu.memory_space<hbm>>
      tpu.wait_dma2 semaphore(%arg9 : memref<!tpu.dma_semaphore, #tpu.memory_space<semaphore_mem>>) src(%dma_wait3A_1989 : memref<64xf32, #tpu.memory_space<hbm>>) dst(%dma_wait3A_1986 : memref<64xf32, #tpu.memory_space<vmem>>)
      %dma_wait3A_1990 = arith.constant 0 : i32
      %dma_wait3A_1991 = tpu.memref_slice %arg7[%add3A_866, %dma_wait3A_1990] : memref<512x64xf32, #tpu.memory_space<vmem>> -> memref<1x64xf32, #tpu.memory_space<vmem>>
      %dma_wait3A_1992 = tpu.memref_squeeze %dma_wait3A_1991 : memref<1x64xf32, #tpu.memory_space<vmem>> -> memref<64xf32, #tpu.memory_space<vmem>>
      %dma_wait3A_1993 = arith.constant 0 : i32
      %dma_wait3A_1994 = tpu.memref_slice %arg2[%shift_right_logical3A_858, %and3A_860, %dma_wait3A_1993] : memref<125000x8x64xf32, #tpu.memory_space<hbm>> -> memref<1x1x64xf32, #tpu.memory_space<hbm>>
      %dma_wait3A_1995 = tpu.memref_squeeze %dma_wait3A_1994 : memref<1x1x64xf32, #tpu.memory_space<hbm>> -> memref<64xf32, #tpu.memory_space<hbm>>
      %dma_wait3A_1996 = arith.constant 0 : i32
      %dma_wait3A_1997 = tpu.memref_slice %arg7[%add3A_866, %dma_wait3A_1996] : memref<512x64xf32, #tpu.memory_space<vmem>> -> memref<1x64xf32, #tpu.memory_space<vmem>>
      %dma_wait3A_1998 = tpu.memref_squeeze %dma_wait3A_1997 : memref<1x64xf32, #tpu.memory_space<vmem>> -> memref<64xf32, #tpu.memory_space<vmem>>
      %dma_wait3A_1999 = arith.constant 0 : i32
      %dma_wait3A_2000 = tpu.memref_slice %arg2[%shift_right_logical3A_858, %and3A_860, %dma_wait3A_1999] : memref<125000x8x64xf32, #tpu.memory_space<hbm>> -> memref<1x1x64xf32, #tpu.memory_space<hbm>>
      %dma_wait3A_2001 = tpu.memref_squeeze %dma_wait3A_2000 : memref<1x1x64xf32, #tpu.memory_space<hbm>> -> memref<64xf32, #tpu.memory_space<hbm>>
      tpu.wait_dma2 semaphore(%arg9 : memref<!tpu.dma_semaphore, #tpu.memory_space<semaphore_mem>>) src(%dma_wait3A_2001 : memref<64xf32, #tpu.memory_space<hbm>>) dst(%dma_wait3A_1998 : memref<64xf32, #tpu.memory_space<vmem>>)
      %dma_wait3A_2002 = arith.constant 0 : i32
      %dma_wait3A_2003 = tpu.memref_slice %arg7[%add3A_890, %dma_wait3A_2002] : memref<512x64xf32, #tpu.memory_space<vmem>> -> memref<1x64xf32, #tpu.memory_space<vmem>>
      %dma_wait3A_2004 = tpu.memref_squeeze %dma_wait3A_2003 : memref<1x64xf32, #tpu.memory_space<vmem>> -> memref<64xf32, #tpu.memory_space<vmem>>
      %dma_wait3A_2005 = arith.constant 0 : i32
      %dma_wait3A_2006 = tpu.memref_slice %arg2[%shift_right_logical3A_882, %and3A_884, %dma_wait3A_2005] : memref<125000x8x64xf32, #tpu.memory_space<hbm>> -> memref<1x1x64xf32, #tpu.memory_space<hbm>>
      %dma_wait3A_2007 = tpu.memref_squeeze %dma_wait3A_2006 : memref<1x1x64xf32, #tpu.memory_space<hbm>> -> memref<64xf32, #tpu.memory_space<hbm>>
      %dma_wait3A_2008 = arith.constant 0 : i32
      %dma_wait3A_2009 = tpu.memref_slice %arg7[%add3A_890, %dma_wait3A_2008] : memref<512x64xf32, #tpu.memory_space<vmem>> -> memref<1x64xf32, #tpu.memory_space<vmem>>
      %dma_wait3A_2010 = tpu.memref_squeeze %dma_wait3A_2009 : memref<1x64xf32, #tpu.memory_space<vmem>> -> memref<64xf32, #tpu.memory_space<vmem>>
      %dma_wait3A_2011 = arith.constant 0 : i32
      %dma_wait3A_2012 = tpu.memref_slice %arg2[%shift_right_logical3A_882, %and3A_884, %dma_wait3A_2011] : memref<125000x8x64xf32, #tpu.memory_space<hbm>> -> memref<1x1x64xf32, #tpu.memory_space<hbm>>
      %dma_wait3A_2013 = tpu.memref_squeeze %dma_wait3A_2012 : memref<1x1x64xf32, #tpu.memory_space<hbm>> -> memref<64xf32, #tpu.memory_space<hbm>>
      tpu.wait_dma2 semaphore(%arg9 : memref<!tpu.dma_semaphore, #tpu.memory_space<semaphore_mem>>) src(%dma_wait3A_2013 : memref<64xf32, #tpu.memory_space<hbm>>) dst(%dma_wait3A_2010 : memref<64xf32, #tpu.memory_space<vmem>>)
      %dma_wait3A_2014 = arith.constant 0 : i32
      %dma_wait3A_2015 = tpu.memref_slice %arg7[%add3A_914, %dma_wait3A_2014] : memref<512x64xf32, #tpu.memory_space<vmem>> -> memref<1x64xf32, #tpu.memory_space<vmem>>
      %dma_wait3A_2016 = tpu.memref_squeeze %dma_wait3A_2015 : memref<1x64xf32, #tpu.memory_space<vmem>> -> memref<64xf32, #tpu.memory_space<vmem>>
      %dma_wait3A_2017 = arith.constant 0 : i32
      %dma_wait3A_2018 = tpu.memref_slice %arg2[%shift_right_logical3A_906, %and3A_908, %dma_wait3A_2017] : memref<125000x8x64xf32, #tpu.memory_space<hbm>> -> memref<1x1x64xf32, #tpu.memory_space<hbm>>
      %dma_wait3A_2019 = tpu.memref_squeeze %dma_wait3A_2018 : memref<1x1x64xf32, #tpu.memory_space<hbm>> -> memref<64xf32, #tpu.memory_space<hbm>>
      %dma_wait3A_2020 = arith.constant 0 : i32
      %dma_wait3A_2021 = tpu.memref_slice %arg7[%add3A_914, %dma_wait3A_2020] : memref<512x64xf32, #tpu.memory_space<vmem>> -> memref<1x64xf32, #tpu.memory_space<vmem>>
      %dma_wait3A_2022 = tpu.memref_squeeze %dma_wait3A_2021 : memref<1x64xf32, #tpu.memory_space<vmem>> -> memref<64xf32, #tpu.memory_space<vmem>>
      %dma_wait3A_2023 = arith.constant 0 : i32
      %dma_wait3A_2024 = tpu.memref_slice %arg2[%shift_right_logical3A_906, %and3A_908, %dma_wait3A_2023] : memref<125000x8x64xf32, #tpu.memory_space<hbm>> -> memref<1x1x64xf32, #tpu.memory_space<hbm>>
      %dma_wait3A_2025 = tpu.memref_squeeze %dma_wait3A_2024 : memref<1x1x64xf32, #tpu.memory_space<hbm>> -> memref<64xf32, #tpu.memory_space<hbm>>
      tpu.wait_dma2 semaphore(%arg9 : memref<!tpu.dma_semaphore, #tpu.memory_space<semaphore_mem>>) src(%dma_wait3A_2025 : memref<64xf32, #tpu.memory_space<hbm>>) dst(%dma_wait3A_2022 : memref<64xf32, #tpu.memory_space<vmem>>)
      %dma_wait3A_2026 = arith.constant 0 : i32
      %dma_wait3A_2027 = tpu.memref_slice %arg7[%add3A_938, %dma_wait3A_2026] : memref<512x64xf32, #tpu.memory_space<vmem>> -> memref<1x64xf32, #tpu.memory_space<vmem>>
      %dma_wait3A_2028 = tpu.memref_squeeze %dma_wait3A_2027 : memref<1x64xf32, #tpu.memory_space<vmem>> -> memref<64xf32, #tpu.memory_space<vmem>>
      %dma_wait3A_2029 = arith.constant 0 : i32
      %dma_wait3A_2030 = tpu.memref_slice %arg2[%shift_right_logical3A_930, %and3A_932, %dma_wait3A_2029] : memref<125000x8x64xf32, #tpu.memory_space<hbm>> -> memref<1x1x64xf32, #tpu.memory_space<hbm>>
      %dma_wait3A_2031 = tpu.memref_squeeze %dma_wait3A_2030 : memref<1x1x64xf32, #tpu.memory_space<hbm>> -> memref<64xf32, #tpu.memory_space<hbm>>
      %dma_wait3A_2032 = arith.constant 0 : i32
      %dma_wait3A_2033 = tpu.memref_slice %arg7[%add3A_938, %dma_wait3A_2032] : memref<512x64xf32, #tpu.memory_space<vmem>> -> memref<1x64xf32, #tpu.memory_space<vmem>>
      %dma_wait3A_2034 = tpu.memref_squeeze %dma_wait3A_2033 : memref<1x64xf32, #tpu.memory_space<vmem>> -> memref<64xf32, #tpu.memory_space<vmem>>
      %dma_wait3A_2035 = arith.constant 0 : i32
      %dma_wait3A_2036 = tpu.memref_slice %arg2[%shift_right_logical3A_930, %and3A_932, %dma_wait3A_2035] : memref<125000x8x64xf32, #tpu.memory_space<hbm>> -> memref<1x1x64xf32, #tpu.memory_space<hbm>>
      %dma_wait3A_2037 = tpu.memref_squeeze %dma_wait3A_2036 : memref<1x1x64xf32, #tpu.memory_space<hbm>> -> memref<64xf32, #tpu.memory_space<hbm>>
      tpu.wait_dma2 semaphore(%arg9 : memref<!tpu.dma_semaphore, #tpu.memory_space<semaphore_mem>>) src(%dma_wait3A_2037 : memref<64xf32, #tpu.memory_space<hbm>>) dst(%dma_wait3A_2034 : memref<64xf32, #tpu.memory_space<vmem>>)
      %dma_wait3A_2038 = arith.constant 0 : i32
      %dma_wait3A_2039 = tpu.memref_slice %arg7[%add3A_962, %dma_wait3A_2038] : memref<512x64xf32, #tpu.memory_space<vmem>> -> memref<1x64xf32, #tpu.memory_space<vmem>>
      %dma_wait3A_2040 = tpu.memref_squeeze %dma_wait3A_2039 : memref<1x64xf32, #tpu.memory_space<vmem>> -> memref<64xf32, #tpu.memory_space<vmem>>
      %dma_wait3A_2041 = arith.constant 0 : i32
      %dma_wait3A_2042 = tpu.memref_slice %arg2[%shift_right_logical3A_954, %and3A_956, %dma_wait3A_2041] : memref<125000x8x64xf32, #tpu.memory_space<hbm>> -> memref<1x1x64xf32, #tpu.memory_space<hbm>>
      %dma_wait3A_2043 = tpu.memref_squeeze %dma_wait3A_2042 : memref<1x1x64xf32, #tpu.memory_space<hbm>> -> memref<64xf32, #tpu.memory_space<hbm>>
      %dma_wait3A_2044 = arith.constant 0 : i32
      %dma_wait3A_2045 = tpu.memref_slice %arg7[%add3A_962, %dma_wait3A_2044] : memref<512x64xf32, #tpu.memory_space<vmem>> -> memref<1x64xf32, #tpu.memory_space<vmem>>
      %dma_wait3A_2046 = tpu.memref_squeeze %dma_wait3A_2045 : memref<1x64xf32, #tpu.memory_space<vmem>> -> memref<64xf32, #tpu.memory_space<vmem>>
      %dma_wait3A_2047 = arith.constant 0 : i32
      %dma_wait3A_2048 = tpu.memref_slice %arg2[%shift_right_logical3A_954, %and3A_956, %dma_wait3A_2047] : memref<125000x8x64xf32, #tpu.memory_space<hbm>> -> memref<1x1x64xf32, #tpu.memory_space<hbm>>
      %dma_wait3A_2049 = tpu.memref_squeeze %dma_wait3A_2048 : memref<1x1x64xf32, #tpu.memory_space<hbm>> -> memref<64xf32, #tpu.memory_space<hbm>>
      tpu.wait_dma2 semaphore(%arg9 : memref<!tpu.dma_semaphore, #tpu.memory_space<semaphore_mem>>) src(%dma_wait3A_2049 : memref<64xf32, #tpu.memory_space<hbm>>) dst(%dma_wait3A_2046 : memref<64xf32, #tpu.memory_space<vmem>>)
      %dma_wait3A_2050 = arith.constant 0 : i32
      %dma_wait3A_2051 = tpu.memref_slice %arg7[%add3A_986, %dma_wait3A_2050] : memref<512x64xf32, #tpu.memory_space<vmem>> -> memref<1x64xf32, #tpu.memory_space<vmem>>
      %dma_wait3A_2052 = tpu.memref_squeeze %dma_wait3A_2051 : memref<1x64xf32, #tpu.memory_space<vmem>> -> memref<64xf32, #tpu.memory_space<vmem>>
      %dma_wait3A_2053 = arith.constant 0 : i32
      %dma_wait3A_2054 = tpu.memref_slice %arg2[%shift_right_logical3A_978, %and3A_980, %dma_wait3A_2053] : memref<125000x8x64xf32, #tpu.memory_space<hbm>> -> memref<1x1x64xf32, #tpu.memory_space<hbm>>
      %dma_wait3A_2055 = tpu.memref_squeeze %dma_wait3A_2054 : memref<1x1x64xf32, #tpu.memory_space<hbm>> -> memref<64xf32, #tpu.memory_space<hbm>>
      %dma_wait3A_2056 = arith.constant 0 : i32
      %dma_wait3A_2057 = tpu.memref_slice %arg7[%add3A_986, %dma_wait3A_2056] : memref<512x64xf32, #tpu.memory_space<vmem>> -> memref<1x64xf32, #tpu.memory_space<vmem>>
      %dma_wait3A_2058 = tpu.memref_squeeze %dma_wait3A_2057 : memref<1x64xf32, #tpu.memory_space<vmem>> -> memref<64xf32, #tpu.memory_space<vmem>>
      %dma_wait3A_2059 = arith.constant 0 : i32
      %dma_wait3A_2060 = tpu.memref_slice %arg2[%shift_right_logical3A_978, %and3A_980, %dma_wait3A_2059] : memref<125000x8x64xf32, #tpu.memory_space<hbm>> -> memref<1x1x64xf32, #tpu.memory_space<hbm>>
      %dma_wait3A_2061 = tpu.memref_squeeze %dma_wait3A_2060 : memref<1x1x64xf32, #tpu.memory_space<hbm>> -> memref<64xf32, #tpu.memory_space<hbm>>
      tpu.wait_dma2 semaphore(%arg9 : memref<!tpu.dma_semaphore, #tpu.memory_space<semaphore_mem>>) src(%dma_wait3A_2061 : memref<64xf32, #tpu.memory_space<hbm>>) dst(%dma_wait3A_2058 : memref<64xf32, #tpu.memory_space<vmem>>)
      %dma_wait3A_2062 = arith.constant 0 : i32
      %dma_wait3A_2063 = tpu.memref_slice %arg7[%add3A_1010, %dma_wait3A_2062] : memref<512x64xf32, #tpu.memory_space<vmem>> -> memref<1x64xf32, #tpu.memory_space<vmem>>
      %dma_wait3A_2064 = tpu.memref_squeeze %dma_wait3A_2063 : memref<1x64xf32, #tpu.memory_space<vmem>> -> memref<64xf32, #tpu.memory_space<vmem>>
      %dma_wait3A_2065 = arith.constant 0 : i32
      %dma_wait3A_2066 = tpu.memref_slice %arg2[%shift_right_logical3A_1002, %and3A_1004, %dma_wait3A_2065] : memref<125000x8x64xf32, #tpu.memory_space<hbm>> -> memref<1x1x64xf32, #tpu.memory_space<hbm>>
      %dma_wait3A_2067 = tpu.memref_squeeze %dma_wait3A_2066 : memref<1x1x64xf32, #tpu.memory_space<hbm>> -> memref<64xf32, #tpu.memory_space<hbm>>
      %dma_wait3A_2068 = arith.constant 0 : i32
      %dma_wait3A_2069 = tpu.memref_slice %arg7[%add3A_1010, %dma_wait3A_2068] : memref<512x64xf32, #tpu.memory_space<vmem>> -> memref<1x64xf32, #tpu.memory_space<vmem>>
      %dma_wait3A_2070 = tpu.memref_squeeze %dma_wait3A_2069 : memref<1x64xf32, #tpu.memory_space<vmem>> -> memref<64xf32, #tpu.memory_space<vmem>>
      %dma_wait3A_2071 = arith.constant 0 : i32
      %dma_wait3A_2072 = tpu.memref_slice %arg2[%shift_right_logical3A_1002, %and3A_1004, %dma_wait3A_2071] : memref<125000x8x64xf32, #tpu.memory_space<hbm>> -> memref<1x1x64xf32, #tpu.memory_space<hbm>>
      %dma_wait3A_2073 = tpu.memref_squeeze %dma_wait3A_2072 : memref<1x1x64xf32, #tpu.memory_space<hbm>> -> memref<64xf32, #tpu.memory_space<hbm>>
      tpu.wait_dma2 semaphore(%arg9 : memref<!tpu.dma_semaphore, #tpu.memory_space<semaphore_mem>>) src(%dma_wait3A_2073 : memref<64xf32, #tpu.memory_space<hbm>>) dst(%dma_wait3A_2070 : memref<64xf32, #tpu.memory_space<vmem>>)
      %dma_wait3A_2074 = arith.constant 0 : i32
      %dma_wait3A_2075 = tpu.memref_slice %arg7[%add3A_1034, %dma_wait3A_2074] : memref<512x64xf32, #tpu.memory_space<vmem>> -> memref<1x64xf32, #tpu.memory_space<vmem>>
      %dma_wait3A_2076 = tpu.memref_squeeze %dma_wait3A_2075 : memref<1x64xf32, #tpu.memory_space<vmem>> -> memref<64xf32, #tpu.memory_space<vmem>>
      %dma_wait3A_2077 = arith.constant 0 : i32
      %dma_wait3A_2078 = tpu.memref_slice %arg2[%shift_right_logical3A_1026, %and3A_1028, %dma_wait3A_2077] : memref<125000x8x64xf32, #tpu.memory_space<hbm>> -> memref<1x1x64xf32, #tpu.memory_space<hbm>>
      %dma_wait3A_2079 = tpu.memref_squeeze %dma_wait3A_2078 : memref<1x1x64xf32, #tpu.memory_space<hbm>> -> memref<64xf32, #tpu.memory_space<hbm>>
      %dma_wait3A_2080 = arith.constant 0 : i32
      %dma_wait3A_2081 = tpu.memref_slice %arg7[%add3A_1034, %dma_wait3A_2080] : memref<512x64xf32, #tpu.memory_space<vmem>> -> memref<1x64xf32, #tpu.memory_space<vmem>>
      %dma_wait3A_2082 = tpu.memref_squeeze %dma_wait3A_2081 : memref<1x64xf32, #tpu.memory_space<vmem>> -> memref<64xf32, #tpu.memory_space<vmem>>
      %dma_wait3A_2083 = arith.constant 0 : i32
      %dma_wait3A_2084 = tpu.memref_slice %arg2[%shift_right_logical3A_1026, %and3A_1028, %dma_wait3A_2083] : memref<125000x8x64xf32, #tpu.memory_space<hbm>> -> memref<1x1x64xf32, #tpu.memory_space<hbm>>
      %dma_wait3A_2085 = tpu.memref_squeeze %dma_wait3A_2084 : memref<1x1x64xf32, #tpu.memory_space<hbm>> -> memref<64xf32, #tpu.memory_space<hbm>>
      tpu.wait_dma2 semaphore(%arg9 : memref<!tpu.dma_semaphore, #tpu.memory_space<semaphore_mem>>) src(%dma_wait3A_2085 : memref<64xf32, #tpu.memory_space<hbm>>) dst(%dma_wait3A_2082 : memref<64xf32, #tpu.memory_space<vmem>>)
      %dma_wait3A_2086 = arith.constant 0 : i32
      %dma_wait3A_2087 = tpu.memref_slice %arg7[%add3A_1058, %dma_wait3A_2086] : memref<512x64xf32, #tpu.memory_space<vmem>> -> memref<1x64xf32, #tpu.memory_space<vmem>>
      %dma_wait3A_2088 = tpu.memref_squeeze %dma_wait3A_2087 : memref<1x64xf32, #tpu.memory_space<vmem>> -> memref<64xf32, #tpu.memory_space<vmem>>
      %dma_wait3A_2089 = arith.constant 0 : i32
      %dma_wait3A_2090 = tpu.memref_slice %arg2[%shift_right_logical3A_1050, %and3A_1052, %dma_wait3A_2089] : memref<125000x8x64xf32, #tpu.memory_space<hbm>> -> memref<1x1x64xf32, #tpu.memory_space<hbm>>
      %dma_wait3A_2091 = tpu.memref_squeeze %dma_wait3A_2090 : memref<1x1x64xf32, #tpu.memory_space<hbm>> -> memref<64xf32, #tpu.memory_space<hbm>>
      %dma_wait3A_2092 = arith.constant 0 : i32
      %dma_wait3A_2093 = tpu.memref_slice %arg7[%add3A_1058, %dma_wait3A_2092] : memref<512x64xf32, #tpu.memory_space<vmem>> -> memref<1x64xf32, #tpu.memory_space<vmem>>
      %dma_wait3A_2094 = tpu.memref_squeeze %dma_wait3A_2093 : memref<1x64xf32, #tpu.memory_space<vmem>> -> memref<64xf32, #tpu.memory_space<vmem>>
      %dma_wait3A_2095 = arith.constant 0 : i32
      %dma_wait3A_2096 = tpu.memref_slice %arg2[%shift_right_logical3A_1050, %and3A_1052, %dma_wait3A_2095] : memref<125000x8x64xf32, #tpu.memory_space<hbm>> -> memref<1x1x64xf32, #tpu.memory_space<hbm>>
      %dma_wait3A_2097 = tpu.memref_squeeze %dma_wait3A_2096 : memref<1x1x64xf32, #tpu.memory_space<hbm>> -> memref<64xf32, #tpu.memory_space<hbm>>
      tpu.wait_dma2 semaphore(%arg9 : memref<!tpu.dma_semaphore, #tpu.memory_space<semaphore_mem>>) src(%dma_wait3A_2097 : memref<64xf32, #tpu.memory_space<hbm>>) dst(%dma_wait3A_2094 : memref<64xf32, #tpu.memory_space<vmem>>)
      %dma_wait3A_2098 = arith.constant 0 : i32
      %dma_wait3A_2099 = tpu.memref_slice %arg7[%add3A_1082, %dma_wait3A_2098] : memref<512x64xf32, #tpu.memory_space<vmem>> -> memref<1x64xf32, #tpu.memory_space<vmem>>
      %dma_wait3A_2100 = tpu.memref_squeeze %dma_wait3A_2099 : memref<1x64xf32, #tpu.memory_space<vmem>> -> memref<64xf32, #tpu.memory_space<vmem>>
      %dma_wait3A_2101 = arith.constant 0 : i32
      %dma_wait3A_2102 = tpu.memref_slice %arg2[%shift_right_logical3A_1074, %and3A_1076, %dma_wait3A_2101] : memref<125000x8x64xf32, #tpu.memory_space<hbm>> -> memref<1x1x64xf32, #tpu.memory_space<hbm>>
      %dma_wait3A_2103 = tpu.memref_squeeze %dma_wait3A_2102 : memref<1x1x64xf32, #tpu.memory_space<hbm>> -> memref<64xf32, #tpu.memory_space<hbm>>
      %dma_wait3A_2104 = arith.constant 0 : i32
      %dma_wait3A_2105 = tpu.memref_slice %arg7[%add3A_1082, %dma_wait3A_2104] : memref<512x64xf32, #tpu.memory_space<vmem>> -> memref<1x64xf32, #tpu.memory_space<vmem>>
      %dma_wait3A_2106 = tpu.memref_squeeze %dma_wait3A_2105 : memref<1x64xf32, #tpu.memory_space<vmem>> -> memref<64xf32, #tpu.memory_space<vmem>>
      %dma_wait3A_2107 = arith.constant 0 : i32
      %dma_wait3A_2108 = tpu.memref_slice %arg2[%shift_right_logical3A_1074, %and3A_1076, %dma_wait3A_2107] : memref<125000x8x64xf32, #tpu.memory_space<hbm>> -> memref<1x1x64xf32, #tpu.memory_space<hbm>>
      %dma_wait3A_2109 = tpu.memref_squeeze %dma_wait3A_2108 : memref<1x1x64xf32, #tpu.memory_space<hbm>> -> memref<64xf32, #tpu.memory_space<hbm>>
      tpu.wait_dma2 semaphore(%arg9 : memref<!tpu.dma_semaphore, #tpu.memory_space<semaphore_mem>>) src(%dma_wait3A_2109 : memref<64xf32, #tpu.memory_space<hbm>>) dst(%dma_wait3A_2106 : memref<64xf32, #tpu.memory_space<vmem>>)
      %dma_wait3A_2110 = arith.constant 0 : i32
      %dma_wait3A_2111 = tpu.memref_slice %arg7[%add3A_1106, %dma_wait3A_2110] : memref<512x64xf32, #tpu.memory_space<vmem>> -> memref<1x64xf32, #tpu.memory_space<vmem>>
      %dma_wait3A_2112 = tpu.memref_squeeze %dma_wait3A_2111 : memref<1x64xf32, #tpu.memory_space<vmem>> -> memref<64xf32, #tpu.memory_space<vmem>>
      %dma_wait3A_2113 = arith.constant 0 : i32
      %dma_wait3A_2114 = tpu.memref_slice %arg2[%shift_right_logical3A_1098, %and3A_1100, %dma_wait3A_2113] : memref<125000x8x64xf32, #tpu.memory_space<hbm>> -> memref<1x1x64xf32, #tpu.memory_space<hbm>>
      %dma_wait3A_2115 = tpu.memref_squeeze %dma_wait3A_2114 : memref<1x1x64xf32, #tpu.memory_space<hbm>> -> memref<64xf32, #tpu.memory_space<hbm>>
      %dma_wait3A_2116 = arith.constant 0 : i32
      %dma_wait3A_2117 = tpu.memref_slice %arg7[%add3A_1106, %dma_wait3A_2116] : memref<512x64xf32, #tpu.memory_space<vmem>> -> memref<1x64xf32, #tpu.memory_space<vmem>>
      %dma_wait3A_2118 = tpu.memref_squeeze %dma_wait3A_2117 : memref<1x64xf32, #tpu.memory_space<vmem>> -> memref<64xf32, #tpu.memory_space<vmem>>
      %dma_wait3A_2119 = arith.constant 0 : i32
      %dma_wait3A_2120 = tpu.memref_slice %arg2[%shift_right_logical3A_1098, %and3A_1100, %dma_wait3A_2119] : memref<125000x8x64xf32, #tpu.memory_space<hbm>> -> memref<1x1x64xf32, #tpu.memory_space<hbm>>
      %dma_wait3A_2121 = tpu.memref_squeeze %dma_wait3A_2120 : memref<1x1x64xf32, #tpu.memory_space<hbm>> -> memref<64xf32, #tpu.memory_space<hbm>>
      tpu.wait_dma2 semaphore(%arg9 : memref<!tpu.dma_semaphore, #tpu.memory_space<semaphore_mem>>) src(%dma_wait3A_2121 : memref<64xf32, #tpu.memory_space<hbm>>) dst(%dma_wait3A_2118 : memref<64xf32, #tpu.memory_space<vmem>>)
      %dma_wait3A_2122 = arith.constant 0 : i32
      %dma_wait3A_2123 = tpu.memref_slice %arg7[%add3A_1130, %dma_wait3A_2122] : memref<512x64xf32, #tpu.memory_space<vmem>> -> memref<1x64xf32, #tpu.memory_space<vmem>>
      %dma_wait3A_2124 = tpu.memref_squeeze %dma_wait3A_2123 : memref<1x64xf32, #tpu.memory_space<vmem>> -> memref<64xf32, #tpu.memory_space<vmem>>
      %dma_wait3A_2125 = arith.constant 0 : i32
      %dma_wait3A_2126 = tpu.memref_slice %arg2[%shift_right_logical3A_1122, %and3A_1124, %dma_wait3A_2125] : memref<125000x8x64xf32, #tpu.memory_space<hbm>> -> memref<1x1x64xf32, #tpu.memory_space<hbm>>
      %dma_wait3A_2127 = tpu.memref_squeeze %dma_wait3A_2126 : memref<1x1x64xf32, #tpu.memory_space<hbm>> -> memref<64xf32, #tpu.memory_space<hbm>>
      %dma_wait3A_2128 = arith.constant 0 : i32
      %dma_wait3A_2129 = tpu.memref_slice %arg7[%add3A_1130, %dma_wait3A_2128] : memref<512x64xf32, #tpu.memory_space<vmem>> -> memref<1x64xf32, #tpu.memory_space<vmem>>
      %dma_wait3A_2130 = tpu.memref_squeeze %dma_wait3A_2129 : memref<1x64xf32, #tpu.memory_space<vmem>> -> memref<64xf32, #tpu.memory_space<vmem>>
      %dma_wait3A_2131 = arith.constant 0 : i32
      %dma_wait3A_2132 = tpu.memref_slice %arg2[%shift_right_logical3A_1122, %and3A_1124, %dma_wait3A_2131] : memref<125000x8x64xf32, #tpu.memory_space<hbm>> -> memref<1x1x64xf32, #tpu.memory_space<hbm>>
      %dma_wait3A_2133 = tpu.memref_squeeze %dma_wait3A_2132 : memref<1x1x64xf32, #tpu.memory_space<hbm>> -> memref<64xf32, #tpu.memory_space<hbm>>
      tpu.wait_dma2 semaphore(%arg9 : memref<!tpu.dma_semaphore, #tpu.memory_space<semaphore_mem>>) src(%dma_wait3A_2133 : memref<64xf32, #tpu.memory_space<hbm>>) dst(%dma_wait3A_2130 : memref<64xf32, #tpu.memory_space<vmem>>)
      %dma_wait3A_2134 = arith.constant 0 : i32
      %dma_wait3A_2135 = tpu.memref_slice %arg7[%add3A_1154, %dma_wait3A_2134] : memref<512x64xf32, #tpu.memory_space<vmem>> -> memref<1x64xf32, #tpu.memory_space<vmem>>
      %dma_wait3A_2136 = tpu.memref_squeeze %dma_wait3A_2135 : memref<1x64xf32, #tpu.memory_space<vmem>> -> memref<64xf32, #tpu.memory_space<vmem>>
      %dma_wait3A_2137 = arith.constant 0 : i32
      %dma_wait3A_2138 = tpu.memref_slice %arg2[%shift_right_logical3A_1146, %and3A_1148, %dma_wait3A_2137] : memref<125000x8x64xf32, #tpu.memory_space<hbm>> -> memref<1x1x64xf32, #tpu.memory_space<hbm>>
      %dma_wait3A_2139 = tpu.memref_squeeze %dma_wait3A_2138 : memref<1x1x64xf32, #tpu.memory_space<hbm>> -> memref<64xf32, #tpu.memory_space<hbm>>
      %dma_wait3A_2140 = arith.constant 0 : i32
      %dma_wait3A_2141 = tpu.memref_slice %arg7[%add3A_1154, %dma_wait3A_2140] : memref<512x64xf32, #tpu.memory_space<vmem>> -> memref<1x64xf32, #tpu.memory_space<vmem>>
      %dma_wait3A_2142 = tpu.memref_squeeze %dma_wait3A_2141 : memref<1x64xf32, #tpu.memory_space<vmem>> -> memref<64xf32, #tpu.memory_space<vmem>>
      %dma_wait3A_2143 = arith.constant 0 : i32
      %dma_wait3A_2144 = tpu.memref_slice %arg2[%shift_right_logical3A_1146, %and3A_1148, %dma_wait3A_2143] : memref<125000x8x64xf32, #tpu.memory_space<hbm>> -> memref<1x1x64xf32, #tpu.memory_space<hbm>>
      %dma_wait3A_2145 = tpu.memref_squeeze %dma_wait3A_2144 : memref<1x1x64xf32, #tpu.memory_space<hbm>> -> memref<64xf32, #tpu.memory_space<hbm>>
      tpu.wait_dma2 semaphore(%arg9 : memref<!tpu.dma_semaphore, #tpu.memory_space<semaphore_mem>>) src(%dma_wait3A_2145 : memref<64xf32, #tpu.memory_space<hbm>>) dst(%dma_wait3A_2142 : memref<64xf32, #tpu.memory_space<vmem>>)
      %dma_wait3A_2146 = arith.constant 0 : i32
      %dma_wait3A_2147 = tpu.memref_slice %arg7[%add3A_1178, %dma_wait3A_2146] : memref<512x64xf32, #tpu.memory_space<vmem>> -> memref<1x64xf32, #tpu.memory_space<vmem>>
      %dma_wait3A_2148 = tpu.memref_squeeze %dma_wait3A_2147 : memref<1x64xf32, #tpu.memory_space<vmem>> -> memref<64xf32, #tpu.memory_space<vmem>>
      %dma_wait3A_2149 = arith.constant 0 : i32
      %dma_wait3A_2150 = tpu.memref_slice %arg2[%shift_right_logical3A_1170, %and3A_1172, %dma_wait3A_2149] : memref<125000x8x64xf32, #tpu.memory_space<hbm>> -> memref<1x1x64xf32, #tpu.memory_space<hbm>>
      %dma_wait3A_2151 = tpu.memref_squeeze %dma_wait3A_2150 : memref<1x1x64xf32, #tpu.memory_space<hbm>> -> memref<64xf32, #tpu.memory_space<hbm>>
      %dma_wait3A_2152 = arith.constant 0 : i32
      %dma_wait3A_2153 = tpu.memref_slice %arg7[%add3A_1178, %dma_wait3A_2152] : memref<512x64xf32, #tpu.memory_space<vmem>> -> memref<1x64xf32, #tpu.memory_space<vmem>>
      %dma_wait3A_2154 = tpu.memref_squeeze %dma_wait3A_2153 : memref<1x64xf32, #tpu.memory_space<vmem>> -> memref<64xf32, #tpu.memory_space<vmem>>
      %dma_wait3A_2155 = arith.constant 0 : i32
      %dma_wait3A_2156 = tpu.memref_slice %arg2[%shift_right_logical3A_1170, %and3A_1172, %dma_wait3A_2155] : memref<125000x8x64xf32, #tpu.memory_space<hbm>> -> memref<1x1x64xf32, #tpu.memory_space<hbm>>
      %dma_wait3A_2157 = tpu.memref_squeeze %dma_wait3A_2156 : memref<1x1x64xf32, #tpu.memory_space<hbm>> -> memref<64xf32, #tpu.memory_space<hbm>>
      tpu.wait_dma2 semaphore(%arg9 : memref<!tpu.dma_semaphore, #tpu.memory_space<semaphore_mem>>) src(%dma_wait3A_2157 : memref<64xf32, #tpu.memory_space<hbm>>) dst(%dma_wait3A_2154 : memref<64xf32, #tpu.memory_space<vmem>>)
      %dma_wait3A_2158 = arith.constant 0 : i32
      %dma_wait3A_2159 = tpu.memref_slice %arg7[%add3A_1209, %dma_wait3A_2158] : memref<512x64xf32, #tpu.memory_space<vmem>> -> memref<1x64xf32, #tpu.memory_space<vmem>>
      %dma_wait3A_2160 = tpu.memref_squeeze %dma_wait3A_2159 : memref<1x64xf32, #tpu.memory_space<vmem>> -> memref<64xf32, #tpu.memory_space<vmem>>
      %dma_wait3A_2161 = arith.constant 0 : i32
      %dma_wait3A_2162 = tpu.memref_slice %arg2[%shift_right_logical3A_1201, %and3A_1203, %dma_wait3A_2161] : memref<125000x8x64xf32, #tpu.memory_space<hbm>> -> memref<1x1x64xf32, #tpu.memory_space<hbm>>
      %dma_wait3A_2163 = tpu.memref_squeeze %dma_wait3A_2162 : memref<1x1x64xf32, #tpu.memory_space<hbm>> -> memref<64xf32, #tpu.memory_space<hbm>>
      %dma_wait3A_2164 = arith.constant 0 : i32
      %dma_wait3A_2165 = tpu.memref_slice %arg7[%add3A_1209, %dma_wait3A_2164] : memref<512x64xf32, #tpu.memory_space<vmem>> -> memref<1x64xf32, #tpu.memory_space<vmem>>
      %dma_wait3A_2166 = tpu.memref_squeeze %dma_wait3A_2165 : memref<1x64xf32, #tpu.memory_space<vmem>> -> memref<64xf32, #tpu.memory_space<vmem>>
      %dma_wait3A_2167 = arith.constant 0 : i32
      %dma_wait3A_2168 = tpu.memref_slice %arg2[%shift_right_logical3A_1201, %and3A_1203, %dma_wait3A_2167] : memref<125000x8x64xf32, #tpu.memory_space<hbm>> -> memref<1x1x64xf32, #tpu.memory_space<hbm>>
      %dma_wait3A_2169 = tpu.memref_squeeze %dma_wait3A_2168 : memref<1x1x64xf32, #tpu.memory_space<hbm>> -> memref<64xf32, #tpu.memory_space<hbm>>
      tpu.wait_dma2 semaphore(%arg9 : memref<!tpu.dma_semaphore, #tpu.memory_space<semaphore_mem>>) src(%dma_wait3A_2169 : memref<64xf32, #tpu.memory_space<hbm>>) dst(%dma_wait3A_2166 : memref<64xf32, #tpu.memory_space<vmem>>)
      %dma_wait3A_2170 = arith.constant 0 : i32
      %dma_wait3A_2171 = tpu.memref_slice %arg7[%add3A_1233, %dma_wait3A_2170] : memref<512x64xf32, #tpu.memory_space<vmem>> -> memref<1x64xf32, #tpu.memory_space<vmem>>
      %dma_wait3A_2172 = tpu.memref_squeeze %dma_wait3A_2171 : memref<1x64xf32, #tpu.memory_space<vmem>> -> memref<64xf32, #tpu.memory_space<vmem>>
      %dma_wait3A_2173 = arith.constant 0 : i32
      %dma_wait3A_2174 = tpu.memref_slice %arg2[%shift_right_logical3A_1225, %and3A_1227, %dma_wait3A_2173] : memref<125000x8x64xf32, #tpu.memory_space<hbm>> -> memref<1x1x64xf32, #tpu.memory_space<hbm>>
      %dma_wait3A_2175 = tpu.memref_squeeze %dma_wait3A_2174 : memref<1x1x64xf32, #tpu.memory_space<hbm>> -> memref<64xf32, #tpu.memory_space<hbm>>
      %dma_wait3A_2176 = arith.constant 0 : i32
      %dma_wait3A_2177 = tpu.memref_slice %arg7[%add3A_1233, %dma_wait3A_2176] : memref<512x64xf32, #tpu.memory_space<vmem>> -> memref<1x64xf32, #tpu.memory_space<vmem>>
      %dma_wait3A_2178 = tpu.memref_squeeze %dma_wait3A_2177 : memref<1x64xf32, #tpu.memory_space<vmem>> -> memref<64xf32, #tpu.memory_space<vmem>>
      %dma_wait3A_2179 = arith.constant 0 : i32
      %dma_wait3A_2180 = tpu.memref_slice %arg2[%shift_right_logical3A_1225, %and3A_1227, %dma_wait3A_2179] : memref<125000x8x64xf32, #tpu.memory_space<hbm>> -> memref<1x1x64xf32, #tpu.memory_space<hbm>>
      %dma_wait3A_2181 = tpu.memref_squeeze %dma_wait3A_2180 : memref<1x1x64xf32, #tpu.memory_space<hbm>> -> memref<64xf32, #tpu.memory_space<hbm>>
      tpu.wait_dma2 semaphore(%arg9 : memref<!tpu.dma_semaphore, #tpu.memory_space<semaphore_mem>>) src(%dma_wait3A_2181 : memref<64xf32, #tpu.memory_space<hbm>>) dst(%dma_wait3A_2178 : memref<64xf32, #tpu.memory_space<vmem>>)
      %dma_wait3A_2182 = arith.constant 0 : i32
      %dma_wait3A_2183 = tpu.memref_slice %arg7[%add3A_1257, %dma_wait3A_2182] : memref<512x64xf32, #tpu.memory_space<vmem>> -> memref<1x64xf32, #tpu.memory_space<vmem>>
      %dma_wait3A_2184 = tpu.memref_squeeze %dma_wait3A_2183 : memref<1x64xf32, #tpu.memory_space<vmem>> -> memref<64xf32, #tpu.memory_space<vmem>>
      %dma_wait3A_2185 = arith.constant 0 : i32
      %dma_wait3A_2186 = tpu.memref_slice %arg2[%shift_right_logical3A_1249, %and3A_1251, %dma_wait3A_2185] : memref<125000x8x64xf32, #tpu.memory_space<hbm>> -> memref<1x1x64xf32, #tpu.memory_space<hbm>>
      %dma_wait3A_2187 = tpu.memref_squeeze %dma_wait3A_2186 : memref<1x1x64xf32, #tpu.memory_space<hbm>> -> memref<64xf32, #tpu.memory_space<hbm>>
      %dma_wait3A_2188 = arith.constant 0 : i32
      %dma_wait3A_2189 = tpu.memref_slice %arg7[%add3A_1257, %dma_wait3A_2188] : memref<512x64xf32, #tpu.memory_space<vmem>> -> memref<1x64xf32, #tpu.memory_space<vmem>>
      %dma_wait3A_2190 = tpu.memref_squeeze %dma_wait3A_2189 : memref<1x64xf32, #tpu.memory_space<vmem>> -> memref<64xf32, #tpu.memory_space<vmem>>
      %dma_wait3A_2191 = arith.constant 0 : i32
      %dma_wait3A_2192 = tpu.memref_slice %arg2[%shift_right_logical3A_1249, %and3A_1251, %dma_wait3A_2191] : memref<125000x8x64xf32, #tpu.memory_space<hbm>> -> memref<1x1x64xf32, #tpu.memory_space<hbm>>
      %dma_wait3A_2193 = tpu.memref_squeeze %dma_wait3A_2192 : memref<1x1x64xf32, #tpu.memory_space<hbm>> -> memref<64xf32, #tpu.memory_space<hbm>>
      tpu.wait_dma2 semaphore(%arg9 : memref<!tpu.dma_semaphore, #tpu.memory_space<semaphore_mem>>) src(%dma_wait3A_2193 : memref<64xf32, #tpu.memory_space<hbm>>) dst(%dma_wait3A_2190 : memref<64xf32, #tpu.memory_space<vmem>>)
      %dma_wait3A_2194 = arith.constant 0 : i32
      %dma_wait3A_2195 = tpu.memref_slice %arg7[%add3A_1281, %dma_wait3A_2194] : memref<512x64xf32, #tpu.memory_space<vmem>> -> memref<1x64xf32, #tpu.memory_space<vmem>>
      %dma_wait3A_2196 = tpu.memref_squeeze %dma_wait3A_2195 : memref<1x64xf32, #tpu.memory_space<vmem>> -> memref<64xf32, #tpu.memory_space<vmem>>
      %dma_wait3A_2197 = arith.constant 0 : i32
      %dma_wait3A_2198 = tpu.memref_slice %arg2[%shift_right_logical3A_1273, %and3A_1275, %dma_wait3A_2197] : memref<125000x8x64xf32, #tpu.memory_space<hbm>> -> memref<1x1x64xf32, #tpu.memory_space<hbm>>
      %dma_wait3A_2199 = tpu.memref_squeeze %dma_wait3A_2198 : memref<1x1x64xf32, #tpu.memory_space<hbm>> -> memref<64xf32, #tpu.memory_space<hbm>>
      %dma_wait3A_2200 = arith.constant 0 : i32
      %dma_wait3A_2201 = tpu.memref_slice %arg7[%add3A_1281, %dma_wait3A_2200] : memref<512x64xf32, #tpu.memory_space<vmem>> -> memref<1x64xf32, #tpu.memory_space<vmem>>
      %dma_wait3A_2202 = tpu.memref_squeeze %dma_wait3A_2201 : memref<1x64xf32, #tpu.memory_space<vmem>> -> memref<64xf32, #tpu.memory_space<vmem>>
      %dma_wait3A_2203 = arith.constant 0 : i32
      %dma_wait3A_2204 = tpu.memref_slice %arg2[%shift_right_logical3A_1273, %and3A_1275, %dma_wait3A_2203] : memref<125000x8x64xf32, #tpu.memory_space<hbm>> -> memref<1x1x64xf32, #tpu.memory_space<hbm>>
      %dma_wait3A_2205 = tpu.memref_squeeze %dma_wait3A_2204 : memref<1x1x64xf32, #tpu.memory_space<hbm>> -> memref<64xf32, #tpu.memory_space<hbm>>
      tpu.wait_dma2 semaphore(%arg9 : memref<!tpu.dma_semaphore, #tpu.memory_space<semaphore_mem>>) src(%dma_wait3A_2205 : memref<64xf32, #tpu.memory_space<hbm>>) dst(%dma_wait3A_2202 : memref<64xf32, #tpu.memory_space<vmem>>)
      %dma_wait3A_2206 = arith.constant 0 : i32
      %dma_wait3A_2207 = tpu.memref_slice %arg7[%add3A_1305, %dma_wait3A_2206] : memref<512x64xf32, #tpu.memory_space<vmem>> -> memref<1x64xf32, #tpu.memory_space<vmem>>
      %dma_wait3A_2208 = tpu.memref_squeeze %dma_wait3A_2207 : memref<1x64xf32, #tpu.memory_space<vmem>> -> memref<64xf32, #tpu.memory_space<vmem>>
      %dma_wait3A_2209 = arith.constant 0 : i32
      %dma_wait3A_2210 = tpu.memref_slice %arg2[%shift_right_logical3A_1297, %and3A_1299, %dma_wait3A_2209] : memref<125000x8x64xf32, #tpu.memory_space<hbm>> -> memref<1x1x64xf32, #tpu.memory_space<hbm>>
      %dma_wait3A_2211 = tpu.memref_squeeze %dma_wait3A_2210 : memref<1x1x64xf32, #tpu.memory_space<hbm>> -> memref<64xf32, #tpu.memory_space<hbm>>
      %dma_wait3A_2212 = arith.constant 0 : i32
      %dma_wait3A_2213 = tpu.memref_slice %arg7[%add3A_1305, %dma_wait3A_2212] : memref<512x64xf32, #tpu.memory_space<vmem>> -> memref<1x64xf32, #tpu.memory_space<vmem>>
      %dma_wait3A_2214 = tpu.memref_squeeze %dma_wait3A_2213 : memref<1x64xf32, #tpu.memory_space<vmem>> -> memref<64xf32, #tpu.memory_space<vmem>>
      %dma_wait3A_2215 = arith.constant 0 : i32
      %dma_wait3A_2216 = tpu.memref_slice %arg2[%shift_right_logical3A_1297, %and3A_1299, %dma_wait3A_2215] : memref<125000x8x64xf32, #tpu.memory_space<hbm>> -> memref<1x1x64xf32, #tpu.memory_space<hbm>>
      %dma_wait3A_2217 = tpu.memref_squeeze %dma_wait3A_2216 : memref<1x1x64xf32, #tpu.memory_space<hbm>> -> memref<64xf32, #tpu.memory_space<hbm>>
      tpu.wait_dma2 semaphore(%arg9 : memref<!tpu.dma_semaphore, #tpu.memory_space<semaphore_mem>>) src(%dma_wait3A_2217 : memref<64xf32, #tpu.memory_space<hbm>>) dst(%dma_wait3A_2214 : memref<64xf32, #tpu.memory_space<vmem>>)
      %dma_wait3A_2218 = arith.constant 0 : i32
      %dma_wait3A_2219 = tpu.memref_slice %arg7[%add3A_1329, %dma_wait3A_2218] : memref<512x64xf32, #tpu.memory_space<vmem>> -> memref<1x64xf32, #tpu.memory_space<vmem>>
      %dma_wait3A_2220 = tpu.memref_squeeze %dma_wait3A_2219 : memref<1x64xf32, #tpu.memory_space<vmem>> -> memref<64xf32, #tpu.memory_space<vmem>>
      %dma_wait3A_2221 = arith.constant 0 : i32
      %dma_wait3A_2222 = tpu.memref_slice %arg2[%shift_right_logical3A_1321, %and3A_1323, %dma_wait3A_2221] : memref<125000x8x64xf32, #tpu.memory_space<hbm>> -> memref<1x1x64xf32, #tpu.memory_space<hbm>>
      %dma_wait3A_2223 = tpu.memref_squeeze %dma_wait3A_2222 : memref<1x1x64xf32, #tpu.memory_space<hbm>> -> memref<64xf32, #tpu.memory_space<hbm>>
      %dma_wait3A_2224 = arith.constant 0 : i32
      %dma_wait3A_2225 = tpu.memref_slice %arg7[%add3A_1329, %dma_wait3A_2224] : memref<512x64xf32, #tpu.memory_space<vmem>> -> memref<1x64xf32, #tpu.memory_space<vmem>>
      %dma_wait3A_2226 = tpu.memref_squeeze %dma_wait3A_2225 : memref<1x64xf32, #tpu.memory_space<vmem>> -> memref<64xf32, #tpu.memory_space<vmem>>
      %dma_wait3A_2227 = arith.constant 0 : i32
      %dma_wait3A_2228 = tpu.memref_slice %arg2[%shift_right_logical3A_1321, %and3A_1323, %dma_wait3A_2227] : memref<125000x8x64xf32, #tpu.memory_space<hbm>> -> memref<1x1x64xf32, #tpu.memory_space<hbm>>
      %dma_wait3A_2229 = tpu.memref_squeeze %dma_wait3A_2228 : memref<1x1x64xf32, #tpu.memory_space<hbm>> -> memref<64xf32, #tpu.memory_space<hbm>>
      tpu.wait_dma2 semaphore(%arg9 : memref<!tpu.dma_semaphore, #tpu.memory_space<semaphore_mem>>) src(%dma_wait3A_2229 : memref<64xf32, #tpu.memory_space<hbm>>) dst(%dma_wait3A_2226 : memref<64xf32, #tpu.memory_space<vmem>>)
      %dma_wait3A_2230 = arith.constant 0 : i32
      %dma_wait3A_2231 = tpu.memref_slice %arg7[%add3A_1353, %dma_wait3A_2230] : memref<512x64xf32, #tpu.memory_space<vmem>> -> memref<1x64xf32, #tpu.memory_space<vmem>>
      %dma_wait3A_2232 = tpu.memref_squeeze %dma_wait3A_2231 : memref<1x64xf32, #tpu.memory_space<vmem>> -> memref<64xf32, #tpu.memory_space<vmem>>
      %dma_wait3A_2233 = arith.constant 0 : i32
      %dma_wait3A_2234 = tpu.memref_slice %arg2[%shift_right_logical3A_1345, %and3A_1347, %dma_wait3A_2233] : memref<125000x8x64xf32, #tpu.memory_space<hbm>> -> memref<1x1x64xf32, #tpu.memory_space<hbm>>
      %dma_wait3A_2235 = tpu.memref_squeeze %dma_wait3A_2234 : memref<1x1x64xf32, #tpu.memory_space<hbm>> -> memref<64xf32, #tpu.memory_space<hbm>>
      %dma_wait3A_2236 = arith.constant 0 : i32
      %dma_wait3A_2237 = tpu.memref_slice %arg7[%add3A_1353, %dma_wait3A_2236] : memref<512x64xf32, #tpu.memory_space<vmem>> -> memref<1x64xf32, #tpu.memory_space<vmem>>
      %dma_wait3A_2238 = tpu.memref_squeeze %dma_wait3A_2237 : memref<1x64xf32, #tpu.memory_space<vmem>> -> memref<64xf32, #tpu.memory_space<vmem>>
      %dma_wait3A_2239 = arith.constant 0 : i32
      %dma_wait3A_2240 = tpu.memref_slice %arg2[%shift_right_logical3A_1345, %and3A_1347, %dma_wait3A_2239] : memref<125000x8x64xf32, #tpu.memory_space<hbm>> -> memref<1x1x64xf32, #tpu.memory_space<hbm>>
      %dma_wait3A_2241 = tpu.memref_squeeze %dma_wait3A_2240 : memref<1x1x64xf32, #tpu.memory_space<hbm>> -> memref<64xf32, #tpu.memory_space<hbm>>
      tpu.wait_dma2 semaphore(%arg9 : memref<!tpu.dma_semaphore, #tpu.memory_space<semaphore_mem>>) src(%dma_wait3A_2241 : memref<64xf32, #tpu.memory_space<hbm>>) dst(%dma_wait3A_2238 : memref<64xf32, #tpu.memory_space<vmem>>)
      %dma_wait3A_2242 = arith.constant 0 : i32
      %dma_wait3A_2243 = tpu.memref_slice %arg7[%add3A_1377, %dma_wait3A_2242] : memref<512x64xf32, #tpu.memory_space<vmem>> -> memref<1x64xf32, #tpu.memory_space<vmem>>
      %dma_wait3A_2244 = tpu.memref_squeeze %dma_wait3A_2243 : memref<1x64xf32, #tpu.memory_space<vmem>> -> memref<64xf32, #tpu.memory_space<vmem>>
      %dma_wait3A_2245 = arith.constant 0 : i32
      %dma_wait3A_2246 = tpu.memref_slice %arg2[%shift_right_logical3A_1369, %and3A_1371, %dma_wait3A_2245] : memref<125000x8x64xf32, #tpu.memory_space<hbm>> -> memref<1x1x64xf32, #tpu.memory_space<hbm>>
      %dma_wait3A_2247 = tpu.memref_squeeze %dma_wait3A_2246 : memref<1x1x64xf32, #tpu.memory_space<hbm>> -> memref<64xf32, #tpu.memory_space<hbm>>
      %dma_wait3A_2248 = arith.constant 0 : i32
      %dma_wait3A_2249 = tpu.memref_slice %arg7[%add3A_1377, %dma_wait3A_2248] : memref<512x64xf32, #tpu.memory_space<vmem>> -> memref<1x64xf32, #tpu.memory_space<vmem>>
      %dma_wait3A_2250 = tpu.memref_squeeze %dma_wait3A_2249 : memref<1x64xf32, #tpu.memory_space<vmem>> -> memref<64xf32, #tpu.memory_space<vmem>>
      %dma_wait3A_2251 = arith.constant 0 : i32
      %dma_wait3A_2252 = tpu.memref_slice %arg2[%shift_right_logical3A_1369, %and3A_1371, %dma_wait3A_2251] : memref<125000x8x64xf32, #tpu.memory_space<hbm>> -> memref<1x1x64xf32, #tpu.memory_space<hbm>>
      %dma_wait3A_2253 = tpu.memref_squeeze %dma_wait3A_2252 : memref<1x1x64xf32, #tpu.memory_space<hbm>> -> memref<64xf32, #tpu.memory_space<hbm>>
      tpu.wait_dma2 semaphore(%arg9 : memref<!tpu.dma_semaphore, #tpu.memory_space<semaphore_mem>>) src(%dma_wait3A_2253 : memref<64xf32, #tpu.memory_space<hbm>>) dst(%dma_wait3A_2250 : memref<64xf32, #tpu.memory_space<vmem>>)
      %dma_wait3A_2254 = arith.constant 0 : i32
      %dma_wait3A_2255 = tpu.memref_slice %arg7[%add3A_1401, %dma_wait3A_2254] : memref<512x64xf32, #tpu.memory_space<vmem>> -> memref<1x64xf32, #tpu.memory_space<vmem>>
      %dma_wait3A_2256 = tpu.memref_squeeze %dma_wait3A_2255 : memref<1x64xf32, #tpu.memory_space<vmem>> -> memref<64xf32, #tpu.memory_space<vmem>>
      %dma_wait3A_2257 = arith.constant 0 : i32
      %dma_wait3A_2258 = tpu.memref_slice %arg2[%shift_right_logical3A_1393, %and3A_1395, %dma_wait3A_2257] : memref<125000x8x64xf32, #tpu.memory_space<hbm>> -> memref<1x1x64xf32, #tpu.memory_space<hbm>>
      %dma_wait3A_2259 = tpu.memref_squeeze %dma_wait3A_2258 : memref<1x1x64xf32, #tpu.memory_space<hbm>> -> memref<64xf32, #tpu.memory_space<hbm>>
      %dma_wait3A_2260 = arith.constant 0 : i32
      %dma_wait3A_2261 = tpu.memref_slice %arg7[%add3A_1401, %dma_wait3A_2260] : memref<512x64xf32, #tpu.memory_space<vmem>> -> memref<1x64xf32, #tpu.memory_space<vmem>>
      %dma_wait3A_2262 = tpu.memref_squeeze %dma_wait3A_2261 : memref<1x64xf32, #tpu.memory_space<vmem>> -> memref<64xf32, #tpu.memory_space<vmem>>
      %dma_wait3A_2263 = arith.constant 0 : i32
      %dma_wait3A_2264 = tpu.memref_slice %arg2[%shift_right_logical3A_1393, %and3A_1395, %dma_wait3A_2263] : memref<125000x8x64xf32, #tpu.memory_space<hbm>> -> memref<1x1x64xf32, #tpu.memory_space<hbm>>
      %dma_wait3A_2265 = tpu.memref_squeeze %dma_wait3A_2264 : memref<1x1x64xf32, #tpu.memory_space<hbm>> -> memref<64xf32, #tpu.memory_space<hbm>>
      tpu.wait_dma2 semaphore(%arg9 : memref<!tpu.dma_semaphore, #tpu.memory_space<semaphore_mem>>) src(%dma_wait3A_2265 : memref<64xf32, #tpu.memory_space<hbm>>) dst(%dma_wait3A_2262 : memref<64xf32, #tpu.memory_space<vmem>>)
      %dma_wait3A_2266 = arith.constant 0 : i32
      %dma_wait3A_2267 = tpu.memref_slice %arg7[%add3A_1425, %dma_wait3A_2266] : memref<512x64xf32, #tpu.memory_space<vmem>> -> memref<1x64xf32, #tpu.memory_space<vmem>>
      %dma_wait3A_2268 = tpu.memref_squeeze %dma_wait3A_2267 : memref<1x64xf32, #tpu.memory_space<vmem>> -> memref<64xf32, #tpu.memory_space<vmem>>
      %dma_wait3A_2269 = arith.constant 0 : i32
      %dma_wait3A_2270 = tpu.memref_slice %arg2[%shift_right_logical3A_1417, %and3A_1419, %dma_wait3A_2269] : memref<125000x8x64xf32, #tpu.memory_space<hbm>> -> memref<1x1x64xf32, #tpu.memory_space<hbm>>
      %dma_wait3A_2271 = tpu.memref_squeeze %dma_wait3A_2270 : memref<1x1x64xf32, #tpu.memory_space<hbm>> -> memref<64xf32, #tpu.memory_space<hbm>>
      %dma_wait3A_2272 = arith.constant 0 : i32
      %dma_wait3A_2273 = tpu.memref_slice %arg7[%add3A_1425, %dma_wait3A_2272] : memref<512x64xf32, #tpu.memory_space<vmem>> -> memref<1x64xf32, #tpu.memory_space<vmem>>
      %dma_wait3A_2274 = tpu.memref_squeeze %dma_wait3A_2273 : memref<1x64xf32, #tpu.memory_space<vmem>> -> memref<64xf32, #tpu.memory_space<vmem>>
      %dma_wait3A_2275 = arith.constant 0 : i32
      %dma_wait3A_2276 = tpu.memref_slice %arg2[%shift_right_logical3A_1417, %and3A_1419, %dma_wait3A_2275] : memref<125000x8x64xf32, #tpu.memory_space<hbm>> -> memref<1x1x64xf32, #tpu.memory_space<hbm>>
      %dma_wait3A_2277 = tpu.memref_squeeze %dma_wait3A_2276 : memref<1x1x64xf32, #tpu.memory_space<hbm>> -> memref<64xf32, #tpu.memory_space<hbm>>
      tpu.wait_dma2 semaphore(%arg9 : memref<!tpu.dma_semaphore, #tpu.memory_space<semaphore_mem>>) src(%dma_wait3A_2277 : memref<64xf32, #tpu.memory_space<hbm>>) dst(%dma_wait3A_2274 : memref<64xf32, #tpu.memory_space<vmem>>)
      %dma_wait3A_2278 = arith.constant 0 : i32
      %dma_wait3A_2279 = tpu.memref_slice %arg7[%add3A_1449, %dma_wait3A_2278] : memref<512x64xf32, #tpu.memory_space<vmem>> -> memref<1x64xf32, #tpu.memory_space<vmem>>
      %dma_wait3A_2280 = tpu.memref_squeeze %dma_wait3A_2279 : memref<1x64xf32, #tpu.memory_space<vmem>> -> memref<64xf32, #tpu.memory_space<vmem>>
      %dma_wait3A_2281 = arith.constant 0 : i32
      %dma_wait3A_2282 = tpu.memref_slice %arg2[%shift_right_logical3A_1441, %and3A_1443, %dma_wait3A_2281] : memref<125000x8x64xf32, #tpu.memory_space<hbm>> -> memref<1x1x64xf32, #tpu.memory_space<hbm>>
      %dma_wait3A_2283 = tpu.memref_squeeze %dma_wait3A_2282 : memref<1x1x64xf32, #tpu.memory_space<hbm>> -> memref<64xf32, #tpu.memory_space<hbm>>
      %dma_wait3A_2284 = arith.constant 0 : i32
      %dma_wait3A_2285 = tpu.memref_slice %arg7[%add3A_1449, %dma_wait3A_2284] : memref<512x64xf32, #tpu.memory_space<vmem>> -> memref<1x64xf32, #tpu.memory_space<vmem>>
      %dma_wait3A_2286 = tpu.memref_squeeze %dma_wait3A_2285 : memref<1x64xf32, #tpu.memory_space<vmem>> -> memref<64xf32, #tpu.memory_space<vmem>>
      %dma_wait3A_2287 = arith.constant 0 : i32
      %dma_wait3A_2288 = tpu.memref_slice %arg2[%shift_right_logical3A_1441, %and3A_1443, %dma_wait3A_2287] : memref<125000x8x64xf32, #tpu.memory_space<hbm>> -> memref<1x1x64xf32, #tpu.memory_space<hbm>>
      %dma_wait3A_2289 = tpu.memref_squeeze %dma_wait3A_2288 : memref<1x1x64xf32, #tpu.memory_space<hbm>> -> memref<64xf32, #tpu.memory_space<hbm>>
      tpu.wait_dma2 semaphore(%arg9 : memref<!tpu.dma_semaphore, #tpu.memory_space<semaphore_mem>>) src(%dma_wait3A_2289 : memref<64xf32, #tpu.memory_space<hbm>>) dst(%dma_wait3A_2286 : memref<64xf32, #tpu.memory_space<vmem>>)
      %dma_wait3A_2290 = arith.constant 0 : i32
      %dma_wait3A_2291 = tpu.memref_slice %arg7[%add3A_1473, %dma_wait3A_2290] : memref<512x64xf32, #tpu.memory_space<vmem>> -> memref<1x64xf32, #tpu.memory_space<vmem>>
      %dma_wait3A_2292 = tpu.memref_squeeze %dma_wait3A_2291 : memref<1x64xf32, #tpu.memory_space<vmem>> -> memref<64xf32, #tpu.memory_space<vmem>>
      %dma_wait3A_2293 = arith.constant 0 : i32
      %dma_wait3A_2294 = tpu.memref_slice %arg2[%shift_right_logical3A_1465, %and3A_1467, %dma_wait3A_2293] : memref<125000x8x64xf32, #tpu.memory_space<hbm>> -> memref<1x1x64xf32, #tpu.memory_space<hbm>>
      %dma_wait3A_2295 = tpu.memref_squeeze %dma_wait3A_2294 : memref<1x1x64xf32, #tpu.memory_space<hbm>> -> memref<64xf32, #tpu.memory_space<hbm>>
      %dma_wait3A_2296 = arith.constant 0 : i32
      %dma_wait3A_2297 = tpu.memref_slice %arg7[%add3A_1473, %dma_wait3A_2296] : memref<512x64xf32, #tpu.memory_space<vmem>> -> memref<1x64xf32, #tpu.memory_space<vmem>>
      %dma_wait3A_2298 = tpu.memref_squeeze %dma_wait3A_2297 : memref<1x64xf32, #tpu.memory_space<vmem>> -> memref<64xf32, #tpu.memory_space<vmem>>
      %dma_wait3A_2299 = arith.constant 0 : i32
      %dma_wait3A_2300 = tpu.memref_slice %arg2[%shift_right_logical3A_1465, %and3A_1467, %dma_wait3A_2299] : memref<125000x8x64xf32, #tpu.memory_space<hbm>> -> memref<1x1x64xf32, #tpu.memory_space<hbm>>
      %dma_wait3A_2301 = tpu.memref_squeeze %dma_wait3A_2300 : memref<1x1x64xf32, #tpu.memory_space<hbm>> -> memref<64xf32, #tpu.memory_space<hbm>>
      tpu.wait_dma2 semaphore(%arg9 : memref<!tpu.dma_semaphore, #tpu.memory_space<semaphore_mem>>) src(%dma_wait3A_2301 : memref<64xf32, #tpu.memory_space<hbm>>) dst(%dma_wait3A_2298 : memref<64xf32, #tpu.memory_space<vmem>>)
      %dma_wait3A_2302 = arith.constant 0 : i32
      %dma_wait3A_2303 = tpu.memref_slice %arg7[%add3A_1497, %dma_wait3A_2302] : memref<512x64xf32, #tpu.memory_space<vmem>> -> memref<1x64xf32, #tpu.memory_space<vmem>>
      %dma_wait3A_2304 = tpu.memref_squeeze %dma_wait3A_2303 : memref<1x64xf32, #tpu.memory_space<vmem>> -> memref<64xf32, #tpu.memory_space<vmem>>
      %dma_wait3A_2305 = arith.constant 0 : i32
      %dma_wait3A_2306 = tpu.memref_slice %arg2[%shift_right_logical3A_1489, %and3A_1491, %dma_wait3A_2305] : memref<125000x8x64xf32, #tpu.memory_space<hbm>> -> memref<1x1x64xf32, #tpu.memory_space<hbm>>
      %dma_wait3A_2307 = tpu.memref_squeeze %dma_wait3A_2306 : memref<1x1x64xf32, #tpu.memory_space<hbm>> -> memref<64xf32, #tpu.memory_space<hbm>>
      %dma_wait3A_2308 = arith.constant 0 : i32
      %dma_wait3A_2309 = tpu.memref_slice %arg7[%add3A_1497, %dma_wait3A_2308] : memref<512x64xf32, #tpu.memory_space<vmem>> -> memref<1x64xf32, #tpu.memory_space<vmem>>
      %dma_wait3A_2310 = tpu.memref_squeeze %dma_wait3A_2309 : memref<1x64xf32, #tpu.memory_space<vmem>> -> memref<64xf32, #tpu.memory_space<vmem>>
      %dma_wait3A_2311 = arith.constant 0 : i32
      %dma_wait3A_2312 = tpu.memref_slice %arg2[%shift_right_logical3A_1489, %and3A_1491, %dma_wait3A_2311] : memref<125000x8x64xf32, #tpu.memory_space<hbm>> -> memref<1x1x64xf32, #tpu.memory_space<hbm>>
      %dma_wait3A_2313 = tpu.memref_squeeze %dma_wait3A_2312 : memref<1x1x64xf32, #tpu.memory_space<hbm>> -> memref<64xf32, #tpu.memory_space<hbm>>
      tpu.wait_dma2 semaphore(%arg9 : memref<!tpu.dma_semaphore, #tpu.memory_space<semaphore_mem>>) src(%dma_wait3A_2313 : memref<64xf32, #tpu.memory_space<hbm>>) dst(%dma_wait3A_2310 : memref<64xf32, #tpu.memory_space<vmem>>)
      %dma_wait3A_2314 = arith.constant 0 : i32
      %dma_wait3A_2315 = tpu.memref_slice %arg7[%add3A_1521, %dma_wait3A_2314] : memref<512x64xf32, #tpu.memory_space<vmem>> -> memref<1x64xf32, #tpu.memory_space<vmem>>
      %dma_wait3A_2316 = tpu.memref_squeeze %dma_wait3A_2315 : memref<1x64xf32, #tpu.memory_space<vmem>> -> memref<64xf32, #tpu.memory_space<vmem>>
      %dma_wait3A_2317 = arith.constant 0 : i32
      %dma_wait3A_2318 = tpu.memref_slice %arg2[%shift_right_logical3A_1513, %and3A_1515, %dma_wait3A_2317] : memref<125000x8x64xf32, #tpu.memory_space<hbm>> -> memref<1x1x64xf32, #tpu.memory_space<hbm>>
      %dma_wait3A_2319 = tpu.memref_squeeze %dma_wait3A_2318 : memref<1x1x64xf32, #tpu.memory_space<hbm>> -> memref<64xf32, #tpu.memory_space<hbm>>
      %dma_wait3A_2320 = arith.constant 0 : i32
      %dma_wait3A_2321 = tpu.memref_slice %arg7[%add3A_1521, %dma_wait3A_2320] : memref<512x64xf32, #tpu.memory_space<vmem>> -> memref<1x64xf32, #tpu.memory_space<vmem>>
      %dma_wait3A_2322 = tpu.memref_squeeze %dma_wait3A_2321 : memref<1x64xf32, #tpu.memory_space<vmem>> -> memref<64xf32, #tpu.memory_space<vmem>>
      %dma_wait3A_2323 = arith.constant 0 : i32
      %dma_wait3A_2324 = tpu.memref_slice %arg2[%shift_right_logical3A_1513, %and3A_1515, %dma_wait3A_2323] : memref<125000x8x64xf32, #tpu.memory_space<hbm>> -> memref<1x1x64xf32, #tpu.memory_space<hbm>>
      %dma_wait3A_2325 = tpu.memref_squeeze %dma_wait3A_2324 : memref<1x1x64xf32, #tpu.memory_space<hbm>> -> memref<64xf32, #tpu.memory_space<hbm>>
      tpu.wait_dma2 semaphore(%arg9 : memref<!tpu.dma_semaphore, #tpu.memory_space<semaphore_mem>>) src(%dma_wait3A_2325 : memref<64xf32, #tpu.memory_space<hbm>>) dst(%dma_wait3A_2322 : memref<64xf32, #tpu.memory_space<vmem>>)
      %dma_wait3A_2326 = arith.constant 0 : i32
      %dma_wait3A_2327 = tpu.memref_slice %arg7[%add3A_1545, %dma_wait3A_2326] : memref<512x64xf32, #tpu.memory_space<vmem>> -> memref<1x64xf32, #tpu.memory_space<vmem>>
      %dma_wait3A_2328 = tpu.memref_squeeze %dma_wait3A_2327 : memref<1x64xf32, #tpu.memory_space<vmem>> -> memref<64xf32, #tpu.memory_space<vmem>>
      %dma_wait3A_2329 = arith.constant 0 : i32
      %dma_wait3A_2330 = tpu.memref_slice %arg2[%shift_right_logical3A_1537, %and3A_1539, %dma_wait3A_2329] : memref<125000x8x64xf32, #tpu.memory_space<hbm>> -> memref<1x1x64xf32, #tpu.memory_space<hbm>>
      %dma_wait3A_2331 = tpu.memref_squeeze %dma_wait3A_2330 : memref<1x1x64xf32, #tpu.memory_space<hbm>> -> memref<64xf32, #tpu.memory_space<hbm>>
      %dma_wait3A_2332 = arith.constant 0 : i32
      %dma_wait3A_2333 = tpu.memref_slice %arg7[%add3A_1545, %dma_wait3A_2332] : memref<512x64xf32, #tpu.memory_space<vmem>> -> memref<1x64xf32, #tpu.memory_space<vmem>>
      %dma_wait3A_2334 = tpu.memref_squeeze %dma_wait3A_2333 : memref<1x64xf32, #tpu.memory_space<vmem>> -> memref<64xf32, #tpu.memory_space<vmem>>
      %dma_wait3A_2335 = arith.constant 0 : i32
      %dma_wait3A_2336 = tpu.memref_slice %arg2[%shift_right_logical3A_1537, %and3A_1539, %dma_wait3A_2335] : memref<125000x8x64xf32, #tpu.memory_space<hbm>> -> memref<1x1x64xf32, #tpu.memory_space<hbm>>
      %dma_wait3A_2337 = tpu.memref_squeeze %dma_wait3A_2336 : memref<1x1x64xf32, #tpu.memory_space<hbm>> -> memref<64xf32, #tpu.memory_space<hbm>>
      tpu.wait_dma2 semaphore(%arg9 : memref<!tpu.dma_semaphore, #tpu.memory_space<semaphore_mem>>) src(%dma_wait3A_2337 : memref<64xf32, #tpu.memory_space<hbm>>) dst(%dma_wait3A_2334 : memref<64xf32, #tpu.memory_space<vmem>>)
      %dma_wait3A_2338 = arith.constant 0 : i32
      %dma_wait3A_2339 = tpu.memref_slice %arg7[%add3A_1569, %dma_wait3A_2338] : memref<512x64xf32, #tpu.memory_space<vmem>> -> memref<1x64xf32, #tpu.memory_space<vmem>>
      %dma_wait3A_2340 = tpu.memref_squeeze %dma_wait3A_2339 : memref<1x64xf32, #tpu.memory_space<vmem>> -> memref<64xf32, #tpu.memory_space<vmem>>
      %dma_wait3A_2341 = arith.constant 0 : i32
      %dma_wait3A_2342 = tpu.memref_slice %arg2[%shift_right_logical3A_1561, %and3A_1563, %dma_wait3A_2341] : memref<125000x8x64xf32, #tpu.memory_space<hbm>> -> memref<1x1x64xf32, #tpu.memory_space<hbm>>
      %dma_wait3A_2343 = tpu.memref_squeeze %dma_wait3A_2342 : memref<1x1x64xf32, #tpu.memory_space<hbm>> -> memref<64xf32, #tpu.memory_space<hbm>>
      %dma_wait3A_2344 = arith.constant 0 : i32
      %dma_wait3A_2345 = tpu.memref_slice %arg7[%add3A_1569, %dma_wait3A_2344] : memref<512x64xf32, #tpu.memory_space<vmem>> -> memref<1x64xf32, #tpu.memory_space<vmem>>
      %dma_wait3A_2346 = tpu.memref_squeeze %dma_wait3A_2345 : memref<1x64xf32, #tpu.memory_space<vmem>> -> memref<64xf32, #tpu.memory_space<vmem>>
      %dma_wait3A_2347 = arith.constant 0 : i32
      %dma_wait3A_2348 = tpu.memref_slice %arg2[%shift_right_logical3A_1561, %and3A_1563, %dma_wait3A_2347] : memref<125000x8x64xf32, #tpu.memory_space<hbm>> -> memref<1x1x64xf32, #tpu.memory_space<hbm>>
      %dma_wait3A_2349 = tpu.memref_squeeze %dma_wait3A_2348 : memref<1x1x64xf32, #tpu.memory_space<hbm>> -> memref<64xf32, #tpu.memory_space<hbm>>
      tpu.wait_dma2 semaphore(%arg9 : memref<!tpu.dma_semaphore, #tpu.memory_space<semaphore_mem>>) src(%dma_wait3A_2349 : memref<64xf32, #tpu.memory_space<hbm>>) dst(%dma_wait3A_2346 : memref<64xf32, #tpu.memory_space<vmem>>)
      %scan3A_2350 = arith.constant 0 : i32
      scf.yield %scan3A_2350 : i32
    }
    %scan3A_13 = arith.constant 8 : i32
    %dma_wait3A = arith.constant 0 : i32
    %dma_wait3A_14 = tpu.memref_slice %arg4[%mul3A_4, %dma_wait3A] : memref<8192x64xf32, #tpu.memory_space<hbm>> -> memref<256x64xf32, #tpu.memory_space<hbm>>
    %dma_wait3A_15 = arith.constant 0 : i32
    %dma_wait3A_16 = tpu.memref_slice %arg4[%mul3A_4, %dma_wait3A_15] : memref<8192x64xf32, #tpu.memory_space<hbm>> -> memref<256x64xf32, #tpu.memory_space<hbm>>
    tpu.wait_dma2 semaphore(%arg9 : memref<!tpu.dma_semaphore, #tpu.memory_space<semaphore_mem>>) src(%dma_wait3A_16 : memref<256x64xf32, #tpu.memory_space<hbm>>) dst(%arg8 : memref<256x64xf32, #tpu.memory_space<vmem>>)
    %mul3A_17 = arith.constant 256 : i32
    %mul3A_18 = arith.muli %add3A, %mul3A_17 : i32
    "tpu.region"() ({
      %run_scoped3A = tpu.sem_alloc : memref<!tpu.dma_semaphore, #tpu.memory_space<semaphore_mem>>
      %dma_start3A_21 = arith.constant 0 : i32
      %dma_start3A_22 = tpu.memref_slice %arg5[%mul3A_18, %dma_start3A_21] : memref<24576x64xf32, #tpu.memory_space<hbm>> -> memref<256x64xf32, #tpu.memory_space<hbm>>
      %dma_start3A_23 = arith.constant 0 : i32
      %dma_start3A_24 = tpu.memref_slice %arg5[%mul3A_18, %dma_start3A_23] : memref<24576x64xf32, #tpu.memory_space<hbm>> -> memref<256x64xf32, #tpu.memory_space<hbm>>
      tpu.enqueue_dma source(%arg8 : memref<256x64xf32, #tpu.memory_space<vmem>>) target(%dma_start3A_24 : memref<256x64xf32, #tpu.memory_space<hbm>>) target_semaphore(%run_scoped3A : memref<!tpu.dma_semaphore, #tpu.memory_space<semaphore_mem>>)
      %dma_wait3A_25 = arith.constant 0 : i32
      %dma_wait3A_26 = tpu.memref_slice %arg5[%mul3A_18, %dma_wait3A_25] : memref<24576x64xf32, #tpu.memory_space<hbm>> -> memref<256x64xf32, #tpu.memory_space<hbm>>
      %dma_wait3A_27 = arith.constant 0 : i32
      %dma_wait3A_28 = tpu.memref_slice %arg5[%mul3A_18, %dma_wait3A_27] : memref<24576x64xf32, #tpu.memory_space<hbm>> -> memref<256x64xf32, #tpu.memory_space<hbm>>
      tpu.wait_dma2 semaphore(%run_scoped3A : memref<!tpu.dma_semaphore, #tpu.memory_space<semaphore_mem>>) src(%arg8 : memref<256x64xf32, #tpu.memory_space<vmem>>) dst(%dma_wait3A_28 : memref<256x64xf32, #tpu.memory_space<hbm>>)
      tpu.yield
    }) : () -> ()
    %add3A_19 = arith.constant 8192 : i32
    %add3A_20 = arith.addi %add3A_19, %mul3A_2 : i32
    "tpu.region"() ({
      %run_scoped3A = tpu.sem_alloc : memref<!tpu.dma_semaphore, #tpu.memory_space<semaphore_mem>>
      %dma_start3A_21 = arith.constant 0 : i32
      %dma_start3A_22 = tpu.memref_slice %arg5[%add3A_20, %dma_start3A_21] : memref<24576x64xf32, #tpu.memory_space<hbm>> -> memref<512x64xf32, #tpu.memory_space<hbm>>
      %dma_start3A_23 = arith.constant 0 : i32
      %dma_start3A_24 = tpu.memref_slice %arg5[%add3A_20, %dma_start3A_23] : memref<24576x64xf32, #tpu.memory_space<hbm>> -> memref<512x64xf32, #tpu.memory_space<hbm>>
      tpu.enqueue_dma source(%arg7 : memref<512x64xf32, #tpu.memory_space<vmem>>) target(%dma_start3A_24 : memref<512x64xf32, #tpu.memory_space<hbm>>) target_semaphore(%run_scoped3A : memref<!tpu.dma_semaphore, #tpu.memory_space<semaphore_mem>>)
      %dma_wait3A_25 = arith.constant 0 : i32
      %dma_wait3A_26 = tpu.memref_slice %arg5[%add3A_20, %dma_wait3A_25] : memref<24576x64xf32, #tpu.memory_space<hbm>> -> memref<512x64xf32, #tpu.memory_space<hbm>>
      %dma_wait3A_27 = arith.constant 0 : i32
      %dma_wait3A_28 = tpu.memref_slice %arg5[%add3A_20, %dma_wait3A_27] : memref<24576x64xf32, #tpu.memory_space<hbm>> -> memref<512x64xf32, #tpu.memory_space<hbm>>
      tpu.wait_dma2 semaphore(%run_scoped3A : memref<!tpu.dma_semaphore, #tpu.memory_space<semaphore_mem>>) src(%arg7 : memref<512x64xf32, #tpu.memory_space<vmem>>) dst(%dma_wait3A_28 : memref<512x64xf32, #tpu.memory_space<hbm>>)
      tpu.yield
    }) : () -> ()
    return
  }
}

module attributes {stable_mosaic.version = 14 : i64} {
  func.func @_proj_body(%arg0: memref<8192x128xf32, #tpu.memory_space<vmem>>, %arg1: memref<128x64xf32, #tpu.memory_space<vmem>>, %arg2: memref<8192x64xf32, #tpu.memory_space<vmem>>) attributes {dimension_semantics = [], scalar_prefetch = 0 : i64, scratch_operands = 0 : i64, tpu.core_type = #tpu.core_type<tc>} {
    %get3A = arith.constant 0 : index
    %get3A_0 = arith.constant 0 : index
    %get3A_1 = vector.load %arg0[%get3A, %get3A_0] : memref<8192x128xf32, #tpu.memory_space<vmem>>, vector<8192x128xf32>
    %get3A_2 = arith.constant 0 : index
    %get3A_3 = arith.constant 0 : index
    %get3A_4 = vector.load %arg1[%get3A_2, %get3A_3] : memref<128x64xf32, #tpu.memory_space<vmem>>, vector<128x64xf32>
    %dot_general3A = arith.constant dense<0.000000e+00> : vector<8192x64xf32>
    %dot_general3A_5 = tpu.matmul %get3A_1, %get3A_4, %dot_general3A {dimension_numbers = #tpu.dot_dimension_numbers<[1], [0], [0], [1], [0, 0, 1, 1], [], []>, transpose_lhs_hint = false} : vector<8192x128xf32>, vector<128x64xf32>, vector<8192x64xf32> -> vector<8192x64xf32>
    %swap3A = arith.constant 0 : index
    %swap3A_6 = arith.constant 0 : index
    %swap3A_7 = vector.load %arg2[%swap3A, %swap3A_6] : memref<8192x64xf32, #tpu.memory_space<vmem>>, vector<8192x64xf32>
    tpu.vector_store %arg2[%swap3A, %swap3A_6], %dot_general3A_5 {strides = array<i32>} : memref<8192x64xf32, #tpu.memory_space<vmem>>, vector<8192x64xf32>,
    return
  }
}

</mosaic_0001>

<sc_bundles>
// kernel: kernel.4.cloned.1.call-start
scs
__scs_entry_jumppad:
0x0: {  	(pc) =	sbr.rel $0x88, $3  }
0x1: {  	(tag) =	ssettag $0x0;
	lr =	simm.s32 $0x1  }
0x2: {  	[smem:$0x3F9D] =	sst lr;
	_ =	strace $0xD0000000  }
0x3: {  	_ = 	snop  }
0x4: {  	_ = 	snop  }
0x5: {  	_ = 	snop  }
0x6: {  	_ = 	snop  }
0x7: {  	_ = 	snop  }
__scs_overlays_trampoline_lowered:
0x8: {  	[smem:$0x3FAC] =	sst s0  }
0x9: {  	[smem:$0x3FAD] =	sst s1  }
0xa: {  	[smem:$0x3FAE] =	sst s2  }
0xb: {  	[smem:$0x3FAF] =	sst s3  }
0xc: {  	[smem:$0x3FB0] =	sst s4  }
0xd: {  	[smem:$0x3FB1] =	sst s5  }
0xe: {  	[smem:$0x3FB2] =	sst s6  }
0xf: {  	[smem:$0x3FB3] =	sst s7  }
0x10: {  	[smem:$0x3FB4] =	sst s8  }
0x11: {  	[smem:$0x3FB5] =	sst s9;
	s0 =	simm.s32 @!p0 $0x0  }
0x12: {  	s1 =	sld [smem:$0x3F9B];
	s0 =	simm.s32 @p0 $0x1  }
0x13: {  	[smem:$0x3FB6] =	sst s0;
	s0 =	simm.s32 @!p1 $0x0  }
0x14: {  	s2 =	sld [smem:$0x3F9A];
	s0 =	simm.s32 @p1 $0x1  }
0x15: {  	[smem:$0x3FB7] =	sst s0;
	s0 =	simm.s32 @!p2 $0x0  }
0x16: {  	s3 =	sld [smem:$0x3FDB];
	s0 =	simm.s32 @p2 $0x1  }
0x17: {  	s4 =	simm.s32 $0x1BF5;
	[smem:$0x3FB9] =	sst s0  }
0x18: {  	s0 =	sld [smem:$0x3F9C];
	_ =	swait.ge [sflag:s4], $0x0  }
0x19: {  	s7 =	sld [smem:$0x3F9D]  }
0x1a: {  	s8 =	sadd.s32 $0xFFFFE003, lr  }
0x1b: {  	s9 =	sadd.s32 $0xFFFFFEF7, lr;
	s5 =	simm.s32 $0xFFFFFFFF;
	p2 =	slt.u32 s8, $0xFFFFF086  }
0x1c: {  	p1 =	slt.u32 s9, $0xF7A;
	s5 =	simm.s32 @!p2 $0x0  }
0x1d: {  	s5 =	simm.s32 @p1 $0x1;
	p0 =	seq.s32 s7, s2  }
0x1e: {  	s7 =	smul.u32 @!p0 $0xF7A, s2;
	p2 =	seq.s32 @!p0 s5, $0x0  }
0x1f: {  	s9 =	smul.u32 $0xF7A, s1;
	s8 =	simm.s32 @!p0 $0x1BF5;
	p2 =	por !p2, p0  }
0x20: {  	[sflag:s8] =	ssyncset.s32 @!p0 $0xFFFFF086;
	s6 =	sadd.s32 @!p0 s3, s7;
	s7 =	simm.s32 @!p0 $0x108  }
0x21: {  	s3 =	sadd.s32 s3, s9;
	s6 =	sadd.s32 @!p0 $0x88, s6;
	s7 =	simm.s32 @p2 $0x1082  }
0x22: {  	[simem:s7], [sflag:s8] =	dma.local @!p0 [hbm:s6], $0xF7A  }
0x23: {  	s9 =	sor.u32 $0xD0000000, s2;
	s6 =	simm.s32 $0x108;
	_ =	swait.ge @!p0 [sflag:s8], $0x0  }
0x24: {  	s3 =	sadd.s32 $0x88, s3;
	s6 =	simm.s32 @!p1 $0x1082;
	[sflag:s4] =	ssyncset.s32 $0xFFFFF086  }
0x25: {  	[simem:s6], [sflag:s4] =	dma.local [hbm:s3], $0xF7A  }
0x26: {  	[smem:$0x3F9D] =	sst s1;
	(tag) =	ssettag s2;
	_ =	strace s9  }
0x27: {  	s1 =	sld [smem:$0x3FAD]  }
0x28: {  	s2 =	sld [smem:$0x3FAE]  }
0x29: {  	s4 =	sld [smem:$0x3FB0]  }
0x2a: {  	p0 =	seq.s32 s5, $0x0;
	s5 =	sld [smem:$0x3FB1]  }
0x2b: {  	s6 =	sld [smem:$0x3FB2]  }
0x2c: {  	s7 =	sld [smem:$0x3FB3]  }
0x2d: {  	s3 =	simm.s32 $0x108;
	s8 =	sld [smem:$0x3FB4]  }
0x2e: {  	s3 =	simm.s32 @!p0 $0x1082;
	s9 =	sld [smem:$0x3FB5]  }
0x2f: {  	lr =	sadd.s32 s0, s3;
	s0 =	sld [smem:$0x3FAC]  }
0x30: {  	s3 =	sld [smem:$0x3FAF]  }
0x31: {  	[smem:$0x3FB8] =	sst s10  }
0x32: {  	s10 =	sld [smem:$0x3FB6];
	_ =	sdelay $0x3  }
0x33: {  	p0 =	seq.s32 s10, $0x1;
	s10 =	sld [smem:$0x3FB8];
	_ =	sdelay $0x3  }
0x34: {  	[smem:$0x3FB8] =	sst s10  }
0x35: {  	s10 =	sld [smem:$0x3FB7];
	_ =	sdelay $0x3  }
0x36: {  	p1 =	seq.s32 s10, $0x1;
	s10 =	sld [smem:$0x3FB8];
	_ =	sdelay $0x3  }
0x37: {  	[smem:$0x3FB8] =	sst s10  }
0x38: {  	s10 =	sld [smem:$0x3FB9]  }
0x39: {  	_ = 	snop;
	(pc) =	sbr.ind lr, $3  }
0x3a: {  	_ = 	snop  }
0x3b: {  	_ = 	snop  }
0x3c: {  	p2 =	seq.s32 s10, $0x1;
	s10 =	sld [smem:$0x3FB8]  }
0x3d: {  	_ =	shalt  }
0x3e: {  	_ =	shalt  }
0x3f: {  	_ =	shalt  }
0x40: {  	_ =	shalt  }
0x41: {  	_ =	shalt  }
0x42: {  	_ =	shalt  }
0x43: {  	_ =	shalt  }
0x44: {  	_ =	shalt  }
0x45: {  	_ =	shalt  }
0x46: {  	_ =	shalt  }
0x47: {  	_ =	shalt  }
0x48: {  	_ =	shalt  }
0x49: {  	_ =	shalt  }
0x4a: {  	_ =	shalt  }
0x4b: {  	_ =	shalt  }
0x4c: {  	_ =	shalt  }
0x4d: {  	_ =	shalt  }
0x4e: {  	_ =	shalt  }
0x4f: {  	_ =	shalt  }
0x50: {  	_ =	shalt  }
0x51: {  	_ =	shalt  }
0x52: {  	_ =	shalt  }
0x53: {  	_ =	shalt  }
0x54: {  	_ =	shalt  }
0x55: {  	_ =	shalt  }
0x56: {  	_ =	shalt  }
0x57: {  	_ =	shalt  }
0x58: {  	_ =	shalt  }
0x59: {  	_ =	shalt  }
0x5a: {  	_ =	shalt  }
0x5b: {  	_ =	shalt  }
0x5c: {  	_ =	shalt  }
0x5d: {  	_ =	shalt  }
0x5e: {  	_ =	shalt  }
0x5f: {  	_ =	shalt  }
0x60: {  	_ =	shalt  }
0x61: {  	_ =	shalt  }
0x62: {  	_ =	shalt  }
0x63: {  	_ =	shalt  }
0x64: {  	_ =	shalt  }
0x65: {  	_ =	shalt  }
0x66: {  	_ =	shalt  }
0x67: {  	_ =	shalt  }
0x68: {  	_ =	shalt  }
0x69: {  	_ =	shalt  }
0x6a: {  	_ =	shalt  }
0x6b: {  	_ =	shalt  }
0x6c: {  	_ =	shalt  }
0x6d: {  	_ =	shalt  }
0x6e: {  	_ =	shalt  }
0x6f: {  	_ =	shalt  }
0x70: {  	_ =	shalt  }
0x71: {  	_ =	shalt  }
0x72: {  	_ =	shalt  }
0x73: {  	_ =	shalt  }
0x74: {  	_ =	shalt  }
0x75: {  	_ =	shalt  }
0x76: {  	_ =	shalt  }
0x77: {  	_ =	shalt  }
0x78: {  	_ =	shalt  }
0x79: {  	_ =	shalt  }
0x7a: {  	_ =	shalt  }
0x7b: {  	_ =	shalt  }
0x7c: {  	_ =	shalt  }
0x7d: {  	_ =	shalt  }
0x7e: {  	_ =	shalt  }
0x7f: {  	_ =	shalt  }
0x80: {  	_ =	shalt  }
0x81: {  	_ =	shalt  }
0x82: {  	_ =	shalt  }
0x83: {  	_ =	shalt  }
0x84: {  	_ =	shalt  }
0x85: {  	_ =	shalt  }
0x86: {  	_ =	shalt  }
0x87: {  	_ =	shalt  }
.Lfunc_end0:
.L_simem_size_0:
called_computation_lowered:
.L_overlay_start_0:
0x88: {  	s2 =	sld [smem:$0x3FD9]  }
0x89: {  	s3 =	sld [smem:$0x3FFE];
	_ =	sdelay $0x1  }
0x8a: {  	s1 =	srdreg.scid  }
0x8b: {  	s0 =	sand.u32 $0x1, s1  }
0x8c: {  	s17 =	sshll.u32 s0, $0xA;
	s2 =	sadd.s32 s3, s2  }
0x8d: {  	s2 =	sadd.s32 s2, s17  }
0x8e: {  	[smem:$0x3FC4] =	sst s2  }
0x8f: {  	_ = 	snop  }
0x90: {  	s2 =	sld [smem:$0x3FC8]  }
0x91: {  	s18 =	sld [smem:$0x3FD0];
	(tm) =	ssettm $0x1  }
0x92: {  	s4 =	sld [smem:$0x3FFB];
	_ =	sdelay $0x3  }
0x93: {  	_ =	strace s4  }
0x94: {  	s4 =	sld [smem:$0x3FFC];
	_ =	sdelay $0x3  }
0x95: {  	_ =	strace s4  }
0x96: {  	s4 =	sld [smem:$0x3FFD];
	_ =	sdelay $0x3  }
0x97: {  	_ =	strace s4  }
0x98: {  	_ =	strace $0x8FFFFFFF  }
0x99: {  	s19 =	sld [smem:$0x3FDB];
	_ =	sdelay $0x1  }
0x9a: {  	s5 =	simm.s32 $_scs_section_size  }
0x9b: {  	s6 =	simm.s32 $_size__tile_overlayer_lowered;
	s7 =	simm.s32 $_tile_overlayer_lowered  }
0x9c: {  	s22 =	simm.s32 $0x1BFF;
	s21 =	sshll.u32 s7, $0x1;
	s4 =	sadd.s32 s5, s19  }
0x9d: {  	s8 =	simm.s32 $0x0;
	s20 =	sshll.u32 s6, $0x1;
	s6 =	sadd.s32 s21, s4  }
0x9e: {  	[timem:s8], [sflag:s22] =	dma.local [hbm:s6], s20  }
0x9f: {  	_ =	swait.ge [sflag:s22], s20  }
0xa0: {  	s5 =	ssub.s32 $0x0, s20;
	[sflag:s22] =	ssyncset.done $0x0  }
0xa1: {  	[sflag:s22] =	ssyncadd.s32 s5;
	_ =	sdelay $0x1  }
0xa2: {  	s23 =	simm.s32 $0x1B8B  }
0xa3: {  	_ =	swait.ge [sflag:s23], $0x1  }
0xa4: {  	[sflag:s23] =	ssyncset.done $0x0  }
0xa5: {  	s25 =	simm.s32 $0x1B8E;
	s24 =	sld [smem:$0x3FFE];
	[sflag:s23] =	ssyncadd.s32 $0xFFFFFFFF  }
0xa6: {  	s26 =	simm.s32 $execute0_lowered;
	[smem:$0x3FD2] =	sst s25  }
0xa7: {  	s6 =	sshll.u32 s26, $0x1;
	_ =	strace $0x80000046;
	[dreg:$0x1] =	wrdreg $0xFFFFFFFF  }
0xa8: {  	s28 =	simm.s32 $_size_execute0_lowered;
	s4 =	sadd.s32 s4, s6;
	[dreg:$0x0] =	wrdreg $0x0  }
0xa9: {  	s6 =	sshll.u32 s28, $0x1;
	[dreg:$0x2] =	wrdreg s4  }
0xaa: {  	[dreg:$0x3] =	wrdreg s6  }
0xab: {  	[dreg:$0x4] =	wrdreg $0xC0  }
0xac: {  	_ =	task [dreg:s8], $0x5FFFF  }
0xad: {  	[dreg:$0x1] =	wrdreg $0xFFFFFFFF  }
0xae: {  	[dreg:$0x0] =	wrdreg $0x60  }
0xaf: {  	[dreg:$0x2] =	wrdreg s24  }
0xb0: {  	[dreg:$0x3] =	wrdreg s2  }
0xb1: {  	[dreg:$0x4] =	wrdreg s18  }
0xb2: {  	[dreg:$0x5] =	wrdreg $0x9  }
0xb3: {  	_ =	task.clear_ibuf [dreg:s8], $0x6FFFF;
	_ =	strace $0x90000046  }
0xb4: {  	s29 =	simm.s32 $0x9;
	_ =	strace $0x80000048  }
0xb5: {  	_ =	swait.ge [sflag:s29], $0x1  }
0xb6: {  	[sflag:s29] =	ssyncadd.s32 $0xFFFFFFFF  }
0xb7: {  	_ =	strace $0x90000048  }
0xb8: {  	_ =	sfence  }
0xb9: {  	s30 =	sld [smem:$0x0];
	_ =	sdelay $0x2  }
0xba: {  	s31 =	sshll.u32 s1, $0xD;
	s1 =	sshrl.u32 s1, $0x2  }
0xbb: {  	s3 =	sand.u32 $0x4000, s31;
	s1 =	sadd.s32 s1, s30  }
0xbc: {  	s0 =	sor.u32 s3, s0;
	s1 =	sshll.u32 s1, $0x11  }
0xbd: {  	s0 =	sor.u32 s1, s0  }
0xbe: {  	s0 =	sadd.s32 $0x8F2B, s0  }
0xbf: {  	[sflag:s0] =	ssyncadd.remote.s32 $0x1  }
0xc0: {  	_ =	sfence.sel $0xFFFF  }
0xc1: {  	[dreg:$0x0] =	wrdreg $0xFFFFFFFF;
	(pc) =	sbr.abs _section_cstart, $3  }
0xc2: {  	[dreg:$0x1] =	wrdreg $0xFFFFFFFF  }
0xc3: {  	_ =	task.clear_ibuf [dreg:s8], $0x2FFFF;
	_ =	strace $0x9FFFFFFF  }
0xc4: {  	(tm) =	ssettm $0x7FFFFFFF  }
0xc5: {  	_ =	shalt  }
tec
execute0_lowered:
.L_overlay_start_1:
0x0: {  	(tag) =	ssettag $0x1  }
0x1: {  	s4 =	rddreg [dreg:$0x0]  }
0x2: {  	s5 =	rddreg [dreg:$0x1]  }
0x3: {  	s6 =	rddreg [dreg:$0x2];
	s2 =	simm.s32 $0x0;
	s3 =	srdreg.scid  }
0x4: {  	s0 =	stileid.u32;
	s11 =	simm.s32 $0x1;
	s13 =	simm.s32 $0x0  }
0x5: {  	[smem:$0x7FF] =	sst s2;
	s7 =	sand.u32 $0x1, s3;
	s3 =	sadd.s32 $0xA00, s4  }
0x6: {  	s9 =	sshll.u32 s0, $0x1;
	s10 =	sadd.s32 $0xF42E00, s4;
	s0 =	simm.s32 $0x10200  }
0x7: {  	_ =	strace $0x80000047;
	s8 =	ssub.s32 $0x2, s7;
	s7 =	sor.u32 s7, s9  }
0x8: {  	s30 =	sshrl.u32 s8, $0x1;
	s31 =	sshll.u32 s7, $0x6;
	s9 =	sshll.u32 s7, $0xD  }
0x9: {  	s7 =	sshll.u32 s7, $0xC;
	s8 =	ssub.s32 s8, s30;
	s4 =	sadd.s32 s5, s31  }
0xa: {  	s9 =	sadd.s32 s9, s10;
	s5 =	sadd.s32 s6, s7;
	s6 =	sadd.s32 s10, s7  }
0xb: {  	s7 =	sadd.s32 $0x20000, s9;
	s8 =	smax.u32 s8, $0x1;
	s9 =	simm.s32 $0x2  }
.LBB2_1:
0xc: {  	[tilespmem:s2], [sflag:$0x2] =	stream.linear.gather [hbm4b:s4+s2], $0x200, $0x38;
	[tilespmem:$0x18200] =	vst v63  }
0xd: {  	_ =	swait.ge [sflag:s9], $0x200  }
0xe: {  	[sflag:s9] =	ssyncset.done $0x0  }
0xf: {  	s14 =	simm.s32 $0x20;
	[sflag:s9] =	ssyncadd.s32 $0xFFFFFE00  }
0x10: {  	[tilespmem:s0], [sflag:$0x1] =	stream.linear.gather [hbm4b:s5+s2], $0x8000, $0x38;
	[tilespmem:$0x18200] =	vst v63  }
0x11: {  	v0 =	vld [tilespmem:s14+$0xFFFFFFE0];
	_ =	sdelay $0x4  }
0x12: {  	v0 =	vshll.u32 v0, $0x4  }
0x13: {  	(v2sf) =	vpush v0, $0x0;
	_ =	sdelay $0x1  }
0x14: {  	(v2sf) =	vpush v0, $0x1;
	_ =	sdelay $0x1  }
0x15: {  	(v2sf) =	vpush v0, $0x2;
	_ =	sdelay $0x2  }
0x16: {  	(v2sf) =	vpush v0, $0x3;
	_ =	sdelay $0x7  }
0x17: {  	s15 =	spop (v2sf);
	(v2sf) =	vpush v0, $0x4;
	_ =	sdelay $0x1  }
0x18: {  	s0 =	spop (v2sf);
	(v2sf) =	vpush v0, $0x5;
	_ =	sdelay $0x1  }
0x19: {  	s10 =	spop (v2sf);
	(v2sf) =	vpush v0, $0x6;
	_ =	sdelay $0x1  }
0x1a: {  	s15 =	sand.u32 $0x1FFFFFF0, s15  }
0x1b: {  	s16 =	simm.s32 $0x200;
	s15 =	sadd.s32 s3, s15;
	s17 =	spop (v2sf);
	(v2sf) =	vpush v0, $0x7  }
0x1c: {  	[tilespmem:s16], [sflag:$0x1] =	stream.linear.gather [hbm4b:s15+s2], $0x80, $0x38;
	[tilespmem:$0x18200] =	vst v63  }
0x1d: {  	s15 =	sand.u32 $0x1FFFFFF0, s0  }
0x1e: {  	s1 =	simm.s32 $0x280;
	s15 =	sadd.s32 s3, s15  }
0x1f: {  	[tilespmem:s1], [sflag:$0x1] =	stream.linear.gather [hbm4b:s15+s2], $0x80, $0x38;
	[tilespmem:$0x18200] =	vst v63  }
0x20: {  	s15 =	sand.u32 $0x1FFFFFF0, s10  }
0x21: {  	s12 =	simm.s32 $0x300;
	s15 =	sadd.s32 s3, s15  }
0x22: {  	[tilespmem:s12], [sflag:$0x1] =	stream.linear.gather [hbm4b:s15+s2], $0x80, $0x38;
	[tilespmem:$0x18200] =	vst v63  }
0x23: {  	s19 =	spop (v2sf);
	(v2sf) =	vpush v0, $0x8  }
0x24: {  	s15 =	sand.u32 $0x1FFFFFF0, s17  }
0x25: {  	s18 =	simm.s32 $0x380;
	s15 =	sadd.s32 s3, s15;
	s21 =	spop (v2sf);
	(v2sf) =	vpush v0, $0x9  }
0x26: {  	[tilespmem:s18], [sflag:$0x1] =	stream.linear.gather [hbm4b:s15+s2], $0x80, $0x38;
	[tilespmem:$0x18200] =	vst v63  }
0x27: {  	s15 =	sand.u32 $0x1FFFFFF0, s19;
	s23 =	spop (v2sf);
	(v2sf) =	vpush v0, $0xA  }
0x28: {  	s20 =	simm.s32 $0x400;
	s15 =	sadd.s32 s3, s15  }
0x29: {  	[tilespmem:s20], [sflag:$0x1] =	stream.linear.gather [hbm4b:s15+s2], $0x80, $0x38;
	[tilespmem:$0x18200] =	vst v63  }
0x2a: {  	s25 =	spop (v2sf);
	(v2sf) =	vpush v0, $0xB  }
0x2b: {  	s15 =	sand.u32 $0x1FFFFFF0, s21  }
0x2c: {  	s22 =	simm.s32 $0x480;
	s15 =	sadd.s32 s3, s15  }
0x2d: {  	[tilespmem:s22], [sflag:$0x1] =	stream.linear.gather [hbm4b:s15+s2], $0x80, $0x38;
	[tilespmem:$0x18200] =	vst v63  }
0x2e: {  	s15 =	sand.u32 $0x1FFFFFF0, s23  }
0x2f: {  	s24 =	simm.s32 $0x500;
	s15 =	sadd.s32 s3, s15  }
0x30: {  	[tilespmem:s24], [sflag:$0x1] =	stream.linear.gather [hbm4b:s15+s2], $0x80, $0x38;
	[tilespmem:$0x18200] =	vst v63  }
0x31: {  	s15 =	sand.u32 $0x1FFFFFF0, s25  }
0x32: {  	s26 =	simm.s32 $0x580;
	s15 =	sadd.s32 s3, s15;
	s28 =	spop (v2sf);
	(v2sf) =	vpush v0, $0xC  }
0x33: {  	[tilespmem:s26], [sflag:$0x1] =	stream.linear.gather [hbm4b:s15+s2], $0x80, $0x38;
	[tilespmem:$0x18200] =	vst v63  }
0x34: {  	s30 =	spop (v2sf);
	(v2sf) =	vpush v0, $0xD  }
0x35: {  	s15 =	sand.u32 $0x1FFFFFF0, s28  }
0x36: {  	s29 =	simm.s32 $0x600;
	s15 =	sadd.s32 s3, s15;
	s0 =	spop (v2sf)  }
0x37: {  	(v2sf) =	vpush v0, $0xE;
	[tilespmem:s29], [sflag:$0x1] =	stream.linear.gather [hbm4b:s15+s2], $0x80, $0x38;
	[tilespmem:$0x18200] =	vst v63  }
0x38: {  	s15 =	sand.u32 $0x1FFFFFF0, s30  }
0x39: {  	s31 =	simm.s32 $0x680;
	s10 =	spop (v2sf);
	s15 =	sadd.s32 s3, s15  }
0x3a: {  	(v2sf) =	vpush v0, $0xF;
	[tilespmem:s31], [sflag:$0x1] =	stream.linear.gather [hbm4b:s15+s2], $0x80, $0x38;
	[tilespmem:$0x18200] =	vst v63  }
0x3b: {  	s15 =	sand.u32 $0x1FFFFFF0, s0  }
0x3c: {  	s1 =	simm.s32 $0x700;
	s15 =	sadd.s32 s3, s15  }
0x3d: {  	[tilespmem:s1], [sflag:$0x1] =	stream.linear.gather [hbm4b:s15+s2], $0x80, $0x38;
	[tilespmem:$0x18200] =	vst v63  }
0x3e: {  	s15 =	sand.u32 $0x1FFFFFF0, s10  }
0x3f: {  	s12 =	simm.s32 $0x780;
	s15 =	sadd.s32 s3, s15  }
0x40: {  	[tilespmem:s12], [sflag:$0x1] =	stream.linear.gather [hbm4b:s15+s2], $0x80, $0x38;
	[tilespmem:$0x18200] =	vst v63  }
0x41: {  	s17 =	spop (v2sf)  }
0x42: {  	s15 =	sand.u32 $0x1FFFFFF0, s17  }
0x43: {  	s18 =	simm.s32 $0x800;
	s19 =	spop (v2sf);
	s15 =	sadd.s32 s3, s15  }
0x44: {  	[tilespmem:s18], [sflag:$0x1] =	stream.linear.gather [hbm4b:s15+s2], $0x80, $0x38;
	[tilespmem:$0x18200] =	vst v63  }
0x45: {  	s15 =	sand.u32 $0x1FFFFFF0, s19  }
0x46: {  	s20 =	simm.s32 $0x880;
	s21 =	spop (v2sf);
	s15 =	sadd.s32 s3, s15  }
0x47: {  	[tilespmem:s20], [sflag:$0x1] =	stream.linear.gather [hbm4b:s15+s2], $0x80, $0x38;
	[tilespmem:$0x18200] =	vst v63  }
0x48: {  	s15 =	sand.u32 $0x1FFFFFF0, s21  }
0x49: {  	s22 =	simm.s32 $0x900;
	s23 =	spop (v2sf);
	s15 =	sadd.s32 s3, s15  }
0x4a: {  	[tilespmem:s22], [sflag:$0x1] =	stream.linear.gather [hbm4b:s15+s2], $0x80, $0x38;
	[tilespmem:$0x18200] =	vst v63  }
0x4b: {  	s15 =	sand.u32 $0x1FFFFFF0, s23  }
0x4c: {  	s24 =	simm.s32 $0x980;
	s15 =	sadd.s32 s3, s15  }
0x4d: {  	[tilespmem:s24], [sflag:$0x1] =	stream.linear.gather [hbm4b:s15+s2], $0x80, $0x38;
	[tilespmem:$0x18200] =	vst v63  }
0x4e: {  	v61 =	vld [tilespmem:s14+$0xFFFFFFF0];
	_ =	sdelay $0x4  }
0x4f: {  	v0 =	vshll.u32 v61, $0x4  }
0x50: {  	(v2sf) =	vpush v0, $0x0;
	_ =	sdelay $0x1  }
0x51: {  	(v2sf) =	vpush v0, $0x1;
	_ =	sdelay $0x1  }
0x52: {  	(v2sf) =	vpush v0, $0x2;
	_ =	sdelay $0x2  }
0x53: {  	(v2sf) =	vpush v0, $0x3;
	_ =	sdelay $0x7  }
0x54: {  	s25 =	spop (v2sf);
	(v2sf) =	vpush v0, $0x4;
	_ =	sdelay $0x1  }
0x55: {  	s28 =	spop (v2sf);
	(v2sf) =	vpush v0, $0x5;
	_ =	sdelay $0x1  }
0x56: {  	s30 =	spop (v2sf);
	(v2sf) =	vpush v0, $0x6;
	_ =	sdelay $0x1  }
0x57: {  	s15 =	sand.u32 $0x1FFFFFF0, s25  }
0x58: {  	s26 =	simm.s32 $0xA00;
	s15 =	sadd.s32 s3, s15;
	s0 =	spop (v2sf);
	(v2sf) =	vpush v0, $0x7  }
0x59: {  	[tilespmem:s26], [sflag:$0x1] =	stream.linear.gather [hbm4b:s15+s2], $0x80, $0x38;
	[tilespmem:$0x18200] =	vst v63  }
0x5a: {  	s15 =	sand.u32 $0x1FFFFFF0, s28  }
0x5b: {  	s29 =	simm.s32 $0xA80;
	s15 =	sadd.s32 s3, s15  }
0x5c: {  	[tilespmem:s29], [sflag:$0x1] =	stream.linear.gather [hbm4b:s15+s2], $0x80, $0x38;
	[tilespmem:$0x18200] =	vst v63  }
0x5d: {  	s15 =	sand.u32 $0x1FFFFFF0, s30  }
0x5e: {  	s31 =	simm.s32 $0xB00;
	s15 =	sadd.s32 s3, s15  }
0x5f: {  	[tilespmem:s31], [sflag:$0x1] =	stream.linear.gather [hbm4b:s15+s2], $0x80, $0x38;
	[tilespmem:$0x18200] =	vst v63  }
0x60: {  	s10 =	spop (v2sf);
	(v2sf) =	vpush v0, $0x8  }
0x61: {  	s15 =	sand.u32 $0x1FFFFFF0, s0  }
0x62: {  	s1 =	simm.s32 $0xB80;
	s15 =	sadd.s32 s3, s15;
	s17 =	spop (v2sf);
	(v2sf) =	vpush v0, $0x9  }
0x63: {  	[tilespmem:s1], [sflag:$0x1] =	stream.linear.gather [hbm4b:s15+s2], $0x80, $0x38;
	[tilespmem:$0x18200] =	vst v63  }
0x64: {  	s15 =	sand.u32 $0x1FFFFFF0, s10;
	s19 =	spop (v2sf);
	(v2sf) =	vpush v0, $0xA  }
0x65: {  	s12 =	simm.s32 $0xC00;
	s15 =	sadd.s32 s3, s15  }
0x66: {  	[tilespmem:s12], [sflag:$0x1] =	stream.linear.gather [hbm4b:s15+s2], $0x80, $0x38;
	[tilespmem:$0x18200] =	vst v63  }
0x67: {  	s21 =	spop (v2sf);
	(v2sf) =	vpush v0, $0xB  }
0x68: {  	s15 =	sand.u32 $0x1FFFFFF0, s17  }
0x69: {  	s18 =	simm.s32 $0xC80;
	s15 =	sadd.s32 s3, s15  }
0x6a: {  	[tilespmem:s18], [sflag:$0x1] =	stream.linear.gather [hbm4b:s15+s2], $0x80, $0x38;
	[tilespmem:$0x18200] =	vst v63  }
0x6b: {  	s15 =	sand.u32 $0x1FFFFFF0, s19  }
0x6c: {  	s20 =	simm.s32 $0xD00;
	s15 =	sadd.s32 s3, s15  }
0x6d: {  	[tilespmem:s20], [sflag:$0x1] =	stream.linear.gather [hbm4b:s15+s2], $0x80, $0x38;
	[tilespmem:$0x18200] =	vst v63  }
0x6e: {  	s15 =	sand.u32 $0x1FFFFFF0, s21  }
0x6f: {  	s22 =	simm.s32 $0xD80;
	s15 =	sadd.s32 s3, s15;
	s23 =	spop (v2sf);
	(v2sf) =	vpush v0, $0xC  }
0x70: {  	[tilespmem:s22], [sflag:$0x1] =	stream.linear.gather [hbm4b:s15+s2], $0x80, $0x38;
	[tilespmem:$0x18200] =	vst v63  }
0x71: {  	s25 =	spop (v2sf);
	(v2sf) =	vpush v0, $0xD  }
0x72: {  	s15 =	sand.u32 $0x1FFFFFF0, s23  }
0x73: {  	s24 =	simm.s32 $0xE00;
	s15 =	sadd.s32 s3, s15;
	s28 =	spop (v2sf)  }
0x74: {  	(v2sf) =	vpush v0, $0xE;
	[tilespmem:s24], [sflag:$0x1] =	stream.linear.gather [hbm4b:s15+s2], $0x80, $0x38;
	[tilespmem:$0x18200] =	vst v63  }
0x75: {  	s15 =	sand.u32 $0x1FFFFFF0, s25  }
0x76: {  	s26 =	simm.s32 $0xE80;
	s30 =	spop (v2sf);
	s15 =	sadd.s32 s3, s15  }
0x77: {  	(v2sf) =	vpush v0, $0xF;
	[tilespmem:s26], [sflag:$0x1] =	stream.linear.gather [hbm4b:s15+s2], $0x80, $0x38;
	[tilespmem:$0x18200] =	vst v63  }
0x78: {  	s15 =	sand.u32 $0x1FFFFFF0, s28  }
0x79: {  	s29 =	simm.s32 $0xF00;
	s15 =	sadd.s32 s3, s15  }
0x7a: {  	[tilespmem:s29], [sflag:$0x1] =	stream.linear.gather [hbm4b:s15+s2], $0x80, $0x38;
	[tilespmem:$0x18200] =	vst v63  }
0x7b: {  	s15 =	sand.u32 $0x1FFFFFF0, s30  }
0x7c: {  	s31 =	simm.s32 $0xF80;
	s15 =	sadd.s32 s3, s15  }
0x7d: {  	[tilespmem:s31], [sflag:$0x1] =	stream.linear.gather [hbm4b:s15+s2], $0x80, $0x38;
	[tilespmem:$0x18200] =	vst v63  }
0x7e: {  	s0 =	spop (v2sf)  }
0x7f: {  	s15 =	sand.u32 $0x1FFFFFF0, s0  }
0x80: {  	s1 =	simm.s32 $0x1000;
	s10 =	spop (v2sf);
	s15 =	sadd.s32 s3, s15  }
0x81: {  	[tilespmem:s1], [sflag:$0x1] =	stream.linear.gather [hbm4b:s15+s2], $0x80, $0x38;
	[tilespmem:$0x18200] =	vst v63  }
0x82: {  	s15 =	sand.u32 $0x1FFFFFF0, s10  }
0x83: {  	s12 =	simm.s32 $0x1080;
	s17 =	spop (v2sf);
	s15 =	sadd.s32 s3, s15  }
0x84: {  	[tilespmem:s12], [sflag:$0x1] =	stream.linear.gather [hbm4b:s15+s2], $0x80, $0x38;
	[tilespmem:$0x18200] =	vst v63  }
0x85: {  	s15 =	sand.u32 $0x1FFFFFF0, s17  }
0x86: {  	s18 =	simm.s32 $0x1100;
	s19 =	spop (v2sf);
	s15 =	sadd.s32 s3, s15  }
0x87: {  	[tilespmem:s18], [sflag:$0x1] =	stream.linear.gather [hbm4b:s15+s2], $0x80, $0x38;
	[tilespmem:$0x18200] =	vst v63  }
0x88: {  	s15 =	sand.u32 $0x1FFFFFF0, s19  }
0x89: {  	s20 =	simm.s32 $0x1180;
	s15 =	sadd.s32 s3, s15  }
0x8a: {  	[tilespmem:s20], [sflag:$0x1] =	stream.linear.gather [hbm4b:s15+s2], $0x80, $0x38;
	[tilespmem:$0x18200] =	vst v63  }
0x8b: {  	v62 =	vld [tilespmem:s14+$0x0];
	_ =	sdelay $0x4  }
0x8c: {  	v0 =	vshll.u32 v62, $0x4  }
0x8d: {  	(v2sf) =	vpush v0, $0x0;
	_ =	sdelay $0x1  }
0x8e: {  	(v2sf) =	vpush v0, $0x1;
	_ =	sdelay $0x1  }
0x8f: {  	(v2sf) =	vpush v0, $0x2;
	_ =	sdelay $0x2  }
0x90: {  	(v2sf) =	vpush v0, $0x3;
	_ =	sdelay $0x7  }
0x91: {  	s21 =	spop (v2sf);
	(v2sf) =	vpush v0, $0x4;
	_ =	sdelay $0x1  }
0x92: {  	s23 =	spop (v2sf);
	(v2sf) =	vpush v0, $0x5;
	_ =	sdelay $0x1  }
0x93: {  	s25 =	spop (v2sf);
	(v2sf) =	vpush v0, $0x6;
	_ =	sdelay $0x1  }
0x94: {  	s15 =	sand.u32 $0x1FFFFFF0, s21  }
0x95: {  	s22 =	simm.s32 $0x1200;
	s15 =	sadd.s32 s3, s15;
	s28 =	spop (v2sf);
	(v2sf) =	vpush v0, $0x7  }
0x96: {  	[tilespmem:s22], [sflag:$0x1] =	stream.linear.gather [hbm4b:s15+s2], $0x80, $0x38;
	[tilespmem:$0x18200] =	vst v63  }
0x97: {  	s15 =	sand.u32 $0x1FFFFFF0, s23  }
0x98: {  	s24 =	simm.s32 $0x1280;
	s15 =	sadd.s32 s3, s15  }
0x99: {  	[tilespmem:s24], [sflag:$0x1] =	stream.linear.gather [hbm4b:s15+s2], $0x80, $0x38;
	[tilespmem:$0x18200] =	vst v63  }
0x9a: {  	s15 =	sand.u32 $0x1FFFFFF0, s25  }
0x9b: {  	s26 =	simm.s32 $0x1300;
	s15 =	sadd.s32 s3, s15  }
0x9c: {  	[tilespmem:s26], [sflag:$0x1] =	stream.linear.gather [hbm4b:s15+s2], $0x80, $0x38;
	[tilespmem:$0x18200] =	vst v63  }
0x9d: {  	s30 =	spop (v2sf);
	(v2sf) =	vpush v0, $0x8  }
0x9e: {  	s15 =	sand.u32 $0x1FFFFFF0, s28  }
0x9f: {  	s29 =	simm.s32 $0x1380;
	s15 =	sadd.s32 s3, s15;
	s0 =	spop (v2sf);
	(v2sf) =	vpush v0, $0x9  }
0xa0: {  	[tilespmem:s29], [sflag:$0x1] =	stream.linear.gather [hbm4b:s15+s2], $0x80, $0x38;
	[tilespmem:$0x18200] =	vst v63  }
0xa1: {  	s15 =	sand.u32 $0x1FFFFFF0, s30;
	s10 =	spop (v2sf);
	(v2sf) =	vpush v0, $0xA  }
0xa2: {  	s31 =	simm.s32 $0x1400;
	s15 =	sadd.s32 s3, s15  }
0xa3: {  	[tilespmem:s31], [sflag:$0x1] =	stream.linear.gather [hbm4b:s15+s2], $0x80, $0x38;
	[tilespmem:$0x18200] =	vst v63  }
0xa4: {  	s17 =	spop (v2sf);
	(v2sf) =	vpush v0, $0xB  }
0xa5: {  	s15 =	sand.u32 $0x1FFFFFF0, s0  }
0xa6: {  	s1 =	simm.s32 $0x1480;
	s15 =	sadd.s32 s3, s15  }
0xa7: {  	[tilespmem:s1], [sflag:$0x1] =	stream.linear.gather [hbm4b:s15+s2], $0x80, $0x38;
	[tilespmem:$0x18200] =	vst v63  }
0xa8: {  	s15 =	sand.u32 $0x1FFFFFF0, s10  }
0xa9: {  	s12 =	simm.s32 $0x1500;
	s15 =	sadd.s32 s3, s15  }
0xaa: {  	[tilespmem:s12], [sflag:$0x1] =	stream.linear.gather [hbm4b:s15+s2], $0x80, $0x38;
	[tilespmem:$0x18200] =	vst v63  }
0xab: {  	s15 =	sand.u32 $0x1FFFFFF0, s17  }
0xac: {  	s18 =	simm.s32 $0x1580;
	s15 =	sadd.s32 s3, s15;
	s19 =	spop (v2sf);
	(v2sf) =	vpush v0, $0xC  }
0xad: {  	[tilespmem:s18], [sflag:$0x1] =	stream.linear.gather [hbm4b:s15+s2], $0x80, $0x38;
	[tilespmem:$0x18200] =	vst v63  }
0xae: {  	s21 =	spop (v2sf);
	(v2sf) =	vpush v0, $0xD  }
0xaf: {  	s15 =	sand.u32 $0x1FFFFFF0, s19  }
0xb0: {  	s20 =	simm.s32 $0x1600;
	s15 =	sadd.s32 s3, s15;
	s23 =	spop (v2sf)  }
0xb1: {  	(v2sf) =	vpush v0, $0xE;
	[tilespmem:s20], [sflag:$0x1] =	stream.linear.gather [hbm4b:s15+s2], $0x80, $0x38;
	[tilespmem:$0x18200] =	vst v63  }
0xb2: {  	s15 =	sand.u32 $0x1FFFFFF0, s21  }
0xb3: {  	s22 =	simm.s32 $0x1680;
	s25 =	spop (v2sf);
	s15 =	sadd.s32 s3, s15  }
0xb4: {  	(v2sf) =	vpush v0, $0xF;
	[tilespmem:s22], [sflag:$0x1] =	stream.linear.gather [hbm4b:s15+s2], $0x80, $0x38;
	[tilespmem:$0x18200] =	vst v63  }
0xb5: {  	s15 =	sand.u32 $0x1FFFFFF0, s23  }
0xb6: {  	s24 =	simm.s32 $0x1700;
	s15 =	sadd.s32 s3, s15  }
0xb7: {  	[tilespmem:s24], [sflag:$0x1] =	stream.linear.gather [hbm4b:s15+s2], $0x80, $0x38;
	[tilespmem:$0x18200] =	vst v63  }
0xb8: {  	s15 =	sand.u32 $0x1FFFFFF0, s25  }
0xb9: {  	s26 =	simm.s32 $0x1780;
	s15 =	sadd.s32 s3, s15  }
0xba: {  	[tilespmem:s26], [sflag:$0x1] =	stream.linear.gather [hbm4b:s15+s2], $0x80, $0x38;
	[tilespmem:$0x18200] =	vst v63  }
0xbb: {  	s28 =	spop (v2sf)  }
0xbc: {  	s15 =	sand.u32 $0x1FFFFFF0, s28  }
0xbd: {  	s29 =	simm.s32 $0x1800;
	s30 =	spop (v2sf);
	s15 =	sadd.s32 s3, s15  }
0xbe: {  	[tilespmem:s29], [sflag:$0x1] =	stream.linear.gather [hbm4b:s15+s2], $0x80, $0x38;
	[tilespmem:$0x18200] =	vst v63  }
0xbf: {  	s15 =	sand.u32 $0x1FFFFFF0, s30  }
0xc0: {  	s31 =	simm.s32 $0x1880;
	s0 =	spop (v2sf);
	s15 =	sadd.s32 s3, s15  }
0xc1: {  	[tilespmem:s31], [sflag:$0x1] =	stream.linear.gather [hbm4b:s15+s2], $0x80, $0x38;
	[tilespmem:$0x18200] =	vst v63  }
0xc2: {  	s15 =	sand.u32 $0x1FFFFFF0, s0  }
0xc3: {  	s1 =	simm.s32 $0x1900;
	s10 =	spop (v2sf);
	s15 =	sadd.s32 s3, s15  }
0xc4: {  	[tilespmem:s1], [sflag:$0x1] =	stream.linear.gather [hbm4b:s15+s2], $0x80, $0x38;
	[tilespmem:$0x18200] =	vst v63  }
0xc5: {  	s15 =	sand.u32 $0x1FFFFFF0, s10  }
0xc6: {  	s12 =	simm.s32 $0x1980;
	s15 =	sadd.s32 s3, s15  }
0xc7: {  	[tilespmem:s12], [sflag:$0x1] =	stream.linear.gather [hbm4b:s15+s2], $0x80, $0x38;
	[tilespmem:$0x18200] =	vst v63  }
0xc8: {  	v63 =	vld [tilespmem:s14+$0x10];
	_ =	sdelay $0x4  }
0xc9: {  	v0 =	vshll.u32 v63, $0x4  }
0xca: {  	(v2sf) =	vpush v0, $0x0;
	_ =	sdelay $0x1  }
0xcb: {  	(v2sf) =	vpush v0, $0x1;
	_ =	sdelay $0x1  }
0xcc: {  	(v2sf) =	vpush v0, $0x2;
	_ =	sdelay $0x2  }
0xcd: {  	(v2sf) =	vpush v0, $0x3;
	_ =	sdelay $0x7  }
0xce: {  	s17 =	spop (v2sf);
	(v2sf) =	vpush v0, $0x4;
	_ =	sdelay $0x1  }
0xcf: {  	s19 =	spop (v2sf);
	(v2sf) =	vpush v0, $0x5;
	_ =	sdelay $0x1  }
0xd0: {  	s21 =	spop (v2sf);
	(v2sf) =	vpush v0, $0x6;
	_ =	sdelay $0x1  }
0xd1: {  	s15 =	sand.u32 $0x1FFFFFF0, s17  }
0xd2: {  	s18 =	simm.s32 $0x1A00;
	s15 =	sadd.s32 s3, s15;
	s23 =	spop (v2sf);
	(v2sf) =	vpush v0, $0x7  }
0xd3: {  	[tilespmem:s18], [sflag:$0x1] =	stream.linear.gather [hbm4b:s15+s2], $0x80, $0x38;
	[tilespmem:$0x18200] =	vst v63  }
0xd4: {  	s15 =	sand.u32 $0x1FFFFFF0, s19  }
0xd5: {  	s20 =	simm.s32 $0x1A80;
	s15 =	sadd.s32 s3, s15  }
0xd6: {  	[tilespmem:s20], [sflag:$0x1] =	stream.linear.gather [hbm4b:s15+s2], $0x80, $0x38;
	[tilespmem:$0x18200] =	vst v63  }
0xd7: {  	s15 =	sand.u32 $0x1FFFFFF0, s21  }
0xd8: {  	s22 =	simm.s32 $0x1B00;
	s15 =	sadd.s32 s3, s15  }
0xd9: {  	[tilespmem:s22], [sflag:$0x1] =	stream.linear.gather [hbm4b:s15+s2], $0x80, $0x38;
	[tilespmem:$0x18200] =	vst v63  }
0xda: {  	s25 =	spop (v2sf);
	(v2sf) =	vpush v0, $0x8  }
0xdb: {  	s15 =	sand.u32 $0x1FFFFFF0, s23  }
0xdc: {  	s24 =	simm.s32 $0x1B80;
	s15 =	sadd.s32 s3, s15;
	s28 =	spop (v2sf);
	(v2sf) =	vpush v0, $0x9  }
0xdd: {  	[tilespmem:s24], [sflag:$0x1] =	stream.linear.gather [hbm4b:s15+s2], $0x80, $0x38;
	[tilespmem:$0x18200] =	vst v63  }
0xde: {  	s15 =	sand.u32 $0x1FFFFFF0, s25;
	s30 =	spop (v2sf);
	(v2sf) =	vpush v0, $0xA  }
0xdf: {  	s26 =	simm.s32 $0x1C00;
	s15 =	sadd.s32 s3, s15  }
0xe0: {  	[tilespmem:s26], [sflag:$0x1] =	stream.linear.gather [hbm4b:s15+s2], $0x80, $0x38;
	[tilespmem:$0x18200] =	vst v63  }
0xe1: {  	s0 =	spop (v2sf);
	(v2sf) =	vpush v0, $0xB  }
0xe2: {  	s15 =	sand.u32 $0x1FFFFFF0, s28  }
0xe3: {  	s29 =	simm.s32 $0x1C80;
	s15 =	sadd.s32 s3, s15  }
0xe4: {  	[tilespmem:s29], [sflag:$0x1] =	stream.linear.gather [hbm4b:s15+s2], $0x80, $0x38;
	[tilespmem:$0x18200] =	vst v63  }
0xe5: {  	s15 =	sand.u32 $0x1FFFFFF0, s30  }
0xe6: {  	s31 =	simm.s32 $0x1D00;
	s15 =	sadd.s32 s3, s15  }
0xe7: {  	[tilespmem:s31], [sflag:$0x1] =	stream.linear.gather [hbm4b:s15+s2], $0x80, $0x38;
	[tilespmem:$0x18200] =	vst v63  }
0xe8: {  	s15 =	sand.u32 $0x1FFFFFF0, s0  }
0xe9: {  	s1 =	simm.s32 $0x1D80;
	s15 =	sadd.s32 s3, s15;
	s10 =	spop (v2sf);
	(v2sf) =	vpush v0, $0xC  }
0xea: {  	[tilespmem:s1], [sflag:$0x1] =	stream.linear.gather [hbm4b:s15+s2], $0x80, $0x38;
	[tilespmem:$0x18200] =	vst v63  }
0xeb: {  	s17 =	spop (v2sf);
	(v2sf) =	vpush v0, $0xD  }
0xec: {  	s15 =	sand.u32 $0x1FFFFFF0, s10  }
0xed: {  	s12 =	simm.s32 $0x1E00;
	s15 =	sadd.s32 s3, s15;
	s19 =	spop (v2sf)  }
0xee: {  	(v2sf) =	vpush v0, $0xE;
	[tilespmem:s12], [sflag:$0x1] =	stream.linear.gather [hbm4b:s15+s2], $0x80, $0x38;
	[tilespmem:$0x18200] =	vst v63  }
0xef: {  	s15 =	sand.u32 $0x1FFFFFF0, s17  }
0xf0: {  	s18 =	simm.s32 $0x1E80;
	s21 =	spop (v2sf);
	s15 =	sadd.s32 s3, s15  }
0xf1: {  	(v2sf) =	vpush v0, $0xF;
	[tilespmem:s18], [sflag:$0x1] =	stream.linear.gather [hbm4b:s15+s2], $0x80, $0x38;
	[tilespmem:$0x18200] =	vst v63  }
0xf2: {  	s15 =	sand.u32 $0x1FFFFFF0, s19  }
0xf3: {  	s20 =	simm.s32 $0x1F00;
	s15 =	sadd.s32 s3, s15  }
0xf4: {  	[tilespmem:s20], [sflag:$0x1] =	stream.linear.gather [hbm4b:s15+s2], $0x80, $0x38;
	[tilespmem:$0x18200] =	vst v63  }
0xf5: {  	s15 =	sand.u32 $0x1FFFFFF0, s21  }
0xf6: {  	s22 =	simm.s32 $0x1F80;
	s15 =	sadd.s32 s3, s15  }
0xf7: {  	[tilespmem:s22], [sflag:$0x1] =	stream.linear.gather [hbm4b:s15+s2], $0x80, $0x38;
	[tilespmem:$0x18200] =	vst v63  }
0xf8: {  	s23 =	spop (v2sf)  }
0xf9: {  	s15 =	sand.u32 $0x1FFFFFF0, s23  }
0xfa: {  	s24 =	simm.s32 $0x2000;
	s25 =	spop (v2sf);
	s15 =	sadd.s32 s3, s15  }
0xfb: {  	[tilespmem:s24], [sflag:$0x1] =	stream.linear.gather [hbm4b:s15+s2], $0x80, $0x38;
	[tilespmem:$0x18200] =	vst v63  }
0xfc: {  	s15 =	sand.u32 $0x1FFFFFF0, s25  }
0xfd: {  	s26 =	simm.s32 $0x2080;
	s28 =	spop (v2sf);
	s15 =	sadd.s32 s3, s15  }
0xfe: {  	[tilespmem:s26], [sflag:$0x1] =	stream.linear.gather [hbm4b:s15+s2], $0x80, $0x38;
	[tilespmem:$0x18200] =	vst v63  }
0xff: {  	s15 =	sand.u32 $0x1FFFFFF0, s28  }
0x100: {  	s29 =	simm.s32 $0x2100;
	s30 =	spop (v2sf);
	s15 =	sadd.s32 s3, s15  }
0x101: {  	[tilespmem:s29], [sflag:$0x1] =	stream.linear.gather [hbm4b:s15+s2], $0x80, $0x38;
	[tilespmem:$0x18200] =	vst v63  }
0x102: {  	s15 =	sand.u32 $0x1FFFFFF0, s30  }
0x103: {  	s31 =	simm.s32 $0x2180;
	s15 =	sadd.s32 s3, s15  }
0x104: {  	[tilespmem:s31], [sflag:$0x1] =	stream.linear.gather [hbm4b:s15+s2], $0x80, $0x38;
	[tilespmem:$0x18200] =	vst v63  }
0x105: {  	_ =	swait.ge [sflag:s11], $0x80  }
0x106: {  	[sflag:s11] =	ssyncset.done $0x0  }
0x107: {  	[sflag:s11] =	ssyncadd.s32 $0xFFFFFF80  }
0x108: {  	_ =	swait.ge [sflag:s11], $0x80  }
0x109: {  	[sflag:s11] =	ssyncset.done $0x0  }
0x10a: {  	[sflag:s11] =	ssyncadd.s32 $0xFFFFFF80  }
0x10b: {  	_ =	swait.ge [sflag:s11], $0x80  }
0x10c: {  	[sflag:s11] =	ssyncset.done $0x0  }
0x10d: {  	[sflag:s11] =	ssyncadd.s32 $0xFFFFFF80  }
0x10e: {  	_ =	swait.ge [sflag:s11], $0x80  }
0x10f: {  	[sflag:s11] =	ssyncset.done $0x0  }
0x110: {  	[sflag:s11] =	ssyncadd.s32 $0xFFFFFF80  }
0x111: {  	_ =	swait.ge [sflag:s11], $0x80  }
0x112: {  	[sflag:s11] =	ssyncset.done $0x0  }
0x113: {  	[sflag:s11] =	ssyncadd.s32 $0xFFFFFF80  }
0x114: {  	_ =	swait.ge [sflag:s11], $0x80  }
0x115: {  	[sflag:s11] =	ssyncset.done $0x0  }
0x116: {  	[sflag:s11] =	ssyncadd.s32 $0xFFFFFF80  }
0x117: {  	_ =	swait.ge [sflag:s11], $0x80  }
0x118: {  	[sflag:s11] =	ssyncset.done $0x0  }
0x119: {  	[sflag:s11] =	ssyncadd.s32 $0xFFFFFF80  }
0x11a: {  	_ =	swait.ge [sflag:s11], $0x80  }
0x11b: {  	[sflag:s11] =	ssyncset.done $0x0  }
0x11c: {  	[sflag:s11] =	ssyncadd.s32 $0xFFFFFF80  }
0x11d: {  	_ =	swait.ge [sflag:s11], $0x80  }
0x11e: {  	[sflag:s11] =	ssyncset.done $0x0  }
0x11f: {  	[sflag:s11] =	ssyncadd.s32 $0xFFFFFF80  }
0x120: {  	_ =	swait.ge [sflag:s11], $0x80  }
0x121: {  	[sflag:s11] =	ssyncset.done $0x0  }
0x122: {  	[sflag:s11] =	ssyncadd.s32 $0xFFFFFF80  }
0x123: {  	_ =	swait.ge [sflag:s11], $0x80  }
0x124: {  	[sflag:s11] =	ssyncset.done $0x0  }
0x125: {  	[sflag:s11] =	ssyncadd.s32 $0xFFFFFF80  }
0x126: {  	_ =	swait.ge [sflag:s11], $0x80  }
0x127: {  	[sflag:s11] =	ssyncset.done $0x0  }
0x128: {  	[sflag:s11] =	ssyncadd.s32 $0xFFFFFF80  }
0x129: {  	_ =	swait.ge [sflag:s11], $0x80  }
0x12a: {  	[sflag:s11] =	ssyncset.done $0x0  }
0x12b: {  	[sflag:s11] =	ssyncadd.s32 $0xFFFFFF80  }
0x12c: {  	_ =	swait.ge [sflag:s11], $0x80  }
0x12d: {  	[sflag:s11] =	ssyncset.done $0x0  }
0x12e: {  	[sflag:s11] =	ssyncadd.s32 $0xFFFFFF80  }
0x12f: {  	_ =	swait.ge [sflag:s11], $0x80  }
0x130: {  	[sflag:s11] =	ssyncset.done $0x0  }
0x131: {  	[sflag:s11] =	ssyncadd.s32 $0xFFFFFF80  }
0x132: {  	_ =	swait.ge [sflag:s11], $0x80  }
0x133: {  	[sflag:s11] =	ssyncset.done $0x0  }
0x134: {  	[sflag:s11] =	ssyncadd.s32 $0xFFFFFF80  }
0x135: {  	_ =	swait.ge [sflag:s11], $0x80  }
0x136: {  	[sflag:s11] =	ssyncset.done $0x0  }
0x137: {  	[sflag:s11] =	ssyncadd.s32 $0xFFFFFF80  }
0x138: {  	_ =	swait.ge [sflag:s11], $0x80  }
0x139: {  	[sflag:s11] =	ssyncset.done $0x0  }
0x13a: {  	[sflag:s11] =	ssyncadd.s32 $0xFFFFFF80  }
0x13b: {  	_ =	swait.ge [sflag:s11], $0x80  }
0x13c: {  	[sflag:s11] =	ssyncset.done $0x0  }
0x13d: {  	[sflag:s11] =	ssyncadd.s32 $0xFFFFFF80  }
0x13e: {  	_ =	swait.ge [sflag:s11], $0x80  }
0x13f: {  	[sflag:s11] =	ssyncset.done $0x0  }
0x140: {  	[sflag:s11] =	ssyncadd.s32 $0xFFFFFF80  }
0x141: {  	_ =	swait.ge [sflag:s11], $0x80  }
0x142: {  	[sflag:s11] =	ssyncset.done $0x0  }
0x143: {  	[sflag:s11] =	ssyncadd.s32 $0xFFFFFF80  }
0x144: {  	_ =	swait.ge [sflag:s11], $0x80  }
0x145: {  	[sflag:s11] =	ssyncset.done $0x0  }
0x146: {  	[sflag:s11] =	ssyncadd.s32 $0xFFFFFF80  }
0x147: {  	_ =	swait.ge [sflag:s11], $0x80  }
0x148: {  	[sflag:s11] =	ssyncset.done $0x0  }
0x149: {  	[sflag:s11] =	ssyncadd.s32 $0xFFFFFF80  }
0x14a: {  	_ =	swait.ge [sflag:s11], $0x80  }
0x14b: {  	[sflag:s11] =	ssyncset.done $0x0  }
0x14c: {  	[sflag:s11] =	ssyncadd.s32 $0xFFFFFF80  }
0x14d: {  	_ =	swait.ge [sflag:s11], $0x80  }
0x14e: {  	[sflag:s11] =	ssyncset.done $0x0  }
0x14f: {  	[sflag:s11] =	ssyncadd.s32 $0xFFFFFF80  }
0x150: {  	_ =	swait.ge [sflag:s11], $0x80  }
0x151: {  	[sflag:s11] =	ssyncset.done $0x0  }
0x152: {  	[sflag:s11] =	ssyncadd.s32 $0xFFFFFF80  }
0x153: {  	_ =	swait.ge [sflag:s11], $0x80  }
0x154: {  	[sflag:s11] =	ssyncset.done $0x0  }
0x155: {  	[sflag:s11] =	ssyncadd.s32 $0xFFFFFF80  }
0x156: {  	_ =	swait.ge [sflag:s11], $0x80  }
0x157: {  	[sflag:s11] =	ssyncset.done $0x0  }
0x158: {  	[sflag:s11] =	ssyncadd.s32 $0xFFFFFF80  }
0x159: {  	_ =	swait.ge [sflag:s11], $0x80  }
0x15a: {  	[sflag:s11] =	ssyncset.done $0x0  }
0x15b: {  	[sflag:s11] =	ssyncadd.s32 $0xFFFFFF80  }
0x15c: {  	_ =	swait.ge [sflag:s11], $0x80  }
0x15d: {  	[sflag:s11] =	ssyncset.done $0x0  }
0x15e: {  	[sflag:s11] =	ssyncadd.s32 $0xFFFFFF80  }
0x15f: {  	_ =	swait.ge [sflag:s11], $0x80  }
0x160: {  	[sflag:s11] =	ssyncset.done $0x0  }
0x161: {  	[sflag:s11] =	ssyncadd.s32 $0xFFFFFF80  }
0x162: {  	_ =	swait.ge [sflag:s11], $0x80  }
0x163: {  	[sflag:s11] =	ssyncset.done $0x0  }
0x164: {  	[sflag:s11] =	ssyncadd.s32 $0xFFFFFF80  }
0x165: {  	_ =	swait.ge [sflag:s11], $0x80  }
0x166: {  	[sflag:s11] =	ssyncset.done $0x0  }
0x167: {  	[sflag:s11] =	ssyncadd.s32 $0xFFFFFF80  }
0x168: {  	_ =	swait.ge [sflag:s11], $0x80  }
0x169: {  	[sflag:s11] =	ssyncset.done $0x0  }
0x16a: {  	[sflag:s11] =	ssyncadd.s32 $0xFFFFFF80  }
0x16b: {  	_ =	swait.ge [sflag:s11], $0x80  }
0x16c: {  	[sflag:s11] =	ssyncset.done $0x0  }
0x16d: {  	[sflag:s11] =	ssyncadd.s32 $0xFFFFFF80  }
0x16e: {  	_ =	swait.ge [sflag:s11], $0x80  }
0x16f: {  	[sflag:s11] =	ssyncset.done $0x0  }
0x170: {  	[sflag:s11] =	ssyncadd.s32 $0xFFFFFF80  }
0x171: {  	_ =	swait.ge [sflag:s11], $0x80  }
0x172: {  	[sflag:s11] =	ssyncset.done $0x0  }
0x173: {  	[sflag:s11] =	ssyncadd.s32 $0xFFFFFF80  }
0x174: {  	_ =	swait.ge [sflag:s11], $0x80  }
0x175: {  	[sflag:s11] =	ssyncset.done $0x0  }
0x176: {  	[sflag:s11] =	ssyncadd.s32 $0xFFFFFF80  }
0x177: {  	_ =	swait.ge [sflag:s11], $0x80  }
0x178: {  	[sflag:s11] =	ssyncset.done $0x0  }
0x179: {  	[sflag:s11] =	ssyncadd.s32 $0xFFFFFF80  }
0x17a: {  	_ =	swait.ge [sflag:s11], $0x80  }
0x17b: {  	[sflag:s11] =	ssyncset.done $0x0  }
0x17c: {  	[sflag:s11] =	ssyncadd.s32 $0xFFFFFF80  }
0x17d: {  	_ =	swait.ge [sflag:s11], $0x80  }
0x17e: {  	[sflag:s11] =	ssyncset.done $0x0  }
0x17f: {  	[sflag:s11] =	ssyncadd.s32 $0xFFFFFF80  }
0x180: {  	_ =	swait.ge [sflag:s11], $0x80  }
0x181: {  	[sflag:s11] =	ssyncset.done $0x0  }
0x182: {  	[sflag:s11] =	ssyncadd.s32 $0xFFFFFF80  }
0x183: {  	_ =	swait.ge [sflag:s11], $0x80  }
0x184: {  	[sflag:s11] =	ssyncset.done $0x0  }
0x185: {  	[sflag:s11] =	ssyncadd.s32 $0xFFFFFF80  }
0x186: {  	_ =	swait.ge [sflag:s11], $0x80  }
0x187: {  	[sflag:s11] =	ssyncset.done $0x0  }
0x188: {  	[sflag:s11] =	ssyncadd.s32 $0xFFFFFF80  }
0x189: {  	_ =	swait.ge [sflag:s11], $0x80  }
0x18a: {  	[sflag:s11] =	ssyncset.done $0x0  }
0x18b: {  	[sflag:s11] =	ssyncadd.s32 $0xFFFFFF80  }
0x18c: {  	_ =	swait.ge [sflag:s11], $0x80  }
0x18d: {  	[sflag:s11] =	ssyncset.done $0x0  }
0x18e: {  	[sflag:s11] =	ssyncadd.s32 $0xFFFFFF80  }
0x18f: {  	_ =	swait.ge [sflag:s11], $0x80  }
0x190: {  	[sflag:s11] =	ssyncset.done $0x0  }
0x191: {  	[sflag:s11] =	ssyncadd.s32 $0xFFFFFF80  }
0x192: {  	_ =	swait.ge [sflag:s11], $0x80  }
0x193: {  	[sflag:s11] =	ssyncset.done $0x0  }
0x194: {  	[sflag:s11] =	ssyncadd.s32 $0xFFFFFF80  }
0x195: {  	_ =	swait.ge [sflag:s11], $0x80  }
0x196: {  	[sflag:s11] =	ssyncset.done $0x0  }
0x197: {  	[sflag:s11] =	ssyncadd.s32 $0xFFFFFF80  }
0x198: {  	_ =	swait.ge [sflag:s11], $0x80  }
0x199: {  	[sflag:s11] =	ssyncset.done $0x0  }
0x19a: {  	[sflag:s11] =	ssyncadd.s32 $0xFFFFFF80  }
0x19b: {  	_ =	swait.ge [sflag:s11], $0x80  }
0x19c: {  	[sflag:s11] =	ssyncset.done $0x0  }
0x19d: {  	[sflag:s11] =	ssyncadd.s32 $0xFFFFFF80  }
0x19e: {  	_ =	swait.ge [sflag:s11], $0x80  }
0x19f: {  	[sflag:s11] =	ssyncset.done $0x0  }
0x1a0: {  	[sflag:s11] =	ssyncadd.s32 $0xFFFFFF80  }
0x1a1: {  	_ =	swait.ge [sflag:s11], $0x80  }
0x1a2: {  	[sflag:s11] =	ssyncset.done $0x0  }
0x1a3: {  	[sflag:s11] =	ssyncadd.s32 $0xFFFFFF80  }
0x1a4: {  	_ =	swait.ge [sflag:s11], $0x80  }
0x1a5: {  	[sflag:s11] =	ssyncset.done $0x0  }
0x1a6: {  	[sflag:s11] =	ssyncadd.s32 $0xFFFFFF80  }
0x1a7: {  	_ =	swait.ge [sflag:s11], $0x80  }
0x1a8: {  	[sflag:s11] =	ssyncset.done $0x0  }
0x1a9: {  	[sflag:s11] =	ssyncadd.s32 $0xFFFFFF80  }
0x1aa: {  	_ =	swait.ge [sflag:s11], $0x80  }
0x1ab: {  	[sflag:s11] =	ssyncset.done $0x0  }
0x1ac: {  	[sflag:s11] =	ssyncadd.s32 $0xFFFFFF80  }
0x1ad: {  	_ =	swait.ge [sflag:s11], $0x80  }
0x1ae: {  	[sflag:s11] =	ssyncset.done $0x0  }
0x1af: {  	[sflag:s11] =	ssyncadd.s32 $0xFFFFFF80  }
0x1b0: {  	_ =	swait.ge [sflag:s11], $0x80  }
0x1b1: {  	[sflag:s11] =	ssyncset.done $0x0  }
0x1b2: {  	[sflag:s11] =	ssyncadd.s32 $0xFFFFFF80  }
0x1b3: {  	_ =	swait.ge [sflag:s11], $0x80  }
0x1b4: {  	[sflag:s11] =	ssyncset.done $0x0  }
0x1b5: {  	[sflag:s11] =	ssyncadd.s32 $0xFFFFFF80  }
0x1b6: {  	_ =	swait.ge [sflag:s11], $0x80  }
0x1b7: {  	[sflag:s11] =	ssyncset.done $0x0  }
0x1b8: {  	[sflag:s11] =	ssyncadd.s32 $0xFFFFFF80  }
0x1b9: {  	_ =	swait.ge [sflag:s11], $0x80  }
0x1ba: {  	[sflag:s11] =	ssyncset.done $0x0  }
0x1bb: {  	[sflag:s11] =	ssyncadd.s32 $0xFFFFFF80  }
0x1bc: {  	_ =	swait.ge [sflag:s11], $0x80  }
0x1bd: {  	s15 =	simm.s32 $0x8000;
	[sflag:s11] =	ssyncset.done $0x0  }
.LBB2_2:
0x1be: {  	p0 =	sne.s32 s15, $0x38000;
	[sflag:s11] =	ssyncadd.s32 $0xFFFFFF80;
	s14 =	sadd.s32 $0x40, s14  }
0x1bf: {  	s16 =	smov.u32 s15;
	s15 =	sadd.s32 $0x8000, s15;
	_ =	swait.ge [sflag:s11], $0x80  }
0x1c0: {  	[sflag:s11] =	ssyncset.done $0x0  }
0x1c1: {  	[sflag:s11] =	ssyncadd.s32 $0xFFFFFF80  }
0x1c2: {  	_ =	swait.ge [sflag:s11], $0x80  }
0x1c3: {  	[sflag:s11] =	ssyncset.done $0x0  }
0x1c4: {  	[sflag:s11] =	ssyncadd.s32 $0xFFFFFF80  }
0x1c5: {  	v0 =	vld [tilespmem:s14+$0xFFFFFFE0];
	_ =	sdelay $0x4  }
0x1c6: {  	v0 =	vshll.u32 v0, $0x4  }
0x1c7: {  	(v2sf) =	vpush v0, $0x0  }
0x1c8: {  	(v2sf) =	vpush v0, $0x1  }
0x1c9: {  	(v2sf) =	vpush v0, $0x2;
	_ =	sdelay $0x1  }
0x1ca: {  	(v2sf) =	vpush v0, $0x3;
	_ =	sdelay $0x1  }
0x1cb: {  	(v2sf) =	vpush v0, $0x4;
	_ =	sdelay $0x1  }
0x1cc: {  	(v2sf) =	vpush v0, $0x5;
	_ =	sdelay $0x1  }
0x1cd: {  	s16 =	sshra.s32 s16, $0x2;
	(v2sf) =	vpush v0, $0x6  }
0x1ce: {  	s24 =	sadd.s32 $0x280, s16;
	s25 =	sadd.s32 $0x380, s16;
	s26 =	sadd.s32 $0x400, s16  }
0x1cf: {  	s28 =	sadd.s32 $0x200, s16;
	s29 =	sadd.s32 $0x300, s16;
	s17 =	sadd.s32 $0x980, s16;
	(v2sf) =	vpush v0, $0x7  }
0x1d0: {  	s30 =	sadd.s32 $0x480, s16;
	s19 =	sadd.s32 $0x800, s16;
	s18 =	sadd.s32 $0x880, s16  }
0x1d1: {  	s22 =	sadd.s32 $0x680, s16;
	s21 =	sadd.s32 $0x700, s16;
	s20 =	sadd.s32 $0x780, s16;
	(v2sf) =	vpush v0, $0x8  }
0x1d2: {  	s31 =	sadd.s32 $0x500, s16;
	s23 =	sadd.s32 $0x600, s16;
	s0 =	spop (v2sf)  }
0x1d3: {  	s1 =	sadd.s32 $0x580, s16;
	s0 =	sand.u32 $0x1FFFFFF0, s0;
	s12 =	spop (v2sf);
	(v2sf) =	vpush v0, $0x9  }
0x1d4: {  	s0 =	sadd.s32 s3, s0;
	s12 =	sand.u32 $0x1FFFFFF0, s12;
	s10 =	spop (v2sf)  }
0x1d5: {  	[tilespmem:s28], [sflag:$0x1] =	stream.linear.gather [hbm4b:s0+s2], $0x80, $0x38;
	(v2sf) =	vpush v0, $0xA;
	[tilespmem:$0x18200] =	vst v63  }
0x1d6: {  	s0 =	sadd.s32 s3, s12;
	s10 =	sand.u32 $0x1FFFFFF0, s10;
	s12 =	spop (v2sf)  }
0x1d7: {  	[tilespmem:s24], [sflag:$0x1] =	stream.linear.gather [hbm4b:s0+s2], $0x80, $0x38;
	(v2sf) =	vpush v0, $0xB;
	[tilespmem:$0x18200] =	vst v63  }
0x1d8: {  	s0 =	sadd.s32 s3, s10;
	s10 =	sand.u32 $0x1FFFFFF0, s12;
	s12 =	spop (v2sf)  }
0x1d9: {  	[tilespmem:s29], [sflag:$0x1] =	stream.linear.gather [hbm4b:s0+s2], $0x80, $0x38;
	(v2sf) =	vpush v0, $0xC;
	[tilespmem:$0x18200] =	vst v63  }
0x1da: {  	s0 =	sadd.s32 s3, s10;
	s10 =	sand.u32 $0x1FFFFFF0, s12;
	s12 =	spop (v2sf)  }
0x1db: {  	[tilespmem:s25], [sflag:$0x1] =	stream.linear.gather [hbm4b:s0+s2], $0x80, $0x38;
	(v2sf) =	vpush v0, $0xD;
	[tilespmem:$0x18200] =	vst v63  }
0x1dc: {  	s0 =	sadd.s32 s3, s10;
	s10 =	sand.u32 $0x1FFFFFF0, s12;
	s12 =	spop (v2sf)  }
0x1dd: {  	[tilespmem:s26], [sflag:$0x1] =	stream.linear.gather [hbm4b:s0+s2], $0x80, $0x38;
	(v2sf) =	vpush v0, $0xE;
	[tilespmem:$0x18200] =	vst v63  }
0x1de: {  	s0 =	sadd.s32 s3, s10;
	s10 =	sand.u32 $0x1FFFFFF0, s12;
	s12 =	spop (v2sf)  }
0x1df: {  	[tilespmem:s30], [sflag:$0x1] =	stream.linear.gather [hbm4b:s0+s2], $0x80, $0x38;
	(v2sf) =	vpush v0, $0xF;
	[tilespmem:$0x18200] =	vst v63  }
0x1e0: {  	s0 =	sadd.s32 s3, s10;
	s10 =	sand.u32 $0x1FFFFFF0, s12;
	s12 =	spop (v2sf)  }
0x1e1: {  	[tilespmem:s31], [sflag:$0x1] =	stream.linear.gather [hbm4b:s0+s2], $0x80, $0x38;
	[tilespmem:$0x18200] =	vst v63  }
0x1e2: {  	s0 =	sadd.s32 s3, s10;
	s10 =	sand.u32 $0x1FFFFFF0, s12;
	s12 =	spop (v2sf)  }
0x1e3: {  	[tilespmem:s1], [sflag:$0x1] =	stream.linear.gather [hbm4b:s0+s2], $0x80, $0x38;
	[tilespmem:$0x18200] =	vst v63  }
0x1e4: {  	s0 =	sadd.s32 s3, s10;
	s1 =	sand.u32 $0x1FFFFFF0, s12;
	s10 =	spop (v2sf)  }
0x1e5: {  	[tilespmem:s23], [sflag:$0x1] =	stream.linear.gather [hbm4b:s0+s2], $0x80, $0x38;
	[tilespmem:$0x18200] =	vst v63  }
0x1e6: {  	s0 =	sadd.s32 s3, s1;
	s1 =	sand.u32 $0x1FFFFFF0, s10;
	s10 =	spop (v2sf)  }
0x1e7: {  	[tilespmem:s22], [sflag:$0x1] =	stream.linear.gather [hbm4b:s0+s2], $0x80, $0x38;
	[tilespmem:$0x18200] =	vst v63  }
0x1e8: {  	s0 =	sadd.s32 s3, s1;
	s1 =	sand.u32 $0x1FFFFFF0, s10;
	s10 =	spop (v2sf)  }
0x1e9: {  	[tilespmem:s21], [sflag:$0x1] =	stream.linear.gather [hbm4b:s0+s2], $0x80, $0x38;
	[tilespmem:$0x18200] =	vst v63  }
0x1ea: {  	s0 =	sadd.s32 s3, s1;
	s1 =	sand.u32 $0x1FFFFFF0, s10;
	s10 =	spop (v2sf)  }
0x1eb: {  	[tilespmem:s20], [sflag:$0x1] =	stream.linear.gather [hbm4b:s0+s2], $0x80, $0x38;
	[tilespmem:$0x18200] =	vst v63  }
0x1ec: {  	s0 =	sadd.s32 s3, s1;
	s1 =	sand.u32 $0x1FFFFFF0, s10;
	s10 =	spop (v2sf)  }
0x1ed: {  	[tilespmem:s19], [sflag:$0x1] =	stream.linear.gather [hbm4b:s0+s2], $0x80, $0x38;
	[tilespmem:$0x18200] =	vst v63  }
0x1ee: {  	s0 =	sadd.s32 s3, s1;
	s1 =	sand.u32 $0x1FFFFFF0, s10;
	s10 =	spop (v2sf)  }
0x1ef: {  	[tilespmem:s18], [sflag:$0x1] =	stream.linear.gather [hbm4b:s0+s2], $0x80, $0x38;
	[tilespmem:$0x18200] =	vst v63  }
0x1f0: {  	s1 =	sadd.s32 s3, s1;
	s0 =	sadd.s32 $0x900, s16;
	s10 =	sand.u32 $0x1FFFFFF0, s10  }
0x1f1: {  	[tilespmem:s0], [sflag:$0x1] =	stream.linear.gather [hbm4b:s1+s2], $0x80, $0x38;
	[tilespmem:$0x18200] =	vst v63  }
0x1f2: {  	s0 =	sadd.s32 s3, s10  }
0x1f3: {  	[tilespmem:s17], [sflag:$0x1] =	stream.linear.gather [hbm4b:s0+s2], $0x80, $0x38;
	[tilespmem:$0x18200] =	vst v63  }
0x1f4: {  	v0 =	vld [tilespmem:s14+$0xFFFFFFF0];
	_ =	sdelay $0x4  }
0x1f5: {  	v0 =	vshll.u32 v0, $0x4  }
0x1f6: {  	(v2sf) =	vpush v0, $0x0  }
0x1f7: {  	(v2sf) =	vpush v0, $0x1  }
0x1f8: {  	(v2sf) =	vpush v0, $0x2;
	_ =	sdelay $0x1  }
0x1f9: {  	(v2sf) =	vpush v0, $0x3;
	_ =	sdelay $0x1  }
0x1fa: {  	(v2sf) =	vpush v0, $0x4;
	_ =	sdelay $0x1  }
0x1fb: {  	(v2sf) =	vpush v0, $0x5;
	_ =	sdelay $0x1  }
0x1fc: {  	(v2sf) =	vpush v0, $0x6  }
0x1fd: {  	s18 =	sadd.s32 $0x1000, s16;
	s17 =	sadd.s32 $0x1080, s16  }
0x1fe: {  	s21 =	sadd.s32 $0xE80, s16;
	s20 =	sadd.s32 $0xF00, s16;
	s19 =	sadd.s32 $0xF80, s16;
	(v2sf) =	vpush v0, $0x7  }
0x1ff: {  	s24 =	sadd.s32 $0xD00, s16;
	s23 =	sadd.s32 $0xD80, s16;
	s22 =	sadd.s32 $0xE00, s16  }
0x200: {  	s1 =	sadd.s32 $0xC00, s16;
	s10 =	sadd.s32 $0xC80, s16;
	s0 =	sadd.s32 $0xB80, s16;
	(v2sf) =	vpush v0, $0x8  }
0x201: {  	s25 =	sadd.s32 $0xB00, s16;
	s12 =	sadd.s32 $0xA80, s16;
	s26 =	spop (v2sf)  }
0x202: {  	s28 =	sadd.s32 $0xA00, s16;
	s26 =	sand.u32 $0x1FFFFFF0, s26;
	s29 =	spop (v2sf);
	(v2sf) =	vpush v0, $0x9  }
0x203: {  	s26 =	sadd.s32 s3, s26;
	s29 =	sand.u32 $0x1FFFFFF0, s29;
	s30 =	spop (v2sf)  }
0x204: {  	[tilespmem:s28], [sflag:$0x1] =	stream.linear.gather [hbm4b:s26+s2], $0x80, $0x38;
	(v2sf) =	vpush v0, $0xA;
	[tilespmem:$0x18200] =	vst v63  }
0x205: {  	s26 =	sadd.s32 s3, s29;
	s28 =	sand.u32 $0x1FFFFFF0, s30;
	s29 =	spop (v2sf)  }
0x206: {  	[tilespmem:s12], [sflag:$0x1] =	stream.linear.gather [hbm4b:s26+s2], $0x80, $0x38;
	(v2sf) =	vpush v0, $0xB;
	[tilespmem:$0x18200] =	vst v63  }
0x207: {  	s12 =	sadd.s32 s3, s28;
	s26 =	sand.u32 $0x1FFFFFF0, s29;
	s28 =	spop (v2sf)  }
0x208: {  	[tilespmem:s25], [sflag:$0x1] =	stream.linear.gather [hbm4b:s12+s2], $0x80, $0x38;
	(v2sf) =	vpush v0, $0xC;
	[tilespmem:$0x18200] =	vst v63  }
0x209: {  	s12 =	sadd.s32 s3, s26;
	s25 =	sand.u32 $0x1FFFFFF0, s28;
	s26 =	spop (v2sf)  }
0x20a: {  	[tilespmem:s0], [sflag:$0x1] =	stream.linear.gather [hbm4b:s12+s2], $0x80, $0x38;
	(v2sf) =	vpush v0, $0xD;
	[tilespmem:$0x18200] =	vst v63  }
0x20b: {  	s0 =	sadd.s32 s3, s25;
	s12 =	sand.u32 $0x1FFFFFF0, s26;
	s25 =	spop (v2sf)  }
0x20c: {  	[tilespmem:s1], [sflag:$0x1] =	stream.linear.gather [hbm4b:s0+s2], $0x80, $0x38;
	(v2sf) =	vpush v0, $0xE;
	[tilespmem:$0x18200] =	vst v63  }
0x20d: {  	s0 =	sadd.s32 s3, s12;
	s1 =	sand.u32 $0x1FFFFFF0, s25;
	s12 =	spop (v2sf)  }
0x20e: {  	[tilespmem:s10], [sflag:$0x1] =	stream.linear.gather [hbm4b:s0+s2], $0x80, $0x38;
	(v2sf) =	vpush v0, $0xF;
	[tilespmem:$0x18200] =	vst v63  }
0x20f: {  	s0 =	sadd.s32 s3, s1;
	s1 =	sand.u32 $0x1FFFFFF0, s12;
	s10 =	spop (v2sf)  }
0x210: {  	[tilespmem:s24], [sflag:$0x1] =	stream.linear.gather [hbm4b:s0+s2], $0x80, $0x38;
	[tilespmem:$0x18200] =	vst v63  }
0x211: {  	s0 =	sadd.s32 s3, s1;
	s1 =	sand.u32 $0x1FFFFFF0, s10;
	s10 =	spop (v2sf)  }
0x212: {  	[tilespmem:s23], [sflag:$0x1] =	stream.linear.gather [hbm4b:s0+s2], $0x80, $0x38;
	[tilespmem:$0x18200] =	vst v63  }
0x213: {  	s0 =	sadd.s32 s3, s1;
	s1 =	sand.u32 $0x1FFFFFF0, s10;
	s10 =	spop (v2sf)  }
0x214: {  	[tilespmem:s22], [sflag:$0x1] =	stream.linear.gather [hbm4b:s0+s2], $0x80, $0x38;
	[tilespmem:$0x18200] =	vst v63  }
0x215: {  	s0 =	sadd.s32 s3, s1;
	s1 =	sand.u32 $0x1FFFFFF0, s10;
	s10 =	spop (v2sf)  }
0x216: {  	[tilespmem:s21], [sflag:$0x1] =	stream.linear.gather [hbm4b:s0+s2], $0x80, $0x38;
	[tilespmem:$0x18200] =	vst v63  }
0x217: {  	s0 =	sadd.s32 s3, s1;
	s1 =	sand.u32 $0x1FFFFFF0, s10;
	s10 =	spop (v2sf)  }
0x218: {  	[tilespmem:s20], [sflag:$0x1] =	stream.linear.gather [hbm4b:s0+s2], $0x80, $0x38;
	[tilespmem:$0x18200] =	vst v63  }
0x219: {  	s0 =	sadd.s32 s3, s1;
	s1 =	sand.u32 $0x1FFFFFF0, s10;
	s10 =	spop (v2sf)  }
0x21a: {  	[tilespmem:s19], [sflag:$0x1] =	stream.linear.gather [hbm4b:s0+s2], $0x80, $0x38;
	[tilespmem:$0x18200] =	vst v63  }
0x21b: {  	s0 =	sadd.s32 s3, s1;
	s1 =	sand.u32 $0x1FFFFFF0, s10;
	s10 =	spop (v2sf)  }
0x21c: {  	[tilespmem:s18], [sflag:$0x1] =	stream.linear.gather [hbm4b:s0+s2], $0x80, $0x38;
	[tilespmem:$0x18200] =	vst v63  }
0x21d: {  	s0 =	sadd.s32 s3, s1;
	s1 =	sand.u32 $0x1FFFFFF0, s10;
	s10 =	spop (v2sf)  }
0x21e: {  	[tilespmem:s17], [sflag:$0x1] =	stream.linear.gather [hbm4b:s0+s2], $0x80, $0x38;
	[tilespmem:$0x18200] =	vst v63  }
0x21f: {  	s1 =	sadd.s32 s3, s1;
	s0 =	sadd.s32 $0x1100, s16;
	s10 =	sand.u32 $0x1FFFFFF0, s10  }
0x220: {  	[tilespmem:s0], [sflag:$0x1] =	stream.linear.gather [hbm4b:s1+s2], $0x80, $0x38;
	[tilespmem:$0x18200] =	vst v63  }
0x221: {  	s0 =	sadd.s32 $0x1180, s16;
	s1 =	sadd.s32 s3, s10  }
0x222: {  	[tilespmem:s0], [sflag:$0x1] =	stream.linear.gather [hbm4b:s1+s2], $0x80, $0x38;
	[tilespmem:$0x18200] =	vst v63  }
0x223: {  	v0 =	vld [tilespmem:s14+$0x0];
	_ =	sdelay $0x4  }
0x224: {  	v0 =	vshll.u32 v0, $0x4  }
0x225: {  	(v2sf) =	vpush v0, $0x0  }
0x226: {  	(v2sf) =	vpush v0, $0x1  }
0x227: {  	(v2sf) =	vpush v0, $0x2;
	_ =	sdelay $0x1  }
0x228: {  	(v2sf) =	vpush v0, $0x3;
	_ =	sdelay $0x1  }
0x229: {  	(v2sf) =	vpush v0, $0x4;
	_ =	sdelay $0x1  }
0x22a: {  	(v2sf) =	vpush v0, $0x5;
	_ =	sdelay $0x1  }
0x22b: {  	(v2sf) =	vpush v0, $0x6  }
0x22c: {  	s18 =	sadd.s32 $0x1800, s16;
	s17 =	sadd.s32 $0x1880, s16  }
0x22d: {  	s21 =	sadd.s32 $0x1680, s16;
	s20 =	sadd.s32 $0x1700, s16;
	s19 =	sadd.s32 $0x1780, s16;
	(v2sf) =	vpush v0, $0x7  }
0x22e: {  	s24 =	sadd.s32 $0x1500, s16;
	s23 =	sadd.s32 $0x1580, s16;
	s22 =	sadd.s32 $0x1600, s16  }
0x22f: {  	s10 =	sadd.s32 $0x1480, s16;
	s0 =	sadd.s32 $0x1380, s16;
	s1 =	sadd.s32 $0x1400, s16;
	(v2sf) =	vpush v0, $0x8  }
0x230: {  	s25 =	sadd.s32 $0x1300, s16;
	s12 =	sadd.s32 $0x1280, s16;
	s26 =	spop (v2sf)  }
0x231: {  	s28 =	sadd.s32 $0x1200, s16;
	s26 =	sand.u32 $0x1FFFFFF0, s26;
	s29 =	spop (v2sf);
	(v2sf) =	vpush v0, $0x9  }
0x232: {  	s26 =	sadd.s32 s3, s26;
	s29 =	sand.u32 $0x1FFFFFF0, s29;
	s30 =	spop (v2sf)  }
0x233: {  	[tilespmem:s28], [sflag:$0x1] =	stream.linear.gather [hbm4b:s26+s2], $0x80, $0x38;
	(v2sf) =	vpush v0, $0xA;
	[tilespmem:$0x18200] =	vst v63  }
0x234: {  	s26 =	sadd.s32 s3, s29;
	s28 =	sand.u32 $0x1FFFFFF0, s30;
	s29 =	spop (v2sf)  }
0x235: {  	[tilespmem:s12], [sflag:$0x1] =	stream.linear.gather [hbm4b:s26+s2], $0x80, $0x38;
	(v2sf) =	vpush v0, $0xB;
	[tilespmem:$0x18200] =	vst v63  }
0x236: {  	s12 =	sadd.s32 s3, s28;
	s26 =	sand.u32 $0x1FFFFFF0, s29;
	s28 =	spop (v2sf)  }
0x237: {  	[tilespmem:s25], [sflag:$0x1] =	stream.linear.gather [hbm4b:s12+s2], $0x80, $0x38;
	(v2sf) =	vpush v0, $0xC;
	[tilespmem:$0x18200] =	vst v63  }
0x238: {  	s12 =	sadd.s32 s3, s26;
	s25 =	sand.u32 $0x1FFFFFF0, s28;
	s26 =	spop (v2sf)  }
0x239: {  	[tilespmem:s0], [sflag:$0x1] =	stream.linear.gather [hbm4b:s12+s2], $0x80, $0x38;
	(v2sf) =	vpush v0, $0xD;
	[tilespmem:$0x18200] =	vst v63  }
0x23a: {  	s0 =	sadd.s32 s3, s25;
	s12 =	sand.u32 $0x1FFFFFF0, s26;
	s25 =	spop (v2sf)  }
0x23b: {  	[tilespmem:s1], [sflag:$0x1] =	stream.linear.gather [hbm4b:s0+s2], $0x80, $0x38;
	(v2sf) =	vpush v0, $0xE;
	[tilespmem:$0x18200] =	vst v63  }
0x23c: {  	s0 =	sadd.s32 s3, s12;
	s1 =	sand.u32 $0x1FFFFFF0, s25;
	s12 =	spop (v2sf)  }
0x23d: {  	[tilespmem:s10], [sflag:$0x1] =	stream.linear.gather [hbm4b:s0+s2], $0x80, $0x38;
	(v2sf) =	vpush v0, $0xF;
	[tilespmem:$0x18200] =	vst v63  }
0x23e: {  	s0 =	sadd.s32 s3, s1;
	s1 =	sand.u32 $0x1FFFFFF0, s12;
	s10 =	spop (v2sf)  }
0x23f: {  	[tilespmem:s24], [sflag:$0x1] =	stream.linear.gather [hbm4b:s0+s2], $0x80, $0x38;
	[tilespmem:$0x18200] =	vst v63  }
0x240: {  	s0 =	sadd.s32 s3, s1;
	s1 =	sand.u32 $0x1FFFFFF0, s10;
	s10 =	spop (v2sf)  }
0x241: {  	[tilespmem:s23], [sflag:$0x1] =	stream.linear.gather [hbm4b:s0+s2], $0x80, $0x38;
	[tilespmem:$0x18200] =	vst v63  }
0x242: {  	s0 =	sadd.s32 s3, s1;
	s1 =	sand.u32 $0x1FFFFFF0, s10;
	s10 =	spop (v2sf)  }
0x243: {  	[tilespmem:s22], [sflag:$0x1] =	stream.linear.gather [hbm4b:s0+s2], $0x80, $0x38;
	[tilespmem:$0x18200] =	vst v63  }
0x244: {  	s0 =	sadd.s32 s3, s1;
	s1 =	sand.u32 $0x1FFFFFF0, s10;
	s10 =	spop (v2sf)  }
0x245: {  	[tilespmem:s21], [sflag:$0x1] =	stream.linear.gather [hbm4b:s0+s2], $0x80, $0x38;
	[tilespmem:$0x18200] =	vst v63  }
0x246: {  	s0 =	sadd.s32 s3, s1;
	s1 =	sand.u32 $0x1FFFFFF0, s10;
	s10 =	spop (v2sf)  }
0x247: {  	[tilespmem:s20], [sflag:$0x1] =	stream.linear.gather [hbm4b:s0+s2], $0x80, $0x38;
	[tilespmem:$0x18200] =	vst v63  }
0x248: {  	s0 =	sadd.s32 s3, s1;
	s1 =	sand.u32 $0x1FFFFFF0, s10;
	s10 =	spop (v2sf)  }
0x249: {  	[tilespmem:s19], [sflag:$0x1] =	stream.linear.gather [hbm4b:s0+s2], $0x80, $0x38;
	[tilespmem:$0x18200] =	vst v63  }
0x24a: {  	s0 =	sadd.s32 s3, s1;
	s1 =	sand.u32 $0x1FFFFFF0, s10;
	s10 =	spop (v2sf)  }
0x24b: {  	[tilespmem:s18], [sflag:$0x1] =	stream.linear.gather [hbm4b:s0+s2], $0x80, $0x38;
	[tilespmem:$0x18200] =	vst v63  }
0x24c: {  	s0 =	sadd.s32 s3, s1;
	s1 =	sand.u32 $0x1FFFFFF0, s10;
	s10 =	spop (v2sf)  }
0x24d: {  	[tilespmem:s17], [sflag:$0x1] =	stream.linear.gather [hbm4b:s0+s2], $0x80, $0x38;
	[tilespmem:$0x18200] =	vst v63  }
0x24e: {  	s1 =	sadd.s32 s3, s1;
	s0 =	sadd.s32 $0x1900, s16;
	s10 =	sand.u32 $0x1FFFFFF0, s10  }
0x24f: {  	[tilespmem:s0], [sflag:$0x1] =	stream.linear.gather [hbm4b:s1+s2], $0x80, $0x38;
	[tilespmem:$0x18200] =	vst v63  }
0x250: {  	s0 =	sadd.s32 $0x1980, s16;
	s1 =	sadd.s32 s3, s10  }
0x251: {  	[tilespmem:s0], [sflag:$0x1] =	stream.linear.gather [hbm4b:s1+s2], $0x80, $0x38;
	[tilespmem:$0x18200] =	vst v63  }
0x252: {  	v0 =	vld [tilespmem:s14+$0x10];
	_ =	sdelay $0x4  }
0x253: {  	v0 =	vshll.u32 v0, $0x4  }
0x254: {  	(v2sf) =	vpush v0, $0x0  }
0x255: {  	(v2sf) =	vpush v0, $0x1  }
0x256: {  	(v2sf) =	vpush v0, $0x2;
	_ =	sdelay $0x1  }
0x257: {  	(v2sf) =	vpush v0, $0x3;
	_ =	sdelay $0x1  }
0x258: {  	(v2sf) =	vpush v0, $0x4;
	_ =	sdelay $0x1  }
0x259: {  	(v2sf) =	vpush v0, $0x5;
	_ =	sdelay $0x1  }
0x25a: {  	(v2sf) =	vpush v0, $0x6  }
0x25b: {  	s18 =	sadd.s32 $0x2000, s16;
	s17 =	sadd.s32 $0x2080, s16  }
0x25c: {  	s21 =	sadd.s32 $0x1E80, s16;
	s20 =	sadd.s32 $0x1F00, s16;
	s19 =	sadd.s32 $0x1F80, s16;
	(v2sf) =	vpush v0, $0x7  }
0x25d: {  	s24 =	sadd.s32 $0x1D00, s16;
	s23 =	sadd.s32 $0x1D80, s16;
	s22 =	sadd.s32 $0x1E00, s16  }
0x25e: {  	s10 =	sadd.s32 $0x1C80, s16;
	s0 =	sadd.s32 $0x1B80, s16;
	s1 =	sadd.s32 $0x1C00, s16;
	(v2sf) =	vpush v0, $0x8  }
0x25f: {  	s25 =	sadd.s32 $0x1B00, s16;
	s12 =	sadd.s32 $0x1A80, s16;
	s26 =	spop (v2sf)  }
0x260: {  	s28 =	sadd.s32 $0x1A00, s16;
	s26 =	sand.u32 $0x1FFFFFF0, s26;
	s29 =	spop (v2sf);
	(v2sf) =	vpush v0, $0x9  }
0x261: {  	s26 =	sadd.s32 s3, s26;
	s29 =	sand.u32 $0x1FFFFFF0, s29;
	s30 =	spop (v2sf)  }
0x262: {  	[tilespmem:s28], [sflag:$0x1] =	stream.linear.gather [hbm4b:s26+s2], $0x80, $0x38;
	(v2sf) =	vpush v0, $0xA;
	[tilespmem:$0x18200] =	vst v63  }
0x263: {  	s26 =	sadd.s32 s3, s29;
	s28 =	sand.u32 $0x1FFFFFF0, s30;
	s29 =	spop (v2sf)  }
0x264: {  	[tilespmem:s12], [sflag:$0x1] =	stream.linear.gather [hbm4b:s26+s2], $0x80, $0x38;
	(v2sf) =	vpush v0, $0xB;
	[tilespmem:$0x18200] =	vst v63  }
0x265: {  	s12 =	sadd.s32 s3, s28;
	s26 =	sand.u32 $0x1FFFFFF0, s29;
	s28 =	spop (v2sf)  }
0x266: {  	[tilespmem:s25], [sflag:$0x1] =	stream.linear.gather [hbm4b:s12+s2], $0x80, $0x38;
	(v2sf) =	vpush v0, $0xC;
	[tilespmem:$0x18200] =	vst v63  }
0x267: {  	s12 =	sadd.s32 s3, s26;
	s25 =	sand.u32 $0x1FFFFFF0, s28;
	s26 =	spop (v2sf)  }
0x268: {  	[tilespmem:s0], [sflag:$0x1] =	stream.linear.gather [hbm4b:s12+s2], $0x80, $0x38;
	(v2sf) =	vpush v0, $0xD;
	[tilespmem:$0x18200] =	vst v63  }
0x269: {  	s0 =	sadd.s32 s3, s25;
	s12 =	sand.u32 $0x1FFFFFF0, s26;
	s25 =	spop (v2sf)  }
0x26a: {  	[tilespmem:s1], [sflag:$0x1] =	stream.linear.gather [hbm4b:s0+s2], $0x80, $0x38;
	(v2sf) =	vpush v0, $0xE;
	[tilespmem:$0x18200] =	vst v63  }
0x26b: {  	s0 =	sadd.s32 s3, s12;
	s1 =	sand.u32 $0x1FFFFFF0, s25;
	s12 =	spop (v2sf)  }
0x26c: {  	[tilespmem:s10], [sflag:$0x1] =	stream.linear.gather [hbm4b:s0+s2], $0x80, $0x38;
	(v2sf) =	vpush v0, $0xF;
	[tilespmem:$0x18200] =	vst v63  }
0x26d: {  	s0 =	sadd.s32 s3, s1;
	s1 =	sand.u32 $0x1FFFFFF0, s12;
	s10 =	spop (v2sf)  }
0x26e: {  	[tilespmem:s24], [sflag:$0x1] =	stream.linear.gather [hbm4b:s0+s2], $0x80, $0x38;
	[tilespmem:$0x18200] =	vst v63  }
0x26f: {  	s0 =	sadd.s32 s3, s1;
	s1 =	sand.u32 $0x1FFFFFF0, s10;
	s10 =	spop (v2sf)  }
0x270: {  	[tilespmem:s23], [sflag:$0x1] =	stream.linear.gather [hbm4b:s0+s2], $0x80, $0x38;
	[tilespmem:$0x18200] =	vst v63  }
0x271: {  	s0 =	sadd.s32 s3, s1;
	s1 =	sand.u32 $0x1FFFFFF0, s10;
	s10 =	spop (v2sf)  }
0x272: {  	[tilespmem:s22], [sflag:$0x1] =	stream.linear.gather [hbm4b:s0+s2], $0x80, $0x38;
	[tilespmem:$0x18200] =	vst v63  }
0x273: {  	s0 =	sadd.s32 s3, s1;
	s1 =	sand.u32 $0x1FFFFFF0, s10;
	s10 =	spop (v2sf)  }
0x274: {  	[tilespmem:s21], [sflag:$0x1] =	stream.linear.gather [hbm4b:s0+s2], $0x80, $0x38;
	[tilespmem:$0x18200] =	vst v63  }
0x275: {  	s0 =	sadd.s32 s3, s1;
	s1 =	sand.u32 $0x1FFFFFF0, s10;
	s10 =	spop (v2sf)  }
0x276: {  	[tilespmem:s20], [sflag:$0x1] =	stream.linear.gather [hbm4b:s0+s2], $0x80, $0x38;
	[tilespmem:$0x18200] =	vst v63  }
0x277: {  	s0 =	sadd.s32 s3, s1;
	s1 =	sand.u32 $0x1FFFFFF0, s10;
	s10 =	spop (v2sf)  }
0x278: {  	[tilespmem:s19], [sflag:$0x1] =	stream.linear.gather [hbm4b:s0+s2], $0x80, $0x38;
	[tilespmem:$0x18200] =	vst v63  }
0x279: {  	s0 =	sadd.s32 s3, s1;
	s1 =	sand.u32 $0x1FFFFFF0, s10;
	s10 =	spop (v2sf)  }
0x27a: {  	[tilespmem:s18], [sflag:$0x1] =	stream.linear.gather [hbm4b:s0+s2], $0x80, $0x38;
	[tilespmem:$0x18200] =	vst v63  }
0x27b: {  	s0 =	sadd.s32 s3, s1;
	s1 =	sand.u32 $0x1FFFFFF0, s10;
	s10 =	spop (v2sf)  }
0x27c: {  	[tilespmem:s17], [sflag:$0x1] =	stream.linear.gather [hbm4b:s0+s2], $0x80, $0x38;
	[tilespmem:$0x18200] =	vst v63  }
0x27d: {  	s1 =	sadd.s32 s3, s1;
	s0 =	sadd.s32 $0x2100, s16;
	s10 =	sand.u32 $0x1FFFFFF0, s10  }
0x27e: {  	[tilespmem:s0], [sflag:$0x1] =	stream.linear.gather [hbm4b:s1+s2], $0x80, $0x38;
	[tilespmem:$0x18200] =	vst v63  }
0x27f: {  	s0 =	sadd.s32 $0x2180, s16;
	s1 =	sadd.s32 s3, s10  }
0x280: {  	[tilespmem:s0], [sflag:$0x1] =	stream.linear.gather [hbm4b:s1+s2], $0x80, $0x38;
	[tilespmem:$0x18200] =	vst v63  }
0x281: {  	_ =	swait.ge [sflag:s11], $0x80  }
0x282: {  	[sflag:s11] =	ssyncset.done $0x0  }
0x283: {  	[sflag:s11] =	ssyncadd.s32 $0xFFFFFF80  }
0x284: {  	_ =	swait.ge [sflag:s11], $0x80  }
0x285: {  	[sflag:s11] =	ssyncset.done $0x0  }
0x286: {  	[sflag:s11] =	ssyncadd.s32 $0xFFFFFF80  }
0x287: {  	_ =	swait.ge [sflag:s11], $0x80  }
0x288: {  	[sflag:s11] =	ssyncset.done $0x0  }
0x289: {  	[sflag:s11] =	ssyncadd.s32 $0xFFFFFF80  }
0x28a: {  	_ =	swait.ge [sflag:s11], $0x80  }
0x28b: {  	[sflag:s11] =	ssyncset.done $0x0  }
0x28c: {  	[sflag:s11] =	ssyncadd.s32 $0xFFFFFF80  }
0x28d: {  	_ =	swait.ge [sflag:s11], $0x80  }
0x28e: {  	[sflag:s11] =	ssyncset.done $0x0  }
0x28f: {  	[sflag:s11] =	ssyncadd.s32 $0xFFFFFF80  }
0x290: {  	_ =	swait.ge [sflag:s11], $0x80  }
0x291: {  	[sflag:s11] =	ssyncset.done $0x0  }
0x292: {  	[sflag:s11] =	ssyncadd.s32 $0xFFFFFF80  }
0x293: {  	_ =	swait.ge [sflag:s11], $0x80  }
0x294: {  	[sflag:s11] =	ssyncset.done $0x0  }
0x295: {  	[sflag:s11] =	ssyncadd.s32 $0xFFFFFF80  }
0x296: {  	_ =	swait.ge [sflag:s11], $0x80  }
0x297: {  	[sflag:s11] =	ssyncset.done $0x0  }
0x298: {  	[sflag:s11] =	ssyncadd.s32 $0xFFFFFF80  }
0x299: {  	_ =	swait.ge [sflag:s11], $0x80  }
0x29a: {  	[sflag:s11] =	ssyncset.done $0x0  }
0x29b: {  	[sflag:s11] =	ssyncadd.s32 $0xFFFFFF80  }
0x29c: {  	_ =	swait.ge [sflag:s11], $0x80  }
0x29d: {  	[sflag:s11] =	ssyncset.done $0x0  }
0x29e: {  	[sflag:s11] =	ssyncadd.s32 $0xFFFFFF80  }
0x29f: {  	_ =	swait.ge [sflag:s11], $0x80  }
0x2a0: {  	[sflag:s11] =	ssyncset.done $0x0  }
0x2a1: {  	[sflag:s11] =	ssyncadd.s32 $0xFFFFFF80  }
0x2a2: {  	_ =	swait.ge [sflag:s11], $0x80  }
0x2a3: {  	[sflag:s11] =	ssyncset.done $0x0  }
0x2a4: {  	[sflag:s11] =	ssyncadd.s32 $0xFFFFFF80  }
0x2a5: {  	_ =	swait.ge [sflag:s11], $0x80  }
0x2a6: {  	[sflag:s11] =	ssyncset.done $0x0  }
0x2a7: {  	[sflag:s11] =	ssyncadd.s32 $0xFFFFFF80  }
0x2a8: {  	_ =	swait.ge [sflag:s11], $0x80  }
0x2a9: {  	[sflag:s11] =	ssyncset.done $0x0  }
0x2aa: {  	[sflag:s11] =	ssyncadd.s32 $0xFFFFFF80  }
0x2ab: {  	_ =	swait.ge [sflag:s11], $0x80  }
0x2ac: {  	[sflag:s11] =	ssyncset.done $0x0  }
0x2ad: {  	[sflag:s11] =	ssyncadd.s32 $0xFFFFFF80  }
0x2ae: {  	_ =	swait.ge [sflag:s11], $0x80  }
0x2af: {  	[sflag:s11] =	ssyncset.done $0x0  }
0x2b0: {  	[sflag:s11] =	ssyncadd.s32 $0xFFFFFF80  }
0x2b1: {  	_ =	swait.ge [sflag:s11], $0x80  }
0x2b2: {  	[sflag:s11] =	ssyncset.done $0x0  }
0x2b3: {  	[sflag:s11] =	ssyncadd.s32 $0xFFFFFF80  }
0x2b4: {  	_ =	swait.ge [sflag:s11], $0x80  }
0x2b5: {  	[sflag:s11] =	ssyncset.done $0x0  }
0x2b6: {  	[sflag:s11] =	ssyncadd.s32 $0xFFFFFF80  }
0x2b7: {  	_ =	swait.ge [sflag:s11], $0x80  }
0x2b8: {  	[sflag:s11] =	ssyncset.done $0x0  }
0x2b9: {  	[sflag:s11] =	ssyncadd.s32 $0xFFFFFF80  }
0x2ba: {  	_ =	swait.ge [sflag:s11], $0x80  }
0x2bb: {  	[sflag:s11] =	ssyncset.done $0x0  }
0x2bc: {  	[sflag:s11] =	ssyncadd.s32 $0xFFFFFF80  }
0x2bd: {  	_ =	swait.ge [sflag:s11], $0x80  }
0x2be: {  	[sflag:s11] =	ssyncset.done $0x0  }
0x2bf: {  	[sflag:s11] =	ssyncadd.s32 $0xFFFFFF80  }
0x2c0: {  	_ =	swait.ge [sflag:s11], $0x80  }
0x2c1: {  	[sflag:s11] =	ssyncset.done $0x0  }
0x2c2: {  	[sflag:s11] =	ssyncadd.s32 $0xFFFFFF80  }
0x2c3: {  	_ =	swait.ge [sflag:s11], $0x80  }
0x2c4: {  	[sflag:s11] =	ssyncset.done $0x0  }
0x2c5: {  	[sflag:s11] =	ssyncadd.s32 $0xFFFFFF80  }
0x2c6: {  	_ =	swait.ge [sflag:s11], $0x80  }
0x2c7: {  	[sflag:s11] =	ssyncset.done $0x0  }
0x2c8: {  	[sflag:s11] =	ssyncadd.s32 $0xFFFFFF80  }
0x2c9: {  	_ =	swait.ge [sflag:s11], $0x80  }
0x2ca: {  	[sflag:s11] =	ssyncset.done $0x0  }
0x2cb: {  	[sflag:s11] =	ssyncadd.s32 $0xFFFFFF80  }
0x2cc: {  	_ =	swait.ge [sflag:s11], $0x80  }
0x2cd: {  	[sflag:s11] =	ssyncset.done $0x0  }
0x2ce: {  	[sflag:s11] =	ssyncadd.s32 $0xFFFFFF80  }
0x2cf: {  	_ =	swait.ge [sflag:s11], $0x80  }
0x2d0: {  	[sflag:s11] =	ssyncset.done $0x0  }
0x2d1: {  	[sflag:s11] =	ssyncadd.s32 $0xFFFFFF80  }
0x2d2: {  	_ =	swait.ge [sflag:s11], $0x80  }
0x2d3: {  	[sflag:s11] =	ssyncset.done $0x0  }
0x2d4: {  	[sflag:s11] =	ssyncadd.s32 $0xFFFFFF80  }
0x2d5: {  	_ =	swait.ge [sflag:s11], $0x80  }
0x2d6: {  	[sflag:s11] =	ssyncset.done $0x0  }
0x2d7: {  	[sflag:s11] =	ssyncadd.s32 $0xFFFFFF80  }
0x2d8: {  	_ =	swait.ge [sflag:s11], $0x80  }
0x2d9: {  	[sflag:s11] =	ssyncset.done $0x0  }
0x2da: {  	[sflag:s11] =	ssyncadd.s32 $0xFFFFFF80  }
0x2db: {  	_ =	swait.ge [sflag:s11], $0x80  }
0x2dc: {  	[sflag:s11] =	ssyncset.done $0x0  }
0x2dd: {  	[sflag:s11] =	ssyncadd.s32 $0xFFFFFF80  }
0x2de: {  	_ =	swait.ge [sflag:s11], $0x80  }
0x2df: {  	[sflag:s11] =	ssyncset.done $0x0  }
0x2e0: {  	[sflag:s11] =	ssyncadd.s32 $0xFFFFFF80  }
0x2e1: {  	_ =	swait.ge [sflag:s11], $0x80  }
0x2e2: {  	[sflag:s11] =	ssyncset.done $0x0  }
0x2e3: {  	[sflag:s11] =	ssyncadd.s32 $0xFFFFFF80  }
0x2e4: {  	_ =	swait.ge [sflag:s11], $0x80  }
0x2e5: {  	[sflag:s11] =	ssyncset.done $0x0  }
0x2e6: {  	[sflag:s11] =	ssyncadd.s32 $0xFFFFFF80  }
0x2e7: {  	_ =	swait.ge [sflag:s11], $0x80  }
0x2e8: {  	[sflag:s11] =	ssyncset.done $0x0  }
0x2e9: {  	[sflag:s11] =	ssyncadd.s32 $0xFFFFFF80  }
0x2ea: {  	_ =	swait.ge [sflag:s11], $0x80  }
0x2eb: {  	[sflag:s11] =	ssyncset.done $0x0  }
0x2ec: {  	[sflag:s11] =	ssyncadd.s32 $0xFFFFFF80  }
0x2ed: {  	_ =	swait.ge [sflag:s11], $0x80  }
0x2ee: {  	[sflag:s11] =	ssyncset.done $0x0  }
0x2ef: {  	[sflag:s11] =	ssyncadd.s32 $0xFFFFFF80  }
0x2f0: {  	_ =	swait.ge [sflag:s11], $0x80  }
0x2f1: {  	[sflag:s11] =	ssyncset.done $0x0  }
0x2f2: {  	[sflag:s11] =	ssyncadd.s32 $0xFFFFFF80  }
0x2f3: {  	_ =	swait.ge [sflag:s11], $0x80  }
0x2f4: {  	[sflag:s11] =	ssyncset.done $0x0  }
0x2f5: {  	[sflag:s11] =	ssyncadd.s32 $0xFFFFFF80  }
0x2f6: {  	_ =	swait.ge [sflag:s11], $0x80  }
0x2f7: {  	[sflag:s11] =	ssyncset.done $0x0  }
0x2f8: {  	[sflag:s11] =	ssyncadd.s32 $0xFFFFFF80  }
0x2f9: {  	_ =	swait.ge [sflag:s11], $0x80  }
0x2fa: {  	[sflag:s11] =	ssyncset.done $0x0  }
0x2fb: {  	[sflag:s11] =	ssyncadd.s32 $0xFFFFFF80  }
0x2fc: {  	_ =	swait.ge [sflag:s11], $0x80  }
0x2fd: {  	[sflag:s11] =	ssyncset.done $0x0  }
0x2fe: {  	[sflag:s11] =	ssyncadd.s32 $0xFFFFFF80  }
0x2ff: {  	_ =	swait.ge [sflag:s11], $0x80  }
0x300: {  	[sflag:s11] =	ssyncset.done $0x0  }
0x301: {  	[sflag:s11] =	ssyncadd.s32 $0xFFFFFF80  }
0x302: {  	_ =	swait.ge [sflag:s11], $0x80  }
0x303: {  	[sflag:s11] =	ssyncset.done $0x0  }
0x304: {  	[sflag:s11] =	ssyncadd.s32 $0xFFFFFF80  }
0x305: {  	_ =	swait.ge [sflag:s11], $0x80  }
0x306: {  	[sflag:s11] =	ssyncset.done $0x0  }
0x307: {  	[sflag:s11] =	ssyncadd.s32 $0xFFFFFF80  }
0x308: {  	_ =	swait.ge [sflag:s11], $0x80  }
0x309: {  	[sflag:s11] =	ssyncset.done $0x0  }
0x30a: {  	[sflag:s11] =	ssyncadd.s32 $0xFFFFFF80  }
0x30b: {  	_ =	swait.ge [sflag:s11], $0x80  }
0x30c: {  	[sflag:s11] =	ssyncset.done $0x0  }
0x30d: {  	[sflag:s11] =	ssyncadd.s32 $0xFFFFFF80  }
0x30e: {  	_ =	swait.ge [sflag:s11], $0x80  }
0x30f: {  	[sflag:s11] =	ssyncset.done $0x0  }
0x310: {  	[sflag:s11] =	ssyncadd.s32 $0xFFFFFF80  }
0x311: {  	_ =	swait.ge [sflag:s11], $0x80  }
0x312: {  	[sflag:s11] =	ssyncset.done $0x0  }
0x313: {  	[sflag:s11] =	ssyncadd.s32 $0xFFFFFF80  }
0x314: {  	_ =	swait.ge [sflag:s11], $0x80  }
0x315: {  	[sflag:s11] =	ssyncset.done $0x0  }
0x316: {  	[sflag:s11] =	ssyncadd.s32 $0xFFFFFF80  }
0x317: {  	_ =	swait.ge [sflag:s11], $0x80  }
0x318: {  	[sflag:s11] =	ssyncset.done $0x0  }
0x319: {  	[sflag:s11] =	ssyncadd.s32 $0xFFFFFF80  }
0x31a: {  	_ =	swait.ge [sflag:s11], $0x80  }
0x31b: {  	[sflag:s11] =	ssyncset.done $0x0  }
0x31c: {  	[sflag:s11] =	ssyncadd.s32 $0xFFFFFF80  }
0x31d: {  	_ =	swait.ge [sflag:s11], $0x80  }
0x31e: {  	[sflag:s11] =	ssyncset.done $0x0  }
0x31f: {  	[sflag:s11] =	ssyncadd.s32 $0xFFFFFF80  }
0x320: {  	_ =	swait.ge [sflag:s11], $0x80  }
0x321: {  	[sflag:s11] =	ssyncset.done $0x0  }
0x322: {  	[sflag:s11] =	ssyncadd.s32 $0xFFFFFF80  }
0x323: {  	_ =	swait.ge [sflag:s11], $0x80  }
0x324: {  	[sflag:s11] =	ssyncset.done $0x0  }
0x325: {  	[sflag:s11] =	ssyncadd.s32 $0xFFFFFF80  }
0x326: {  	_ =	swait.ge [sflag:s11], $0x80  }
0x327: {  	[sflag:s11] =	ssyncset.done $0x0  }
0x328: {  	[sflag:s11] =	ssyncadd.s32 $0xFFFFFF80  }
0x329: {  	_ =	swait.ge [sflag:s11], $0x80  }
0x32a: {  	[sflag:s11] =	ssyncset.done $0x0  }
0x32b: {  	[sflag:s11] =	ssyncadd.s32 $0xFFFFFF80  }
0x32c: {  	_ =	swait.ge [sflag:s11], $0x80  }
0x32d: {  	[sflag:s11] =	ssyncset.done $0x0  }
0x32e: {  	[sflag:s11] =	ssyncadd.s32 $0xFFFFFF80  }
0x32f: {  	_ =	swait.ge [sflag:s11], $0x80  }
0x330: {  	[sflag:s11] =	ssyncset.done $0x0  }
0x331: {  	[sflag:s11] =	ssyncadd.s32 $0xFFFFFF80  }
0x332: {  	_ =	swait.ge [sflag:s11], $0x80  }
0x333: {  	[sflag:s11] =	ssyncset.done $0x0  }
0x334: {  	[sflag:s11] =	ssyncadd.s32 $0xFFFFFF80  }
.Ltmp0:
0x335: {  	_ =	swait.ge [sflag:s11], $0x80;
	(pc) =	sbr.rel @p0 .LBB2_2-.Ltmp0, $4  }
0x336: {  	[sflag:s11] =	ssyncset.done $0x0  }
0x337: {  	[sflag:s11] =	ssyncadd.s32 $0xFFFFFF80  }
0x338: {  	_ =	swait.ge [sflag:s11], $0x80  }
0x339: {  	[sflag:s11] =	ssyncset.done $0x0  }
0x33a: {  	[sflag:s11] =	ssyncadd.s32 $0xFFFFFF80  }
0x33b: {  	_ =	swait.ge [sflag:s11], $0x80  }
0x33c: {  	[sflag:s11] =	ssyncset.done $0x0  }
0x33d: {  	[sflag:s11] =	ssyncadd.s32 $0xFFFFFF80  }
0x33e: {  	_ =	swait.ge [sflag:s11], $0x80  }
0x33f: {  	[sflag:s11] =	ssyncset.done $0x0  }
0x340: {  	[sflag:s11] =	ssyncadd.s32 $0xFFFFFF80  }
0x341: {  	_ =	swait.ge [sflag:s11], $0x8000  }
0x342: {  	[sflag:s11] =	ssyncset.done $0x0  }
0x343: {  	s0 =	simm.s32 $0x10200;
	[sflag:s11] =	ssyncadd.s32 $0xFFFF8000  }
0x344: {  	[hbm4b:s6+s2] =	stream.linear.scatter [tilespmem:s0], [sflag:$0x2], $0x8000, $0x38;
	[tilespmem:$0x18200] =	vst v63  }
0x345: {  	s13 =	sadd.s32 $0x1, s13;
	_ =	swait.ge [sflag:s9], $0x8000  }
0x346: {  	p0 =	sne.s32 s13, s8;
	[sflag:s9] =	ssyncset.done $0x0  }
.Ltmp1:
0x347: {  	s1 =	simm.s32 $0x200;
	[sflag:s9] =	ssyncadd.s32 $0xFFFF8000;
	(pc) =	sbr.rel @p0 .LBB2_1-.Ltmp1, $4  }
0x348: {  	[hbm4b:s7+s2] =	stream.linear.scatter [tilespmem:s1], [sflag:$0x2], $0x10000, $0x38;
	[tilespmem:$0x18200] =	vst v63  }
0x349: {  	_ =	swait.ge [sflag:s9], $0x10000  }
0x34a: {  	[sflag:s9] =	ssyncset.done $0x0  }
0x34b: {  	[sflag:s9] =	ssyncadd.s32 $0xFFFF0000  }
0x34c: {  	_ =	sfence.sel $0x180000  }
0x34d: {  	[bflag:$0x0] =	sbarrier.arrive $0xFFFF  }
0x34e: {  	_ =	strace $0x90000047  }
0x34f: {  	s0 =	stileid.u32;
	[bflag:$0x2] =	sbarrier.arrive $0xFFFF  }
0x350: {  	p0 =	sne.s32 s0, $0x0;
	s0 =	rddreg [dreg:$0x3]  }
0x351: {  	s0 =	sadd.s32 @!p0 $0x100000, s0  }
0x352: {  	[sflag:s0] =	ssyncadd.tile.s32 @!p0 $0x1;
	_ =	shalt  }
.Lfunc_end2:
_tile_overlayer_lowered:
.L_overlay_start_2:
0x353: {  	(tag) =	ssettag $0x2  }
0x354: {  	s0 =	rddreg [dreg:$0x0];
	s2 =	stileid.u32  }
0x355: {  	s1 =	rddreg [dreg:$0x1];
	p0 =	sne.s32 s2, $0x0  }
0x356: {  	s3 =	rddreg [dreg:$0x2];
	[bflag:$0x3] =	sbarrier.arrive $0xFFFF;
	s2 =	simm.s32 @!p0 $0x1C02  }
0x357: {  	[timem:s3], [sflag:s2] =	dma.local @!p0 [hbm:s0], s1  }
0x358: {  	s0 =	simm.s32 @!p0 $0x2  }
0x359: {  	_ =	swait.ge @!p0 [sflag:s0], s1  }
0x35a: {  	s1 =	ssub.s32 @!p0 $0x0, s1;
	[sflag:s0] =	ssyncset.done @!p0 $0x0  }
0x35b: {  	[sflag:s0] =	ssyncadd.s32 @!p0 s1  }
0x35c: {  	[bflag:$0x3] =	sbarrier.arrive $0xFFFF  }
0x35d: {  	_ =	shalt  }

</sc_bundles>
